<compile_context>
chip_gen: v7x
topology: tpu7x:2x2x1
jax: 0.10.2.dev20260603
libtpu: 0.0.44.dev20260713+nightly
codegen_flags: <defaults>
</compile_context>

<pallas_src>
import jax
import jax.numpy as jnp
from jax import lax
from jax.experimental import pallas as pl
from jax.experimental.pallas import tpu as pltpu
from jax.experimental.pallas import tpu_sc as plsc


_H0 = 5120
_H1 = 10000 - _H0


def _sc_body(x_hbm, o_hbm, buf, s0, s1, s2, s3):
    wid = lax.axis_index("s") * 2 + lax.axis_index("c")

    for k in range(18):
        @pl.when(wid == k)
        def _(k=k):
            d0, j = divmod(k, 9)
            src = x_hbm.at[d0, 2 * j]
            dst = o_hbm.at[d0, j]
            c0 = pltpu.async_copy(
                src.at[:, pl.ds(0, _H0)], buf.at[:, pl.ds(0, _H0)], s0
            )
            c1 = pltpu.async_copy(
                src.at[:, pl.ds(_H0, _H1)], buf.at[:, pl.ds(_H0, _H1)], s1
            )
            c0.wait()
            o0 = pltpu.async_copy(
                buf.at[:, pl.ds(0, _H0)], dst.at[:, pl.ds(0, _H0)], s2
            )
            c1.wait()
            o1 = pltpu.async_copy(
                buf.at[:, pl.ds(_H0, _H1)], dst.at[:, pl.ds(_H0, _H1)], s3
            )
            o0.wait()
            o1.wait()


@jax.jit
def _dilated_panels_sc(y):
    mesh = plsc.VectorSubcoreMesh(core_axis_name="c", subcore_axis_name="s")
    return pl.kernel(
        _sc_body,
        out_type=jax.ShapeDtypeStruct((2, 9, 8, 10000), jnp.int32),
        mesh=mesh,
        scratch_types=[
            pltpu.VMEM((8, 10000), jnp.int32),
            pltpu.SemaphoreType.DMA,
            pltpu.SemaphoreType.DMA,
            pltpu.SemaphoreType.DMA,
            pltpu.SemaphoreType.DMA,
        ],
        compiler_params=pltpu.CompilerParams(
            use_tc_tiling_on_sc=True, needs_layout_passes=False
        ),
    )(y)


def kernel(edge_index):
    y = jnp.transpose(edge_index, (0, 3, 1, 2))
    out_t = _dilated_panels_sc(y)
    return jnp.transpose(out_t, (0, 2, 3, 1))

# --- scband reference (transcript-rebuilt; emitter-appended) ---
"""Pipeline reference for scband-dense-dilated-7138235646514 (READ-ONLY COPY).

The authoritative reference and input builder live on the scoring server;
editing this copy changes nothing except your own understanding.
"""

import jax, jax.numpy as jnp
import numpy as np

K = 9
DILATION = 2
BATCH = 8
NUM_POINTS = 10000

def setup_inputs(seed: int = 0) -> dict:
    key = jax.random.key(seed)
    edge_index = jax.random.randint(key, (2, BATCH, NUM_POINTS, K * DILATION), 0, NUM_POINTS, dtype=jnp.int64 if jax.config.jax_enable_x64 else jnp.int32)
    edge_index = edge_index.astype(jnp.int32)
    return {"edge_index": edge_index}

def reference(edge_index):
    # DenseDilated forward (non-stochastic path): strided slice over neighbor dim
    # edge_index: (2, batch_size, num_points, k*dilation) -> (2, batch_size, num_points, k)
    out = edge_index[:, :, :, ::DILATION]
    return out

if __name__ == "__main__":
    import jax
    _d = setup_inputs()
    print(jax.jit(kernel)(*tuple(_d.values())))

</pallas_src>

<mosaic_0001>
#map = affine_map<(d0, d1) -> (0, 0, 0, 0)>
module attributes {stable_mosaic.version = 14 : i64} {
  func.func @_sc_body(%arg0: i32, %arg1: i32, %arg2: memref<2x18x8x10000xi32, #tpu.memory_space<hbm>>, %arg3: memref<2x9x8x10000xi32, #tpu.memory_space<hbm>>, %arg4: memref<8x10000xi32, #tpu.memory_space<vmem>>, %arg5: memref<!tpu.dma_semaphore, #tpu.memory_space<semaphore_mem>>, %arg6: memref<!tpu.dma_semaphore, #tpu.memory_space<semaphore_mem>>, %arg7: memref<!tpu.dma_semaphore, #tpu.memory_space<semaphore_mem>>, %arg8: memref<!tpu.dma_semaphore, #tpu.memory_space<semaphore_mem>>) attributes {dimension_semantics = [#tpu.dimension_semantics<core_parallel>, #tpu.dimension_semantics<subcore_parallel>], iteration_bounds = array<i64: 2, 16>, scalar_prefetch = 0 : i64, scratch_operands = 5 : i64, tpu.core_type = #tpu.core_type<sc_vector_subcore>, window_params = [{transform_indices = #map}, {transform_indices = #map}]} {
    %mul3A = arith.constant 2 : i32
    %mul3A_0 = arith.muli %arg1, %mul3A : i32
    %add3A = arith.addi %mul3A_0, %arg0 : i32
    %eq3A = arith.constant 0 : i32
    %eq3A_1 = arith.cmpi eq, %add3A, %eq3A : i32
    %convert_element_type3A = arith.extui %eq3A_1 : i1 to i32
    %cond3A = arith.constant 0 : i32
    %cond3A_2 = arith.cmpi ne, %convert_element_type3A, %cond3A : i32
    scf.if %cond3A_2 {
      %dma_start3A = arith.constant 0 : i32
      %dma_start3A_88 = arith.constant 0 : i32
      %dma_start3A_89 = arith.constant 0 : i32
      %dma_start3A_90 = arith.constant 0 : i32
      %dma_start3A_91 = tpu.memref_slice %arg4[%dma_start3A_89, %dma_start3A_90] : memref<8x10000xi32, #tpu.memory_space<vmem>> -> memref<8x5120xi32, #tpu.memory_space<vmem>>
      %dma_start3A_92 = arith.constant 0 : i32
      %dma_start3A_93 = arith.constant 0 : i32
      %dma_start3A_94 = tpu.memref_slice %arg2[%dma_start3A, %dma_start3A_88, %dma_start3A_92, %dma_start3A_93] : memref<2x18x8x10000xi32, #tpu.memory_space<hbm>> -> memref<1x1x8x10000xi32, #tpu.memory_space<hbm>>
      %dma_start3A_95 = tpu.memref_squeeze %dma_start3A_94 : memref<1x1x8x10000xi32, #tpu.memory_space<hbm>> -> memref<8x10000xi32, #tpu.memory_space<hbm>>
      %dma_start3A_96 = arith.constant 0 : i32
      %dma_start3A_97 = arith.constant 0 : i32
      %dma_start3A_98 = tpu.memref_slice %dma_start3A_95[%dma_start3A_96, %dma_start3A_97] : memref<8x10000xi32, #tpu.memory_space<hbm>> -> memref<8x5120xi32, #tpu.memory_space<hbm>>
      %dma_start3A_99 = arith.constant 0 : i32
      %dma_start3A_100 = arith.constant 0 : i32
      %dma_start3A_101 = tpu.memref_slice %arg4[%dma_start3A_99, %dma_start3A_100] : memref<8x10000xi32, #tpu.memory_space<vmem>> -> memref<8x5120xi32, #tpu.memory_space<vmem>>
      %dma_start3A_102 = arith.constant 0 : i32
      %dma_start3A_103 = arith.constant 0 : i32
      %dma_start3A_104 = tpu.memref_slice %arg2[%dma_start3A, %dma_start3A_88, %dma_start3A_102, %dma_start3A_103] : memref<2x18x8x10000xi32, #tpu.memory_space<hbm>> -> memref<1x1x8x10000xi32, #tpu.memory_space<hbm>>
      %dma_start3A_105 = tpu.memref_squeeze %dma_start3A_104 : memref<1x1x8x10000xi32, #tpu.memory_space<hbm>> -> memref<8x10000xi32, #tpu.memory_space<hbm>>
      %dma_start3A_106 = arith.constant 0 : i32
      %dma_start3A_107 = arith.constant 0 : i32
      %dma_start3A_108 = tpu.memref_slice %dma_start3A_105[%dma_start3A_106, %dma_start3A_107] : memref<8x10000xi32, #tpu.memory_space<hbm>> -> memref<8x5120xi32, #tpu.memory_space<hbm>>
      tpu.enqueue_dma source(%dma_start3A_108 : memref<8x5120xi32, #tpu.memory_space<hbm>>) target(%dma_start3A_101 : memref<8x5120xi32, #tpu.memory_space<vmem>>) target_semaphore(%arg5 : memref<!tpu.dma_semaphore, #tpu.memory_space<semaphore_mem>>)
      %dma_start3A_109 = arith.constant 0 : i32
      %dma_start3A_110 = arith.constant 0 : i32
      %dma_start3A_111 = arith.constant 0 : i32
      %dma_start3A_112 = arith.constant 5120 : i32
      %dma_start3A_113 = tpu.memref_slice %arg4[%dma_start3A_111, %dma_start3A_112] : memref<8x10000xi32, #tpu.memory_space<vmem>> -> memref<8x4880xi32, #tpu.memory_space<vmem>>
      %dma_start3A_114 = arith.constant 0 : i32
      %dma_start3A_115 = arith.constant 0 : i32
      %dma_start3A_116 = tpu.memref_slice %arg2[%dma_start3A_109, %dma_start3A_110, %dma_start3A_114, %dma_start3A_115] : memref<2x18x8x10000xi32, #tpu.memory_space<hbm>> -> memref<1x1x8x10000xi32, #tpu.memory_space<hbm>>
      %dma_start3A_117 = tpu.memref_squeeze %dma_start3A_116 : memref<1x1x8x10000xi32, #tpu.memory_space<hbm>> -> memref<8x10000xi32, #tpu.memory_space<hbm>>
      %dma_start3A_118 = arith.constant 0 : i32
      %dma_start3A_119 = arith.constant 5120 : i32
      %dma_start3A_120 = tpu.memref_slice %dma_start3A_117[%dma_start3A_118, %dma_start3A_119] : memref<8x10000xi32, #tpu.memory_space<hbm>> -> memref<8x4880xi32, #tpu.memory_space<hbm>>
      %dma_start3A_121 = arith.constant 0 : i32
      %dma_start3A_122 = arith.constant 5120 : i32
      %dma_start3A_123 = tpu.memref_slice %arg4[%dma_start3A_121, %dma_start3A_122] : memref<8x10000xi32, #tpu.memory_space<vmem>> -> memref<8x4880xi32, #tpu.memory_space<vmem>>
      %dma_start3A_124 = arith.constant 0 : i32
      %dma_start3A_125 = arith.constant 0 : i32
      %dma_start3A_126 = tpu.memref_slice %arg2[%dma_start3A_109, %dma_start3A_110, %dma_start3A_124, %dma_start3A_125] : memref<2x18x8x10000xi32, #tpu.memory_space<hbm>> -> memref<1x1x8x10000xi32, #tpu.memory_space<hbm>>
      %dma_start3A_127 = tpu.memref_squeeze %dma_start3A_126 : memref<1x1x8x10000xi32, #tpu.memory_space<hbm>> -> memref<8x10000xi32, #tpu.memory_space<hbm>>
      %dma_start3A_128 = arith.constant 0 : i32
      %dma_start3A_129 = arith.constant 5120 : i32
      %dma_start3A_130 = tpu.memref_slice %dma_start3A_127[%dma_start3A_128, %dma_start3A_129] : memref<8x10000xi32, #tpu.memory_space<hbm>> -> memref<8x4880xi32, #tpu.memory_space<hbm>>
      tpu.enqueue_dma source(%dma_start3A_130 : memref<8x4880xi32, #tpu.memory_space<hbm>>) target(%dma_start3A_123 : memref<8x4880xi32, #tpu.memory_space<vmem>>) target_semaphore(%arg6 : memref<!tpu.dma_semaphore, #tpu.memory_space<semaphore_mem>>)
      %dma_wait3A = arith.constant 0 : i32
      %dma_wait3A_131 = arith.constant 0 : i32
      %dma_wait3A_132 = arith.constant 0 : i32
      %dma_wait3A_133 = arith.constant 0 : i32
      %dma_wait3A_134 = tpu.memref_slice %arg4[%dma_wait3A_132, %dma_wait3A_133] : memref<8x10000xi32, #tpu.memory_space<vmem>> -> memref<8x5120xi32, #tpu.memory_space<vmem>>
      %dma_wait3A_135 = arith.constant 0 : i32
      %dma_wait3A_136 = arith.constant 0 : i32
      %dma_wait3A_137 = tpu.memref_slice %arg2[%dma_wait3A, %dma_wait3A_131, %dma_wait3A_135, %dma_wait3A_136] : memref<2x18x8x10000xi32, #tpu.memory_space<hbm>> -> memref<1x1x8x10000xi32, #tpu.memory_space<hbm>>
      %dma_wait3A_138 = tpu.memref_squeeze %dma_wait3A_137 : memref<1x1x8x10000xi32, #tpu.memory_space<hbm>> -> memref<8x10000xi32, #tpu.memory_space<hbm>>
      %dma_wait3A_139 = arith.constant 0 : i32
      %dma_wait3A_140 = arith.constant 0 : i32
      %dma_wait3A_141 = tpu.memref_slice %dma_wait3A_138[%dma_wait3A_139, %dma_wait3A_140] : memref<8x10000xi32, #tpu.memory_space<hbm>> -> memref<8x5120xi32, #tpu.memory_space<hbm>>
      %dma_wait3A_142 = arith.constant 0 : i32
      %dma_wait3A_143 = arith.constant 0 : i32
      %dma_wait3A_144 = tpu.memref_slice %arg4[%dma_wait3A_142, %dma_wait3A_143] : memref<8x10000xi32, #tpu.memory_space<vmem>> -> memref<8x5120xi32, #tpu.memory_space<vmem>>
      %dma_wait3A_145 = arith.constant 0 : i32
      %dma_wait3A_146 = arith.constant 0 : i32
      %dma_wait3A_147 = tpu.memref_slice %arg2[%dma_wait3A, %dma_wait3A_131, %dma_wait3A_145, %dma_wait3A_146] : memref<2x18x8x10000xi32, #tpu.memory_space<hbm>> -> memref<1x1x8x10000xi32, #tpu.memory_space<hbm>>
      %dma_wait3A_148 = tpu.memref_squeeze %dma_wait3A_147 : memref<1x1x8x10000xi32, #tpu.memory_space<hbm>> -> memref<8x10000xi32, #tpu.memory_space<hbm>>
      %dma_wait3A_149 = arith.constant 0 : i32
      %dma_wait3A_150 = arith.constant 0 : i32
      %dma_wait3A_151 = tpu.memref_slice %dma_wait3A_148[%dma_wait3A_149, %dma_wait3A_150] : memref<8x10000xi32, #tpu.memory_space<hbm>> -> memref<8x5120xi32, #tpu.memory_space<hbm>>
      tpu.wait_dma2 semaphore(%arg5 : memref<!tpu.dma_semaphore, #tpu.memory_space<semaphore_mem>>) src(%dma_wait3A_151 : memref<8x5120xi32, #tpu.memory_space<hbm>>) dst(%dma_wait3A_144 : memref<8x5120xi32, #tpu.memory_space<vmem>>)
      %dma_start3A_152 = arith.constant 0 : i32
      %dma_start3A_153 = arith.constant 0 : i32
      %dma_start3A_154 = arith.constant 0 : i32
      %dma_start3A_155 = arith.constant 0 : i32
      %dma_start3A_156 = tpu.memref_slice %arg4[%dma_start3A_154, %dma_start3A_155] : memref<8x10000xi32, #tpu.memory_space<vmem>> -> memref<8x5120xi32, #tpu.memory_space<vmem>>
      %dma_start3A_157 = arith.constant 0 : i32
      %dma_start3A_158 = arith.constant 0 : i32
      %dma_start3A_159 = tpu.memref_slice %arg3[%dma_start3A_152, %dma_start3A_153, %dma_start3A_157, %dma_start3A_158] : memref<2x9x8x10000xi32, #tpu.memory_space<hbm>> -> memref<1x1x8x10000xi32, #tpu.memory_space<hbm>>
      %dma_start3A_160 = tpu.memref_squeeze %dma_start3A_159 : memref<1x1x8x10000xi32, #tpu.memory_space<hbm>> -> memref<8x10000xi32, #tpu.memory_space<hbm>>
      %dma_start3A_161 = arith.constant 0 : i32
      %dma_start3A_162 = arith.constant 0 : i32
      %dma_start3A_163 = tpu.memref_slice %dma_start3A_160[%dma_start3A_161, %dma_start3A_162] : memref<8x10000xi32, #tpu.memory_space<hbm>> -> memref<8x5120xi32, #tpu.memory_space<hbm>>
      %dma_start3A_164 = arith.constant 0 : i32
      %dma_start3A_165 = arith.constant 0 : i32
      %dma_start3A_166 = tpu.memref_slice %arg3[%dma_start3A_152, %dma_start3A_153, %dma_start3A_164, %dma_start3A_165] : memref<2x9x8x10000xi32, #tpu.memory_space<hbm>> -> memref<1x1x8x10000xi32, #tpu.memory_space<hbm>>
      %dma_start3A_167 = tpu.memref_squeeze %dma_start3A_166 : memref<1x1x8x10000xi32, #tpu.memory_space<hbm>> -> memref<8x10000xi32, #tpu.memory_space<hbm>>
      %dma_start3A_168 = arith.constant 0 : i32
      %dma_start3A_169 = arith.constant 0 : i32
      %dma_start3A_170 = tpu.memref_slice %dma_start3A_167[%dma_start3A_168, %dma_start3A_169] : memref<8x10000xi32, #tpu.memory_space<hbm>> -> memref<8x5120xi32, #tpu.memory_space<hbm>>
      %dma_start3A_171 = arith.constant 0 : i32
      %dma_start3A_172 = arith.constant 0 : i32
      %dma_start3A_173 = tpu.memref_slice %arg4[%dma_start3A_171, %dma_start3A_172] : memref<8x10000xi32, #tpu.memory_space<vmem>> -> memref<8x5120xi32, #tpu.memory_space<vmem>>
      tpu.enqueue_dma source(%dma_start3A_173 : memref<8x5120xi32, #tpu.memory_space<vmem>>) target(%dma_start3A_170 : memref<8x5120xi32, #tpu.memory_space<hbm>>) target_semaphore(%arg7 : memref<!tpu.dma_semaphore, #tpu.memory_space<semaphore_mem>>)
      %dma_wait3A_174 = arith.constant 0 : i32
      %dma_wait3A_175 = arith.constant 0 : i32
      %dma_wait3A_176 = arith.constant 0 : i32
      %dma_wait3A_177 = arith.constant 5120 : i32
      %dma_wait3A_178 = tpu.memref_slice %arg4[%dma_wait3A_176, %dma_wait3A_177] : memref<8x10000xi32, #tpu.memory_space<vmem>> -> memref<8x4880xi32, #tpu.memory_space<vmem>>
      %dma_wait3A_179 = arith.constant 0 : i32
      %dma_wait3A_180 = arith.constant 0 : i32
      %dma_wait3A_181 = tpu.memref_slice %arg2[%dma_wait3A_174, %dma_wait3A_175, %dma_wait3A_179, %dma_wait3A_180] : memref<2x18x8x10000xi32, #tpu.memory_space<hbm>> -> memref<1x1x8x10000xi32, #tpu.memory_space<hbm>>
      %dma_wait3A_182 = tpu.memref_squeeze %dma_wait3A_181 : memref<1x1x8x10000xi32, #tpu.memory_space<hbm>> -> memref<8x10000xi32, #tpu.memory_space<hbm>>
      %dma_wait3A_183 = arith.constant 0 : i32
      %dma_wait3A_184 = arith.constant 5120 : i32
      %dma_wait3A_185 = tpu.memref_slice %dma_wait3A_182[%dma_wait3A_183, %dma_wait3A_184] : memref<8x10000xi32, #tpu.memory_space<hbm>> -> memref<8x4880xi32, #tpu.memory_space<hbm>>
      %dma_wait3A_186 = arith.constant 0 : i32
      %dma_wait3A_187 = arith.constant 5120 : i32
      %dma_wait3A_188 = tpu.memref_slice %arg4[%dma_wait3A_186, %dma_wait3A_187] : memref<8x10000xi32, #tpu.memory_space<vmem>> -> memref<8x4880xi32, #tpu.memory_space<vmem>>
      %dma_wait3A_189 = arith.constant 0 : i32
      %dma_wait3A_190 = arith.constant 0 : i32
      %dma_wait3A_191 = tpu.memref_slice %arg2[%dma_wait3A_174, %dma_wait3A_175, %dma_wait3A_189, %dma_wait3A_190] : memref<2x18x8x10000xi32, #tpu.memory_space<hbm>> -> memref<1x1x8x10000xi32, #tpu.memory_space<hbm>>
      %dma_wait3A_192 = tpu.memref_squeeze %dma_wait3A_191 : memref<1x1x8x10000xi32, #tpu.memory_space<hbm>> -> memref<8x10000xi32, #tpu.memory_space<hbm>>
      %dma_wait3A_193 = arith.constant 0 : i32
      %dma_wait3A_194 = arith.constant 5120 : i32
      %dma_wait3A_195 = tpu.memref_slice %dma_wait3A_192[%dma_wait3A_193, %dma_wait3A_194] : memref<8x10000xi32, #tpu.memory_space<hbm>> -> memref<8x4880xi32, #tpu.memory_space<hbm>>
      tpu.wait_dma2 semaphore(%arg6 : memref<!tpu.dma_semaphore, #tpu.memory_space<semaphore_mem>>) src(%dma_wait3A_195 : memref<8x4880xi32, #tpu.memory_space<hbm>>) dst(%dma_wait3A_188 : memref<8x4880xi32, #tpu.memory_space<vmem>>)
      %dma_start3A_196 = arith.constant 0 : i32
      %dma_start3A_197 = arith.constant 0 : i32
      %dma_start3A_198 = arith.constant 0 : i32
      %dma_start3A_199 = arith.constant 5120 : i32
      %dma_start3A_200 = tpu.memref_slice %arg4[%dma_start3A_198, %dma_start3A_199] : memref<8x10000xi32, #tpu.memory_space<vmem>> -> memref<8x4880xi32, #tpu.memory_space<vmem>>
      %dma_start3A_201 = arith.constant 0 : i32
      %dma_start3A_202 = arith.constant 0 : i32
      %dma_start3A_203 = tpu.memref_slice %arg3[%dma_start3A_196, %dma_start3A_197, %dma_start3A_201, %dma_start3A_202] : memref<2x9x8x10000xi32, #tpu.memory_space<hbm>> -> memref<1x1x8x10000xi32, #tpu.memory_space<hbm>>
      %dma_start3A_204 = tpu.memref_squeeze %dma_start3A_203 : memref<1x1x8x10000xi32, #tpu.memory_space<hbm>> -> memref<8x10000xi32, #tpu.memory_space<hbm>>
      %dma_start3A_205 = arith.constant 0 : i32
      %dma_start3A_206 = arith.constant 5120 : i32
      %dma_start3A_207 = tpu.memref_slice %dma_start3A_204[%dma_start3A_205, %dma_start3A_206] : memref<8x10000xi32, #tpu.memory_space<hbm>> -> memref<8x4880xi32, #tpu.memory_space<hbm>>
      %dma_start3A_208 = arith.constant 0 : i32
      %dma_start3A_209 = arith.constant 0 : i32
      %dma_start3A_210 = tpu.memref_slice %arg3[%dma_start3A_196, %dma_start3A_197, %dma_start3A_208, %dma_start3A_209] : memref<2x9x8x10000xi32, #tpu.memory_space<hbm>> -> memref<1x1x8x10000xi32, #tpu.memory_space<hbm>>
      %dma_start3A_211 = tpu.memref_squeeze %dma_start3A_210 : memref<1x1x8x10000xi32, #tpu.memory_space<hbm>> -> memref<8x10000xi32, #tpu.memory_space<hbm>>
      %dma_start3A_212 = arith.constant 0 : i32
      %dma_start3A_213 = arith.constant 5120 : i32
      %dma_start3A_214 = tpu.memref_slice %dma_start3A_211[%dma_start3A_212, %dma_start3A_213] : memref<8x10000xi32, #tpu.memory_space<hbm>> -> memref<8x4880xi32, #tpu.memory_space<hbm>>
      %dma_start3A_215 = arith.constant 0 : i32
      %dma_start3A_216 = arith.constant 5120 : i32
      %dma_start3A_217 = tpu.memref_slice %arg4[%dma_start3A_215, %dma_start3A_216] : memref<8x10000xi32, #tpu.memory_space<vmem>> -> memref<8x4880xi32, #tpu.memory_space<vmem>>
      tpu.enqueue_dma source(%dma_start3A_217 : memref<8x4880xi32, #tpu.memory_space<vmem>>) target(%dma_start3A_214 : memref<8x4880xi32, #tpu.memory_space<hbm>>) target_semaphore(%arg8 : memref<!tpu.dma_semaphore, #tpu.memory_space<semaphore_mem>>)
      %dma_wait3A_218 = arith.constant 0 : i32
      %dma_wait3A_219 = arith.constant 0 : i32
      %dma_wait3A_220 = arith.constant 0 : i32
      %dma_wait3A_221 = arith.constant 0 : i32
      %dma_wait3A_222 = tpu.memref_slice %arg4[%dma_wait3A_220, %dma_wait3A_221] : memref<8x10000xi32, #tpu.memory_space<vmem>> -> memref<8x5120xi32, #tpu.memory_space<vmem>>
      %dma_wait3A_223 = arith.constant 0 : i32
      %dma_wait3A_224 = arith.constant 0 : i32
      %dma_wait3A_225 = tpu.memref_slice %arg3[%dma_wait3A_218, %dma_wait3A_219, %dma_wait3A_223, %dma_wait3A_224] : memref<2x9x8x10000xi32, #tpu.memory_space<hbm>> -> memref<1x1x8x10000xi32, #tpu.memory_space<hbm>>
      %dma_wait3A_226 = tpu.memref_squeeze %dma_wait3A_225 : memref<1x1x8x10000xi32, #tpu.memory_space<hbm>> -> memref<8x10000xi32, #tpu.memory_space<hbm>>
      %dma_wait3A_227 = arith.constant 0 : i32
      %dma_wait3A_228 = arith.constant 0 : i32
      %dma_wait3A_229 = tpu.memref_slice %dma_wait3A_226[%dma_wait3A_227, %dma_wait3A_228] : memref<8x10000xi32, #tpu.memory_space<hbm>> -> memref<8x5120xi32, #tpu.memory_space<hbm>>
      %dma_wait3A_230 = arith.constant 0 : i32
      %dma_wait3A_231 = arith.constant 0 : i32
      %dma_wait3A_232 = tpu.memref_slice %arg3[%dma_wait3A_218, %dma_wait3A_219, %dma_wait3A_230, %dma_wait3A_231] : memref<2x9x8x10000xi32, #tpu.memory_space<hbm>> -> memref<1x1x8x10000xi32, #tpu.memory_space<hbm>>
      %dma_wait3A_233 = tpu.memref_squeeze %dma_wait3A_232 : memref<1x1x8x10000xi32, #tpu.memory_space<hbm>> -> memref<8x10000xi32, #tpu.memory_space<hbm>>
      %dma_wait3A_234 = arith.constant 0 : i32
      %dma_wait3A_235 = arith.constant 0 : i32
      %dma_wait3A_236 = tpu.memref_slice %dma_wait3A_233[%dma_wait3A_234, %dma_wait3A_235] : memref<8x10000xi32, #tpu.memory_space<hbm>> -> memref<8x5120xi32, #tpu.memory_space<hbm>>
      %dma_wait3A_237 = arith.constant 0 : i32
      %dma_wait3A_238 = arith.constant 0 : i32
      %dma_wait3A_239 = tpu.memref_slice %arg4[%dma_wait3A_237, %dma_wait3A_238] : memref<8x10000xi32, #tpu.memory_space<vmem>> -> memref<8x5120xi32, #tpu.memory_space<vmem>>
      tpu.wait_dma2 semaphore(%arg7 : memref<!tpu.dma_semaphore, #tpu.memory_space<semaphore_mem>>) src(%dma_wait3A_239 : memref<8x5120xi32, #tpu.memory_space<vmem>>) dst(%dma_wait3A_236 : memref<8x5120xi32, #tpu.memory_space<hbm>>)
      %dma_wait3A_240 = arith.constant 0 : i32
      %dma_wait3A_241 = arith.constant 0 : i32
      %dma_wait3A_242 = arith.constant 0 : i32
      %dma_wait3A_243 = arith.constant 5120 : i32
      %dma_wait3A_244 = tpu.memref_slice %arg4[%dma_wait3A_242, %dma_wait3A_243] : memref<8x10000xi32, #tpu.memory_space<vmem>> -> memref<8x4880xi32, #tpu.memory_space<vmem>>
      %dma_wait3A_245 = arith.constant 0 : i32
      %dma_wait3A_246 = arith.constant 0 : i32
      %dma_wait3A_247 = tpu.memref_slice %arg3[%dma_wait3A_240, %dma_wait3A_241, %dma_wait3A_245, %dma_wait3A_246] : memref<2x9x8x10000xi32, #tpu.memory_space<hbm>> -> memref<1x1x8x10000xi32, #tpu.memory_space<hbm>>
      %dma_wait3A_248 = tpu.memref_squeeze %dma_wait3A_247 : memref<1x1x8x10000xi32, #tpu.memory_space<hbm>> -> memref<8x10000xi32, #tpu.memory_space<hbm>>
      %dma_wait3A_249 = arith.constant 0 : i32
      %dma_wait3A_250 = arith.constant 5120 : i32
      %dma_wait3A_251 = tpu.memref_slice %dma_wait3A_248[%dma_wait3A_249, %dma_wait3A_250] : memref<8x10000xi32, #tpu.memory_space<hbm>> -> memref<8x4880xi32, #tpu.memory_space<hbm>>
      %dma_wait3A_252 = arith.constant 0 : i32
      %dma_wait3A_253 = arith.constant 0 : i32
      %dma_wait3A_254 = tpu.memref_slice %arg3[%dma_wait3A_240, %dma_wait3A_241, %dma_wait3A_252, %dma_wait3A_253] : memref<2x9x8x10000xi32, #tpu.memory_space<hbm>> -> memref<1x1x8x10000xi32, #tpu.memory_space<hbm>>
      %dma_wait3A_255 = tpu.memref_squeeze %dma_wait3A_254 : memref<1x1x8x10000xi32, #tpu.memory_space<hbm>> -> memref<8x10000xi32, #tpu.memory_space<hbm>>
      %dma_wait3A_256 = arith.constant 0 : i32
      %dma_wait3A_257 = arith.constant 5120 : i32
      %dma_wait3A_258 = tpu.memref_slice %dma_wait3A_255[%dma_wait3A_256, %dma_wait3A_257] : memref<8x10000xi32, #tpu.memory_space<hbm>> -> memref<8x4880xi32, #tpu.memory_space<hbm>>
      %dma_wait3A_259 = arith.constant 0 : i32
      %dma_wait3A_260 = arith.constant 5120 : i32
      %dma_wait3A_261 = tpu.memref_slice %arg4[%dma_wait3A_259, %dma_wait3A_260] : memref<8x10000xi32, #tpu.memory_space<vmem>> -> memref<8x4880xi32, #tpu.memory_space<vmem>>
      tpu.wait_dma2 semaphore(%arg8 : memref<!tpu.dma_semaphore, #tpu.memory_space<semaphore_mem>>) src(%dma_wait3A_261 : memref<8x4880xi32, #tpu.memory_space<vmem>>) dst(%dma_wait3A_258 : memref<8x4880xi32, #tpu.memory_space<hbm>>)
    } else {
    }
    %eq3A_3 = arith.constant 1 : i32
    %eq3A_4 = arith.cmpi eq, %add3A, %eq3A_3 : i32
    %convert_element_type3A_5 = arith.extui %eq3A_4 : i1 to i32
    %cond3A_6 = arith.constant 0 : i32
    %cond3A_7 = arith.cmpi ne, %convert_element_type3A_5, %cond3A_6 : i32
    scf.if %cond3A_7 {
      %dma_start3A = arith.constant 0 : i32
      %dma_start3A_88 = arith.constant 2 : i32
      %dma_start3A_89 = arith.constant 0 : i32
      %dma_start3A_90 = arith.constant 0 : i32
      %dma_start3A_91 = tpu.memref_slice %arg4[%dma_start3A_89, %dma_start3A_90] : memref<8x10000xi32, #tpu.memory_space<vmem>> -> memref<8x5120xi32, #tpu.memory_space<vmem>>
      %dma_start3A_92 = arith.constant 0 : i32
      %dma_start3A_93 = arith.constant 0 : i32
      %dma_start3A_94 = tpu.memref_slice %arg2[%dma_start3A, %dma_start3A_88, %dma_start3A_92, %dma_start3A_93] : memref<2x18x8x10000xi32, #tpu.memory_space<hbm>> -> memref<1x1x8x10000xi32, #tpu.memory_space<hbm>>
      %dma_start3A_95 = tpu.memref_squeeze %dma_start3A_94 : memref<1x1x8x10000xi32, #tpu.memory_space<hbm>> -> memref<8x10000xi32, #tpu.memory_space<hbm>>
      %dma_start3A_96 = arith.constant 0 : i32
      %dma_start3A_97 = arith.constant 0 : i32
      %dma_start3A_98 = tpu.memref_slice %dma_start3A_95[%dma_start3A_96, %dma_start3A_97] : memref<8x10000xi32, #tpu.memory_space<hbm>> -> memref<8x5120xi32, #tpu.memory_space<hbm>>
      %dma_start3A_99 = arith.constant 0 : i32
      %dma_start3A_100 = arith.constant 0 : i32
      %dma_start3A_101 = tpu.memref_slice %arg4[%dma_start3A_99, %dma_start3A_100] : memref<8x10000xi32, #tpu.memory_space<vmem>> -> memref<8x5120xi32, #tpu.memory_space<vmem>>
      %dma_start3A_102 = arith.constant 0 : i32
      %dma_start3A_103 = arith.constant 0 : i32
      %dma_start3A_104 = tpu.memref_slice %arg2[%dma_start3A, %dma_start3A_88, %dma_start3A_102, %dma_start3A_103] : memref<2x18x8x10000xi32, #tpu.memory_space<hbm>> -> memref<1x1x8x10000xi32, #tpu.memory_space<hbm>>
      %dma_start3A_105 = tpu.memref_squeeze %dma_start3A_104 : memref<1x1x8x10000xi32, #tpu.memory_space<hbm>> -> memref<8x10000xi32, #tpu.memory_space<hbm>>
      %dma_start3A_106 = arith.constant 0 : i32
      %dma_start3A_107 = arith.constant 0 : i32
      %dma_start3A_108 = tpu.memref_slice %dma_start3A_105[%dma_start3A_106, %dma_start3A_107] : memref<8x10000xi32, #tpu.memory_space<hbm>> -> memref<8x5120xi32, #tpu.memory_space<hbm>>
      tpu.enqueue_dma source(%dma_start3A_108 : memref<8x5120xi32, #tpu.memory_space<hbm>>) target(%dma_start3A_101 : memref<8x5120xi32, #tpu.memory_space<vmem>>) target_semaphore(%arg5 : memref<!tpu.dma_semaphore, #tpu.memory_space<semaphore_mem>>)
      %dma_start3A_109 = arith.constant 0 : i32
      %dma_start3A_110 = arith.constant 2 : i32
      %dma_start3A_111 = arith.constant 0 : i32
      %dma_start3A_112 = arith.constant 5120 : i32
      %dma_start3A_113 = tpu.memref_slice %arg4[%dma_start3A_111, %dma_start3A_112] : memref<8x10000xi32, #tpu.memory_space<vmem>> -> memref<8x4880xi32, #tpu.memory_space<vmem>>
      %dma_start3A_114 = arith.constant 0 : i32
      %dma_start3A_115 = arith.constant 0 : i32
      %dma_start3A_116 = tpu.memref_slice %arg2[%dma_start3A_109, %dma_start3A_110, %dma_start3A_114, %dma_start3A_115] : memref<2x18x8x10000xi32, #tpu.memory_space<hbm>> -> memref<1x1x8x10000xi32, #tpu.memory_space<hbm>>
      %dma_start3A_117 = tpu.memref_squeeze %dma_start3A_116 : memref<1x1x8x10000xi32, #tpu.memory_space<hbm>> -> memref<8x10000xi32, #tpu.memory_space<hbm>>
      %dma_start3A_118 = arith.constant 0 : i32
      %dma_start3A_119 = arith.constant 5120 : i32
      %dma_start3A_120 = tpu.memref_slice %dma_start3A_117[%dma_start3A_118, %dma_start3A_119] : memref<8x10000xi32, #tpu.memory_space<hbm>> -> memref<8x4880xi32, #tpu.memory_space<hbm>>
      %dma_start3A_121 = arith.constant 0 : i32
      %dma_start3A_122 = arith.constant 5120 : i32
      %dma_start3A_123 = tpu.memref_slice %arg4[%dma_start3A_121, %dma_start3A_122] : memref<8x10000xi32, #tpu.memory_space<vmem>> -> memref<8x4880xi32, #tpu.memory_space<vmem>>
      %dma_start3A_124 = arith.constant 0 : i32
      %dma_start3A_125 = arith.constant 0 : i32
      %dma_start3A_126 = tpu.memref_slice %arg2[%dma_start3A_109, %dma_start3A_110, %dma_start3A_124, %dma_start3A_125] : memref<2x18x8x10000xi32, #tpu.memory_space<hbm>> -> memref<1x1x8x10000xi32, #tpu.memory_space<hbm>>
      %dma_start3A_127 = tpu.memref_squeeze %dma_start3A_126 : memref<1x1x8x10000xi32, #tpu.memory_space<hbm>> -> memref<8x10000xi32, #tpu.memory_space<hbm>>
      %dma_start3A_128 = arith.constant 0 : i32
      %dma_start3A_129 = arith.constant 5120 : i32
      %dma_start3A_130 = tpu.memref_slice %dma_start3A_127[%dma_start3A_128, %dma_start3A_129] : memref<8x10000xi32, #tpu.memory_space<hbm>> -> memref<8x4880xi32, #tpu.memory_space<hbm>>
      tpu.enqueue_dma source(%dma_start3A_130 : memref<8x4880xi32, #tpu.memory_space<hbm>>) target(%dma_start3A_123 : memref<8x4880xi32, #tpu.memory_space<vmem>>) target_semaphore(%arg6 : memref<!tpu.dma_semaphore, #tpu.memory_space<semaphore_mem>>)
      %dma_wait3A = arith.constant 0 : i32
      %dma_wait3A_131 = arith.constant 2 : i32
      %dma_wait3A_132 = arith.constant 0 : i32
      %dma_wait3A_133 = arith.constant 0 : i32
      %dma_wait3A_134 = tpu.memref_slice %arg4[%dma_wait3A_132, %dma_wait3A_133] : memref<8x10000xi32, #tpu.memory_space<vmem>> -> memref<8x5120xi32, #tpu.memory_space<vmem>>
      %dma_wait3A_135 = arith.constant 0 : i32
      %dma_wait3A_136 = arith.constant 0 : i32
      %dma_wait3A_137 = tpu.memref_slice %arg2[%dma_wait3A, %dma_wait3A_131, %dma_wait3A_135, %dma_wait3A_136] : memref<2x18x8x10000xi32, #tpu.memory_space<hbm>> -> memref<1x1x8x10000xi32, #tpu.memory_space<hbm>>
      %dma_wait3A_138 = tpu.memref_squeeze %dma_wait3A_137 : memref<1x1x8x10000xi32, #tpu.memory_space<hbm>> -> memref<8x10000xi32, #tpu.memory_space<hbm>>
      %dma_wait3A_139 = arith.constant 0 : i32
      %dma_wait3A_140 = arith.constant 0 : i32
      %dma_wait3A_141 = tpu.memref_slice %dma_wait3A_138[%dma_wait3A_139, %dma_wait3A_140] : memref<8x10000xi32, #tpu.memory_space<hbm>> -> memref<8x5120xi32, #tpu.memory_space<hbm>>
      %dma_wait3A_142 = arith.constant 0 : i32
      %dma_wait3A_143 = arith.constant 0 : i32
      %dma_wait3A_144 = tpu.memref_slice %arg4[%dma_wait3A_142, %dma_wait3A_143] : memref<8x10000xi32, #tpu.memory_space<vmem>> -> memref<8x5120xi32, #tpu.memory_space<vmem>>
      %dma_wait3A_145 = arith.constant 0 : i32
      %dma_wait3A_146 = arith.constant 0 : i32
      %dma_wait3A_147 = tpu.memref_slice %arg2[%dma_wait3A, %dma_wait3A_131, %dma_wait3A_145, %dma_wait3A_146] : memref<2x18x8x10000xi32, #tpu.memory_space<hbm>> -> memref<1x1x8x10000xi32, #tpu.memory_space<hbm>>
      %dma_wait3A_148 = tpu.memref_squeeze %dma_wait3A_147 : memref<1x1x8x10000xi32, #tpu.memory_space<hbm>> -> memref<8x10000xi32, #tpu.memory_space<hbm>>
      %dma_wait3A_149 = arith.constant 0 : i32
      %dma_wait3A_150 = arith.constant 0 : i32
      %dma_wait3A_151 = tpu.memref_slice %dma_wait3A_148[%dma_wait3A_149, %dma_wait3A_150] : memref<8x10000xi32, #tpu.memory_space<hbm>> -> memref<8x5120xi32, #tpu.memory_space<hbm>>
      tpu.wait_dma2 semaphore(%arg5 : memref<!tpu.dma_semaphore, #tpu.memory_space<semaphore_mem>>) src(%dma_wait3A_151 : memref<8x5120xi32, #tpu.memory_space<hbm>>) dst(%dma_wait3A_144 : memref<8x5120xi32, #tpu.memory_space<vmem>>)
      %dma_start3A_152 = arith.constant 0 : i32
      %dma_start3A_153 = arith.constant 1 : i32
      %dma_start3A_154 = arith.constant 0 : i32
      %dma_start3A_155 = arith.constant 0 : i32
      %dma_start3A_156 = tpu.memref_slice %arg4[%dma_start3A_154, %dma_start3A_155] : memref<8x10000xi32, #tpu.memory_space<vmem>> -> memref<8x5120xi32, #tpu.memory_space<vmem>>
      %dma_start3A_157 = arith.constant 0 : i32
      %dma_start3A_158 = arith.constant 0 : i32
      %dma_start3A_159 = tpu.memref_slice %arg3[%dma_start3A_152, %dma_start3A_153, %dma_start3A_157, %dma_start3A_158] : memref<2x9x8x10000xi32, #tpu.memory_space<hbm>> -> memref<1x1x8x10000xi32, #tpu.memory_space<hbm>>
      %dma_start3A_160 = tpu.memref_squeeze %dma_start3A_159 : memref<1x1x8x10000xi32, #tpu.memory_space<hbm>> -> memref<8x10000xi32, #tpu.memory_space<hbm>>
      %dma_start3A_161 = arith.constant 0 : i32
      %dma_start3A_162 = arith.constant 0 : i32
      %dma_start3A_163 = tpu.memref_slice %dma_start3A_160[%dma_start3A_161, %dma_start3A_162] : memref<8x10000xi32, #tpu.memory_space<hbm>> -> memref<8x5120xi32, #tpu.memory_space<hbm>>
      %dma_start3A_164 = arith.constant 0 : i32
      %dma_start3A_165 = arith.constant 0 : i32
      %dma_start3A_166 = tpu.memref_slice %arg3[%dma_start3A_152, %dma_start3A_153, %dma_start3A_164, %dma_start3A_165] : memref<2x9x8x10000xi32, #tpu.memory_space<hbm>> -> memref<1x1x8x10000xi32, #tpu.memory_space<hbm>>
      %dma_start3A_167 = tpu.memref_squeeze %dma_start3A_166 : memref<1x1x8x10000xi32, #tpu.memory_space<hbm>> -> memref<8x10000xi32, #tpu.memory_space<hbm>>
      %dma_start3A_168 = arith.constant 0 : i32
      %dma_start3A_169 = arith.constant 0 : i32
      %dma_start3A_170 = tpu.memref_slice %dma_start3A_167[%dma_start3A_168, %dma_start3A_169] : memref<8x10000xi32, #tpu.memory_space<hbm>> -> memref<8x5120xi32, #tpu.memory_space<hbm>>
      %dma_start3A_171 = arith.constant 0 : i32
      %dma_start3A_172 = arith.constant 0 : i32
      %dma_start3A_173 = tpu.memref_slice %arg4[%dma_start3A_171, %dma_start3A_172] : memref<8x10000xi32, #tpu.memory_space<vmem>> -> memref<8x5120xi32, #tpu.memory_space<vmem>>
      tpu.enqueue_dma source(%dma_start3A_173 : memref<8x5120xi32, #tpu.memory_space<vmem>>) target(%dma_start3A_170 : memref<8x5120xi32, #tpu.memory_space<hbm>>) target_semaphore(%arg7 : memref<!tpu.dma_semaphore, #tpu.memory_space<semaphore_mem>>)
      %dma_wait3A_174 = arith.constant 0 : i32
      %dma_wait3A_175 = arith.constant 2 : i32
      %dma_wait3A_176 = arith.constant 0 : i32
      %dma_wait3A_177 = arith.constant 5120 : i32
      %dma_wait3A_178 = tpu.memref_slice %arg4[%dma_wait3A_176, %dma_wait3A_177] : memref<8x10000xi32, #tpu.memory_space<vmem>> -> memref<8x4880xi32, #tpu.memory_space<vmem>>
      %dma_wait3A_179 = arith.constant 0 : i32
      %dma_wait3A_180 = arith.constant 0 : i32
      %dma_wait3A_181 = tpu.memref_slice %arg2[%dma_wait3A_174, %dma_wait3A_175, %dma_wait3A_179, %dma_wait3A_180] : memref<2x18x8x10000xi32, #tpu.memory_space<hbm>> -> memref<1x1x8x10000xi32, #tpu.memory_space<hbm>>
      %dma_wait3A_182 = tpu.memref_squeeze %dma_wait3A_181 : memref<1x1x8x10000xi32, #tpu.memory_space<hbm>> -> memref<8x10000xi32, #tpu.memory_space<hbm>>
      %dma_wait3A_183 = arith.constant 0 : i32
      %dma_wait3A_184 = arith.constant 5120 : i32
      %dma_wait3A_185 = tpu.memref_slice %dma_wait3A_182[%dma_wait3A_183, %dma_wait3A_184] : memref<8x10000xi32, #tpu.memory_space<hbm>> -> memref<8x4880xi32, #tpu.memory_space<hbm>>
      %dma_wait3A_186 = arith.constant 0 : i32
      %dma_wait3A_187 = arith.constant 5120 : i32
      %dma_wait3A_188 = tpu.memref_slice %arg4[%dma_wait3A_186, %dma_wait3A_187] : memref<8x10000xi32, #tpu.memory_space<vmem>> -> memref<8x4880xi32, #tpu.memory_space<vmem>>
      %dma_wait3A_189 = arith.constant 0 : i32
      %dma_wait3A_190 = arith.constant 0 : i32
      %dma_wait3A_191 = tpu.memref_slice %arg2[%dma_wait3A_174, %dma_wait3A_175, %dma_wait3A_189, %dma_wait3A_190] : memref<2x18x8x10000xi32, #tpu.memory_space<hbm>> -> memref<1x1x8x10000xi32, #tpu.memory_space<hbm>>
      %dma_wait3A_192 = tpu.memref_squeeze %dma_wait3A_191 : memref<1x1x8x10000xi32, #tpu.memory_space<hbm>> -> memref<8x10000xi32, #tpu.memory_space<hbm>>
      %dma_wait3A_193 = arith.constant 0 : i32
      %dma_wait3A_194 = arith.constant 5120 : i32
      %dma_wait3A_195 = tpu.memref_slice %dma_wait3A_192[%dma_wait3A_193, %dma_wait3A_194] : memref<8x10000xi32, #tpu.memory_space<hbm>> -> memref<8x4880xi32, #tpu.memory_space<hbm>>
      tpu.wait_dma2 semaphore(%arg6 : memref<!tpu.dma_semaphore, #tpu.memory_space<semaphore_mem>>) src(%dma_wait3A_195 : memref<8x4880xi32, #tpu.memory_space<hbm>>) dst(%dma_wait3A_188 : memref<8x4880xi32, #tpu.memory_space<vmem>>)
      %dma_start3A_196 = arith.constant 0 : i32
      %dma_start3A_197 = arith.constant 1 : i32
      %dma_start3A_198 = arith.constant 0 : i32
      %dma_start3A_199 = arith.constant 5120 : i32
      %dma_start3A_200 = tpu.memref_slice %arg4[%dma_start3A_198, %dma_start3A_199] : memref<8x10000xi32, #tpu.memory_space<vmem>> -> memref<8x4880xi32, #tpu.memory_space<vmem>>
      %dma_start3A_201 = arith.constant 0 : i32
      %dma_start3A_202 = arith.constant 0 : i32
      %dma_start3A_203 = tpu.memref_slice %arg3[%dma_start3A_196, %dma_start3A_197, %dma_start3A_201, %dma_start3A_202] : memref<2x9x8x10000xi32, #tpu.memory_space<hbm>> -> memref<1x1x8x10000xi32, #tpu.memory_space<hbm>>
      %dma_start3A_204 = tpu.memref_squeeze %dma_start3A_203 : memref<1x1x8x10000xi32, #tpu.memory_space<hbm>> -> memref<8x10000xi32, #tpu.memory_space<hbm>>
      %dma_start3A_205 = arith.constant 0 : i32
      %dma_start3A_206 = arith.constant 5120 : i32
      %dma_start3A_207 = tpu.memref_slice %dma_start3A_204[%dma_start3A_205, %dma_start3A_206] : memref<8x10000xi32, #tpu.memory_space<hbm>> -> memref<8x4880xi32, #tpu.memory_space<hbm>>
      %dma_start3A_208 = arith.constant 0 : i32
      %dma_start3A_209 = arith.constant 0 : i32
      %dma_start3A_210 = tpu.memref_slice %arg3[%dma_start3A_196, %dma_start3A_197, %dma_start3A_208, %dma_start3A_209] : memref<2x9x8x10000xi32, #tpu.memory_space<hbm>> -> memref<1x1x8x10000xi32, #tpu.memory_space<hbm>>
      %dma_start3A_211 = tpu.memref_squeeze %dma_start3A_210 : memref<1x1x8x10000xi32, #tpu.memory_space<hbm>> -> memref<8x10000xi32, #tpu.memory_space<hbm>>
      %dma_start3A_212 = arith.constant 0 : i32
      %dma_start3A_213 = arith.constant 5120 : i32
      %dma_start3A_214 = tpu.memref_slice %dma_start3A_211[%dma_start3A_212, %dma_start3A_213] : memref<8x10000xi32, #tpu.memory_space<hbm>> -> memref<8x4880xi32, #tpu.memory_space<hbm>>
      %dma_start3A_215 = arith.constant 0 : i32
      %dma_start3A_216 = arith.constant 5120 : i32
      %dma_start3A_217 = tpu.memref_slice %arg4[%dma_start3A_215, %dma_start3A_216] : memref<8x10000xi32, #tpu.memory_space<vmem>> -> memref<8x4880xi32, #tpu.memory_space<vmem>>
      tpu.enqueue_dma source(%dma_start3A_217 : memref<8x4880xi32, #tpu.memory_space<vmem>>) target(%dma_start3A_214 : memref<8x4880xi32, #tpu.memory_space<hbm>>) target_semaphore(%arg8 : memref<!tpu.dma_semaphore, #tpu.memory_space<semaphore_mem>>)
      %dma_wait3A_218 = arith.constant 0 : i32
      %dma_wait3A_219 = arith.constant 1 : i32
      %dma_wait3A_220 = arith.constant 0 : i32
      %dma_wait3A_221 = arith.constant 0 : i32
      %dma_wait3A_222 = tpu.memref_slice %arg4[%dma_wait3A_220, %dma_wait3A_221] : memref<8x10000xi32, #tpu.memory_space<vmem>> -> memref<8x5120xi32, #tpu.memory_space<vmem>>
      %dma_wait3A_223 = arith.constant 0 : i32
      %dma_wait3A_224 = arith.constant 0 : i32
      %dma_wait3A_225 = tpu.memref_slice %arg3[%dma_wait3A_218, %dma_wait3A_219, %dma_wait3A_223, %dma_wait3A_224] : memref<2x9x8x10000xi32, #tpu.memory_space<hbm>> -> memref<1x1x8x10000xi32, #tpu.memory_space<hbm>>
      %dma_wait3A_226 = tpu.memref_squeeze %dma_wait3A_225 : memref<1x1x8x10000xi32, #tpu.memory_space<hbm>> -> memref<8x10000xi32, #tpu.memory_space<hbm>>
      %dma_wait3A_227 = arith.constant 0 : i32
      %dma_wait3A_228 = arith.constant 0 : i32
      %dma_wait3A_229 = tpu.memref_slice %dma_wait3A_226[%dma_wait3A_227, %dma_wait3A_228] : memref<8x10000xi32, #tpu.memory_space<hbm>> -> memref<8x5120xi32, #tpu.memory_space<hbm>>
      %dma_wait3A_230 = arith.constant 0 : i32
      %dma_wait3A_231 = arith.constant 0 : i32
      %dma_wait3A_232 = tpu.memref_slice %arg3[%dma_wait3A_218, %dma_wait3A_219, %dma_wait3A_230, %dma_wait3A_231] : memref<2x9x8x10000xi32, #tpu.memory_space<hbm>> -> memref<1x1x8x10000xi32, #tpu.memory_space<hbm>>
      %dma_wait3A_233 = tpu.memref_squeeze %dma_wait3A_232 : memref<1x1x8x10000xi32, #tpu.memory_space<hbm>> -> memref<8x10000xi32, #tpu.memory_space<hbm>>
      %dma_wait3A_234 = arith.constant 0 : i32
      %dma_wait3A_235 = arith.constant 0 : i32
      %dma_wait3A_236 = tpu.memref_slice %dma_wait3A_233[%dma_wait3A_234, %dma_wait3A_235] : memref<8x10000xi32, #tpu.memory_space<hbm>> -> memref<8x5120xi32, #tpu.memory_space<hbm>>
      %dma_wait3A_237 = arith.constant 0 : i32
      %dma_wait3A_238 = arith.constant 0 : i32
      %dma_wait3A_239 = tpu.memref_slice %arg4[%dma_wait3A_237, %dma_wait3A_238] : memref<8x10000xi32, #tpu.memory_space<vmem>> -> memref<8x5120xi32, #tpu.memory_space<vmem>>
      tpu.wait_dma2 semaphore(%arg7 : memref<!tpu.dma_semaphore, #tpu.memory_space<semaphore_mem>>) src(%dma_wait3A_239 : memref<8x5120xi32, #tpu.memory_space<vmem>>) dst(%dma_wait3A_236 : memref<8x5120xi32, #tpu.memory_space<hbm>>)
      %dma_wait3A_240 = arith.constant 0 : i32
      %dma_wait3A_241 = arith.constant 1 : i32
      %dma_wait3A_242 = arith.constant 0 : i32
      %dma_wait3A_243 = arith.constant 5120 : i32
      %dma_wait3A_244 = tpu.memref_slice %arg4[%dma_wait3A_242, %dma_wait3A_243] : memref<8x10000xi32, #tpu.memory_space<vmem>> -> memref<8x4880xi32, #tpu.memory_space<vmem>>
      %dma_wait3A_245 = arith.constant 0 : i32
      %dma_wait3A_246 = arith.constant 0 : i32
      %dma_wait3A_247 = tpu.memref_slice %arg3[%dma_wait3A_240, %dma_wait3A_241, %dma_wait3A_245, %dma_wait3A_246] : memref<2x9x8x10000xi32, #tpu.memory_space<hbm>> -> memref<1x1x8x10000xi32, #tpu.memory_space<hbm>>
      %dma_wait3A_248 = tpu.memref_squeeze %dma_wait3A_247 : memref<1x1x8x10000xi32, #tpu.memory_space<hbm>> -> memref<8x10000xi32, #tpu.memory_space<hbm>>
      %dma_wait3A_249 = arith.constant 0 : i32
      %dma_wait3A_250 = arith.constant 5120 : i32
      %dma_wait3A_251 = tpu.memref_slice %dma_wait3A_248[%dma_wait3A_249, %dma_wait3A_250] : memref<8x10000xi32, #tpu.memory_space<hbm>> -> memref<8x4880xi32, #tpu.memory_space<hbm>>
      %dma_wait3A_252 = arith.constant 0 : i32
      %dma_wait3A_253 = arith.constant 0 : i32
      %dma_wait3A_254 = tpu.memref_slice %arg3[%dma_wait3A_240, %dma_wait3A_241, %dma_wait3A_252, %dma_wait3A_253] : memref<2x9x8x10000xi32, #tpu.memory_space<hbm>> -> memref<1x1x8x10000xi32, #tpu.memory_space<hbm>>
      %dma_wait3A_255 = tpu.memref_squeeze %dma_wait3A_254 : memref<1x1x8x10000xi32, #tpu.memory_space<hbm>> -> memref<8x10000xi32, #tpu.memory_space<hbm>>
      %dma_wait3A_256 = arith.constant 0 : i32
      %dma_wait3A_257 = arith.constant 5120 : i32
      %dma_wait3A_258 = tpu.memref_slice %dma_wait3A_255[%dma_wait3A_256, %dma_wait3A_257] : memref<8x10000xi32, #tpu.memory_space<hbm>> -> memref<8x4880xi32, #tpu.memory_space<hbm>>
      %dma_wait3A_259 = arith.constant 0 : i32
      %dma_wait3A_260 = arith.constant 5120 : i32
      %dma_wait3A_261 = tpu.memref_slice %arg4[%dma_wait3A_259, %dma_wait3A_260] : memref<8x10000xi32, #tpu.memory_space<vmem>> -> memref<8x4880xi32, #tpu.memory_space<vmem>>
      tpu.wait_dma2 semaphore(%arg8 : memref<!tpu.dma_semaphore, #tpu.memory_space<semaphore_mem>>) src(%dma_wait3A_261 : memref<8x4880xi32, #tpu.memory_space<vmem>>) dst(%dma_wait3A_258 : memref<8x4880xi32, #tpu.memory_space<hbm>>)
    } else {
    }
    %eq3A_8 = arith.constant 2 : i32
    %eq3A_9 = arith.cmpi eq, %add3A, %eq3A_8 : i32
    %convert_element_type3A_10 = arith.extui %eq3A_9 : i1 to i32
    %cond3A_11 = arith.constant 0 : i32
    %cond3A_12 = arith.cmpi ne, %convert_element_type3A_10, %cond3A_11 : i32
    scf.if %cond3A_12 {
      %dma_start3A = arith.constant 0 : i32
      %dma_start3A_88 = arith.constant 4 : i32
      %dma_start3A_89 = arith.constant 0 : i32
      %dma_start3A_90 = arith.constant 0 : i32
      %dma_start3A_91 = tpu.memref_slice %arg4[%dma_start3A_89, %dma_start3A_90] : memref<8x10000xi32, #tpu.memory_space<vmem>> -> memref<8x5120xi32, #tpu.memory_space<vmem>>
      %dma_start3A_92 = arith.constant 0 : i32
      %dma_start3A_93 = arith.constant 0 : i32
      %dma_start3A_94 = tpu.memref_slice %arg2[%dma_start3A, %dma_start3A_88, %dma_start3A_92, %dma_start3A_93] : memref<2x18x8x10000xi32, #tpu.memory_space<hbm>> -> memref<1x1x8x10000xi32, #tpu.memory_space<hbm>>
      %dma_start3A_95 = tpu.memref_squeeze %dma_start3A_94 : memref<1x1x8x10000xi32, #tpu.memory_space<hbm>> -> memref<8x10000xi32, #tpu.memory_space<hbm>>
      %dma_start3A_96 = arith.constant 0 : i32
      %dma_start3A_97 = arith.constant 0 : i32
      %dma_start3A_98 = tpu.memref_slice %dma_start3A_95[%dma_start3A_96, %dma_start3A_97] : memref<8x10000xi32, #tpu.memory_space<hbm>> -> memref<8x5120xi32, #tpu.memory_space<hbm>>
      %dma_start3A_99 = arith.constant 0 : i32
      %dma_start3A_100 = arith.constant 0 : i32
      %dma_start3A_101 = tpu.memref_slice %arg4[%dma_start3A_99, %dma_start3A_100] : memref<8x10000xi32, #tpu.memory_space<vmem>> -> memref<8x5120xi32, #tpu.memory_space<vmem>>
      %dma_start3A_102 = arith.constant 0 : i32
      %dma_start3A_103 = arith.constant 0 : i32
      %dma_start3A_104 = tpu.memref_slice %arg2[%dma_start3A, %dma_start3A_88, %dma_start3A_102, %dma_start3A_103] : memref<2x18x8x10000xi32, #tpu.memory_space<hbm>> -> memref<1x1x8x10000xi32, #tpu.memory_space<hbm>>
      %dma_start3A_105 = tpu.memref_squeeze %dma_start3A_104 : memref<1x1x8x10000xi32, #tpu.memory_space<hbm>> -> memref<8x10000xi32, #tpu.memory_space<hbm>>
      %dma_start3A_106 = arith.constant 0 : i32
      %dma_start3A_107 = arith.constant 0 : i32
      %dma_start3A_108 = tpu.memref_slice %dma_start3A_105[%dma_start3A_106, %dma_start3A_107] : memref<8x10000xi32, #tpu.memory_space<hbm>> -> memref<8x5120xi32, #tpu.memory_space<hbm>>
      tpu.enqueue_dma source(%dma_start3A_108 : memref<8x5120xi32, #tpu.memory_space<hbm>>) target(%dma_start3A_101 : memref<8x5120xi32, #tpu.memory_space<vmem>>) target_semaphore(%arg5 : memref<!tpu.dma_semaphore, #tpu.memory_space<semaphore_mem>>)
      %dma_start3A_109 = arith.constant 0 : i32
      %dma_start3A_110 = arith.constant 4 : i32
      %dma_start3A_111 = arith.constant 0 : i32
      %dma_start3A_112 = arith.constant 5120 : i32
      %dma_start3A_113 = tpu.memref_slice %arg4[%dma_start3A_111, %dma_start3A_112] : memref<8x10000xi32, #tpu.memory_space<vmem>> -> memref<8x4880xi32, #tpu.memory_space<vmem>>
      %dma_start3A_114 = arith.constant 0 : i32
      %dma_start3A_115 = arith.constant 0 : i32
      %dma_start3A_116 = tpu.memref_slice %arg2[%dma_start3A_109, %dma_start3A_110, %dma_start3A_114, %dma_start3A_115] : memref<2x18x8x10000xi32, #tpu.memory_space<hbm>> -> memref<1x1x8x10000xi32, #tpu.memory_space<hbm>>
      %dma_start3A_117 = tpu.memref_squeeze %dma_start3A_116 : memref<1x1x8x10000xi32, #tpu.memory_space<hbm>> -> memref<8x10000xi32, #tpu.memory_space<hbm>>
      %dma_start3A_118 = arith.constant 0 : i32
      %dma_start3A_119 = arith.constant 5120 : i32
      %dma_start3A_120 = tpu.memref_slice %dma_start3A_117[%dma_start3A_118, %dma_start3A_119] : memref<8x10000xi32, #tpu.memory_space<hbm>> -> memref<8x4880xi32, #tpu.memory_space<hbm>>
      %dma_start3A_121 = arith.constant 0 : i32
      %dma_start3A_122 = arith.constant 5120 : i32
      %dma_start3A_123 = tpu.memref_slice %arg4[%dma_start3A_121, %dma_start3A_122] : memref<8x10000xi32, #tpu.memory_space<vmem>> -> memref<8x4880xi32, #tpu.memory_space<vmem>>
      %dma_start3A_124 = arith.constant 0 : i32
      %dma_start3A_125 = arith.constant 0 : i32
      %dma_start3A_126 = tpu.memref_slice %arg2[%dma_start3A_109, %dma_start3A_110, %dma_start3A_124, %dma_start3A_125] : memref<2x18x8x10000xi32, #tpu.memory_space<hbm>> -> memref<1x1x8x10000xi32, #tpu.memory_space<hbm>>
      %dma_start3A_127 = tpu.memref_squeeze %dma_start3A_126 : memref<1x1x8x10000xi32, #tpu.memory_space<hbm>> -> memref<8x10000xi32, #tpu.memory_space<hbm>>
      %dma_start3A_128 = arith.constant 0 : i32
      %dma_start3A_129 = arith.constant 5120 : i32
      %dma_start3A_130 = tpu.memref_slice %dma_start3A_127[%dma_start3A_128, %dma_start3A_129] : memref<8x10000xi32, #tpu.memory_space<hbm>> -> memref<8x4880xi32, #tpu.memory_space<hbm>>
      tpu.enqueue_dma source(%dma_start3A_130 : memref<8x4880xi32, #tpu.memory_space<hbm>>) target(%dma_start3A_123 : memref<8x4880xi32, #tpu.memory_space<vmem>>) target_semaphore(%arg6 : memref<!tpu.dma_semaphore, #tpu.memory_space<semaphore_mem>>)
      %dma_wait3A = arith.constant 0 : i32
      %dma_wait3A_131 = arith.constant 4 : i32
      %dma_wait3A_132 = arith.constant 0 : i32
      %dma_wait3A_133 = arith.constant 0 : i32
      %dma_wait3A_134 = tpu.memref_slice %arg4[%dma_wait3A_132, %dma_wait3A_133] : memref<8x10000xi32, #tpu.memory_space<vmem>> -> memref<8x5120xi32, #tpu.memory_space<vmem>>
      %dma_wait3A_135 = arith.constant 0 : i32
      %dma_wait3A_136 = arith.constant 0 : i32
      %dma_wait3A_137 = tpu.memref_slice %arg2[%dma_wait3A, %dma_wait3A_131, %dma_wait3A_135, %dma_wait3A_136] : memref<2x18x8x10000xi32, #tpu.memory_space<hbm>> -> memref<1x1x8x10000xi32, #tpu.memory_space<hbm>>
      %dma_wait3A_138 = tpu.memref_squeeze %dma_wait3A_137 : memref<1x1x8x10000xi32, #tpu.memory_space<hbm>> -> memref<8x10000xi32, #tpu.memory_space<hbm>>
      %dma_wait3A_139 = arith.constant 0 : i32
      %dma_wait3A_140 = arith.constant 0 : i32
      %dma_wait3A_141 = tpu.memref_slice %dma_wait3A_138[%dma_wait3A_139, %dma_wait3A_140] : memref<8x10000xi32, #tpu.memory_space<hbm>> -> memref<8x5120xi32, #tpu.memory_space<hbm>>
      %dma_wait3A_142 = arith.constant 0 : i32
      %dma_wait3A_143 = arith.constant 0 : i32
      %dma_wait3A_144 = tpu.memref_slice %arg4[%dma_wait3A_142, %dma_wait3A_143] : memref<8x10000xi32, #tpu.memory_space<vmem>> -> memref<8x5120xi32, #tpu.memory_space<vmem>>
      %dma_wait3A_145 = arith.constant 0 : i32
      %dma_wait3A_146 = arith.constant 0 : i32
      %dma_wait3A_147 = tpu.memref_slice %arg2[%dma_wait3A, %dma_wait3A_131, %dma_wait3A_145, %dma_wait3A_146] : memref<2x18x8x10000xi32, #tpu.memory_space<hbm>> -> memref<1x1x8x10000xi32, #tpu.memory_space<hbm>>
      %dma_wait3A_148 = tpu.memref_squeeze %dma_wait3A_147 : memref<1x1x8x10000xi32, #tpu.memory_space<hbm>> -> memref<8x10000xi32, #tpu.memory_space<hbm>>
      %dma_wait3A_149 = arith.constant 0 : i32
      %dma_wait3A_150 = arith.constant 0 : i32
      %dma_wait3A_151 = tpu.memref_slice %dma_wait3A_148[%dma_wait3A_149, %dma_wait3A_150] : memref<8x10000xi32, #tpu.memory_space<hbm>> -> memref<8x5120xi32, #tpu.memory_space<hbm>>
      tpu.wait_dma2 semaphore(%arg5 : memref<!tpu.dma_semaphore, #tpu.memory_space<semaphore_mem>>) src(%dma_wait3A_151 : memref<8x5120xi32, #tpu.memory_space<hbm>>) dst(%dma_wait3A_144 : memref<8x5120xi32, #tpu.memory_space<vmem>>)
      %dma_start3A_152 = arith.constant 0 : i32
      %dma_start3A_153 = arith.constant 2 : i32
      %dma_start3A_154 = arith.constant 0 : i32
      %dma_start3A_155 = arith.constant 0 : i32
      %dma_start3A_156 = tpu.memref_slice %arg4[%dma_start3A_154, %dma_start3A_155] : memref<8x10000xi32, #tpu.memory_space<vmem>> -> memref<8x5120xi32, #tpu.memory_space<vmem>>
      %dma_start3A_157 = arith.constant 0 : i32
      %dma_start3A_158 = arith.constant 0 : i32
      %dma_start3A_159 = tpu.memref_slice %arg3[%dma_start3A_152, %dma_start3A_153, %dma_start3A_157, %dma_start3A_158] : memref<2x9x8x10000xi32, #tpu.memory_space<hbm>> -> memref<1x1x8x10000xi32, #tpu.memory_space<hbm>>
      %dma_start3A_160 = tpu.memref_squeeze %dma_start3A_159 : memref<1x1x8x10000xi32, #tpu.memory_space<hbm>> -> memref<8x10000xi32, #tpu.memory_space<hbm>>
      %dma_start3A_161 = arith.constant 0 : i32
      %dma_start3A_162 = arith.constant 0 : i32
      %dma_start3A_163 = tpu.memref_slice %dma_start3A_160[%dma_start3A_161, %dma_start3A_162] : memref<8x10000xi32, #tpu.memory_space<hbm>> -> memref<8x5120xi32, #tpu.memory_space<hbm>>
      %dma_start3A_164 = arith.constant 0 : i32
      %dma_start3A_165 = arith.constant 0 : i32
      %dma_start3A_166 = tpu.memref_slice %arg3[%dma_start3A_152, %dma_start3A_153, %dma_start3A_164, %dma_start3A_165] : memref<2x9x8x10000xi32, #tpu.memory_space<hbm>> -> memref<1x1x8x10000xi32, #tpu.memory_space<hbm>>
      %dma_start3A_167 = tpu.memref_squeeze %dma_start3A_166 : memref<1x1x8x10000xi32, #tpu.memory_space<hbm>> -> memref<8x10000xi32, #tpu.memory_space<hbm>>
      %dma_start3A_168 = arith.constant 0 : i32
      %dma_start3A_169 = arith.constant 0 : i32
      %dma_start3A_170 = tpu.memref_slice %dma_start3A_167[%dma_start3A_168, %dma_start3A_169] : memref<8x10000xi32, #tpu.memory_space<hbm>> -> memref<8x5120xi32, #tpu.memory_space<hbm>>
      %dma_start3A_171 = arith.constant 0 : i32
      %dma_start3A_172 = arith.constant 0 : i32
      %dma_start3A_173 = tpu.memref_slice %arg4[%dma_start3A_171, %dma_start3A_172] : memref<8x10000xi32, #tpu.memory_space<vmem>> -> memref<8x5120xi32, #tpu.memory_space<vmem>>
      tpu.enqueue_dma source(%dma_start3A_173 : memref<8x5120xi32, #tpu.memory_space<vmem>>) target(%dma_start3A_170 : memref<8x5120xi32, #tpu.memory_space<hbm>>) target_semaphore(%arg7 : memref<!tpu.dma_semaphore, #tpu.memory_space<semaphore_mem>>)
      %dma_wait3A_174 = arith.constant 0 : i32
      %dma_wait3A_175 = arith.constant 4 : i32
      %dma_wait3A_176 = arith.constant 0 : i32
      %dma_wait3A_177 = arith.constant 5120 : i32
      %dma_wait3A_178 = tpu.memref_slice %arg4[%dma_wait3A_176, %dma_wait3A_177] : memref<8x10000xi32, #tpu.memory_space<vmem>> -> memref<8x4880xi32, #tpu.memory_space<vmem>>
      %dma_wait3A_179 = arith.constant 0 : i32
      %dma_wait3A_180 = arith.constant 0 : i32
      %dma_wait3A_181 = tpu.memref_slice %arg2[%dma_wait3A_174, %dma_wait3A_175, %dma_wait3A_179, %dma_wait3A_180] : memref<2x18x8x10000xi32, #tpu.memory_space<hbm>> -> memref<1x1x8x10000xi32, #tpu.memory_space<hbm>>
      %dma_wait3A_182 = tpu.memref_squeeze %dma_wait3A_181 : memref<1x1x8x10000xi32, #tpu.memory_space<hbm>> -> memref<8x10000xi32, #tpu.memory_space<hbm>>
      %dma_wait3A_183 = arith.constant 0 : i32
      %dma_wait3A_184 = arith.constant 5120 : i32
      %dma_wait3A_185 = tpu.memref_slice %dma_wait3A_182[%dma_wait3A_183, %dma_wait3A_184] : memref<8x10000xi32, #tpu.memory_space<hbm>> -> memref<8x4880xi32, #tpu.memory_space<hbm>>
      %dma_wait3A_186 = arith.constant 0 : i32
      %dma_wait3A_187 = arith.constant 5120 : i32
      %dma_wait3A_188 = tpu.memref_slice %arg4[%dma_wait3A_186, %dma_wait3A_187] : memref<8x10000xi32, #tpu.memory_space<vmem>> -> memref<8x4880xi32, #tpu.memory_space<vmem>>
      %dma_wait3A_189 = arith.constant 0 : i32
      %dma_wait3A_190 = arith.constant 0 : i32
      %dma_wait3A_191 = tpu.memref_slice %arg2[%dma_wait3A_174, %dma_wait3A_175, %dma_wait3A_189, %dma_wait3A_190] : memref<2x18x8x10000xi32, #tpu.memory_space<hbm>> -> memref<1x1x8x10000xi32, #tpu.memory_space<hbm>>
      %dma_wait3A_192 = tpu.memref_squeeze %dma_wait3A_191 : memref<1x1x8x10000xi32, #tpu.memory_space<hbm>> -> memref<8x10000xi32, #tpu.memory_space<hbm>>
      %dma_wait3A_193 = arith.constant 0 : i32
      %dma_wait3A_194 = arith.constant 5120 : i32
      %dma_wait3A_195 = tpu.memref_slice %dma_wait3A_192[%dma_wait3A_193, %dma_wait3A_194] : memref<8x10000xi32, #tpu.memory_space<hbm>> -> memref<8x4880xi32, #tpu.memory_space<hbm>>
      tpu.wait_dma2 semaphore(%arg6 : memref<!tpu.dma_semaphore, #tpu.memory_space<semaphore_mem>>) src(%dma_wait3A_195 : memref<8x4880xi32, #tpu.memory_space<hbm>>) dst(%dma_wait3A_188 : memref<8x4880xi32, #tpu.memory_space<vmem>>)
      %dma_start3A_196 = arith.constant 0 : i32
      %dma_start3A_197 = arith.constant 2 : i32
      %dma_start3A_198 = arith.constant 0 : i32
      %dma_start3A_199 = arith.constant 5120 : i32
      %dma_start3A_200 = tpu.memref_slice %arg4[%dma_start3A_198, %dma_start3A_199] : memref<8x10000xi32, #tpu.memory_space<vmem>> -> memref<8x4880xi32, #tpu.memory_space<vmem>>
      %dma_start3A_201 = arith.constant 0 : i32
      %dma_start3A_202 = arith.constant 0 : i32
      %dma_start3A_203 = tpu.memref_slice %arg3[%dma_start3A_196, %dma_start3A_197, %dma_start3A_201, %dma_start3A_202] : memref<2x9x8x10000xi32, #tpu.memory_space<hbm>> -> memref<1x1x8x10000xi32, #tpu.memory_space<hbm>>
      %dma_start3A_204 = tpu.memref_squeeze %dma_start3A_203 : memref<1x1x8x10000xi32, #tpu.memory_space<hbm>> -> memref<8x10000xi32, #tpu.memory_space<hbm>>
      %dma_start3A_205 = arith.constant 0 : i32
      %dma_start3A_206 = arith.constant 5120 : i32
      %dma_start3A_207 = tpu.memref_slice %dma_start3A_204[%dma_start3A_205, %dma_start3A_206] : memref<8x10000xi32, #tpu.memory_space<hbm>> -> memref<8x4880xi32, #tpu.memory_space<hbm>>
      %dma_start3A_208 = arith.constant 0 : i32
      %dma_start3A_209 = arith.constant 0 : i32
      %dma_start3A_210 = tpu.memref_slice %arg3[%dma_start3A_196, %dma_start3A_197, %dma_start3A_208, %dma_start3A_209] : memref<2x9x8x10000xi32, #tpu.memory_space<hbm>> -> memref<1x1x8x10000xi32, #tpu.memory_space<hbm>>
      %dma_start3A_211 = tpu.memref_squeeze %dma_start3A_210 : memref<1x1x8x10000xi32, #tpu.memory_space<hbm>> -> memref<8x10000xi32, #tpu.memory_space<hbm>>
      %dma_start3A_212 = arith.constant 0 : i32
      %dma_start3A_213 = arith.constant 5120 : i32
      %dma_start3A_214 = tpu.memref_slice %dma_start3A_211[%dma_start3A_212, %dma_start3A_213] : memref<8x10000xi32, #tpu.memory_space<hbm>> -> memref<8x4880xi32, #tpu.memory_space<hbm>>
      %dma_start3A_215 = arith.constant 0 : i32
      %dma_start3A_216 = arith.constant 5120 : i32
      %dma_start3A_217 = tpu.memref_slice %arg4[%dma_start3A_215, %dma_start3A_216] : memref<8x10000xi32, #tpu.memory_space<vmem>> -> memref<8x4880xi32, #tpu.memory_space<vmem>>
      tpu.enqueue_dma source(%dma_start3A_217 : memref<8x4880xi32, #tpu.memory_space<vmem>>) target(%dma_start3A_214 : memref<8x4880xi32, #tpu.memory_space<hbm>>) target_semaphore(%arg8 : memref<!tpu.dma_semaphore, #tpu.memory_space<semaphore_mem>>)
      %dma_wait3A_218 = arith.constant 0 : i32
      %dma_wait3A_219 = arith.constant 2 : i32
      %dma_wait3A_220 = arith.constant 0 : i32
      %dma_wait3A_221 = arith.constant 0 : i32
      %dma_wait3A_222 = tpu.memref_slice %arg4[%dma_wait3A_220, %dma_wait3A_221] : memref<8x10000xi32, #tpu.memory_space<vmem>> -> memref<8x5120xi32, #tpu.memory_space<vmem>>
      %dma_wait3A_223 = arith.constant 0 : i32
      %dma_wait3A_224 = arith.constant 0 : i32
      %dma_wait3A_225 = tpu.memref_slice %arg3[%dma_wait3A_218, %dma_wait3A_219, %dma_wait3A_223, %dma_wait3A_224] : memref<2x9x8x10000xi32, #tpu.memory_space<hbm>> -> memref<1x1x8x10000xi32, #tpu.memory_space<hbm>>
      %dma_wait3A_226 = tpu.memref_squeeze %dma_wait3A_225 : memref<1x1x8x10000xi32, #tpu.memory_space<hbm>> -> memref<8x10000xi32, #tpu.memory_space<hbm>>
      %dma_wait3A_227 = arith.constant 0 : i32
      %dma_wait3A_228 = arith.constant 0 : i32
      %dma_wait3A_229 = tpu.memref_slice %dma_wait3A_226[%dma_wait3A_227, %dma_wait3A_228] : memref<8x10000xi32, #tpu.memory_space<hbm>> -> memref<8x5120xi32, #tpu.memory_space<hbm>>
      %dma_wait3A_230 = arith.constant 0 : i32
      %dma_wait3A_231 = arith.constant 0 : i32
      %dma_wait3A_232 = tpu.memref_slice %arg3[%dma_wait3A_218, %dma_wait3A_219, %dma_wait3A_230, %dma_wait3A_231] : memref<2x9x8x10000xi32, #tpu.memory_space<hbm>> -> memref<1x1x8x10000xi32, #tpu.memory_space<hbm>>
      %dma_wait3A_233 = tpu.memref_squeeze %dma_wait3A_232 : memref<1x1x8x10000xi32, #tpu.memory_space<hbm>> -> memref<8x10000xi32, #tpu.memory_space<hbm>>
      %dma_wait3A_234 = arith.constant 0 : i32
      %dma_wait3A_235 = arith.constant 0 : i32
      %dma_wait3A_236 = tpu.memref_slice %dma_wait3A_233[%dma_wait3A_234, %dma_wait3A_235] : memref<8x10000xi32, #tpu.memory_space<hbm>> -> memref<8x5120xi32, #tpu.memory_space<hbm>>
      %dma_wait3A_237 = arith.constant 0 : i32
      %dma_wait3A_238 = arith.constant 0 : i32
      %dma_wait3A_239 = tpu.memref_slice %arg4[%dma_wait3A_237, %dma_wait3A_238] : memref<8x10000xi32, #tpu.memory_space<vmem>> -> memref<8x5120xi32, #tpu.memory_space<vmem>>
      tpu.wait_dma2 semaphore(%arg7 : memref<!tpu.dma_semaphore, #tpu.memory_space<semaphore_mem>>) src(%dma_wait3A_239 : memref<8x5120xi32, #tpu.memory_space<vmem>>) dst(%dma_wait3A_236 : memref<8x5120xi32, #tpu.memory_space<hbm>>)
      %dma_wait3A_240 = arith.constant 0 : i32
      %dma_wait3A_241 = arith.constant 2 : i32
      %dma_wait3A_242 = arith.constant 0 : i32
      %dma_wait3A_243 = arith.constant 5120 : i32
      %dma_wait3A_244 = tpu.memref_slice %arg4[%dma_wait3A_242, %dma_wait3A_243] : memref<8x10000xi32, #tpu.memory_space<vmem>> -> memref<8x4880xi32, #tpu.memory_space<vmem>>
      %dma_wait3A_245 = arith.constant 0 : i32
      %dma_wait3A_246 = arith.constant 0 : i32
      %dma_wait3A_247 = tpu.memref_slice %arg3[%dma_wait3A_240, %dma_wait3A_241, %dma_wait3A_245, %dma_wait3A_246] : memref<2x9x8x10000xi32, #tpu.memory_space<hbm>> -> memref<1x1x8x10000xi32, #tpu.memory_space<hbm>>
      %dma_wait3A_248 = tpu.memref_squeeze %dma_wait3A_247 : memref<1x1x8x10000xi32, #tpu.memory_space<hbm>> -> memref<8x10000xi32, #tpu.memory_space<hbm>>
      %dma_wait3A_249 = arith.constant 0 : i32
      %dma_wait3A_250 = arith.constant 5120 : i32
      %dma_wait3A_251 = tpu.memref_slice %dma_wait3A_248[%dma_wait3A_249, %dma_wait3A_250] : memref<8x10000xi32, #tpu.memory_space<hbm>> -> memref<8x4880xi32, #tpu.memory_space<hbm>>
      %dma_wait3A_252 = arith.constant 0 : i32
      %dma_wait3A_253 = arith.constant 0 : i32
      %dma_wait3A_254 = tpu.memref_slice %arg3[%dma_wait3A_240, %dma_wait3A_241, %dma_wait3A_252, %dma_wait3A_253] : memref<2x9x8x10000xi32, #tpu.memory_space<hbm>> -> memref<1x1x8x10000xi32, #tpu.memory_space<hbm>>
      %dma_wait3A_255 = tpu.memref_squeeze %dma_wait3A_254 : memref<1x1x8x10000xi32, #tpu.memory_space<hbm>> -> memref<8x10000xi32, #tpu.memory_space<hbm>>
      %dma_wait3A_256 = arith.constant 0 : i32
      %dma_wait3A_257 = arith.constant 5120 : i32
      %dma_wait3A_258 = tpu.memref_slice %dma_wait3A_255[%dma_wait3A_256, %dma_wait3A_257] : memref<8x10000xi32, #tpu.memory_space<hbm>> -> memref<8x4880xi32, #tpu.memory_space<hbm>>
      %dma_wait3A_259 = arith.constant 0 : i32
      %dma_wait3A_260 = arith.constant 5120 : i32
      %dma_wait3A_261 = tpu.memref_slice %arg4[%dma_wait3A_259, %dma_wait3A_260] : memref<8x10000xi32, #tpu.memory_space<vmem>> -> memref<8x4880xi32, #tpu.memory_space<vmem>>
      tpu.wait_dma2 semaphore(%arg8 : memref<!tpu.dma_semaphore, #tpu.memory_space<semaphore_mem>>) src(%dma_wait3A_261 : memref<8x4880xi32, #tpu.memory_space<vmem>>) dst(%dma_wait3A_258 : memref<8x4880xi32, #tpu.memory_space<hbm>>)
    } else {
    }
    %eq3A_13 = arith.constant 3 : i32
    %eq3A_14 = arith.cmpi eq, %add3A, %eq3A_13 : i32
    %convert_element_type3A_15 = arith.extui %eq3A_14 : i1 to i32
    %cond3A_16 = arith.constant 0 : i32
    %cond3A_17 = arith.cmpi ne, %convert_element_type3A_15, %cond3A_16 : i32
    scf.if %cond3A_17 {
      %dma_start3A = arith.constant 0 : i32
      %dma_start3A_88 = arith.constant 6 : i32
      %dma_start3A_89 = arith.constant 0 : i32
      %dma_start3A_90 = arith.constant 0 : i32
      %dma_start3A_91 = tpu.memref_slice %arg4[%dma_start3A_89, %dma_start3A_90] : memref<8x10000xi32, #tpu.memory_space<vmem>> -> memref<8x5120xi32, #tpu.memory_space<vmem>>
      %dma_start3A_92 = arith.constant 0 : i32
      %dma_start3A_93 = arith.constant 0 : i32
      %dma_start3A_94 = tpu.memref_slice %arg2[%dma_start3A, %dma_start3A_88, %dma_start3A_92, %dma_start3A_93] : memref<2x18x8x10000xi32, #tpu.memory_space<hbm>> -> memref<1x1x8x10000xi32, #tpu.memory_space<hbm>>
      %dma_start3A_95 = tpu.memref_squeeze %dma_start3A_94 : memref<1x1x8x10000xi32, #tpu.memory_space<hbm>> -> memref<8x10000xi32, #tpu.memory_space<hbm>>
      %dma_start3A_96 = arith.constant 0 : i32
      %dma_start3A_97 = arith.constant 0 : i32
      %dma_start3A_98 = tpu.memref_slice %dma_start3A_95[%dma_start3A_96, %dma_start3A_97] : memref<8x10000xi32, #tpu.memory_space<hbm>> -> memref<8x5120xi32, #tpu.memory_space<hbm>>
      %dma_start3A_99 = arith.constant 0 : i32
      %dma_start3A_100 = arith.constant 0 : i32
      %dma_start3A_101 = tpu.memref_slice %arg4[%dma_start3A_99, %dma_start3A_100] : memref<8x10000xi32, #tpu.memory_space<vmem>> -> memref<8x5120xi32, #tpu.memory_space<vmem>>
      %dma_start3A_102 = arith.constant 0 : i32
      %dma_start3A_103 = arith.constant 0 : i32
      %dma_start3A_104 = tpu.memref_slice %arg2[%dma_start3A, %dma_start3A_88, %dma_start3A_102, %dma_start3A_103] : memref<2x18x8x10000xi32, #tpu.memory_space<hbm>> -> memref<1x1x8x10000xi32, #tpu.memory_space<hbm>>
      %dma_start3A_105 = tpu.memref_squeeze %dma_start3A_104 : memref<1x1x8x10000xi32, #tpu.memory_space<hbm>> -> memref<8x10000xi32, #tpu.memory_space<hbm>>
      %dma_start3A_106 = arith.constant 0 : i32
      %dma_start3A_107 = arith.constant 0 : i32
      %dma_start3A_108 = tpu.memref_slice %dma_start3A_105[%dma_start3A_106, %dma_start3A_107] : memref<8x10000xi32, #tpu.memory_space<hbm>> -> memref<8x5120xi32, #tpu.memory_space<hbm>>
      tpu.enqueue_dma source(%dma_start3A_108 : memref<8x5120xi32, #tpu.memory_space<hbm>>) target(%dma_start3A_101 : memref<8x5120xi32, #tpu.memory_space<vmem>>) target_semaphore(%arg5 : memref<!tpu.dma_semaphore, #tpu.memory_space<semaphore_mem>>)
      %dma_start3A_109 = arith.constant 0 : i32
      %dma_start3A_110 = arith.constant 6 : i32
      %dma_start3A_111 = arith.constant 0 : i32
      %dma_start3A_112 = arith.constant 5120 : i32
      %dma_start3A_113 = tpu.memref_slice %arg4[%dma_start3A_111, %dma_start3A_112] : memref<8x10000xi32, #tpu.memory_space<vmem>> -> memref<8x4880xi32, #tpu.memory_space<vmem>>
      %dma_start3A_114 = arith.constant 0 : i32
      %dma_start3A_115 = arith.constant 0 : i32
      %dma_start3A_116 = tpu.memref_slice %arg2[%dma_start3A_109, %dma_start3A_110, %dma_start3A_114, %dma_start3A_115] : memref<2x18x8x10000xi32, #tpu.memory_space<hbm>> -> memref<1x1x8x10000xi32, #tpu.memory_space<hbm>>
      %dma_start3A_117 = tpu.memref_squeeze %dma_start3A_116 : memref<1x1x8x10000xi32, #tpu.memory_space<hbm>> -> memref<8x10000xi32, #tpu.memory_space<hbm>>
      %dma_start3A_118 = arith.constant 0 : i32
      %dma_start3A_119 = arith.constant 5120 : i32
      %dma_start3A_120 = tpu.memref_slice %dma_start3A_117[%dma_start3A_118, %dma_start3A_119] : memref<8x10000xi32, #tpu.memory_space<hbm>> -> memref<8x4880xi32, #tpu.memory_space<hbm>>
      %dma_start3A_121 = arith.constant 0 : i32
      %dma_start3A_122 = arith.constant 5120 : i32
      %dma_start3A_123 = tpu.memref_slice %arg4[%dma_start3A_121, %dma_start3A_122] : memref<8x10000xi32, #tpu.memory_space<vmem>> -> memref<8x4880xi32, #tpu.memory_space<vmem>>
      %dma_start3A_124 = arith.constant 0 : i32
      %dma_start3A_125 = arith.constant 0 : i32
      %dma_start3A_126 = tpu.memref_slice %arg2[%dma_start3A_109, %dma_start3A_110, %dma_start3A_124, %dma_start3A_125] : memref<2x18x8x10000xi32, #tpu.memory_space<hbm>> -> memref<1x1x8x10000xi32, #tpu.memory_space<hbm>>
      %dma_start3A_127 = tpu.memref_squeeze %dma_start3A_126 : memref<1x1x8x10000xi32, #tpu.memory_space<hbm>> -> memref<8x10000xi32, #tpu.memory_space<hbm>>
      %dma_start3A_128 = arith.constant 0 : i32
      %dma_start3A_129 = arith.constant 5120 : i32
      %dma_start3A_130 = tpu.memref_slice %dma_start3A_127[%dma_start3A_128, %dma_start3A_129] : memref<8x10000xi32, #tpu.memory_space<hbm>> -> memref<8x4880xi32, #tpu.memory_space<hbm>>
      tpu.enqueue_dma source(%dma_start3A_130 : memref<8x4880xi32, #tpu.memory_space<hbm>>) target(%dma_start3A_123 : memref<8x4880xi32, #tpu.memory_space<vmem>>) target_semaphore(%arg6 : memref<!tpu.dma_semaphore, #tpu.memory_space<semaphore_mem>>)
      %dma_wait3A = arith.constant 0 : i32
      %dma_wait3A_131 = arith.constant 6 : i32
      %dma_wait3A_132 = arith.constant 0 : i32
      %dma_wait3A_133 = arith.constant 0 : i32
      %dma_wait3A_134 = tpu.memref_slice %arg4[%dma_wait3A_132, %dma_wait3A_133] : memref<8x10000xi32, #tpu.memory_space<vmem>> -> memref<8x5120xi32, #tpu.memory_space<vmem>>
      %dma_wait3A_135 = arith.constant 0 : i32
      %dma_wait3A_136 = arith.constant 0 : i32
      %dma_wait3A_137 = tpu.memref_slice %arg2[%dma_wait3A, %dma_wait3A_131, %dma_wait3A_135, %dma_wait3A_136] : memref<2x18x8x10000xi32, #tpu.memory_space<hbm>> -> memref<1x1x8x10000xi32, #tpu.memory_space<hbm>>
      %dma_wait3A_138 = tpu.memref_squeeze %dma_wait3A_137 : memref<1x1x8x10000xi32, #tpu.memory_space<hbm>> -> memref<8x10000xi32, #tpu.memory_space<hbm>>
      %dma_wait3A_139 = arith.constant 0 : i32
      %dma_wait3A_140 = arith.constant 0 : i32
      %dma_wait3A_141 = tpu.memref_slice %dma_wait3A_138[%dma_wait3A_139, %dma_wait3A_140] : memref<8x10000xi32, #tpu.memory_space<hbm>> -> memref<8x5120xi32, #tpu.memory_space<hbm>>
      %dma_wait3A_142 = arith.constant 0 : i32
      %dma_wait3A_143 = arith.constant 0 : i32
      %dma_wait3A_144 = tpu.memref_slice %arg4[%dma_wait3A_142, %dma_wait3A_143] : memref<8x10000xi32, #tpu.memory_space<vmem>> -> memref<8x5120xi32, #tpu.memory_space<vmem>>
      %dma_wait3A_145 = arith.constant 0 : i32
      %dma_wait3A_146 = arith.constant 0 : i32
      %dma_wait3A_147 = tpu.memref_slice %arg2[%dma_wait3A, %dma_wait3A_131, %dma_wait3A_145, %dma_wait3A_146] : memref<2x18x8x10000xi32, #tpu.memory_space<hbm>> -> memref<1x1x8x10000xi32, #tpu.memory_space<hbm>>
      %dma_wait3A_148 = tpu.memref_squeeze %dma_wait3A_147 : memref<1x1x8x10000xi32, #tpu.memory_space<hbm>> -> memref<8x10000xi32, #tpu.memory_space<hbm>>
      %dma_wait3A_149 = arith.constant 0 : i32
      %dma_wait3A_150 = arith.constant 0 : i32
      %dma_wait3A_151 = tpu.memref_slice %dma_wait3A_148[%dma_wait3A_149, %dma_wait3A_150] : memref<8x10000xi32, #tpu.memory_space<hbm>> -> memref<8x5120xi32, #tpu.memory_space<hbm>>
      tpu.wait_dma2 semaphore(%arg5 : memref<!tpu.dma_semaphore, #tpu.memory_space<semaphore_mem>>) src(%dma_wait3A_151 : memref<8x5120xi32, #tpu.memory_space<hbm>>) dst(%dma_wait3A_144 : memref<8x5120xi32, #tpu.memory_space<vmem>>)
      %dma_start3A_152 = arith.constant 0 : i32
      %dma_start3A_153 = arith.constant 3 : i32
      %dma_start3A_154 = arith.constant 0 : i32
      %dma_start3A_155 = arith.constant 0 : i32
      %dma_start3A_156 = tpu.memref_slice %arg4[%dma_start3A_154, %dma_start3A_155] : memref<8x10000xi32, #tpu.memory_space<vmem>> -> memref<8x5120xi32, #tpu.memory_space<vmem>>
      %dma_start3A_157 = arith.constant 0 : i32
      %dma_start3A_158 = arith.constant 0 : i32
      %dma_start3A_159 = tpu.memref_slice %arg3[%dma_start3A_152, %dma_start3A_153, %dma_start3A_157, %dma_start3A_158] : memref<2x9x8x10000xi32, #tpu.memory_space<hbm>> -> memref<1x1x8x10000xi32, #tpu.memory_space<hbm>>
      %dma_start3A_160 = tpu.memref_squeeze %dma_start3A_159 : memref<1x1x8x10000xi32, #tpu.memory_space<hbm>> -> memref<8x10000xi32, #tpu.memory_space<hbm>>
      %dma_start3A_161 = arith.constant 0 : i32
      %dma_start3A_162 = arith.constant 0 : i32
      %dma_start3A_163 = tpu.memref_slice %dma_start3A_160[%dma_start3A_161, %dma_start3A_162] : memref<8x10000xi32, #tpu.memory_space<hbm>> -> memref<8x5120xi32, #tpu.memory_space<hbm>>
      %dma_start3A_164 = arith.constant 0 : i32
      %dma_start3A_165 = arith.constant 0 : i32
      %dma_start3A_166 = tpu.memref_slice %arg3[%dma_start3A_152, %dma_start3A_153, %dma_start3A_164, %dma_start3A_165] : memref<2x9x8x10000xi32, #tpu.memory_space<hbm>> -> memref<1x1x8x10000xi32, #tpu.memory_space<hbm>>
      %dma_start3A_167 = tpu.memref_squeeze %dma_start3A_166 : memref<1x1x8x10000xi32, #tpu.memory_space<hbm>> -> memref<8x10000xi32, #tpu.memory_space<hbm>>
      %dma_start3A_168 = arith.constant 0 : i32
      %dma_start3A_169 = arith.constant 0 : i32
      %dma_start3A_170 = tpu.memref_slice %dma_start3A_167[%dma_start3A_168, %dma_start3A_169] : memref<8x10000xi32, #tpu.memory_space<hbm>> -> memref<8x5120xi32, #tpu.memory_space<hbm>>
      %dma_start3A_171 = arith.constant 0 : i32
      %dma_start3A_172 = arith.constant 0 : i32
      %dma_start3A_173 = tpu.memref_slice %arg4[%dma_start3A_171, %dma_start3A_172] : memref<8x10000xi32, #tpu.memory_space<vmem>> -> memref<8x5120xi32, #tpu.memory_space<vmem>>
      tpu.enqueue_dma source(%dma_start3A_173 : memref<8x5120xi32, #tpu.memory_space<vmem>>) target(%dma_start3A_170 : memref<8x5120xi32, #tpu.memory_space<hbm>>) target_semaphore(%arg7 : memref<!tpu.dma_semaphore, #tpu.memory_space<semaphore_mem>>)
      %dma_wait3A_174 = arith.constant 0 : i32
      %dma_wait3A_175 = arith.constant 6 : i32
      %dma_wait3A_176 = arith.constant 0 : i32
      %dma_wait3A_177 = arith.constant 5120 : i32
      %dma_wait3A_178 = tpu.memref_slice %arg4[%dma_wait3A_176, %dma_wait3A_177] : memref<8x10000xi32, #tpu.memory_space<vmem>> -> memref<8x4880xi32, #tpu.memory_space<vmem>>
      %dma_wait3A_179 = arith.constant 0 : i32
      %dma_wait3A_180 = arith.constant 0 : i32
      %dma_wait3A_181 = tpu.memref_slice %arg2[%dma_wait3A_174, %dma_wait3A_175, %dma_wait3A_179, %dma_wait3A_180] : memref<2x18x8x10000xi32, #tpu.memory_space<hbm>> -> memref<1x1x8x10000xi32, #tpu.memory_space<hbm>>
      %dma_wait3A_182 = tpu.memref_squeeze %dma_wait3A_181 : memref<1x1x8x10000xi32, #tpu.memory_space<hbm>> -> memref<8x10000xi32, #tpu.memory_space<hbm>>
      %dma_wait3A_183 = arith.constant 0 : i32
      %dma_wait3A_184 = arith.constant 5120 : i32
      %dma_wait3A_185 = tpu.memref_slice %dma_wait3A_182[%dma_wait3A_183, %dma_wait3A_184] : memref<8x10000xi32, #tpu.memory_space<hbm>> -> memref<8x4880xi32, #tpu.memory_space<hbm>>
      %dma_wait3A_186 = arith.constant 0 : i32
      %dma_wait3A_187 = arith.constant 5120 : i32
      %dma_wait3A_188 = tpu.memref_slice %arg4[%dma_wait3A_186, %dma_wait3A_187] : memref<8x10000xi32, #tpu.memory_space<vmem>> -> memref<8x4880xi32, #tpu.memory_space<vmem>>
      %dma_wait3A_189 = arith.constant 0 : i32
      %dma_wait3A_190 = arith.constant 0 : i32
      %dma_wait3A_191 = tpu.memref_slice %arg2[%dma_wait3A_174, %dma_wait3A_175, %dma_wait3A_189, %dma_wait3A_190] : memref<2x18x8x10000xi32, #tpu.memory_space<hbm>> -> memref<1x1x8x10000xi32, #tpu.memory_space<hbm>>
      %dma_wait3A_192 = tpu.memref_squeeze %dma_wait3A_191 : memref<1x1x8x10000xi32, #tpu.memory_space<hbm>> -> memref<8x10000xi32, #tpu.memory_space<hbm>>
      %dma_wait3A_193 = arith.constant 0 : i32
      %dma_wait3A_194 = arith.constant 5120 : i32
      %dma_wait3A_195 = tpu.memref_slice %dma_wait3A_192[%dma_wait3A_193, %dma_wait3A_194] : memref<8x10000xi32, #tpu.memory_space<hbm>> -> memref<8x4880xi32, #tpu.memory_space<hbm>>
      tpu.wait_dma2 semaphore(%arg6 : memref<!tpu.dma_semaphore, #tpu.memory_space<semaphore_mem>>) src(%dma_wait3A_195 : memref<8x4880xi32, #tpu.memory_space<hbm>>) dst(%dma_wait3A_188 : memref<8x4880xi32, #tpu.memory_space<vmem>>)
      %dma_start3A_196 = arith.constant 0 : i32
      %dma_start3A_197 = arith.constant 3 : i32
      %dma_start3A_198 = arith.constant 0 : i32
      %dma_start3A_199 = arith.constant 5120 : i32
      %dma_start3A_200 = tpu.memref_slice %arg4[%dma_start3A_198, %dma_start3A_199] : memref<8x10000xi32, #tpu.memory_space<vmem>> -> memref<8x4880xi32, #tpu.memory_space<vmem>>
      %dma_start3A_201 = arith.constant 0 : i32
      %dma_start3A_202 = arith.constant 0 : i32
      %dma_start3A_203 = tpu.memref_slice %arg3[%dma_start3A_196, %dma_start3A_197, %dma_start3A_201, %dma_start3A_202] : memref<2x9x8x10000xi32, #tpu.memory_space<hbm>> -> memref<1x1x8x10000xi32, #tpu.memory_space<hbm>>
      %dma_start3A_204 = tpu.memref_squeeze %dma_start3A_203 : memref<1x1x8x10000xi32, #tpu.memory_space<hbm>> -> memref<8x10000xi32, #tpu.memory_space<hbm>>
      %dma_start3A_205 = arith.constant 0 : i32
      %dma_start3A_206 = arith.constant 5120 : i32
      %dma_start3A_207 = tpu.memref_slice %dma_start3A_204[%dma_start3A_205, %dma_start3A_206] : memref<8x10000xi32, #tpu.memory_space<hbm>> -> memref<8x4880xi32, #tpu.memory_space<hbm>>
      %dma_start3A_208 = arith.constant 0 : i32
      %dma_start3A_209 = arith.constant 0 : i32
      %dma_start3A_210 = tpu.memref_slice %arg3[%dma_start3A_196, %dma_start3A_197, %dma_start3A_208, %dma_start3A_209] : memref<2x9x8x10000xi32, #tpu.memory_space<hbm>> -> memref<1x1x8x10000xi32, #tpu.memory_space<hbm>>
      %dma_start3A_211 = tpu.memref_squeeze %dma_start3A_210 : memref<1x1x8x10000xi32, #tpu.memory_space<hbm>> -> memref<8x10000xi32, #tpu.memory_space<hbm>>
      %dma_start3A_212 = arith.constant 0 : i32
      %dma_start3A_213 = arith.constant 5120 : i32
      %dma_start3A_214 = tpu.memref_slice %dma_start3A_211[%dma_start3A_212, %dma_start3A_213] : memref<8x10000xi32, #tpu.memory_space<hbm>> -> memref<8x4880xi32, #tpu.memory_space<hbm>>
      %dma_start3A_215 = arith.constant 0 : i32
      %dma_start3A_216 = arith.constant 5120 : i32
      %dma_start3A_217 = tpu.memref_slice %arg4[%dma_start3A_215, %dma_start3A_216] : memref<8x10000xi32, #tpu.memory_space<vmem>> -> memref<8x4880xi32, #tpu.memory_space<vmem>>
      tpu.enqueue_dma source(%dma_start3A_217 : memref<8x4880xi32, #tpu.memory_space<vmem>>) target(%dma_start3A_214 : memref<8x4880xi32, #tpu.memory_space<hbm>>) target_semaphore(%arg8 : memref<!tpu.dma_semaphore, #tpu.memory_space<semaphore_mem>>)
      %dma_wait3A_218 = arith.constant 0 : i32
      %dma_wait3A_219 = arith.constant 3 : i32
      %dma_wait3A_220 = arith.constant 0 : i32
      %dma_wait3A_221 = arith.constant 0 : i32
      %dma_wait3A_222 = tpu.memref_slice %arg4[%dma_wait3A_220, %dma_wait3A_221] : memref<8x10000xi32, #tpu.memory_space<vmem>> -> memref<8x5120xi32, #tpu.memory_space<vmem>>
      %dma_wait3A_223 = arith.constant 0 : i32
      %dma_wait3A_224 = arith.constant 0 : i32
      %dma_wait3A_225 = tpu.memref_slice %arg3[%dma_wait3A_218, %dma_wait3A_219, %dma_wait3A_223, %dma_wait3A_224] : memref<2x9x8x10000xi32, #tpu.memory_space<hbm>> -> memref<1x1x8x10000xi32, #tpu.memory_space<hbm>>
      %dma_wait3A_226 = tpu.memref_squeeze %dma_wait3A_225 : memref<1x1x8x10000xi32, #tpu.memory_space<hbm>> -> memref<8x10000xi32, #tpu.memory_space<hbm>>
      %dma_wait3A_227 = arith.constant 0 : i32
      %dma_wait3A_228 = arith.constant 0 : i32
      %dma_wait3A_229 = tpu.memref_slice %dma_wait3A_226[%dma_wait3A_227, %dma_wait3A_228] : memref<8x10000xi32, #tpu.memory_space<hbm>> -> memref<8x5120xi32, #tpu.memory_space<hbm>>
      %dma_wait3A_230 = arith.constant 0 : i32
      %dma_wait3A_231 = arith.constant 0 : i32
      %dma_wait3A_232 = tpu.memref_slice %arg3[%dma_wait3A_218, %dma_wait3A_219, %dma_wait3A_230, %dma_wait3A_231] : memref<2x9x8x10000xi32, #tpu.memory_space<hbm>> -> memref<1x1x8x10000xi32, #tpu.memory_space<hbm>>
      %dma_wait3A_233 = tpu.memref_squeeze %dma_wait3A_232 : memref<1x1x8x10000xi32, #tpu.memory_space<hbm>> -> memref<8x10000xi32, #tpu.memory_space<hbm>>
      %dma_wait3A_234 = arith.constant 0 : i32
      %dma_wait3A_235 = arith.constant 0 : i32
      %dma_wait3A_236 = tpu.memref_slice %dma_wait3A_233[%dma_wait3A_234, %dma_wait3A_235] : memref<8x10000xi32, #tpu.memory_space<hbm>> -> memref<8x5120xi32, #tpu.memory_space<hbm>>
      %dma_wait3A_237 = arith.constant 0 : i32
      %dma_wait3A_238 = arith.constant 0 : i32
      %dma_wait3A_239 = tpu.memref_slice %arg4[%dma_wait3A_237, %dma_wait3A_238] : memref<8x10000xi32, #tpu.memory_space<vmem>> -> memref<8x5120xi32, #tpu.memory_space<vmem>>
      tpu.wait_dma2 semaphore(%arg7 : memref<!tpu.dma_semaphore, #tpu.memory_space<semaphore_mem>>) src(%dma_wait3A_239 : memref<8x5120xi32, #tpu.memory_space<vmem>>) dst(%dma_wait3A_236 : memref<8x5120xi32, #tpu.memory_space<hbm>>)
      %dma_wait3A_240 = arith.constant 0 : i32
      %dma_wait3A_241 = arith.constant 3 : i32
      %dma_wait3A_242 = arith.constant 0 : i32
      %dma_wait3A_243 = arith.constant 5120 : i32
      %dma_wait3A_244 = tpu.memref_slice %arg4[%dma_wait3A_242, %dma_wait3A_243] : memref<8x10000xi32, #tpu.memory_space<vmem>> -> memref<8x4880xi32, #tpu.memory_space<vmem>>
      %dma_wait3A_245 = arith.constant 0 : i32
      %dma_wait3A_246 = arith.constant 0 : i32
      %dma_wait3A_247 = tpu.memref_slice %arg3[%dma_wait3A_240, %dma_wait3A_241, %dma_wait3A_245, %dma_wait3A_246] : memref<2x9x8x10000xi32, #tpu.memory_space<hbm>> -> memref<1x1x8x10000xi32, #tpu.memory_space<hbm>>
      %dma_wait3A_248 = tpu.memref_squeeze %dma_wait3A_247 : memref<1x1x8x10000xi32, #tpu.memory_space<hbm>> -> memref<8x10000xi32, #tpu.memory_space<hbm>>
      %dma_wait3A_249 = arith.constant 0 : i32
      %dma_wait3A_250 = arith.constant 5120 : i32
      %dma_wait3A_251 = tpu.memref_slice %dma_wait3A_248[%dma_wait3A_249, %dma_wait3A_250] : memref<8x10000xi32, #tpu.memory_space<hbm>> -> memref<8x4880xi32, #tpu.memory_space<hbm>>
      %dma_wait3A_252 = arith.constant 0 : i32
      %dma_wait3A_253 = arith.constant 0 : i32
      %dma_wait3A_254 = tpu.memref_slice %arg3[%dma_wait3A_240, %dma_wait3A_241, %dma_wait3A_252, %dma_wait3A_253] : memref<2x9x8x10000xi32, #tpu.memory_space<hbm>> -> memref<1x1x8x10000xi32, #tpu.memory_space<hbm>>
      %dma_wait3A_255 = tpu.memref_squeeze %dma_wait3A_254 : memref<1x1x8x10000xi32, #tpu.memory_space<hbm>> -> memref<8x10000xi32, #tpu.memory_space<hbm>>
      %dma_wait3A_256 = arith.constant 0 : i32
      %dma_wait3A_257 = arith.constant 5120 : i32
      %dma_wait3A_258 = tpu.memref_slice %dma_wait3A_255[%dma_wait3A_256, %dma_wait3A_257] : memref<8x10000xi32, #tpu.memory_space<hbm>> -> memref<8x4880xi32, #tpu.memory_space<hbm>>
      %dma_wait3A_259 = arith.constant 0 : i32
      %dma_wait3A_260 = arith.constant 5120 : i32
      %dma_wait3A_261 = tpu.memref_slice %arg4[%dma_wait3A_259, %dma_wait3A_260] : memref<8x10000xi32, #tpu.memory_space<vmem>> -> memref<8x4880xi32, #tpu.memory_space<vmem>>
      tpu.wait_dma2 semaphore(%arg8 : memref<!tpu.dma_semaphore, #tpu.memory_space<semaphore_mem>>) src(%dma_wait3A_261 : memref<8x4880xi32, #tpu.memory_space<vmem>>) dst(%dma_wait3A_258 : memref<8x4880xi32, #tpu.memory_space<hbm>>)
    } else {
    }
    %eq3A_18 = arith.constant 4 : i32
    %eq3A_19 = arith.cmpi eq, %add3A, %eq3A_18 : i32
    %convert_element_type3A_20 = arith.extui %eq3A_19 : i1 to i32
    %cond3A_21 = arith.constant 0 : i32
    %cond3A_22 = arith.cmpi ne, %convert_element_type3A_20, %cond3A_21 : i32
    scf.if %cond3A_22 {
      %dma_start3A = arith.constant 0 : i32
      %dma_start3A_88 = arith.constant 8 : i32
      %dma_start3A_89 = arith.constant 0 : i32
      %dma_start3A_90 = arith.constant 0 : i32
      %dma_start3A_91 = tpu.memref_slice %arg4[%dma_start3A_89, %dma_start3A_90] : memref<8x10000xi32, #tpu.memory_space<vmem>> -> memref<8x5120xi32, #tpu.memory_space<vmem>>
      %dma_start3A_92 = arith.constant 0 : i32
      %dma_start3A_93 = arith.constant 0 : i32
      %dma_start3A_94 = tpu.memref_slice %arg2[%dma_start3A, %dma_start3A_88, %dma_start3A_92, %dma_start3A_93] : memref<2x18x8x10000xi32, #tpu.memory_space<hbm>> -> memref<1x1x8x10000xi32, #tpu.memory_space<hbm>>
      %dma_start3A_95 = tpu.memref_squeeze %dma_start3A_94 : memref<1x1x8x10000xi32, #tpu.memory_space<hbm>> -> memref<8x10000xi32, #tpu.memory_space<hbm>>
      %dma_start3A_96 = arith.constant 0 : i32
      %dma_start3A_97 = arith.constant 0 : i32
      %dma_start3A_98 = tpu.memref_slice %dma_start3A_95[%dma_start3A_96, %dma_start3A_97] : memref<8x10000xi32, #tpu.memory_space<hbm>> -> memref<8x5120xi32, #tpu.memory_space<hbm>>
      %dma_start3A_99 = arith.constant 0 : i32
      %dma_start3A_100 = arith.constant 0 : i32
      %dma_start3A_101 = tpu.memref_slice %arg4[%dma_start3A_99, %dma_start3A_100] : memref<8x10000xi32, #tpu.memory_space<vmem>> -> memref<8x5120xi32, #tpu.memory_space<vmem>>
      %dma_start3A_102 = arith.constant 0 : i32
      %dma_start3A_103 = arith.constant 0 : i32
      %dma_start3A_104 = tpu.memref_slice %arg2[%dma_start3A, %dma_start3A_88, %dma_start3A_102, %dma_start3A_103] : memref<2x18x8x10000xi32, #tpu.memory_space<hbm>> -> memref<1x1x8x10000xi32, #tpu.memory_space<hbm>>
      %dma_start3A_105 = tpu.memref_squeeze %dma_start3A_104 : memref<1x1x8x10000xi32, #tpu.memory_space<hbm>> -> memref<8x10000xi32, #tpu.memory_space<hbm>>
      %dma_start3A_106 = arith.constant 0 : i32
      %dma_start3A_107 = arith.constant 0 : i32
      %dma_start3A_108 = tpu.memref_slice %dma_start3A_105[%dma_start3A_106, %dma_start3A_107] : memref<8x10000xi32, #tpu.memory_space<hbm>> -> memref<8x5120xi32, #tpu.memory_space<hbm>>
      tpu.enqueue_dma source(%dma_start3A_108 : memref<8x5120xi32, #tpu.memory_space<hbm>>) target(%dma_start3A_101 : memref<8x5120xi32, #tpu.memory_space<vmem>>) target_semaphore(%arg5 : memref<!tpu.dma_semaphore, #tpu.memory_space<semaphore_mem>>)
      %dma_start3A_109 = arith.constant 0 : i32
      %dma_start3A_110 = arith.constant 8 : i32
      %dma_start3A_111 = arith.constant 0 : i32
      %dma_start3A_112 = arith.constant 5120 : i32
      %dma_start3A_113 = tpu.memref_slice %arg4[%dma_start3A_111, %dma_start3A_112] : memref<8x10000xi32, #tpu.memory_space<vmem>> -> memref<8x4880xi32, #tpu.memory_space<vmem>>
      %dma_start3A_114 = arith.constant 0 : i32
      %dma_start3A_115 = arith.constant 0 : i32
      %dma_start3A_116 = tpu.memref_slice %arg2[%dma_start3A_109, %dma_start3A_110, %dma_start3A_114, %dma_start3A_115] : memref<2x18x8x10000xi32, #tpu.memory_space<hbm>> -> memref<1x1x8x10000xi32, #tpu.memory_space<hbm>>
      %dma_start3A_117 = tpu.memref_squeeze %dma_start3A_116 : memref<1x1x8x10000xi32, #tpu.memory_space<hbm>> -> memref<8x10000xi32, #tpu.memory_space<hbm>>
      %dma_start3A_118 = arith.constant 0 : i32
      %dma_start3A_119 = arith.constant 5120 : i32
      %dma_start3A_120 = tpu.memref_slice %dma_start3A_117[%dma_start3A_118, %dma_start3A_119] : memref<8x10000xi32, #tpu.memory_space<hbm>> -> memref<8x4880xi32, #tpu.memory_space<hbm>>
      %dma_start3A_121 = arith.constant 0 : i32
      %dma_start3A_122 = arith.constant 5120 : i32
      %dma_start3A_123 = tpu.memref_slice %arg4[%dma_start3A_121, %dma_start3A_122] : memref<8x10000xi32, #tpu.memory_space<vmem>> -> memref<8x4880xi32, #tpu.memory_space<vmem>>
      %dma_start3A_124 = arith.constant 0 : i32
      %dma_start3A_125 = arith.constant 0 : i32
      %dma_start3A_126 = tpu.memref_slice %arg2[%dma_start3A_109, %dma_start3A_110, %dma_start3A_124, %dma_start3A_125] : memref<2x18x8x10000xi32, #tpu.memory_space<hbm>> -> memref<1x1x8x10000xi32, #tpu.memory_space<hbm>>
      %dma_start3A_127 = tpu.memref_squeeze %dma_start3A_126 : memref<1x1x8x10000xi32, #tpu.memory_space<hbm>> -> memref<8x10000xi32, #tpu.memory_space<hbm>>
      %dma_start3A_128 = arith.constant 0 : i32
      %dma_start3A_129 = arith.constant 5120 : i32
      %dma_start3A_130 = tpu.memref_slice %dma_start3A_127[%dma_start3A_128, %dma_start3A_129] : memref<8x10000xi32, #tpu.memory_space<hbm>> -> memref<8x4880xi32, #tpu.memory_space<hbm>>
      tpu.enqueue_dma source(%dma_start3A_130 : memref<8x4880xi32, #tpu.memory_space<hbm>>) target(%dma_start3A_123 : memref<8x4880xi32, #tpu.memory_space<vmem>>) target_semaphore(%arg6 : memref<!tpu.dma_semaphore, #tpu.memory_space<semaphore_mem>>)
      %dma_wait3A = arith.constant 0 : i32
      %dma_wait3A_131 = arith.constant 8 : i32
      %dma_wait3A_132 = arith.constant 0 : i32
      %dma_wait3A_133 = arith.constant 0 : i32
      %dma_wait3A_134 = tpu.memref_slice %arg4[%dma_wait3A_132, %dma_wait3A_133] : memref<8x10000xi32, #tpu.memory_space<vmem>> -> memref<8x5120xi32, #tpu.memory_space<vmem>>
      %dma_wait3A_135 = arith.constant 0 : i32
      %dma_wait3A_136 = arith.constant 0 : i32
      %dma_wait3A_137 = tpu.memref_slice %arg2[%dma_wait3A, %dma_wait3A_131, %dma_wait3A_135, %dma_wait3A_136] : memref<2x18x8x10000xi32, #tpu.memory_space<hbm>> -> memref<1x1x8x10000xi32, #tpu.memory_space<hbm>>
      %dma_wait3A_138 = tpu.memref_squeeze %dma_wait3A_137 : memref<1x1x8x10000xi32, #tpu.memory_space<hbm>> -> memref<8x10000xi32, #tpu.memory_space<hbm>>
      %dma_wait3A_139 = arith.constant 0 : i32
      %dma_wait3A_140 = arith.constant 0 : i32
      %dma_wait3A_141 = tpu.memref_slice %dma_wait3A_138[%dma_wait3A_139, %dma_wait3A_140] : memref<8x10000xi32, #tpu.memory_space<hbm>> -> memref<8x5120xi32, #tpu.memory_space<hbm>>
      %dma_wait3A_142 = arith.constant 0 : i32
      %dma_wait3A_143 = arith.constant 0 : i32
      %dma_wait3A_144 = tpu.memref_slice %arg4[%dma_wait3A_142, %dma_wait3A_143] : memref<8x10000xi32, #tpu.memory_space<vmem>> -> memref<8x5120xi32, #tpu.memory_space<vmem>>
      %dma_wait3A_145 = arith.constant 0 : i32
      %dma_wait3A_146 = arith.constant 0 : i32
      %dma_wait3A_147 = tpu.memref_slice %arg2[%dma_wait3A, %dma_wait3A_131, %dma_wait3A_145, %dma_wait3A_146] : memref<2x18x8x10000xi32, #tpu.memory_space<hbm>> -> memref<1x1x8x10000xi32, #tpu.memory_space<hbm>>
      %dma_wait3A_148 = tpu.memref_squeeze %dma_wait3A_147 : memref<1x1x8x10000xi32, #tpu.memory_space<hbm>> -> memref<8x10000xi32, #tpu.memory_space<hbm>>
      %dma_wait3A_149 = arith.constant 0 : i32
      %dma_wait3A_150 = arith.constant 0 : i32
      %dma_wait3A_151 = tpu.memref_slice %dma_wait3A_148[%dma_wait3A_149, %dma_wait3A_150] : memref<8x10000xi32, #tpu.memory_space<hbm>> -> memref<8x5120xi32, #tpu.memory_space<hbm>>
      tpu.wait_dma2 semaphore(%arg5 : memref<!tpu.dma_semaphore, #tpu.memory_space<semaphore_mem>>) src(%dma_wait3A_151 : memref<8x5120xi32, #tpu.memory_space<hbm>>) dst(%dma_wait3A_144 : memref<8x5120xi32, #tpu.memory_space<vmem>>)
      %dma_start3A_152 = arith.constant 0 : i32
      %dma_start3A_153 = arith.constant 4 : i32
      %dma_start3A_154 = arith.constant 0 : i32
      %dma_start3A_155 = arith.constant 0 : i32
      %dma_start3A_156 = tpu.memref_slice %arg4[%dma_start3A_154, %dma_start3A_155] : memref<8x10000xi32, #tpu.memory_space<vmem>> -> memref<8x5120xi32, #tpu.memory_space<vmem>>
      %dma_start3A_157 = arith.constant 0 : i32
      %dma_start3A_158 = arith.constant 0 : i32
      %dma_start3A_159 = tpu.memref_slice %arg3[%dma_start3A_152, %dma_start3A_153, %dma_start3A_157, %dma_start3A_158] : memref<2x9x8x10000xi32, #tpu.memory_space<hbm>> -> memref<1x1x8x10000xi32, #tpu.memory_space<hbm>>
      %dma_start3A_160 = tpu.memref_squeeze %dma_start3A_159 : memref<1x1x8x10000xi32, #tpu.memory_space<hbm>> -> memref<8x10000xi32, #tpu.memory_space<hbm>>
      %dma_start3A_161 = arith.constant 0 : i32
      %dma_start3A_162 = arith.constant 0 : i32
      %dma_start3A_163 = tpu.memref_slice %dma_start3A_160[%dma_start3A_161, %dma_start3A_162] : memref<8x10000xi32, #tpu.memory_space<hbm>> -> memref<8x5120xi32, #tpu.memory_space<hbm>>
      %dma_start3A_164 = arith.constant 0 : i32
      %dma_start3A_165 = arith.constant 0 : i32
      %dma_start3A_166 = tpu.memref_slice %arg3[%dma_start3A_152, %dma_start3A_153, %dma_start3A_164, %dma_start3A_165] : memref<2x9x8x10000xi32, #tpu.memory_space<hbm>> -> memref<1x1x8x10000xi32, #tpu.memory_space<hbm>>
      %dma_start3A_167 = tpu.memref_squeeze %dma_start3A_166 : memref<1x1x8x10000xi32, #tpu.memory_space<hbm>> -> memref<8x10000xi32, #tpu.memory_space<hbm>>
      %dma_start3A_168 = arith.constant 0 : i32
      %dma_start3A_169 = arith.constant 0 : i32
      %dma_start3A_170 = tpu.memref_slice %dma_start3A_167[%dma_start3A_168, %dma_start3A_169] : memref<8x10000xi32, #tpu.memory_space<hbm>> -> memref<8x5120xi32, #tpu.memory_space<hbm>>
      %dma_start3A_171 = arith.constant 0 : i32
      %dma_start3A_172 = arith.constant 0 : i32
      %dma_start3A_173 = tpu.memref_slice %arg4[%dma_start3A_171, %dma_start3A_172] : memref<8x10000xi32, #tpu.memory_space<vmem>> -> memref<8x5120xi32, #tpu.memory_space<vmem>>
      tpu.enqueue_dma source(%dma_start3A_173 : memref<8x5120xi32, #tpu.memory_space<vmem>>) target(%dma_start3A_170 : memref<8x5120xi32, #tpu.memory_space<hbm>>) target_semaphore(%arg7 : memref<!tpu.dma_semaphore, #tpu.memory_space<semaphore_mem>>)
      %dma_wait3A_174 = arith.constant 0 : i32
      %dma_wait3A_175 = arith.constant 8 : i32
      %dma_wait3A_176 = arith.constant 0 : i32
      %dma_wait3A_177 = arith.constant 5120 : i32
      %dma_wait3A_178 = tpu.memref_slice %arg4[%dma_wait3A_176, %dma_wait3A_177] : memref<8x10000xi32, #tpu.memory_space<vmem>> -> memref<8x4880xi32, #tpu.memory_space<vmem>>
      %dma_wait3A_179 = arith.constant 0 : i32
      %dma_wait3A_180 = arith.constant 0 : i32
      %dma_wait3A_181 = tpu.memref_slice %arg2[%dma_wait3A_174, %dma_wait3A_175, %dma_wait3A_179, %dma_wait3A_180] : memref<2x18x8x10000xi32, #tpu.memory_space<hbm>> -> memref<1x1x8x10000xi32, #tpu.memory_space<hbm>>
      %dma_wait3A_182 = tpu.memref_squeeze %dma_wait3A_181 : memref<1x1x8x10000xi32, #tpu.memory_space<hbm>> -> memref<8x10000xi32, #tpu.memory_space<hbm>>
      %dma_wait3A_183 = arith.constant 0 : i32
      %dma_wait3A_184 = arith.constant 5120 : i32
      %dma_wait3A_185 = tpu.memref_slice %dma_wait3A_182[%dma_wait3A_183, %dma_wait3A_184] : memref<8x10000xi32, #tpu.memory_space<hbm>> -> memref<8x4880xi32, #tpu.memory_space<hbm>>
      %dma_wait3A_186 = arith.constant 0 : i32
      %dma_wait3A_187 = arith.constant 5120 : i32
      %dma_wait3A_188 = tpu.memref_slice %arg4[%dma_wait3A_186, %dma_wait3A_187] : memref<8x10000xi32, #tpu.memory_space<vmem>> -> memref<8x4880xi32, #tpu.memory_space<vmem>>
      %dma_wait3A_189 = arith.constant 0 : i32
      %dma_wait3A_190 = arith.constant 0 : i32
      %dma_wait3A_191 = tpu.memref_slice %arg2[%dma_wait3A_174, %dma_wait3A_175, %dma_wait3A_189, %dma_wait3A_190] : memref<2x18x8x10000xi32, #tpu.memory_space<hbm>> -> memref<1x1x8x10000xi32, #tpu.memory_space<hbm>>
      %dma_wait3A_192 = tpu.memref_squeeze %dma_wait3A_191 : memref<1x1x8x10000xi32, #tpu.memory_space<hbm>> -> memref<8x10000xi32, #tpu.memory_space<hbm>>
      %dma_wait3A_193 = arith.constant 0 : i32
      %dma_wait3A_194 = arith.constant 5120 : i32
      %dma_wait3A_195 = tpu.memref_slice %dma_wait3A_192[%dma_wait3A_193, %dma_wait3A_194] : memref<8x10000xi32, #tpu.memory_space<hbm>> -> memref<8x4880xi32, #tpu.memory_space<hbm>>
      tpu.wait_dma2 semaphore(%arg6 : memref<!tpu.dma_semaphore, #tpu.memory_space<semaphore_mem>>) src(%dma_wait3A_195 : memref<8x4880xi32, #tpu.memory_space<hbm>>) dst(%dma_wait3A_188 : memref<8x4880xi32, #tpu.memory_space<vmem>>)
      %dma_start3A_196 = arith.constant 0 : i32
      %dma_start3A_197 = arith.constant 4 : i32
      %dma_start3A_198 = arith.constant 0 : i32
      %dma_start3A_199 = arith.constant 5120 : i32
      %dma_start3A_200 = tpu.memref_slice %arg4[%dma_start3A_198, %dma_start3A_199] : memref<8x10000xi32, #tpu.memory_space<vmem>> -> memref<8x4880xi32, #tpu.memory_space<vmem>>
      %dma_start3A_201 = arith.constant 0 : i32
      %dma_start3A_202 = arith.constant 0 : i32
      %dma_start3A_203 = tpu.memref_slice %arg3[%dma_start3A_196, %dma_start3A_197, %dma_start3A_201, %dma_start3A_202] : memref<2x9x8x10000xi32, #tpu.memory_space<hbm>> -> memref<1x1x8x10000xi32, #tpu.memory_space<hbm>>
      %dma_start3A_204 = tpu.memref_squeeze %dma_start3A_203 : memref<1x1x8x10000xi32, #tpu.memory_space<hbm>> -> memref<8x10000xi32, #tpu.memory_space<hbm>>
      %dma_start3A_205 = arith.constant 0 : i32
      %dma_start3A_206 = arith.constant 5120 : i32
      %dma_start3A_207 = tpu.memref_slice %dma_start3A_204[%dma_start3A_205, %dma_start3A_206] : memref<8x10000xi32, #tpu.memory_space<hbm>> -> memref<8x4880xi32, #tpu.memory_space<hbm>>
      %dma_start3A_208 = arith.constant 0 : i32
      %dma_start3A_209 = arith.constant 0 : i32
      %dma_start3A_210 = tpu.memref_slice %arg3[%dma_start3A_196, %dma_start3A_197, %dma_start3A_208, %dma_start3A_209] : memref<2x9x8x10000xi32, #tpu.memory_space<hbm>> -> memref<1x1x8x10000xi32, #tpu.memory_space<hbm>>
      %dma_start3A_211 = tpu.memref_squeeze %dma_start3A_210 : memref<1x1x8x10000xi32, #tpu.memory_space<hbm>> -> memref<8x10000xi32, #tpu.memory_space<hbm>>
      %dma_start3A_212 = arith.constant 0 : i32
      %dma_start3A_213 = arith.constant 5120 : i32
      %dma_start3A_214 = tpu.memref_slice %dma_start3A_211[%dma_start3A_212, %dma_start3A_213] : memref<8x10000xi32, #tpu.memory_space<hbm>> -> memref<8x4880xi32, #tpu.memory_space<hbm>>
      %dma_start3A_215 = arith.constant 0 : i32
      %dma_start3A_216 = arith.constant 5120 : i32
      %dma_start3A_217 = tpu.memref_slice %arg4[%dma_start3A_215, %dma_start3A_216] : memref<8x10000xi32, #tpu.memory_space<vmem>> -> memref<8x4880xi32, #tpu.memory_space<vmem>>
      tpu.enqueue_dma source(%dma_start3A_217 : memref<8x4880xi32, #tpu.memory_space<vmem>>) target(%dma_start3A_214 : memref<8x4880xi32, #tpu.memory_space<hbm>>) target_semaphore(%arg8 : memref<!tpu.dma_semaphore, #tpu.memory_space<semaphore_mem>>)
      %dma_wait3A_218 = arith.constant 0 : i32
      %dma_wait3A_219 = arith.constant 4 : i32
      %dma_wait3A_220 = arith.constant 0 : i32
      %dma_wait3A_221 = arith.constant 0 : i32
      %dma_wait3A_222 = tpu.memref_slice %arg4[%dma_wait3A_220, %dma_wait3A_221] : memref<8x10000xi32, #tpu.memory_space<vmem>> -> memref<8x5120xi32, #tpu.memory_space<vmem>>
      %dma_wait3A_223 = arith.constant 0 : i32
      %dma_wait3A_224 = arith.constant 0 : i32
      %dma_wait3A_225 = tpu.memref_slice %arg3[%dma_wait3A_218, %dma_wait3A_219, %dma_wait3A_223, %dma_wait3A_224] : memref<2x9x8x10000xi32, #tpu.memory_space<hbm>> -> memref<1x1x8x10000xi32, #tpu.memory_space<hbm>>
      %dma_wait3A_226 = tpu.memref_squeeze %dma_wait3A_225 : memref<1x1x8x10000xi32, #tpu.memory_space<hbm>> -> memref<8x10000xi32, #tpu.memory_space<hbm>>
      %dma_wait3A_227 = arith.constant 0 : i32
      %dma_wait3A_228 = arith.constant 0 : i32
      %dma_wait3A_229 = tpu.memref_slice %dma_wait3A_226[%dma_wait3A_227, %dma_wait3A_228] : memref<8x10000xi32, #tpu.memory_space<hbm>> -> memref<8x5120xi32, #tpu.memory_space<hbm>>
      %dma_wait3A_230 = arith.constant 0 : i32
      %dma_wait3A_231 = arith.constant 0 : i32
      %dma_wait3A_232 = tpu.memref_slice %arg3[%dma_wait3A_218, %dma_wait3A_219, %dma_wait3A_230, %dma_wait3A_231] : memref<2x9x8x10000xi32, #tpu.memory_space<hbm>> -> memref<1x1x8x10000xi32, #tpu.memory_space<hbm>>
      %dma_wait3A_233 = tpu.memref_squeeze %dma_wait3A_232 : memref<1x1x8x10000xi32, #tpu.memory_space<hbm>> -> memref<8x10000xi32, #tpu.memory_space<hbm>>
      %dma_wait3A_234 = arith.constant 0 : i32
      %dma_wait3A_235 = arith.constant 0 : i32
      %dma_wait3A_236 = tpu.memref_slice %dma_wait3A_233[%dma_wait3A_234, %dma_wait3A_235] : memref<8x10000xi32, #tpu.memory_space<hbm>> -> memref<8x5120xi32, #tpu.memory_space<hbm>>
      %dma_wait3A_237 = arith.constant 0 : i32
      %dma_wait3A_238 = arith.constant 0 : i32
      %dma_wait3A_239 = tpu.memref_slice %arg4[%dma_wait3A_237, %dma_wait3A_238] : memref<8x10000xi32, #tpu.memory_space<vmem>> -> memref<8x5120xi32, #tpu.memory_space<vmem>>
      tpu.wait_dma2 semaphore(%arg7 : memref<!tpu.dma_semaphore, #tpu.memory_space<semaphore_mem>>) src(%dma_wait3A_239 : memref<8x5120xi32, #tpu.memory_space<vmem>>) dst(%dma_wait3A_236 : memref<8x5120xi32, #tpu.memory_space<hbm>>)
      %dma_wait3A_240 = arith.constant 0 : i32
      %dma_wait3A_241 = arith.constant 4 : i32
      %dma_wait3A_242 = arith.constant 0 : i32
      %dma_wait3A_243 = arith.constant 5120 : i32
      %dma_wait3A_244 = tpu.memref_slice %arg4[%dma_wait3A_242, %dma_wait3A_243] : memref<8x10000xi32, #tpu.memory_space<vmem>> -> memref<8x4880xi32, #tpu.memory_space<vmem>>
      %dma_wait3A_245 = arith.constant 0 : i32
      %dma_wait3A_246 = arith.constant 0 : i32
      %dma_wait3A_247 = tpu.memref_slice %arg3[%dma_wait3A_240, %dma_wait3A_241, %dma_wait3A_245, %dma_wait3A_246] : memref<2x9x8x10000xi32, #tpu.memory_space<hbm>> -> memref<1x1x8x10000xi32, #tpu.memory_space<hbm>>
      %dma_wait3A_248 = tpu.memref_squeeze %dma_wait3A_247 : memref<1x1x8x10000xi32, #tpu.memory_space<hbm>> -> memref<8x10000xi32, #tpu.memory_space<hbm>>
      %dma_wait3A_249 = arith.constant 0 : i32
      %dma_wait3A_250 = arith.constant 5120 : i32
      %dma_wait3A_251 = tpu.memref_slice %dma_wait3A_248[%dma_wait3A_249, %dma_wait3A_250] : memref<8x10000xi32, #tpu.memory_space<hbm>> -> memref<8x4880xi32, #tpu.memory_space<hbm>>
      %dma_wait3A_252 = arith.constant 0 : i32
      %dma_wait3A_253 = arith.constant 0 : i32
      %dma_wait3A_254 = tpu.memref_slice %arg3[%dma_wait3A_240, %dma_wait3A_241, %dma_wait3A_252, %dma_wait3A_253] : memref<2x9x8x10000xi32, #tpu.memory_space<hbm>> -> memref<1x1x8x10000xi32, #tpu.memory_space<hbm>>
      %dma_wait3A_255 = tpu.memref_squeeze %dma_wait3A_254 : memref<1x1x8x10000xi32, #tpu.memory_space<hbm>> -> memref<8x10000xi32, #tpu.memory_space<hbm>>
      %dma_wait3A_256 = arith.constant 0 : i32
      %dma_wait3A_257 = arith.constant 5120 : i32
      %dma_wait3A_258 = tpu.memref_slice %dma_wait3A_255[%dma_wait3A_256, %dma_wait3A_257] : memref<8x10000xi32, #tpu.memory_space<hbm>> -> memref<8x4880xi32, #tpu.memory_space<hbm>>
      %dma_wait3A_259 = arith.constant 0 : i32
      %dma_wait3A_260 = arith.constant 5120 : i32
      %dma_wait3A_261 = tpu.memref_slice %arg4[%dma_wait3A_259, %dma_wait3A_260] : memref<8x10000xi32, #tpu.memory_space<vmem>> -> memref<8x4880xi32, #tpu.memory_space<vmem>>
      tpu.wait_dma2 semaphore(%arg8 : memref<!tpu.dma_semaphore, #tpu.memory_space<semaphore_mem>>) src(%dma_wait3A_261 : memref<8x4880xi32, #tpu.memory_space<vmem>>) dst(%dma_wait3A_258 : memref<8x4880xi32, #tpu.memory_space<hbm>>)
    } else {
    }
    %eq3A_23 = arith.constant 5 : i32
    %eq3A_24 = arith.cmpi eq, %add3A, %eq3A_23 : i32
    %convert_element_type3A_25 = arith.extui %eq3A_24 : i1 to i32
    %cond3A_26 = arith.constant 0 : i32
    %cond3A_27 = arith.cmpi ne, %convert_element_type3A_25, %cond3A_26 : i32
    scf.if %cond3A_27 {
      %dma_start3A = arith.constant 0 : i32
      %dma_start3A_88 = arith.constant 10 : i32
      %dma_start3A_89 = arith.constant 0 : i32
      %dma_start3A_90 = arith.constant 0 : i32
      %dma_start3A_91 = tpu.memref_slice %arg4[%dma_start3A_89, %dma_start3A_90] : memref<8x10000xi32, #tpu.memory_space<vmem>> -> memref<8x5120xi32, #tpu.memory_space<vmem>>
      %dma_start3A_92 = arith.constant 0 : i32
      %dma_start3A_93 = arith.constant 0 : i32
      %dma_start3A_94 = tpu.memref_slice %arg2[%dma_start3A, %dma_start3A_88, %dma_start3A_92, %dma_start3A_93] : memref<2x18x8x10000xi32, #tpu.memory_space<hbm>> -> memref<1x1x8x10000xi32, #tpu.memory_space<hbm>>
      %dma_start3A_95 = tpu.memref_squeeze %dma_start3A_94 : memref<1x1x8x10000xi32, #tpu.memory_space<hbm>> -> memref<8x10000xi32, #tpu.memory_space<hbm>>
      %dma_start3A_96 = arith.constant 0 : i32
      %dma_start3A_97 = arith.constant 0 : i32
      %dma_start3A_98 = tpu.memref_slice %dma_start3A_95[%dma_start3A_96, %dma_start3A_97] : memref<8x10000xi32, #tpu.memory_space<hbm>> -> memref<8x5120xi32, #tpu.memory_space<hbm>>
      %dma_start3A_99 = arith.constant 0 : i32
      %dma_start3A_100 = arith.constant 0 : i32
      %dma_start3A_101 = tpu.memref_slice %arg4[%dma_start3A_99, %dma_start3A_100] : memref<8x10000xi32, #tpu.memory_space<vmem>> -> memref<8x5120xi32, #tpu.memory_space<vmem>>
      %dma_start3A_102 = arith.constant 0 : i32
      %dma_start3A_103 = arith.constant 0 : i32
      %dma_start3A_104 = tpu.memref_slice %arg2[%dma_start3A, %dma_start3A_88, %dma_start3A_102, %dma_start3A_103] : memref<2x18x8x10000xi32, #tpu.memory_space<hbm>> -> memref<1x1x8x10000xi32, #tpu.memory_space<hbm>>
      %dma_start3A_105 = tpu.memref_squeeze %dma_start3A_104 : memref<1x1x8x10000xi32, #tpu.memory_space<hbm>> -> memref<8x10000xi32, #tpu.memory_space<hbm>>
      %dma_start3A_106 = arith.constant 0 : i32
      %dma_start3A_107 = arith.constant 0 : i32
      %dma_start3A_108 = tpu.memref_slice %dma_start3A_105[%dma_start3A_106, %dma_start3A_107] : memref<8x10000xi32, #tpu.memory_space<hbm>> -> memref<8x5120xi32, #tpu.memory_space<hbm>>
      tpu.enqueue_dma source(%dma_start3A_108 : memref<8x5120xi32, #tpu.memory_space<hbm>>) target(%dma_start3A_101 : memref<8x5120xi32, #tpu.memory_space<vmem>>) target_semaphore(%arg5 : memref<!tpu.dma_semaphore, #tpu.memory_space<semaphore_mem>>)
      %dma_start3A_109 = arith.constant 0 : i32
      %dma_start3A_110 = arith.constant 10 : i32
      %dma_start3A_111 = arith.constant 0 : i32
      %dma_start3A_112 = arith.constant 5120 : i32
      %dma_start3A_113 = tpu.memref_slice %arg4[%dma_start3A_111, %dma_start3A_112] : memref<8x10000xi32, #tpu.memory_space<vmem>> -> memref<8x4880xi32, #tpu.memory_space<vmem>>
      %dma_start3A_114 = arith.constant 0 : i32
      %dma_start3A_115 = arith.constant 0 : i32
      %dma_start3A_116 = tpu.memref_slice %arg2[%dma_start3A_109, %dma_start3A_110, %dma_start3A_114, %dma_start3A_115] : memref<2x18x8x10000xi32, #tpu.memory_space<hbm>> -> memref<1x1x8x10000xi32, #tpu.memory_space<hbm>>
      %dma_start3A_117 = tpu.memref_squeeze %dma_start3A_116 : memref<1x1x8x10000xi32, #tpu.memory_space<hbm>> -> memref<8x10000xi32, #tpu.memory_space<hbm>>
      %dma_start3A_118 = arith.constant 0 : i32
      %dma_start3A_119 = arith.constant 5120 : i32
      %dma_start3A_120 = tpu.memref_slice %dma_start3A_117[%dma_start3A_118, %dma_start3A_119] : memref<8x10000xi32, #tpu.memory_space<hbm>> -> memref<8x4880xi32, #tpu.memory_space<hbm>>
      %dma_start3A_121 = arith.constant 0 : i32
      %dma_start3A_122 = arith.constant 5120 : i32
      %dma_start3A_123 = tpu.memref_slice %arg4[%dma_start3A_121, %dma_start3A_122] : memref<8x10000xi32, #tpu.memory_space<vmem>> -> memref<8x4880xi32, #tpu.memory_space<vmem>>
      %dma_start3A_124 = arith.constant 0 : i32
      %dma_start3A_125 = arith.constant 0 : i32
      %dma_start3A_126 = tpu.memref_slice %arg2[%dma_start3A_109, %dma_start3A_110, %dma_start3A_124, %dma_start3A_125] : memref<2x18x8x10000xi32, #tpu.memory_space<hbm>> -> memref<1x1x8x10000xi32, #tpu.memory_space<hbm>>
      %dma_start3A_127 = tpu.memref_squeeze %dma_start3A_126 : memref<1x1x8x10000xi32, #tpu.memory_space<hbm>> -> memref<8x10000xi32, #tpu.memory_space<hbm>>
      %dma_start3A_128 = arith.constant 0 : i32
      %dma_start3A_129 = arith.constant 5120 : i32
      %dma_start3A_130 = tpu.memref_slice %dma_start3A_127[%dma_start3A_128, %dma_start3A_129] : memref<8x10000xi32, #tpu.memory_space<hbm>> -> memref<8x4880xi32, #tpu.memory_space<hbm>>
      tpu.enqueue_dma source(%dma_start3A_130 : memref<8x4880xi32, #tpu.memory_space<hbm>>) target(%dma_start3A_123 : memref<8x4880xi32, #tpu.memory_space<vmem>>) target_semaphore(%arg6 : memref<!tpu.dma_semaphore, #tpu.memory_space<semaphore_mem>>)
      %dma_wait3A = arith.constant 0 : i32
      %dma_wait3A_131 = arith.constant 10 : i32
      %dma_wait3A_132 = arith.constant 0 : i32
      %dma_wait3A_133 = arith.constant 0 : i32
      %dma_wait3A_134 = tpu.memref_slice %arg4[%dma_wait3A_132, %dma_wait3A_133] : memref<8x10000xi32, #tpu.memory_space<vmem>> -> memref<8x5120xi32, #tpu.memory_space<vmem>>
      %dma_wait3A_135 = arith.constant 0 : i32
      %dma_wait3A_136 = arith.constant 0 : i32
      %dma_wait3A_137 = tpu.memref_slice %arg2[%dma_wait3A, %dma_wait3A_131, %dma_wait3A_135, %dma_wait3A_136] : memref<2x18x8x10000xi32, #tpu.memory_space<hbm>> -> memref<1x1x8x10000xi32, #tpu.memory_space<hbm>>
      %dma_wait3A_138 = tpu.memref_squeeze %dma_wait3A_137 : memref<1x1x8x10000xi32, #tpu.memory_space<hbm>> -> memref<8x10000xi32, #tpu.memory_space<hbm>>
      %dma_wait3A_139 = arith.constant 0 : i32
      %dma_wait3A_140 = arith.constant 0 : i32
      %dma_wait3A_141 = tpu.memref_slice %dma_wait3A_138[%dma_wait3A_139, %dma_wait3A_140] : memref<8x10000xi32, #tpu.memory_space<hbm>> -> memref<8x5120xi32, #tpu.memory_space<hbm>>
      %dma_wait3A_142 = arith.constant 0 : i32
      %dma_wait3A_143 = arith.constant 0 : i32
      %dma_wait3A_144 = tpu.memref_slice %arg4[%dma_wait3A_142, %dma_wait3A_143] : memref<8x10000xi32, #tpu.memory_space<vmem>> -> memref<8x5120xi32, #tpu.memory_space<vmem>>
      %dma_wait3A_145 = arith.constant 0 : i32
      %dma_wait3A_146 = arith.constant 0 : i32
      %dma_wait3A_147 = tpu.memref_slice %arg2[%dma_wait3A, %dma_wait3A_131, %dma_wait3A_145, %dma_wait3A_146] : memref<2x18x8x10000xi32, #tpu.memory_space<hbm>> -> memref<1x1x8x10000xi32, #tpu.memory_space<hbm>>
      %dma_wait3A_148 = tpu.memref_squeeze %dma_wait3A_147 : memref<1x1x8x10000xi32, #tpu.memory_space<hbm>> -> memref<8x10000xi32, #tpu.memory_space<hbm>>
      %dma_wait3A_149 = arith.constant 0 : i32
      %dma_wait3A_150 = arith.constant 0 : i32
      %dma_wait3A_151 = tpu.memref_slice %dma_wait3A_148[%dma_wait3A_149, %dma_wait3A_150] : memref<8x10000xi32, #tpu.memory_space<hbm>> -> memref<8x5120xi32, #tpu.memory_space<hbm>>
      tpu.wait_dma2 semaphore(%arg5 : memref<!tpu.dma_semaphore, #tpu.memory_space<semaphore_mem>>) src(%dma_wait3A_151 : memref<8x5120xi32, #tpu.memory_space<hbm>>) dst(%dma_wait3A_144 : memref<8x5120xi32, #tpu.memory_space<vmem>>)
      %dma_start3A_152 = arith.constant 0 : i32
      %dma_start3A_153 = arith.constant 5 : i32
      %dma_start3A_154 = arith.constant 0 : i32
      %dma_start3A_155 = arith.constant 0 : i32
      %dma_start3A_156 = tpu.memref_slice %arg4[%dma_start3A_154, %dma_start3A_155] : memref<8x10000xi32, #tpu.memory_space<vmem>> -> memref<8x5120xi32, #tpu.memory_space<vmem>>
      %dma_start3A_157 = arith.constant 0 : i32
      %dma_start3A_158 = arith.constant 0 : i32
      %dma_start3A_159 = tpu.memref_slice %arg3[%dma_start3A_152, %dma_start3A_153, %dma_start3A_157, %dma_start3A_158] : memref<2x9x8x10000xi32, #tpu.memory_space<hbm>> -> memref<1x1x8x10000xi32, #tpu.memory_space<hbm>>
      %dma_start3A_160 = tpu.memref_squeeze %dma_start3A_159 : memref<1x1x8x10000xi32, #tpu.memory_space<hbm>> -> memref<8x10000xi32, #tpu.memory_space<hbm>>
      %dma_start3A_161 = arith.constant 0 : i32
      %dma_start3A_162 = arith.constant 0 : i32
      %dma_start3A_163 = tpu.memref_slice %dma_start3A_160[%dma_start3A_161, %dma_start3A_162] : memref<8x10000xi32, #tpu.memory_space<hbm>> -> memref<8x5120xi32, #tpu.memory_space<hbm>>
      %dma_start3A_164 = arith.constant 0 : i32
      %dma_start3A_165 = arith.constant 0 : i32
      %dma_start3A_166 = tpu.memref_slice %arg3[%dma_start3A_152, %dma_start3A_153, %dma_start3A_164, %dma_start3A_165] : memref<2x9x8x10000xi32, #tpu.memory_space<hbm>> -> memref<1x1x8x10000xi32, #tpu.memory_space<hbm>>
      %dma_start3A_167 = tpu.memref_squeeze %dma_start3A_166 : memref<1x1x8x10000xi32, #tpu.memory_space<hbm>> -> memref<8x10000xi32, #tpu.memory_space<hbm>>
      %dma_start3A_168 = arith.constant 0 : i32
      %dma_start3A_169 = arith.constant 0 : i32
      %dma_start3A_170 = tpu.memref_slice %dma_start3A_167[%dma_start3A_168, %dma_start3A_169] : memref<8x10000xi32, #tpu.memory_space<hbm>> -> memref<8x5120xi32, #tpu.memory_space<hbm>>
      %dma_start3A_171 = arith.constant 0 : i32
      %dma_start3A_172 = arith.constant 0 : i32
      %dma_start3A_173 = tpu.memref_slice %arg4[%dma_start3A_171, %dma_start3A_172] : memref<8x10000xi32, #tpu.memory_space<vmem>> -> memref<8x5120xi32, #tpu.memory_space<vmem>>
      tpu.enqueue_dma source(%dma_start3A_173 : memref<8x5120xi32, #tpu.memory_space<vmem>>) target(%dma_start3A_170 : memref<8x5120xi32, #tpu.memory_space<hbm>>) target_semaphore(%arg7 : memref<!tpu.dma_semaphore, #tpu.memory_space<semaphore_mem>>)
      %dma_wait3A_174 = arith.constant 0 : i32
      %dma_wait3A_175 = arith.constant 10 : i32
      %dma_wait3A_176 = arith.constant 0 : i32
      %dma_wait3A_177 = arith.constant 5120 : i32
      %dma_wait3A_178 = tpu.memref_slice %arg4[%dma_wait3A_176, %dma_wait3A_177] : memref<8x10000xi32, #tpu.memory_space<vmem>> -> memref<8x4880xi32, #tpu.memory_space<vmem>>
      %dma_wait3A_179 = arith.constant 0 : i32
      %dma_wait3A_180 = arith.constant 0 : i32
      %dma_wait3A_181 = tpu.memref_slice %arg2[%dma_wait3A_174, %dma_wait3A_175, %dma_wait3A_179, %dma_wait3A_180] : memref<2x18x8x10000xi32, #tpu.memory_space<hbm>> -> memref<1x1x8x10000xi32, #tpu.memory_space<hbm>>
      %dma_wait3A_182 = tpu.memref_squeeze %dma_wait3A_181 : memref<1x1x8x10000xi32, #tpu.memory_space<hbm>> -> memref<8x10000xi32, #tpu.memory_space<hbm>>
      %dma_wait3A_183 = arith.constant 0 : i32
      %dma_wait3A_184 = arith.constant 5120 : i32
      %dma_wait3A_185 = tpu.memref_slice %dma_wait3A_182[%dma_wait3A_183, %dma_wait3A_184] : memref<8x10000xi32, #tpu.memory_space<hbm>> -> memref<8x4880xi32, #tpu.memory_space<hbm>>
      %dma_wait3A_186 = arith.constant 0 : i32
      %dma_wait3A_187 = arith.constant 5120 : i32
      %dma_wait3A_188 = tpu.memref_slice %arg4[%dma_wait3A_186, %dma_wait3A_187] : memref<8x10000xi32, #tpu.memory_space<vmem>> -> memref<8x4880xi32, #tpu.memory_space<vmem>>
      %dma_wait3A_189 = arith.constant 0 : i32
      %dma_wait3A_190 = arith.constant 0 : i32
      %dma_wait3A_191 = tpu.memref_slice %arg2[%dma_wait3A_174, %dma_wait3A_175, %dma_wait3A_189, %dma_wait3A_190] : memref<2x18x8x10000xi32, #tpu.memory_space<hbm>> -> memref<1x1x8x10000xi32, #tpu.memory_space<hbm>>
      %dma_wait3A_192 = tpu.memref_squeeze %dma_wait3A_191 : memref<1x1x8x10000xi32, #tpu.memory_space<hbm>> -> memref<8x10000xi32, #tpu.memory_space<hbm>>
      %dma_wait3A_193 = arith.constant 0 : i32
      %dma_wait3A_194 = arith.constant 5120 : i32
      %dma_wait3A_195 = tpu.memref_slice %dma_wait3A_192[%dma_wait3A_193, %dma_wait3A_194] : memref<8x10000xi32, #tpu.memory_space<hbm>> -> memref<8x4880xi32, #tpu.memory_space<hbm>>
      tpu.wait_dma2 semaphore(%arg6 : memref<!tpu.dma_semaphore, #tpu.memory_space<semaphore_mem>>) src(%dma_wait3A_195 : memref<8x4880xi32, #tpu.memory_space<hbm>>) dst(%dma_wait3A_188 : memref<8x4880xi32, #tpu.memory_space<vmem>>)
      %dma_start3A_196 = arith.constant 0 : i32
      %dma_start3A_197 = arith.constant 5 : i32
      %dma_start3A_198 = arith.constant 0 : i32
      %dma_start3A_199 = arith.constant 5120 : i32
      %dma_start3A_200 = tpu.memref_slice %arg4[%dma_start3A_198, %dma_start3A_199] : memref<8x10000xi32, #tpu.memory_space<vmem>> -> memref<8x4880xi32, #tpu.memory_space<vmem>>
      %dma_start3A_201 = arith.constant 0 : i32
      %dma_start3A_202 = arith.constant 0 : i32
      %dma_start3A_203 = tpu.memref_slice %arg3[%dma_start3A_196, %dma_start3A_197, %dma_start3A_201, %dma_start3A_202] : memref<2x9x8x10000xi32, #tpu.memory_space<hbm>> -> memref<1x1x8x10000xi32, #tpu.memory_space<hbm>>
      %dma_start3A_204 = tpu.memref_squeeze %dma_start3A_203 : memref<1x1x8x10000xi32, #tpu.memory_space<hbm>> -> memref<8x10000xi32, #tpu.memory_space<hbm>>
      %dma_start3A_205 = arith.constant 0 : i32
      %dma_start3A_206 = arith.constant 5120 : i32
      %dma_start3A_207 = tpu.memref_slice %dma_start3A_204[%dma_start3A_205, %dma_start3A_206] : memref<8x10000xi32, #tpu.memory_space<hbm>> -> memref<8x4880xi32, #tpu.memory_space<hbm>>
      %dma_start3A_208 = arith.constant 0 : i32
      %dma_start3A_209 = arith.constant 0 : i32
      %dma_start3A_210 = tpu.memref_slice %arg3[%dma_start3A_196, %dma_start3A_197, %dma_start3A_208, %dma_start3A_209] : memref<2x9x8x10000xi32, #tpu.memory_space<hbm>> -> memref<1x1x8x10000xi32, #tpu.memory_space<hbm>>
      %dma_start3A_211 = tpu.memref_squeeze %dma_start3A_210 : memref<1x1x8x10000xi32, #tpu.memory_space<hbm>> -> memref<8x10000xi32, #tpu.memory_space<hbm>>
      %dma_start3A_212 = arith.constant 0 : i32
      %dma_start3A_213 = arith.constant 5120 : i32
      %dma_start3A_214 = tpu.memref_slice %dma_start3A_211[%dma_start3A_212, %dma_start3A_213] : memref<8x10000xi32, #tpu.memory_space<hbm>> -> memref<8x4880xi32, #tpu.memory_space<hbm>>
      %dma_start3A_215 = arith.constant 0 : i32
      %dma_start3A_216 = arith.constant 5120 : i32
      %dma_start3A_217 = tpu.memref_slice %arg4[%dma_start3A_215, %dma_start3A_216] : memref<8x10000xi32, #tpu.memory_space<vmem>> -> memref<8x4880xi32, #tpu.memory_space<vmem>>
      tpu.enqueue_dma source(%dma_start3A_217 : memref<8x4880xi32, #tpu.memory_space<vmem>>) target(%dma_start3A_214 : memref<8x4880xi32, #tpu.memory_space<hbm>>) target_semaphore(%arg8 : memref<!tpu.dma_semaphore, #tpu.memory_space<semaphore_mem>>)
      %dma_wait3A_218 = arith.constant 0 : i32
      %dma_wait3A_219 = arith.constant 5 : i32
      %dma_wait3A_220 = arith.constant 0 : i32
      %dma_wait3A_221 = arith.constant 0 : i32
      %dma_wait3A_222 = tpu.memref_slice %arg4[%dma_wait3A_220, %dma_wait3A_221] : memref<8x10000xi32, #tpu.memory_space<vmem>> -> memref<8x5120xi32, #tpu.memory_space<vmem>>
      %dma_wait3A_223 = arith.constant 0 : i32
      %dma_wait3A_224 = arith.constant 0 : i32
      %dma_wait3A_225 = tpu.memref_slice %arg3[%dma_wait3A_218, %dma_wait3A_219, %dma_wait3A_223, %dma_wait3A_224] : memref<2x9x8x10000xi32, #tpu.memory_space<hbm>> -> memref<1x1x8x10000xi32, #tpu.memory_space<hbm>>
      %dma_wait3A_226 = tpu.memref_squeeze %dma_wait3A_225 : memref<1x1x8x10000xi32, #tpu.memory_space<hbm>> -> memref<8x10000xi32, #tpu.memory_space<hbm>>
      %dma_wait3A_227 = arith.constant 0 : i32
      %dma_wait3A_228 = arith.constant 0 : i32
      %dma_wait3A_229 = tpu.memref_slice %dma_wait3A_226[%dma_wait3A_227, %dma_wait3A_228] : memref<8x10000xi32, #tpu.memory_space<hbm>> -> memref<8x5120xi32, #tpu.memory_space<hbm>>
      %dma_wait3A_230 = arith.constant 0 : i32
      %dma_wait3A_231 = arith.constant 0 : i32
      %dma_wait3A_232 = tpu.memref_slice %arg3[%dma_wait3A_218, %dma_wait3A_219, %dma_wait3A_230, %dma_wait3A_231] : memref<2x9x8x10000xi32, #tpu.memory_space<hbm>> -> memref<1x1x8x10000xi32, #tpu.memory_space<hbm>>
      %dma_wait3A_233 = tpu.memref_squeeze %dma_wait3A_232 : memref<1x1x8x10000xi32, #tpu.memory_space<hbm>> -> memref<8x10000xi32, #tpu.memory_space<hbm>>
      %dma_wait3A_234 = arith.constant 0 : i32
      %dma_wait3A_235 = arith.constant 0 : i32
      %dma_wait3A_236 = tpu.memref_slice %dma_wait3A_233[%dma_wait3A_234, %dma_wait3A_235] : memref<8x10000xi32, #tpu.memory_space<hbm>> -> memref<8x5120xi32, #tpu.memory_space<hbm>>
      %dma_wait3A_237 = arith.constant 0 : i32
      %dma_wait3A_238 = arith.constant 0 : i32
      %dma_wait3A_239 = tpu.memref_slice %arg4[%dma_wait3A_237, %dma_wait3A_238] : memref<8x10000xi32, #tpu.memory_space<vmem>> -> memref<8x5120xi32, #tpu.memory_space<vmem>>
      tpu.wait_dma2 semaphore(%arg7 : memref<!tpu.dma_semaphore, #tpu.memory_space<semaphore_mem>>) src(%dma_wait3A_239 : memref<8x5120xi32, #tpu.memory_space<vmem>>) dst(%dma_wait3A_236 : memref<8x5120xi32, #tpu.memory_space<hbm>>)
      %dma_wait3A_240 = arith.constant 0 : i32
      %dma_wait3A_241 = arith.constant 5 : i32
      %dma_wait3A_242 = arith.constant 0 : i32
      %dma_wait3A_243 = arith.constant 5120 : i32
      %dma_wait3A_244 = tpu.memref_slice %arg4[%dma_wait3A_242, %dma_wait3A_243] : memref<8x10000xi32, #tpu.memory_space<vmem>> -> memref<8x4880xi32, #tpu.memory_space<vmem>>
      %dma_wait3A_245 = arith.constant 0 : i32
      %dma_wait3A_246 = arith.constant 0 : i32
      %dma_wait3A_247 = tpu.memref_slice %arg3[%dma_wait3A_240, %dma_wait3A_241, %dma_wait3A_245, %dma_wait3A_246] : memref<2x9x8x10000xi32, #tpu.memory_space<hbm>> -> memref<1x1x8x10000xi32, #tpu.memory_space<hbm>>
      %dma_wait3A_248 = tpu.memref_squeeze %dma_wait3A_247 : memref<1x1x8x10000xi32, #tpu.memory_space<hbm>> -> memref<8x10000xi32, #tpu.memory_space<hbm>>
      %dma_wait3A_249 = arith.constant 0 : i32
      %dma_wait3A_250 = arith.constant 5120 : i32
      %dma_wait3A_251 = tpu.memref_slice %dma_wait3A_248[%dma_wait3A_249, %dma_wait3A_250] : memref<8x10000xi32, #tpu.memory_space<hbm>> -> memref<8x4880xi32, #tpu.memory_space<hbm>>
      %dma_wait3A_252 = arith.constant 0 : i32
      %dma_wait3A_253 = arith.constant 0 : i32
      %dma_wait3A_254 = tpu.memref_slice %arg3[%dma_wait3A_240, %dma_wait3A_241, %dma_wait3A_252, %dma_wait3A_253] : memref<2x9x8x10000xi32, #tpu.memory_space<hbm>> -> memref<1x1x8x10000xi32, #tpu.memory_space<hbm>>
      %dma_wait3A_255 = tpu.memref_squeeze %dma_wait3A_254 : memref<1x1x8x10000xi32, #tpu.memory_space<hbm>> -> memref<8x10000xi32, #tpu.memory_space<hbm>>
      %dma_wait3A_256 = arith.constant 0 : i32
      %dma_wait3A_257 = arith.constant 5120 : i32
      %dma_wait3A_258 = tpu.memref_slice %dma_wait3A_255[%dma_wait3A_256, %dma_wait3A_257] : memref<8x10000xi32, #tpu.memory_space<hbm>> -> memref<8x4880xi32, #tpu.memory_space<hbm>>
      %dma_wait3A_259 = arith.constant 0 : i32
      %dma_wait3A_260 = arith.constant 5120 : i32
      %dma_wait3A_261 = tpu.memref_slice %arg4[%dma_wait3A_259, %dma_wait3A_260] : memref<8x10000xi32, #tpu.memory_space<vmem>> -> memref<8x4880xi32, #tpu.memory_space<vmem>>
      tpu.wait_dma2 semaphore(%arg8 : memref<!tpu.dma_semaphore, #tpu.memory_space<semaphore_mem>>) src(%dma_wait3A_261 : memref<8x4880xi32, #tpu.memory_space<vmem>>) dst(%dma_wait3A_258 : memref<8x4880xi32, #tpu.memory_space<hbm>>)
    } else {
    }
    %eq3A_28 = arith.constant 6 : i32
    %eq3A_29 = arith.cmpi eq, %add3A, %eq3A_28 : i32
    %convert_element_type3A_30 = arith.extui %eq3A_29 : i1 to i32
    %cond3A_31 = arith.constant 0 : i32
    %cond3A_32 = arith.cmpi ne, %convert_element_type3A_30, %cond3A_31 : i32
    scf.if %cond3A_32 {
      %dma_start3A = arith.constant 0 : i32
      %dma_start3A_88 = arith.constant 12 : i32
      %dma_start3A_89 = arith.constant 0 : i32
      %dma_start3A_90 = arith.constant 0 : i32
      %dma_start3A_91 = tpu.memref_slice %arg4[%dma_start3A_89, %dma_start3A_90] : memref<8x10000xi32, #tpu.memory_space<vmem>> -> memref<8x5120xi32, #tpu.memory_space<vmem>>
      %dma_start3A_92 = arith.constant 0 : i32
      %dma_start3A_93 = arith.constant 0 : i32
      %dma_start3A_94 = tpu.memref_slice %arg2[%dma_start3A, %dma_start3A_88, %dma_start3A_92, %dma_start3A_93] : memref<2x18x8x10000xi32, #tpu.memory_space<hbm>> -> memref<1x1x8x10000xi32, #tpu.memory_space<hbm>>
      %dma_start3A_95 = tpu.memref_squeeze %dma_start3A_94 : memref<1x1x8x10000xi32, #tpu.memory_space<hbm>> -> memref<8x10000xi32, #tpu.memory_space<hbm>>
      %dma_start3A_96 = arith.constant 0 : i32
      %dma_start3A_97 = arith.constant 0 : i32
      %dma_start3A_98 = tpu.memref_slice %dma_start3A_95[%dma_start3A_96, %dma_start3A_97] : memref<8x10000xi32, #tpu.memory_space<hbm>> -> memref<8x5120xi32, #tpu.memory_space<hbm>>
      %dma_start3A_99 = arith.constant 0 : i32
      %dma_start3A_100 = arith.constant 0 : i32
      %dma_start3A_101 = tpu.memref_slice %arg4[%dma_start3A_99, %dma_start3A_100] : memref<8x10000xi32, #tpu.memory_space<vmem>> -> memref<8x5120xi32, #tpu.memory_space<vmem>>
      %dma_start3A_102 = arith.constant 0 : i32
      %dma_start3A_103 = arith.constant 0 : i32
      %dma_start3A_104 = tpu.memref_slice %arg2[%dma_start3A, %dma_start3A_88, %dma_start3A_102, %dma_start3A_103] : memref<2x18x8x10000xi32, #tpu.memory_space<hbm>> -> memref<1x1x8x10000xi32, #tpu.memory_space<hbm>>
      %dma_start3A_105 = tpu.memref_squeeze %dma_start3A_104 : memref<1x1x8x10000xi32, #tpu.memory_space<hbm>> -> memref<8x10000xi32, #tpu.memory_space<hbm>>
      %dma_start3A_106 = arith.constant 0 : i32
      %dma_start3A_107 = arith.constant 0 : i32
      %dma_start3A_108 = tpu.memref_slice %dma_start3A_105[%dma_start3A_106, %dma_start3A_107] : memref<8x10000xi32, #tpu.memory_space<hbm>> -> memref<8x5120xi32, #tpu.memory_space<hbm>>
      tpu.enqueue_dma source(%dma_start3A_108 : memref<8x5120xi32, #tpu.memory_space<hbm>>) target(%dma_start3A_101 : memref<8x5120xi32, #tpu.memory_space<vmem>>) target_semaphore(%arg5 : memref<!tpu.dma_semaphore, #tpu.memory_space<semaphore_mem>>)
      %dma_start3A_109 = arith.constant 0 : i32
      %dma_start3A_110 = arith.constant 12 : i32
      %dma_start3A_111 = arith.constant 0 : i32
      %dma_start3A_112 = arith.constant 5120 : i32
      %dma_start3A_113 = tpu.memref_slice %arg4[%dma_start3A_111, %dma_start3A_112] : memref<8x10000xi32, #tpu.memory_space<vmem>> -> memref<8x4880xi32, #tpu.memory_space<vmem>>
      %dma_start3A_114 = arith.constant 0 : i32
      %dma_start3A_115 = arith.constant 0 : i32
      %dma_start3A_116 = tpu.memref_slice %arg2[%dma_start3A_109, %dma_start3A_110, %dma_start3A_114, %dma_start3A_115] : memref<2x18x8x10000xi32, #tpu.memory_space<hbm>> -> memref<1x1x8x10000xi32, #tpu.memory_space<hbm>>
      %dma_start3A_117 = tpu.memref_squeeze %dma_start3A_116 : memref<1x1x8x10000xi32, #tpu.memory_space<hbm>> -> memref<8x10000xi32, #tpu.memory_space<hbm>>
      %dma_start3A_118 = arith.constant 0 : i32
      %dma_start3A_119 = arith.constant 5120 : i32
      %dma_start3A_120 = tpu.memref_slice %dma_start3A_117[%dma_start3A_118, %dma_start3A_119] : memref<8x10000xi32, #tpu.memory_space<hbm>> -> memref<8x4880xi32, #tpu.memory_space<hbm>>
      %dma_start3A_121 = arith.constant 0 : i32
      %dma_start3A_122 = arith.constant 5120 : i32
      %dma_start3A_123 = tpu.memref_slice %arg4[%dma_start3A_121, %dma_start3A_122] : memref<8x10000xi32, #tpu.memory_space<vmem>> -> memref<8x4880xi32, #tpu.memory_space<vmem>>
      %dma_start3A_124 = arith.constant 0 : i32
      %dma_start3A_125 = arith.constant 0 : i32
      %dma_start3A_126 = tpu.memref_slice %arg2[%dma_start3A_109, %dma_start3A_110, %dma_start3A_124, %dma_start3A_125] : memref<2x18x8x10000xi32, #tpu.memory_space<hbm>> -> memref<1x1x8x10000xi32, #tpu.memory_space<hbm>>
      %dma_start3A_127 = tpu.memref_squeeze %dma_start3A_126 : memref<1x1x8x10000xi32, #tpu.memory_space<hbm>> -> memref<8x10000xi32, #tpu.memory_space<hbm>>
      %dma_start3A_128 = arith.constant 0 : i32
      %dma_start3A_129 = arith.constant 5120 : i32
      %dma_start3A_130 = tpu.memref_slice %dma_start3A_127[%dma_start3A_128, %dma_start3A_129] : memref<8x10000xi32, #tpu.memory_space<hbm>> -> memref<8x4880xi32, #tpu.memory_space<hbm>>
      tpu.enqueue_dma source(%dma_start3A_130 : memref<8x4880xi32, #tpu.memory_space<hbm>>) target(%dma_start3A_123 : memref<8x4880xi32, #tpu.memory_space<vmem>>) target_semaphore(%arg6 : memref<!tpu.dma_semaphore, #tpu.memory_space<semaphore_mem>>)
      %dma_wait3A = arith.constant 0 : i32
      %dma_wait3A_131 = arith.constant 12 : i32
      %dma_wait3A_132 = arith.constant 0 : i32
      %dma_wait3A_133 = arith.constant 0 : i32
      %dma_wait3A_134 = tpu.memref_slice %arg4[%dma_wait3A_132, %dma_wait3A_133] : memref<8x10000xi32, #tpu.memory_space<vmem>> -> memref<8x5120xi32, #tpu.memory_space<vmem>>
      %dma_wait3A_135 = arith.constant 0 : i32
      %dma_wait3A_136 = arith.constant 0 : i32
      %dma_wait3A_137 = tpu.memref_slice %arg2[%dma_wait3A, %dma_wait3A_131, %dma_wait3A_135, %dma_wait3A_136] : memref<2x18x8x10000xi32, #tpu.memory_space<hbm>> -> memref<1x1x8x10000xi32, #tpu.memory_space<hbm>>
      %dma_wait3A_138 = tpu.memref_squeeze %dma_wait3A_137 : memref<1x1x8x10000xi32, #tpu.memory_space<hbm>> -> memref<8x10000xi32, #tpu.memory_space<hbm>>
      %dma_wait3A_139 = arith.constant 0 : i32
      %dma_wait3A_140 = arith.constant 0 : i32
      %dma_wait3A_141 = tpu.memref_slice %dma_wait3A_138[%dma_wait3A_139, %dma_wait3A_140] : memref<8x10000xi32, #tpu.memory_space<hbm>> -> memref<8x5120xi32, #tpu.memory_space<hbm>>
      %dma_wait3A_142 = arith.constant 0 : i32
      %dma_wait3A_143 = arith.constant 0 : i32
      %dma_wait3A_144 = tpu.memref_slice %arg4[%dma_wait3A_142, %dma_wait3A_143] : memref<8x10000xi32, #tpu.memory_space<vmem>> -> memref<8x5120xi32, #tpu.memory_space<vmem>>
      %dma_wait3A_145 = arith.constant 0 : i32
      %dma_wait3A_146 = arith.constant 0 : i32
      %dma_wait3A_147 = tpu.memref_slice %arg2[%dma_wait3A, %dma_wait3A_131, %dma_wait3A_145, %dma_wait3A_146] : memref<2x18x8x10000xi32, #tpu.memory_space<hbm>> -> memref<1x1x8x10000xi32, #tpu.memory_space<hbm>>
      %dma_wait3A_148 = tpu.memref_squeeze %dma_wait3A_147 : memref<1x1x8x10000xi32, #tpu.memory_space<hbm>> -> memref<8x10000xi32, #tpu.memory_space<hbm>>
      %dma_wait3A_149 = arith.constant 0 : i32
      %dma_wait3A_150 = arith.constant 0 : i32
      %dma_wait3A_151 = tpu.memref_slice %dma_wait3A_148[%dma_wait3A_149, %dma_wait3A_150] : memref<8x10000xi32, #tpu.memory_space<hbm>> -> memref<8x5120xi32, #tpu.memory_space<hbm>>
      tpu.wait_dma2 semaphore(%arg5 : memref<!tpu.dma_semaphore, #tpu.memory_space<semaphore_mem>>) src(%dma_wait3A_151 : memref<8x5120xi32, #tpu.memory_space<hbm>>) dst(%dma_wait3A_144 : memref<8x5120xi32, #tpu.memory_space<vmem>>)
      %dma_start3A_152 = arith.constant 0 : i32
      %dma_start3A_153 = arith.constant 6 : i32
      %dma_start3A_154 = arith.constant 0 : i32
      %dma_start3A_155 = arith.constant 0 : i32
      %dma_start3A_156 = tpu.memref_slice %arg4[%dma_start3A_154, %dma_start3A_155] : memref<8x10000xi32, #tpu.memory_space<vmem>> -> memref<8x5120xi32, #tpu.memory_space<vmem>>
      %dma_start3A_157 = arith.constant 0 : i32
      %dma_start3A_158 = arith.constant 0 : i32
      %dma_start3A_159 = tpu.memref_slice %arg3[%dma_start3A_152, %dma_start3A_153, %dma_start3A_157, %dma_start3A_158] : memref<2x9x8x10000xi32, #tpu.memory_space<hbm>> -> memref<1x1x8x10000xi32, #tpu.memory_space<hbm>>
      %dma_start3A_160 = tpu.memref_squeeze %dma_start3A_159 : memref<1x1x8x10000xi32, #tpu.memory_space<hbm>> -> memref<8x10000xi32, #tpu.memory_space<hbm>>
      %dma_start3A_161 = arith.constant 0 : i32
      %dma_start3A_162 = arith.constant 0 : i32
      %dma_start3A_163 = tpu.memref_slice %dma_start3A_160[%dma_start3A_161, %dma_start3A_162] : memref<8x10000xi32, #tpu.memory_space<hbm>> -> memref<8x5120xi32, #tpu.memory_space<hbm>>
      %dma_start3A_164 = arith.constant 0 : i32
      %dma_start3A_165 = arith.constant 0 : i32
      %dma_start3A_166 = tpu.memref_slice %arg3[%dma_start3A_152, %dma_start3A_153, %dma_start3A_164, %dma_start3A_165] : memref<2x9x8x10000xi32, #tpu.memory_space<hbm>> -> memref<1x1x8x10000xi32, #tpu.memory_space<hbm>>
      %dma_start3A_167 = tpu.memref_squeeze %dma_start3A_166 : memref<1x1x8x10000xi32, #tpu.memory_space<hbm>> -> memref<8x10000xi32, #tpu.memory_space<hbm>>
      %dma_start3A_168 = arith.constant 0 : i32
      %dma_start3A_169 = arith.constant 0 : i32
      %dma_start3A_170 = tpu.memref_slice %dma_start3A_167[%dma_start3A_168, %dma_start3A_169] : memref<8x10000xi32, #tpu.memory_space<hbm>> -> memref<8x5120xi32, #tpu.memory_space<hbm>>
      %dma_start3A_171 = arith.constant 0 : i32
      %dma_start3A_172 = arith.constant 0 : i32
      %dma_start3A_173 = tpu.memref_slice %arg4[%dma_start3A_171, %dma_start3A_172] : memref<8x10000xi32, #tpu.memory_space<vmem>> -> memref<8x5120xi32, #tpu.memory_space<vmem>>
      tpu.enqueue_dma source(%dma_start3A_173 : memref<8x5120xi32, #tpu.memory_space<vmem>>) target(%dma_start3A_170 : memref<8x5120xi32, #tpu.memory_space<hbm>>) target_semaphore(%arg7 : memref<!tpu.dma_semaphore, #tpu.memory_space<semaphore_mem>>)
      %dma_wait3A_174 = arith.constant 0 : i32
      %dma_wait3A_175 = arith.constant 12 : i32
      %dma_wait3A_176 = arith.constant 0 : i32
      %dma_wait3A_177 = arith.constant 5120 : i32
      %dma_wait3A_178 = tpu.memref_slice %arg4[%dma_wait3A_176, %dma_wait3A_177] : memref<8x10000xi32, #tpu.memory_space<vmem>> -> memref<8x4880xi32, #tpu.memory_space<vmem>>
      %dma_wait3A_179 = arith.constant 0 : i32
      %dma_wait3A_180 = arith.constant 0 : i32
      %dma_wait3A_181 = tpu.memref_slice %arg2[%dma_wait3A_174, %dma_wait3A_175, %dma_wait3A_179, %dma_wait3A_180] : memref<2x18x8x10000xi32, #tpu.memory_space<hbm>> -> memref<1x1x8x10000xi32, #tpu.memory_space<hbm>>
      %dma_wait3A_182 = tpu.memref_squeeze %dma_wait3A_181 : memref<1x1x8x10000xi32, #tpu.memory_space<hbm>> -> memref<8x10000xi32, #tpu.memory_space<hbm>>
      %dma_wait3A_183 = arith.constant 0 : i32
      %dma_wait3A_184 = arith.constant 5120 : i32
      %dma_wait3A_185 = tpu.memref_slice %dma_wait3A_182[%dma_wait3A_183, %dma_wait3A_184] : memref<8x10000xi32, #tpu.memory_space<hbm>> -> memref<8x4880xi32, #tpu.memory_space<hbm>>
      %dma_wait3A_186 = arith.constant 0 : i32
      %dma_wait3A_187 = arith.constant 5120 : i32
      %dma_wait3A_188 = tpu.memref_slice %arg4[%dma_wait3A_186, %dma_wait3A_187] : memref<8x10000xi32, #tpu.memory_space<vmem>> -> memref<8x4880xi32, #tpu.memory_space<vmem>>
      %dma_wait3A_189 = arith.constant 0 : i32
      %dma_wait3A_190 = arith.constant 0 : i32
      %dma_wait3A_191 = tpu.memref_slice %arg2[%dma_wait3A_174, %dma_wait3A_175, %dma_wait3A_189, %dma_wait3A_190] : memref<2x18x8x10000xi32, #tpu.memory_space<hbm>> -> memref<1x1x8x10000xi32, #tpu.memory_space<hbm>>
      %dma_wait3A_192 = tpu.memref_squeeze %dma_wait3A_191 : memref<1x1x8x10000xi32, #tpu.memory_space<hbm>> -> memref<8x10000xi32, #tpu.memory_space<hbm>>
      %dma_wait3A_193 = arith.constant 0 : i32
      %dma_wait3A_194 = arith.constant 5120 : i32
      %dma_wait3A_195 = tpu.memref_slice %dma_wait3A_192[%dma_wait3A_193, %dma_wait3A_194] : memref<8x10000xi32, #tpu.memory_space<hbm>> -> memref<8x4880xi32, #tpu.memory_space<hbm>>
      tpu.wait_dma2 semaphore(%arg6 : memref<!tpu.dma_semaphore, #tpu.memory_space<semaphore_mem>>) src(%dma_wait3A_195 : memref<8x4880xi32, #tpu.memory_space<hbm>>) dst(%dma_wait3A_188 : memref<8x4880xi32, #tpu.memory_space<vmem>>)
      %dma_start3A_196 = arith.constant 0 : i32
      %dma_start3A_197 = arith.constant 6 : i32
      %dma_start3A_198 = arith.constant 0 : i32
      %dma_start3A_199 = arith.constant 5120 : i32
      %dma_start3A_200 = tpu.memref_slice %arg4[%dma_start3A_198, %dma_start3A_199] : memref<8x10000xi32, #tpu.memory_space<vmem>> -> memref<8x4880xi32, #tpu.memory_space<vmem>>
      %dma_start3A_201 = arith.constant 0 : i32
      %dma_start3A_202 = arith.constant 0 : i32
      %dma_start3A_203 = tpu.memref_slice %arg3[%dma_start3A_196, %dma_start3A_197, %dma_start3A_201, %dma_start3A_202] : memref<2x9x8x10000xi32, #tpu.memory_space<hbm>> -> memref<1x1x8x10000xi32, #tpu.memory_space<hbm>>
      %dma_start3A_204 = tpu.memref_squeeze %dma_start3A_203 : memref<1x1x8x10000xi32, #tpu.memory_space<hbm>> -> memref<8x10000xi32, #tpu.memory_space<hbm>>
      %dma_start3A_205 = arith.constant 0 : i32
      %dma_start3A_206 = arith.constant 5120 : i32
      %dma_start3A_207 = tpu.memref_slice %dma_start3A_204[%dma_start3A_205, %dma_start3A_206] : memref<8x10000xi32, #tpu.memory_space<hbm>> -> memref<8x4880xi32, #tpu.memory_space<hbm>>
      %dma_start3A_208 = arith.constant 0 : i32
      %dma_start3A_209 = arith.constant 0 : i32
      %dma_start3A_210 = tpu.memref_slice %arg3[%dma_start3A_196, %dma_start3A_197, %dma_start3A_208, %dma_start3A_209] : memref<2x9x8x10000xi32, #tpu.memory_space<hbm>> -> memref<1x1x8x10000xi32, #tpu.memory_space<hbm>>
      %dma_start3A_211 = tpu.memref_squeeze %dma_start3A_210 : memref<1x1x8x10000xi32, #tpu.memory_space<hbm>> -> memref<8x10000xi32, #tpu.memory_space<hbm>>
      %dma_start3A_212 = arith.constant 0 : i32
      %dma_start3A_213 = arith.constant 5120 : i32
      %dma_start3A_214 = tpu.memref_slice %dma_start3A_211[%dma_start3A_212, %dma_start3A_213] : memref<8x10000xi32, #tpu.memory_space<hbm>> -> memref<8x4880xi32, #tpu.memory_space<hbm>>
      %dma_start3A_215 = arith.constant 0 : i32
      %dma_start3A_216 = arith.constant 5120 : i32
      %dma_start3A_217 = tpu.memref_slice %arg4[%dma_start3A_215, %dma_start3A_216] : memref<8x10000xi32, #tpu.memory_space<vmem>> -> memref<8x4880xi32, #tpu.memory_space<vmem>>
      tpu.enqueue_dma source(%dma_start3A_217 : memref<8x4880xi32, #tpu.memory_space<vmem>>) target(%dma_start3A_214 : memref<8x4880xi32, #tpu.memory_space<hbm>>) target_semaphore(%arg8 : memref<!tpu.dma_semaphore, #tpu.memory_space<semaphore_mem>>)
      %dma_wait3A_218 = arith.constant 0 : i32
      %dma_wait3A_219 = arith.constant 6 : i32
      %dma_wait3A_220 = arith.constant 0 : i32
      %dma_wait3A_221 = arith.constant 0 : i32
      %dma_wait3A_222 = tpu.memref_slice %arg4[%dma_wait3A_220, %dma_wait3A_221] : memref<8x10000xi32, #tpu.memory_space<vmem>> -> memref<8x5120xi32, #tpu.memory_space<vmem>>
      %dma_wait3A_223 = arith.constant 0 : i32
      %dma_wait3A_224 = arith.constant 0 : i32
      %dma_wait3A_225 = tpu.memref_slice %arg3[%dma_wait3A_218, %dma_wait3A_219, %dma_wait3A_223, %dma_wait3A_224] : memref<2x9x8x10000xi32, #tpu.memory_space<hbm>> -> memref<1x1x8x10000xi32, #tpu.memory_space<hbm>>
      %dma_wait3A_226 = tpu.memref_squeeze %dma_wait3A_225 : memref<1x1x8x10000xi32, #tpu.memory_space<hbm>> -> memref<8x10000xi32, #tpu.memory_space<hbm>>
      %dma_wait3A_227 = arith.constant 0 : i32
      %dma_wait3A_228 = arith.constant 0 : i32
      %dma_wait3A_229 = tpu.memref_slice %dma_wait3A_226[%dma_wait3A_227, %dma_wait3A_228] : memref<8x10000xi32, #tpu.memory_space<hbm>> -> memref<8x5120xi32, #tpu.memory_space<hbm>>
      %dma_wait3A_230 = arith.constant 0 : i32
      %dma_wait3A_231 = arith.constant 0 : i32
      %dma_wait3A_232 = tpu.memref_slice %arg3[%dma_wait3A_218, %dma_wait3A_219, %dma_wait3A_230, %dma_wait3A_231] : memref<2x9x8x10000xi32, #tpu.memory_space<hbm>> -> memref<1x1x8x10000xi32, #tpu.memory_space<hbm>>
      %dma_wait3A_233 = tpu.memref_squeeze %dma_wait3A_232 : memref<1x1x8x10000xi32, #tpu.memory_space<hbm>> -> memref<8x10000xi32, #tpu.memory_space<hbm>>
      %dma_wait3A_234 = arith.constant 0 : i32
      %dma_wait3A_235 = arith.constant 0 : i32
      %dma_wait3A_236 = tpu.memref_slice %dma_wait3A_233[%dma_wait3A_234, %dma_wait3A_235] : memref<8x10000xi32, #tpu.memory_space<hbm>> -> memref<8x5120xi32, #tpu.memory_space<hbm>>
      %dma_wait3A_237 = arith.constant 0 : i32
      %dma_wait3A_238 = arith.constant 0 : i32
      %dma_wait3A_239 = tpu.memref_slice %arg4[%dma_wait3A_237, %dma_wait3A_238] : memref<8x10000xi32, #tpu.memory_space<vmem>> -> memref<8x5120xi32, #tpu.memory_space<vmem>>
      tpu.wait_dma2 semaphore(%arg7 : memref<!tpu.dma_semaphore, #tpu.memory_space<semaphore_mem>>) src(%dma_wait3A_239 : memref<8x5120xi32, #tpu.memory_space<vmem>>) dst(%dma_wait3A_236 : memref<8x5120xi32, #tpu.memory_space<hbm>>)
      %dma_wait3A_240 = arith.constant 0 : i32
      %dma_wait3A_241 = arith.constant 6 : i32
      %dma_wait3A_242 = arith.constant 0 : i32
      %dma_wait3A_243 = arith.constant 5120 : i32
      %dma_wait3A_244 = tpu.memref_slice %arg4[%dma_wait3A_242, %dma_wait3A_243] : memref<8x10000xi32, #tpu.memory_space<vmem>> -> memref<8x4880xi32, #tpu.memory_space<vmem>>
      %dma_wait3A_245 = arith.constant 0 : i32
      %dma_wait3A_246 = arith.constant 0 : i32
      %dma_wait3A_247 = tpu.memref_slice %arg3[%dma_wait3A_240, %dma_wait3A_241, %dma_wait3A_245, %dma_wait3A_246] : memref<2x9x8x10000xi32, #tpu.memory_space<hbm>> -> memref<1x1x8x10000xi32, #tpu.memory_space<hbm>>
      %dma_wait3A_248 = tpu.memref_squeeze %dma_wait3A_247 : memref<1x1x8x10000xi32, #tpu.memory_space<hbm>> -> memref<8x10000xi32, #tpu.memory_space<hbm>>
      %dma_wait3A_249 = arith.constant 0 : i32
      %dma_wait3A_250 = arith.constant 5120 : i32
      %dma_wait3A_251 = tpu.memref_slice %dma_wait3A_248[%dma_wait3A_249, %dma_wait3A_250] : memref<8x10000xi32, #tpu.memory_space<hbm>> -> memref<8x4880xi32, #tpu.memory_space<hbm>>
      %dma_wait3A_252 = arith.constant 0 : i32
      %dma_wait3A_253 = arith.constant 0 : i32
      %dma_wait3A_254 = tpu.memref_slice %arg3[%dma_wait3A_240, %dma_wait3A_241, %dma_wait3A_252, %dma_wait3A_253] : memref<2x9x8x10000xi32, #tpu.memory_space<hbm>> -> memref<1x1x8x10000xi32, #tpu.memory_space<hbm>>
      %dma_wait3A_255 = tpu.memref_squeeze %dma_wait3A_254 : memref<1x1x8x10000xi32, #tpu.memory_space<hbm>> -> memref<8x10000xi32, #tpu.memory_space<hbm>>
      %dma_wait3A_256 = arith.constant 0 : i32
      %dma_wait3A_257 = arith.constant 5120 : i32
      %dma_wait3A_258 = tpu.memref_slice %dma_wait3A_255[%dma_wait3A_256, %dma_wait3A_257] : memref<8x10000xi32, #tpu.memory_space<hbm>> -> memref<8x4880xi32, #tpu.memory_space<hbm>>
      %dma_wait3A_259 = arith.constant 0 : i32
      %dma_wait3A_260 = arith.constant 5120 : i32
      %dma_wait3A_261 = tpu.memref_slice %arg4[%dma_wait3A_259, %dma_wait3A_260] : memref<8x10000xi32, #tpu.memory_space<vmem>> -> memref<8x4880xi32, #tpu.memory_space<vmem>>
      tpu.wait_dma2 semaphore(%arg8 : memref<!tpu.dma_semaphore, #tpu.memory_space<semaphore_mem>>) src(%dma_wait3A_261 : memref<8x4880xi32, #tpu.memory_space<vmem>>) dst(%dma_wait3A_258 : memref<8x4880xi32, #tpu.memory_space<hbm>>)
    } else {
    }
    %eq3A_33 = arith.constant 7 : i32
    %eq3A_34 = arith.cmpi eq, %add3A, %eq3A_33 : i32
    %convert_element_type3A_35 = arith.extui %eq3A_34 : i1 to i32
    %cond3A_36 = arith.constant 0 : i32
    %cond3A_37 = arith.cmpi ne, %convert_element_type3A_35, %cond3A_36 : i32
    scf.if %cond3A_37 {
      %dma_start3A = arith.constant 0 : i32
      %dma_start3A_88 = arith.constant 14 : i32
      %dma_start3A_89 = arith.constant 0 : i32
      %dma_start3A_90 = arith.constant 0 : i32
      %dma_start3A_91 = tpu.memref_slice %arg4[%dma_start3A_89, %dma_start3A_90] : memref<8x10000xi32, #tpu.memory_space<vmem>> -> memref<8x5120xi32, #tpu.memory_space<vmem>>
      %dma_start3A_92 = arith.constant 0 : i32
      %dma_start3A_93 = arith.constant 0 : i32
      %dma_start3A_94 = tpu.memref_slice %arg2[%dma_start3A, %dma_start3A_88, %dma_start3A_92, %dma_start3A_93] : memref<2x18x8x10000xi32, #tpu.memory_space<hbm>> -> memref<1x1x8x10000xi32, #tpu.memory_space<hbm>>
      %dma_start3A_95 = tpu.memref_squeeze %dma_start3A_94 : memref<1x1x8x10000xi32, #tpu.memory_space<hbm>> -> memref<8x10000xi32, #tpu.memory_space<hbm>>
      %dma_start3A_96 = arith.constant 0 : i32
      %dma_start3A_97 = arith.constant 0 : i32
      %dma_start3A_98 = tpu.memref_slice %dma_start3A_95[%dma_start3A_96, %dma_start3A_97] : memref<8x10000xi32, #tpu.memory_space<hbm>> -> memref<8x5120xi32, #tpu.memory_space<hbm>>
      %dma_start3A_99 = arith.constant 0 : i32
      %dma_start3A_100 = arith.constant 0 : i32
      %dma_start3A_101 = tpu.memref_slice %arg4[%dma_start3A_99, %dma_start3A_100] : memref<8x10000xi32, #tpu.memory_space<vmem>> -> memref<8x5120xi32, #tpu.memory_space<vmem>>
      %dma_start3A_102 = arith.constant 0 : i32
      %dma_start3A_103 = arith.constant 0 : i32
      %dma_start3A_104 = tpu.memref_slice %arg2[%dma_start3A, %dma_start3A_88, %dma_start3A_102, %dma_start3A_103] : memref<2x18x8x10000xi32, #tpu.memory_space<hbm>> -> memref<1x1x8x10000xi32, #tpu.memory_space<hbm>>
      %dma_start3A_105 = tpu.memref_squeeze %dma_start3A_104 : memref<1x1x8x10000xi32, #tpu.memory_space<hbm>> -> memref<8x10000xi32, #tpu.memory_space<hbm>>
      %dma_start3A_106 = arith.constant 0 : i32
      %dma_start3A_107 = arith.constant 0 : i32
      %dma_start3A_108 = tpu.memref_slice %dma_start3A_105[%dma_start3A_106, %dma_start3A_107] : memref<8x10000xi32, #tpu.memory_space<hbm>> -> memref<8x5120xi32, #tpu.memory_space<hbm>>
      tpu.enqueue_dma source(%dma_start3A_108 : memref<8x5120xi32, #tpu.memory_space<hbm>>) target(%dma_start3A_101 : memref<8x5120xi32, #tpu.memory_space<vmem>>) target_semaphore(%arg5 : memref<!tpu.dma_semaphore, #tpu.memory_space<semaphore_mem>>)
      %dma_start3A_109 = arith.constant 0 : i32
      %dma_start3A_110 = arith.constant 14 : i32
      %dma_start3A_111 = arith.constant 0 : i32
      %dma_start3A_112 = arith.constant 5120 : i32
      %dma_start3A_113 = tpu.memref_slice %arg4[%dma_start3A_111, %dma_start3A_112] : memref<8x10000xi32, #tpu.memory_space<vmem>> -> memref<8x4880xi32, #tpu.memory_space<vmem>>
      %dma_start3A_114 = arith.constant 0 : i32
      %dma_start3A_115 = arith.constant 0 : i32
      %dma_start3A_116 = tpu.memref_slice %arg2[%dma_start3A_109, %dma_start3A_110, %dma_start3A_114, %dma_start3A_115] : memref<2x18x8x10000xi32, #tpu.memory_space<hbm>> -> memref<1x1x8x10000xi32, #tpu.memory_space<hbm>>
      %dma_start3A_117 = tpu.memref_squeeze %dma_start3A_116 : memref<1x1x8x10000xi32, #tpu.memory_space<hbm>> -> memref<8x10000xi32, #tpu.memory_space<hbm>>
      %dma_start3A_118 = arith.constant 0 : i32
      %dma_start3A_119 = arith.constant 5120 : i32
      %dma_start3A_120 = tpu.memref_slice %dma_start3A_117[%dma_start3A_118, %dma_start3A_119] : memref<8x10000xi32, #tpu.memory_space<hbm>> -> memref<8x4880xi32, #tpu.memory_space<hbm>>
      %dma_start3A_121 = arith.constant 0 : i32
      %dma_start3A_122 = arith.constant 5120 : i32
      %dma_start3A_123 = tpu.memref_slice %arg4[%dma_start3A_121, %dma_start3A_122] : memref<8x10000xi32, #tpu.memory_space<vmem>> -> memref<8x4880xi32, #tpu.memory_space<vmem>>
      %dma_start3A_124 = arith.constant 0 : i32
      %dma_start3A_125 = arith.constant 0 : i32
      %dma_start3A_126 = tpu.memref_slice %arg2[%dma_start3A_109, %dma_start3A_110, %dma_start3A_124, %dma_start3A_125] : memref<2x18x8x10000xi32, #tpu.memory_space<hbm>> -> memref<1x1x8x10000xi32, #tpu.memory_space<hbm>>
      %dma_start3A_127 = tpu.memref_squeeze %dma_start3A_126 : memref<1x1x8x10000xi32, #tpu.memory_space<hbm>> -> memref<8x10000xi32, #tpu.memory_space<hbm>>
      %dma_start3A_128 = arith.constant 0 : i32
      %dma_start3A_129 = arith.constant 5120 : i32
      %dma_start3A_130 = tpu.memref_slice %dma_start3A_127[%dma_start3A_128, %dma_start3A_129] : memref<8x10000xi32, #tpu.memory_space<hbm>> -> memref<8x4880xi32, #tpu.memory_space<hbm>>
      tpu.enqueue_dma source(%dma_start3A_130 : memref<8x4880xi32, #tpu.memory_space<hbm>>) target(%dma_start3A_123 : memref<8x4880xi32, #tpu.memory_space<vmem>>) target_semaphore(%arg6 : memref<!tpu.dma_semaphore, #tpu.memory_space<semaphore_mem>>)
      %dma_wait3A = arith.constant 0 : i32
      %dma_wait3A_131 = arith.constant 14 : i32
      %dma_wait3A_132 = arith.constant 0 : i32
      %dma_wait3A_133 = arith.constant 0 : i32
      %dma_wait3A_134 = tpu.memref_slice %arg4[%dma_wait3A_132, %dma_wait3A_133] : memref<8x10000xi32, #tpu.memory_space<vmem>> -> memref<8x5120xi32, #tpu.memory_space<vmem>>
      %dma_wait3A_135 = arith.constant 0 : i32
      %dma_wait3A_136 = arith.constant 0 : i32
      %dma_wait3A_137 = tpu.memref_slice %arg2[%dma_wait3A, %dma_wait3A_131, %dma_wait3A_135, %dma_wait3A_136] : memref<2x18x8x10000xi32, #tpu.memory_space<hbm>> -> memref<1x1x8x10000xi32, #tpu.memory_space<hbm>>
      %dma_wait3A_138 = tpu.memref_squeeze %dma_wait3A_137 : memref<1x1x8x10000xi32, #tpu.memory_space<hbm>> -> memref<8x10000xi32, #tpu.memory_space<hbm>>
      %dma_wait3A_139 = arith.constant 0 : i32
      %dma_wait3A_140 = arith.constant 0 : i32
      %dma_wait3A_141 = tpu.memref_slice %dma_wait3A_138[%dma_wait3A_139, %dma_wait3A_140] : memref<8x10000xi32, #tpu.memory_space<hbm>> -> memref<8x5120xi32, #tpu.memory_space<hbm>>
      %dma_wait3A_142 = arith.constant 0 : i32
      %dma_wait3A_143 = arith.constant 0 : i32
      %dma_wait3A_144 = tpu.memref_slice %arg4[%dma_wait3A_142, %dma_wait3A_143] : memref<8x10000xi32, #tpu.memory_space<vmem>> -> memref<8x5120xi32, #tpu.memory_space<vmem>>
      %dma_wait3A_145 = arith.constant 0 : i32
      %dma_wait3A_146 = arith.constant 0 : i32
      %dma_wait3A_147 = tpu.memref_slice %arg2[%dma_wait3A, %dma_wait3A_131, %dma_wait3A_145, %dma_wait3A_146] : memref<2x18x8x10000xi32, #tpu.memory_space<hbm>> -> memref<1x1x8x10000xi32, #tpu.memory_space<hbm>>
      %dma_wait3A_148 = tpu.memref_squeeze %dma_wait3A_147 : memref<1x1x8x10000xi32, #tpu.memory_space<hbm>> -> memref<8x10000xi32, #tpu.memory_space<hbm>>
      %dma_wait3A_149 = arith.constant 0 : i32
      %dma_wait3A_150 = arith.constant 0 : i32
      %dma_wait3A_151 = tpu.memref_slice %dma_wait3A_148[%dma_wait3A_149, %dma_wait3A_150] : memref<8x10000xi32, #tpu.memory_space<hbm>> -> memref<8x5120xi32, #tpu.memory_space<hbm>>
      tpu.wait_dma2 semaphore(%arg5 : memref<!tpu.dma_semaphore, #tpu.memory_space<semaphore_mem>>) src(%dma_wait3A_151 : memref<8x5120xi32, #tpu.memory_space<hbm>>) dst(%dma_wait3A_144 : memref<8x5120xi32, #tpu.memory_space<vmem>>)
      %dma_start3A_152 = arith.constant 0 : i32
      %dma_start3A_153 = arith.constant 7 : i32
      %dma_start3A_154 = arith.constant 0 : i32
      %dma_start3A_155 = arith.constant 0 : i32
      %dma_start3A_156 = tpu.memref_slice %arg4[%dma_start3A_154, %dma_start3A_155] : memref<8x10000xi32, #tpu.memory_space<vmem>> -> memref<8x5120xi32, #tpu.memory_space<vmem>>
      %dma_start3A_157 = arith.constant 0 : i32
      %dma_start3A_158 = arith.constant 0 : i32
      %dma_start3A_159 = tpu.memref_slice %arg3[%dma_start3A_152, %dma_start3A_153, %dma_start3A_157, %dma_start3A_158] : memref<2x9x8x10000xi32, #tpu.memory_space<hbm>> -> memref<1x1x8x10000xi32, #tpu.memory_space<hbm>>
      %dma_start3A_160 = tpu.memref_squeeze %dma_start3A_159 : memref<1x1x8x10000xi32, #tpu.memory_space<hbm>> -> memref<8x10000xi32, #tpu.memory_space<hbm>>
      %dma_start3A_161 = arith.constant 0 : i32
      %dma_start3A_162 = arith.constant 0 : i32
      %dma_start3A_163 = tpu.memref_slice %dma_start3A_160[%dma_start3A_161, %dma_start3A_162] : memref<8x10000xi32, #tpu.memory_space<hbm>> -> memref<8x5120xi32, #tpu.memory_space<hbm>>
      %dma_start3A_164 = arith.constant 0 : i32
      %dma_start3A_165 = arith.constant 0 : i32
      %dma_start3A_166 = tpu.memref_slice %arg3[%dma_start3A_152, %dma_start3A_153, %dma_start3A_164, %dma_start3A_165] : memref<2x9x8x10000xi32, #tpu.memory_space<hbm>> -> memref<1x1x8x10000xi32, #tpu.memory_space<hbm>>
      %dma_start3A_167 = tpu.memref_squeeze %dma_start3A_166 : memref<1x1x8x10000xi32, #tpu.memory_space<hbm>> -> memref<8x10000xi32, #tpu.memory_space<hbm>>
      %dma_start3A_168 = arith.constant 0 : i32
      %dma_start3A_169 = arith.constant 0 : i32
      %dma_start3A_170 = tpu.memref_slice %dma_start3A_167[%dma_start3A_168, %dma_start3A_169] : memref<8x10000xi32, #tpu.memory_space<hbm>> -> memref<8x5120xi32, #tpu.memory_space<hbm>>
      %dma_start3A_171 = arith.constant 0 : i32
      %dma_start3A_172 = arith.constant 0 : i32
      %dma_start3A_173 = tpu.memref_slice %arg4[%dma_start3A_171, %dma_start3A_172] : memref<8x10000xi32, #tpu.memory_space<vmem>> -> memref<8x5120xi32, #tpu.memory_space<vmem>>
      tpu.enqueue_dma source(%dma_start3A_173 : memref<8x5120xi32, #tpu.memory_space<vmem>>) target(%dma_start3A_170 : memref<8x5120xi32, #tpu.memory_space<hbm>>) target_semaphore(%arg7 : memref<!tpu.dma_semaphore, #tpu.memory_space<semaphore_mem>>)
      %dma_wait3A_174 = arith.constant 0 : i32
      %dma_wait3A_175 = arith.constant 14 : i32
      %dma_wait3A_176 = arith.constant 0 : i32
      %dma_wait3A_177 = arith.constant 5120 : i32
      %dma_wait3A_178 = tpu.memref_slice %arg4[%dma_wait3A_176, %dma_wait3A_177] : memref<8x10000xi32, #tpu.memory_space<vmem>> -> memref<8x4880xi32, #tpu.memory_space<vmem>>
      %dma_wait3A_179 = arith.constant 0 : i32
      %dma_wait3A_180 = arith.constant 0 : i32
      %dma_wait3A_181 = tpu.memref_slice %arg2[%dma_wait3A_174, %dma_wait3A_175, %dma_wait3A_179, %dma_wait3A_180] : memref<2x18x8x10000xi32, #tpu.memory_space<hbm>> -> memref<1x1x8x10000xi32, #tpu.memory_space<hbm>>
      %dma_wait3A_182 = tpu.memref_squeeze %dma_wait3A_181 : memref<1x1x8x10000xi32, #tpu.memory_space<hbm>> -> memref<8x10000xi32, #tpu.memory_space<hbm>>
      %dma_wait3A_183 = arith.constant 0 : i32
      %dma_wait3A_184 = arith.constant 5120 : i32
      %dma_wait3A_185 = tpu.memref_slice %dma_wait3A_182[%dma_wait3A_183, %dma_wait3A_184] : memref<8x10000xi32, #tpu.memory_space<hbm>> -> memref<8x4880xi32, #tpu.memory_space<hbm>>
      %dma_wait3A_186 = arith.constant 0 : i32
      %dma_wait3A_187 = arith.constant 5120 : i32
      %dma_wait3A_188 = tpu.memref_slice %arg4[%dma_wait3A_186, %dma_wait3A_187] : memref<8x10000xi32, #tpu.memory_space<vmem>> -> memref<8x4880xi32, #tpu.memory_space<vmem>>
      %dma_wait3A_189 = arith.constant 0 : i32
      %dma_wait3A_190 = arith.constant 0 : i32
      %dma_wait3A_191 = tpu.memref_slice %arg2[%dma_wait3A_174, %dma_wait3A_175, %dma_wait3A_189, %dma_wait3A_190] : memref<2x18x8x10000xi32, #tpu.memory_space<hbm>> -> memref<1x1x8x10000xi32, #tpu.memory_space<hbm>>
      %dma_wait3A_192 = tpu.memref_squeeze %dma_wait3A_191 : memref<1x1x8x10000xi32, #tpu.memory_space<hbm>> -> memref<8x10000xi32, #tpu.memory_space<hbm>>
      %dma_wait3A_193 = arith.constant 0 : i32
      %dma_wait3A_194 = arith.constant 5120 : i32
      %dma_wait3A_195 = tpu.memref_slice %dma_wait3A_192[%dma_wait3A_193, %dma_wait3A_194] : memref<8x10000xi32, #tpu.memory_space<hbm>> -> memref<8x4880xi32, #tpu.memory_space<hbm>>
      tpu.wait_dma2 semaphore(%arg6 : memref<!tpu.dma_semaphore, #tpu.memory_space<semaphore_mem>>) src(%dma_wait3A_195 : memref<8x4880xi32, #tpu.memory_space<hbm>>) dst(%dma_wait3A_188 : memref<8x4880xi32, #tpu.memory_space<vmem>>)
      %dma_start3A_196 = arith.constant 0 : i32
      %dma_start3A_197 = arith.constant 7 : i32
      %dma_start3A_198 = arith.constant 0 : i32
      %dma_start3A_199 = arith.constant 5120 : i32
      %dma_start3A_200 = tpu.memref_slice %arg4[%dma_start3A_198, %dma_start3A_199] : memref<8x10000xi32, #tpu.memory_space<vmem>> -> memref<8x4880xi32, #tpu.memory_space<vmem>>
      %dma_start3A_201 = arith.constant 0 : i32
      %dma_start3A_202 = arith.constant 0 : i32
      %dma_start3A_203 = tpu.memref_slice %arg3[%dma_start3A_196, %dma_start3A_197, %dma_start3A_201, %dma_start3A_202] : memref<2x9x8x10000xi32, #tpu.memory_space<hbm>> -> memref<1x1x8x10000xi32, #tpu.memory_space<hbm>>
      %dma_start3A_204 = tpu.memref_squeeze %dma_start3A_203 : memref<1x1x8x10000xi32, #tpu.memory_space<hbm>> -> memref<8x10000xi32, #tpu.memory_space<hbm>>
      %dma_start3A_205 = arith.constant 0 : i32
      %dma_start3A_206 = arith.constant 5120 : i32
      %dma_start3A_207 = tpu.memref_slice %dma_start3A_204[%dma_start3A_205, %dma_start3A_206] : memref<8x10000xi32, #tpu.memory_space<hbm>> -> memref<8x4880xi32, #tpu.memory_space<hbm>>
      %dma_start3A_208 = arith.constant 0 : i32
      %dma_start3A_209 = arith.constant 0 : i32
      %dma_start3A_210 = tpu.memref_slice %arg3[%dma_start3A_196, %dma_start3A_197, %dma_start3A_208, %dma_start3A_209] : memref<2x9x8x10000xi32, #tpu.memory_space<hbm>> -> memref<1x1x8x10000xi32, #tpu.memory_space<hbm>>
      %dma_start3A_211 = tpu.memref_squeeze %dma_start3A_210 : memref<1x1x8x10000xi32, #tpu.memory_space<hbm>> -> memref<8x10000xi32, #tpu.memory_space<hbm>>
      %dma_start3A_212 = arith.constant 0 : i32
      %dma_start3A_213 = arith.constant 5120 : i32
      %dma_start3A_214 = tpu.memref_slice %dma_start3A_211[%dma_start3A_212, %dma_start3A_213] : memref<8x10000xi32, #tpu.memory_space<hbm>> -> memref<8x4880xi32, #tpu.memory_space<hbm>>
      %dma_start3A_215 = arith.constant 0 : i32
      %dma_start3A_216 = arith.constant 5120 : i32
      %dma_start3A_217 = tpu.memref_slice %arg4[%dma_start3A_215, %dma_start3A_216] : memref<8x10000xi32, #tpu.memory_space<vmem>> -> memref<8x4880xi32, #tpu.memory_space<vmem>>
      tpu.enqueue_dma source(%dma_start3A_217 : memref<8x4880xi32, #tpu.memory_space<vmem>>) target(%dma_start3A_214 : memref<8x4880xi32, #tpu.memory_space<hbm>>) target_semaphore(%arg8 : memref<!tpu.dma_semaphore, #tpu.memory_space<semaphore_mem>>)
      %dma_wait3A_218 = arith.constant 0 : i32
      %dma_wait3A_219 = arith.constant 7 : i32
      %dma_wait3A_220 = arith.constant 0 : i32
      %dma_wait3A_221 = arith.constant 0 : i32
      %dma_wait3A_222 = tpu.memref_slice %arg4[%dma_wait3A_220, %dma_wait3A_221] : memref<8x10000xi32, #tpu.memory_space<vmem>> -> memref<8x5120xi32, #tpu.memory_space<vmem>>
      %dma_wait3A_223 = arith.constant 0 : i32
      %dma_wait3A_224 = arith.constant 0 : i32
      %dma_wait3A_225 = tpu.memref_slice %arg3[%dma_wait3A_218, %dma_wait3A_219, %dma_wait3A_223, %dma_wait3A_224] : memref<2x9x8x10000xi32, #tpu.memory_space<hbm>> -> memref<1x1x8x10000xi32, #tpu.memory_space<hbm>>
      %dma_wait3A_226 = tpu.memref_squeeze %dma_wait3A_225 : memref<1x1x8x10000xi32, #tpu.memory_space<hbm>> -> memref<8x10000xi32, #tpu.memory_space<hbm>>
      %dma_wait3A_227 = arith.constant 0 : i32
      %dma_wait3A_228 = arith.constant 0 : i32
      %dma_wait3A_229 = tpu.memref_slice %dma_wait3A_226[%dma_wait3A_227, %dma_wait3A_228] : memref<8x10000xi32, #tpu.memory_space<hbm>> -> memref<8x5120xi32, #tpu.memory_space<hbm>>
      %dma_wait3A_230 = arith.constant 0 : i32
      %dma_wait3A_231 = arith.constant 0 : i32
      %dma_wait3A_232 = tpu.memref_slice %arg3[%dma_wait3A_218, %dma_wait3A_219, %dma_wait3A_230, %dma_wait3A_231] : memref<2x9x8x10000xi32, #tpu.memory_space<hbm>> -> memref<1x1x8x10000xi32, #tpu.memory_space<hbm>>
      %dma_wait3A_233 = tpu.memref_squeeze %dma_wait3A_232 : memref<1x1x8x10000xi32, #tpu.memory_space<hbm>> -> memref<8x10000xi32, #tpu.memory_space<hbm>>
      %dma_wait3A_234 = arith.constant 0 : i32
      %dma_wait3A_235 = arith.constant 0 : i32
      %dma_wait3A_236 = tpu.memref_slice %dma_wait3A_233[%dma_wait3A_234, %dma_wait3A_235] : memref<8x10000xi32, #tpu.memory_space<hbm>> -> memref<8x5120xi32, #tpu.memory_space<hbm>>
      %dma_wait3A_237 = arith.constant 0 : i32
      %dma_wait3A_238 = arith.constant 0 : i32
      %dma_wait3A_239 = tpu.memref_slice %arg4[%dma_wait3A_237, %dma_wait3A_238] : memref<8x10000xi32, #tpu.memory_space<vmem>> -> memref<8x5120xi32, #tpu.memory_space<vmem>>
      tpu.wait_dma2 semaphore(%arg7 : memref<!tpu.dma_semaphore, #tpu.memory_space<semaphore_mem>>) src(%dma_wait3A_239 : memref<8x5120xi32, #tpu.memory_space<vmem>>) dst(%dma_wait3A_236 : memref<8x5120xi32, #tpu.memory_space<hbm>>)
      %dma_wait3A_240 = arith.constant 0 : i32
      %dma_wait3A_241 = arith.constant 7 : i32
      %dma_wait3A_242 = arith.constant 0 : i32
      %dma_wait3A_243 = arith.constant 5120 : i32
      %dma_wait3A_244 = tpu.memref_slice %arg4[%dma_wait3A_242, %dma_wait3A_243] : memref<8x10000xi32, #tpu.memory_space<vmem>> -> memref<8x4880xi32, #tpu.memory_space<vmem>>
      %dma_wait3A_245 = arith.constant 0 : i32
      %dma_wait3A_246 = arith.constant 0 : i32
      %dma_wait3A_247 = tpu.memref_slice %arg3[%dma_wait3A_240, %dma_wait3A_241, %dma_wait3A_245, %dma_wait3A_246] : memref<2x9x8x10000xi32, #tpu.memory_space<hbm>> -> memref<1x1x8x10000xi32, #tpu.memory_space<hbm>>
      %dma_wait3A_248 = tpu.memref_squeeze %dma_wait3A_247 : memref<1x1x8x10000xi32, #tpu.memory_space<hbm>> -> memref<8x10000xi32, #tpu.memory_space<hbm>>
      %dma_wait3A_249 = arith.constant 0 : i32
      %dma_wait3A_250 = arith.constant 5120 : i32
      %dma_wait3A_251 = tpu.memref_slice %dma_wait3A_248[%dma_wait3A_249, %dma_wait3A_250] : memref<8x10000xi32, #tpu.memory_space<hbm>> -> memref<8x4880xi32, #tpu.memory_space<hbm>>
      %dma_wait3A_252 = arith.constant 0 : i32
      %dma_wait3A_253 = arith.constant 0 : i32
      %dma_wait3A_254 = tpu.memref_slice %arg3[%dma_wait3A_240, %dma_wait3A_241, %dma_wait3A_252, %dma_wait3A_253] : memref<2x9x8x10000xi32, #tpu.memory_space<hbm>> -> memref<1x1x8x10000xi32, #tpu.memory_space<hbm>>
      %dma_wait3A_255 = tpu.memref_squeeze %dma_wait3A_254 : memref<1x1x8x10000xi32, #tpu.memory_space<hbm>> -> memref<8x10000xi32, #tpu.memory_space<hbm>>
      %dma_wait3A_256 = arith.constant 0 : i32
      %dma_wait3A_257 = arith.constant 5120 : i32
      %dma_wait3A_258 = tpu.memref_slice %dma_wait3A_255[%dma_wait3A_256, %dma_wait3A_257] : memref<8x10000xi32, #tpu.memory_space<hbm>> -> memref<8x4880xi32, #tpu.memory_space<hbm>>
      %dma_wait3A_259 = arith.constant 0 : i32
      %dma_wait3A_260 = arith.constant 5120 : i32
      %dma_wait3A_261 = tpu.memref_slice %arg4[%dma_wait3A_259, %dma_wait3A_260] : memref<8x10000xi32, #tpu.memory_space<vmem>> -> memref<8x4880xi32, #tpu.memory_space<vmem>>
      tpu.wait_dma2 semaphore(%arg8 : memref<!tpu.dma_semaphore, #tpu.memory_space<semaphore_mem>>) src(%dma_wait3A_261 : memref<8x4880xi32, #tpu.memory_space<vmem>>) dst(%dma_wait3A_258 : memref<8x4880xi32, #tpu.memory_space<hbm>>)
    } else {
    }
    %eq3A_38 = arith.constant 8 : i32
    %eq3A_39 = arith.cmpi eq, %add3A, %eq3A_38 : i32
    %convert_element_type3A_40 = arith.extui %eq3A_39 : i1 to i32
    %cond3A_41 = arith.constant 0 : i32
    %cond3A_42 = arith.cmpi ne, %convert_element_type3A_40, %cond3A_41 : i32
    scf.if %cond3A_42 {
      %dma_start3A = arith.constant 0 : i32
      %dma_start3A_88 = arith.constant 16 : i32
      %dma_start3A_89 = arith.constant 0 : i32
      %dma_start3A_90 = arith.constant 0 : i32
      %dma_start3A_91 = tpu.memref_slice %arg4[%dma_start3A_89, %dma_start3A_90] : memref<8x10000xi32, #tpu.memory_space<vmem>> -> memref<8x5120xi32, #tpu.memory_space<vmem>>
      %dma_start3A_92 = arith.constant 0 : i32
      %dma_start3A_93 = arith.constant 0 : i32
      %dma_start3A_94 = tpu.memref_slice %arg2[%dma_start3A, %dma_start3A_88, %dma_start3A_92, %dma_start3A_93] : memref<2x18x8x10000xi32, #tpu.memory_space<hbm>> -> memref<1x1x8x10000xi32, #tpu.memory_space<hbm>>
      %dma_start3A_95 = tpu.memref_squeeze %dma_start3A_94 : memref<1x1x8x10000xi32, #tpu.memory_space<hbm>> -> memref<8x10000xi32, #tpu.memory_space<hbm>>
      %dma_start3A_96 = arith.constant 0 : i32
      %dma_start3A_97 = arith.constant 0 : i32
      %dma_start3A_98 = tpu.memref_slice %dma_start3A_95[%dma_start3A_96, %dma_start3A_97] : memref<8x10000xi32, #tpu.memory_space<hbm>> -> memref<8x5120xi32, #tpu.memory_space<hbm>>
      %dma_start3A_99 = arith.constant 0 : i32
      %dma_start3A_100 = arith.constant 0 : i32
      %dma_start3A_101 = tpu.memref_slice %arg4[%dma_start3A_99, %dma_start3A_100] : memref<8x10000xi32, #tpu.memory_space<vmem>> -> memref<8x5120xi32, #tpu.memory_space<vmem>>
      %dma_start3A_102 = arith.constant 0 : i32
      %dma_start3A_103 = arith.constant 0 : i32
      %dma_start3A_104 = tpu.memref_slice %arg2[%dma_start3A, %dma_start3A_88, %dma_start3A_102, %dma_start3A_103] : memref<2x18x8x10000xi32, #tpu.memory_space<hbm>> -> memref<1x1x8x10000xi32, #tpu.memory_space<hbm>>
      %dma_start3A_105 = tpu.memref_squeeze %dma_start3A_104 : memref<1x1x8x10000xi32, #tpu.memory_space<hbm>> -> memref<8x10000xi32, #tpu.memory_space<hbm>>
      %dma_start3A_106 = arith.constant 0 : i32
      %dma_start3A_107 = arith.constant 0 : i32
      %dma_start3A_108 = tpu.memref_slice %dma_start3A_105[%dma_start3A_106, %dma_start3A_107] : memref<8x10000xi32, #tpu.memory_space<hbm>> -> memref<8x5120xi32, #tpu.memory_space<hbm>>
      tpu.enqueue_dma source(%dma_start3A_108 : memref<8x5120xi32, #tpu.memory_space<hbm>>) target(%dma_start3A_101 : memref<8x5120xi32, #tpu.memory_space<vmem>>) target_semaphore(%arg5 : memref<!tpu.dma_semaphore, #tpu.memory_space<semaphore_mem>>)
      %dma_start3A_109 = arith.constant 0 : i32
      %dma_start3A_110 = arith.constant 16 : i32
      %dma_start3A_111 = arith.constant 0 : i32
      %dma_start3A_112 = arith.constant 5120 : i32
      %dma_start3A_113 = tpu.memref_slice %arg4[%dma_start3A_111, %dma_start3A_112] : memref<8x10000xi32, #tpu.memory_space<vmem>> -> memref<8x4880xi32, #tpu.memory_space<vmem>>
      %dma_start3A_114 = arith.constant 0 : i32
      %dma_start3A_115 = arith.constant 0 : i32
      %dma_start3A_116 = tpu.memref_slice %arg2[%dma_start3A_109, %dma_start3A_110, %dma_start3A_114, %dma_start3A_115] : memref<2x18x8x10000xi32, #tpu.memory_space<hbm>> -> memref<1x1x8x10000xi32, #tpu.memory_space<hbm>>
      %dma_start3A_117 = tpu.memref_squeeze %dma_start3A_116 : memref<1x1x8x10000xi32, #tpu.memory_space<hbm>> -> memref<8x10000xi32, #tpu.memory_space<hbm>>
      %dma_start3A_118 = arith.constant 0 : i32
      %dma_start3A_119 = arith.constant 5120 : i32
      %dma_start3A_120 = tpu.memref_slice %dma_start3A_117[%dma_start3A_118, %dma_start3A_119] : memref<8x10000xi32, #tpu.memory_space<hbm>> -> memref<8x4880xi32, #tpu.memory_space<hbm>>
      %dma_start3A_121 = arith.constant 0 : i32
      %dma_start3A_122 = arith.constant 5120 : i32
      %dma_start3A_123 = tpu.memref_slice %arg4[%dma_start3A_121, %dma_start3A_122] : memref<8x10000xi32, #tpu.memory_space<vmem>> -> memref<8x4880xi32, #tpu.memory_space<vmem>>
      %dma_start3A_124 = arith.constant 0 : i32
      %dma_start3A_125 = arith.constant 0 : i32
      %dma_start3A_126 = tpu.memref_slice %arg2[%dma_start3A_109, %dma_start3A_110, %dma_start3A_124, %dma_start3A_125] : memref<2x18x8x10000xi32, #tpu.memory_space<hbm>> -> memref<1x1x8x10000xi32, #tpu.memory_space<hbm>>
      %dma_start3A_127 = tpu.memref_squeeze %dma_start3A_126 : memref<1x1x8x10000xi32, #tpu.memory_space<hbm>> -> memref<8x10000xi32, #tpu.memory_space<hbm>>
      %dma_start3A_128 = arith.constant 0 : i32
      %dma_start3A_129 = arith.constant 5120 : i32
      %dma_start3A_130 = tpu.memref_slice %dma_start3A_127[%dma_start3A_128, %dma_start3A_129] : memref<8x10000xi32, #tpu.memory_space<hbm>> -> memref<8x4880xi32, #tpu.memory_space<hbm>>
      tpu.enqueue_dma source(%dma_start3A_130 : memref<8x4880xi32, #tpu.memory_space<hbm>>) target(%dma_start3A_123 : memref<8x4880xi32, #tpu.memory_space<vmem>>) target_semaphore(%arg6 : memref<!tpu.dma_semaphore, #tpu.memory_space<semaphore_mem>>)
      %dma_wait3A = arith.constant 0 : i32
      %dma_wait3A_131 = arith.constant 16 : i32
      %dma_wait3A_132 = arith.constant 0 : i32
      %dma_wait3A_133 = arith.constant 0 : i32
      %dma_wait3A_134 = tpu.memref_slice %arg4[%dma_wait3A_132, %dma_wait3A_133] : memref<8x10000xi32, #tpu.memory_space<vmem>> -> memref<8x5120xi32, #tpu.memory_space<vmem>>
      %dma_wait3A_135 = arith.constant 0 : i32
      %dma_wait3A_136 = arith.constant 0 : i32
      %dma_wait3A_137 = tpu.memref_slice %arg2[%dma_wait3A, %dma_wait3A_131, %dma_wait3A_135, %dma_wait3A_136] : memref<2x18x8x10000xi32, #tpu.memory_space<hbm>> -> memref<1x1x8x10000xi32, #tpu.memory_space<hbm>>
      %dma_wait3A_138 = tpu.memref_squeeze %dma_wait3A_137 : memref<1x1x8x10000xi32, #tpu.memory_space<hbm>> -> memref<8x10000xi32, #tpu.memory_space<hbm>>
      %dma_wait3A_139 = arith.constant 0 : i32
      %dma_wait3A_140 = arith.constant 0 : i32
      %dma_wait3A_141 = tpu.memref_slice %dma_wait3A_138[%dma_wait3A_139, %dma_wait3A_140] : memref<8x10000xi32, #tpu.memory_space<hbm>> -> memref<8x5120xi32, #tpu.memory_space<hbm>>
      %dma_wait3A_142 = arith.constant 0 : i32
      %dma_wait3A_143 = arith.constant 0 : i32
      %dma_wait3A_144 = tpu.memref_slice %arg4[%dma_wait3A_142, %dma_wait3A_143] : memref<8x10000xi32, #tpu.memory_space<vmem>> -> memref<8x5120xi32, #tpu.memory_space<vmem>>
      %dma_wait3A_145 = arith.constant 0 : i32
      %dma_wait3A_146 = arith.constant 0 : i32
      %dma_wait3A_147 = tpu.memref_slice %arg2[%dma_wait3A, %dma_wait3A_131, %dma_wait3A_145, %dma_wait3A_146] : memref<2x18x8x10000xi32, #tpu.memory_space<hbm>> -> memref<1x1x8x10000xi32, #tpu.memory_space<hbm>>
      %dma_wait3A_148 = tpu.memref_squeeze %dma_wait3A_147 : memref<1x1x8x10000xi32, #tpu.memory_space<hbm>> -> memref<8x10000xi32, #tpu.memory_space<hbm>>
      %dma_wait3A_149 = arith.constant 0 : i32
      %dma_wait3A_150 = arith.constant 0 : i32
      %dma_wait3A_151 = tpu.memref_slice %dma_wait3A_148[%dma_wait3A_149, %dma_wait3A_150] : memref<8x10000xi32, #tpu.memory_space<hbm>> -> memref<8x5120xi32, #tpu.memory_space<hbm>>
      tpu.wait_dma2 semaphore(%arg5 : memref<!tpu.dma_semaphore, #tpu.memory_space<semaphore_mem>>) src(%dma_wait3A_151 : memref<8x5120xi32, #tpu.memory_space<hbm>>) dst(%dma_wait3A_144 : memref<8x5120xi32, #tpu.memory_space<vmem>>)
      %dma_start3A_152 = arith.constant 0 : i32
      %dma_start3A_153 = arith.constant 8 : i32
      %dma_start3A_154 = arith.constant 0 : i32
      %dma_start3A_155 = arith.constant 0 : i32
      %dma_start3A_156 = tpu.memref_slice %arg4[%dma_start3A_154, %dma_start3A_155] : memref<8x10000xi32, #tpu.memory_space<vmem>> -> memref<8x5120xi32, #tpu.memory_space<vmem>>
      %dma_start3A_157 = arith.constant 0 : i32
      %dma_start3A_158 = arith.constant 0 : i32
      %dma_start3A_159 = tpu.memref_slice %arg3[%dma_start3A_152, %dma_start3A_153, %dma_start3A_157, %dma_start3A_158] : memref<2x9x8x10000xi32, #tpu.memory_space<hbm>> -> memref<1x1x8x10000xi32, #tpu.memory_space<hbm>>
      %dma_start3A_160 = tpu.memref_squeeze %dma_start3A_159 : memref<1x1x8x10000xi32, #tpu.memory_space<hbm>> -> memref<8x10000xi32, #tpu.memory_space<hbm>>
      %dma_start3A_161 = arith.constant 0 : i32
      %dma_start3A_162 = arith.constant 0 : i32
      %dma_start3A_163 = tpu.memref_slice %dma_start3A_160[%dma_start3A_161, %dma_start3A_162] : memref<8x10000xi32, #tpu.memory_space<hbm>> -> memref<8x5120xi32, #tpu.memory_space<hbm>>
      %dma_start3A_164 = arith.constant 0 : i32
      %dma_start3A_165 = arith.constant 0 : i32
      %dma_start3A_166 = tpu.memref_slice %arg3[%dma_start3A_152, %dma_start3A_153, %dma_start3A_164, %dma_start3A_165] : memref<2x9x8x10000xi32, #tpu.memory_space<hbm>> -> memref<1x1x8x10000xi32, #tpu.memory_space<hbm>>
      %dma_start3A_167 = tpu.memref_squeeze %dma_start3A_166 : memref<1x1x8x10000xi32, #tpu.memory_space<hbm>> -> memref<8x10000xi32, #tpu.memory_space<hbm>>
      %dma_start3A_168 = arith.constant 0 : i32
      %dma_start3A_169 = arith.constant 0 : i32
      %dma_start3A_170 = tpu.memref_slice %dma_start3A_167[%dma_start3A_168, %dma_start3A_169] : memref<8x10000xi32, #tpu.memory_space<hbm>> -> memref<8x5120xi32, #tpu.memory_space<hbm>>
      %dma_start3A_171 = arith.constant 0 : i32
      %dma_start3A_172 = arith.constant 0 : i32
      %dma_start3A_173 = tpu.memref_slice %arg4[%dma_start3A_171, %dma_start3A_172] : memref<8x10000xi32, #tpu.memory_space<vmem>> -> memref<8x5120xi32, #tpu.memory_space<vmem>>
      tpu.enqueue_dma source(%dma_start3A_173 : memref<8x5120xi32, #tpu.memory_space<vmem>>) target(%dma_start3A_170 : memref<8x5120xi32, #tpu.memory_space<hbm>>) target_semaphore(%arg7 : memref<!tpu.dma_semaphore, #tpu.memory_space<semaphore_mem>>)
      %dma_wait3A_174 = arith.constant 0 : i32
      %dma_wait3A_175 = arith.constant 16 : i32
      %dma_wait3A_176 = arith.constant 0 : i32
      %dma_wait3A_177 = arith.constant 5120 : i32
      %dma_wait3A_178 = tpu.memref_slice %arg4[%dma_wait3A_176, %dma_wait3A_177] : memref<8x10000xi32, #tpu.memory_space<vmem>> -> memref<8x4880xi32, #tpu.memory_space<vmem>>
      %dma_wait3A_179 = arith.constant 0 : i32
      %dma_wait3A_180 = arith.constant 0 : i32
      %dma_wait3A_181 = tpu.memref_slice %arg2[%dma_wait3A_174, %dma_wait3A_175, %dma_wait3A_179, %dma_wait3A_180] : memref<2x18x8x10000xi32, #tpu.memory_space<hbm>> -> memref<1x1x8x10000xi32, #tpu.memory_space<hbm>>
      %dma_wait3A_182 = tpu.memref_squeeze %dma_wait3A_181 : memref<1x1x8x10000xi32, #tpu.memory_space<hbm>> -> memref<8x10000xi32, #tpu.memory_space<hbm>>
      %dma_wait3A_183 = arith.constant 0 : i32
      %dma_wait3A_184 = arith.constant 5120 : i32
      %dma_wait3A_185 = tpu.memref_slice %dma_wait3A_182[%dma_wait3A_183, %dma_wait3A_184] : memref<8x10000xi32, #tpu.memory_space<hbm>> -> memref<8x4880xi32, #tpu.memory_space<hbm>>
      %dma_wait3A_186 = arith.constant 0 : i32
      %dma_wait3A_187 = arith.constant 5120 : i32
      %dma_wait3A_188 = tpu.memref_slice %arg4[%dma_wait3A_186, %dma_wait3A_187] : memref<8x10000xi32, #tpu.memory_space<vmem>> -> memref<8x4880xi32, #tpu.memory_space<vmem>>
      %dma_wait3A_189 = arith.constant 0 : i32
      %dma_wait3A_190 = arith.constant 0 : i32
      %dma_wait3A_191 = tpu.memref_slice %arg2[%dma_wait3A_174, %dma_wait3A_175, %dma_wait3A_189, %dma_wait3A_190] : memref<2x18x8x10000xi32, #tpu.memory_space<hbm>> -> memref<1x1x8x10000xi32, #tpu.memory_space<hbm>>
      %dma_wait3A_192 = tpu.memref_squeeze %dma_wait3A_191 : memref<1x1x8x10000xi32, #tpu.memory_space<hbm>> -> memref<8x10000xi32, #tpu.memory_space<hbm>>
      %dma_wait3A_193 = arith.constant 0 : i32
      %dma_wait3A_194 = arith.constant 5120 : i32
      %dma_wait3A_195 = tpu.memref_slice %dma_wait3A_192[%dma_wait3A_193, %dma_wait3A_194] : memref<8x10000xi32, #tpu.memory_space<hbm>> -> memref<8x4880xi32, #tpu.memory_space<hbm>>
      tpu.wait_dma2 semaphore(%arg6 : memref<!tpu.dma_semaphore, #tpu.memory_space<semaphore_mem>>) src(%dma_wait3A_195 : memref<8x4880xi32, #tpu.memory_space<hbm>>) dst(%dma_wait3A_188 : memref<8x4880xi32, #tpu.memory_space<vmem>>)
      %dma_start3A_196 = arith.constant 0 : i32
      %dma_start3A_197 = arith.constant 8 : i32
      %dma_start3A_198 = arith.constant 0 : i32
      %dma_start3A_199 = arith.constant 5120 : i32
      %dma_start3A_200 = tpu.memref_slice %arg4[%dma_start3A_198, %dma_start3A_199] : memref<8x10000xi32, #tpu.memory_space<vmem>> -> memref<8x4880xi32, #tpu.memory_space<vmem>>
      %dma_start3A_201 = arith.constant 0 : i32
      %dma_start3A_202 = arith.constant 0 : i32
      %dma_start3A_203 = tpu.memref_slice %arg3[%dma_start3A_196, %dma_start3A_197, %dma_start3A_201, %dma_start3A_202] : memref<2x9x8x10000xi32, #tpu.memory_space<hbm>> -> memref<1x1x8x10000xi32, #tpu.memory_space<hbm>>
      %dma_start3A_204 = tpu.memref_squeeze %dma_start3A_203 : memref<1x1x8x10000xi32, #tpu.memory_space<hbm>> -> memref<8x10000xi32, #tpu.memory_space<hbm>>
      %dma_start3A_205 = arith.constant 0 : i32
      %dma_start3A_206 = arith.constant 5120 : i32
      %dma_start3A_207 = tpu.memref_slice %dma_start3A_204[%dma_start3A_205, %dma_start3A_206] : memref<8x10000xi32, #tpu.memory_space<hbm>> -> memref<8x4880xi32, #tpu.memory_space<hbm>>
      %dma_start3A_208 = arith.constant 0 : i32
      %dma_start3A_209 = arith.constant 0 : i32
      %dma_start3A_210 = tpu.memref_slice %arg3[%dma_start3A_196, %dma_start3A_197, %dma_start3A_208, %dma_start3A_209] : memref<2x9x8x10000xi32, #tpu.memory_space<hbm>> -> memref<1x1x8x10000xi32, #tpu.memory_space<hbm>>
      %dma_start3A_211 = tpu.memref_squeeze %dma_start3A_210 : memref<1x1x8x10000xi32, #tpu.memory_space<hbm>> -> memref<8x10000xi32, #tpu.memory_space<hbm>>
      %dma_start3A_212 = arith.constant 0 : i32
      %dma_start3A_213 = arith.constant 5120 : i32
      %dma_start3A_214 = tpu.memref_slice %dma_start3A_211[%dma_start3A_212, %dma_start3A_213] : memref<8x10000xi32, #tpu.memory_space<hbm>> -> memref<8x4880xi32, #tpu.memory_space<hbm>>
      %dma_start3A_215 = arith.constant 0 : i32
      %dma_start3A_216 = arith.constant 5120 : i32
      %dma_start3A_217 = tpu.memref_slice %arg4[%dma_start3A_215, %dma_start3A_216] : memref<8x10000xi32, #tpu.memory_space<vmem>> -> memref<8x4880xi32, #tpu.memory_space<vmem>>
      tpu.enqueue_dma source(%dma_start3A_217 : memref<8x4880xi32, #tpu.memory_space<vmem>>) target(%dma_start3A_214 : memref<8x4880xi32, #tpu.memory_space<hbm>>) target_semaphore(%arg8 : memref<!tpu.dma_semaphore, #tpu.memory_space<semaphore_mem>>)
      %dma_wait3A_218 = arith.constant 0 : i32
      %dma_wait3A_219 = arith.constant 8 : i32
      %dma_wait3A_220 = arith.constant 0 : i32
      %dma_wait3A_221 = arith.constant 0 : i32
      %dma_wait3A_222 = tpu.memref_slice %arg4[%dma_wait3A_220, %dma_wait3A_221] : memref<8x10000xi32, #tpu.memory_space<vmem>> -> memref<8x5120xi32, #tpu.memory_space<vmem>>
      %dma_wait3A_223 = arith.constant 0 : i32
      %dma_wait3A_224 = arith.constant 0 : i32
      %dma_wait3A_225 = tpu.memref_slice %arg3[%dma_wait3A_218, %dma_wait3A_219, %dma_wait3A_223, %dma_wait3A_224] : memref<2x9x8x10000xi32, #tpu.memory_space<hbm>> -> memref<1x1x8x10000xi32, #tpu.memory_space<hbm>>
      %dma_wait3A_226 = tpu.memref_squeeze %dma_wait3A_225 : memref<1x1x8x10000xi32, #tpu.memory_space<hbm>> -> memref<8x10000xi32, #tpu.memory_space<hbm>>
      %dma_wait3A_227 = arith.constant 0 : i32
      %dma_wait3A_228 = arith.constant 0 : i32
      %dma_wait3A_229 = tpu.memref_slice %dma_wait3A_226[%dma_wait3A_227, %dma_wait3A_228] : memref<8x10000xi32, #tpu.memory_space<hbm>> -> memref<8x5120xi32, #tpu.memory_space<hbm>>
      %dma_wait3A_230 = arith.constant 0 : i32
      %dma_wait3A_231 = arith.constant 0 : i32
      %dma_wait3A_232 = tpu.memref_slice %arg3[%dma_wait3A_218, %dma_wait3A_219, %dma_wait3A_230, %dma_wait3A_231] : memref<2x9x8x10000xi32, #tpu.memory_space<hbm>> -> memref<1x1x8x10000xi32, #tpu.memory_space<hbm>>
      %dma_wait3A_233 = tpu.memref_squeeze %dma_wait3A_232 : memref<1x1x8x10000xi32, #tpu.memory_space<hbm>> -> memref<8x10000xi32, #tpu.memory_space<hbm>>
      %dma_wait3A_234 = arith.constant 0 : i32
      %dma_wait3A_235 = arith.constant 0 : i32
      %dma_wait3A_236 = tpu.memref_slice %dma_wait3A_233[%dma_wait3A_234, %dma_wait3A_235] : memref<8x10000xi32, #tpu.memory_space<hbm>> -> memref<8x5120xi32, #tpu.memory_space<hbm>>
      %dma_wait3A_237 = arith.constant 0 : i32
      %dma_wait3A_238 = arith.constant 0 : i32
      %dma_wait3A_239 = tpu.memref_slice %arg4[%dma_wait3A_237, %dma_wait3A_238] : memref<8x10000xi32, #tpu.memory_space<vmem>> -> memref<8x5120xi32, #tpu.memory_space<vmem>>
      tpu.wait_dma2 semaphore(%arg7 : memref<!tpu.dma_semaphore, #tpu.memory_space<semaphore_mem>>) src(%dma_wait3A_239 : memref<8x5120xi32, #tpu.memory_space<vmem>>) dst(%dma_wait3A_236 : memref<8x5120xi32, #tpu.memory_space<hbm>>)
      %dma_wait3A_240 = arith.constant 0 : i32
      %dma_wait3A_241 = arith.constant 8 : i32
      %dma_wait3A_242 = arith.constant 0 : i32
      %dma_wait3A_243 = arith.constant 5120 : i32
      %dma_wait3A_244 = tpu.memref_slice %arg4[%dma_wait3A_242, %dma_wait3A_243] : memref<8x10000xi32, #tpu.memory_space<vmem>> -> memref<8x4880xi32, #tpu.memory_space<vmem>>
      %dma_wait3A_245 = arith.constant 0 : i32
      %dma_wait3A_246 = arith.constant 0 : i32
      %dma_wait3A_247 = tpu.memref_slice %arg3[%dma_wait3A_240, %dma_wait3A_241, %dma_wait3A_245, %dma_wait3A_246] : memref<2x9x8x10000xi32, #tpu.memory_space<hbm>> -> memref<1x1x8x10000xi32, #tpu.memory_space<hbm>>
      %dma_wait3A_248 = tpu.memref_squeeze %dma_wait3A_247 : memref<1x1x8x10000xi32, #tpu.memory_space<hbm>> -> memref<8x10000xi32, #tpu.memory_space<hbm>>
      %dma_wait3A_249 = arith.constant 0 : i32
      %dma_wait3A_250 = arith.constant 5120 : i32
      %dma_wait3A_251 = tpu.memref_slice %dma_wait3A_248[%dma_wait3A_249, %dma_wait3A_250] : memref<8x10000xi32, #tpu.memory_space<hbm>> -> memref<8x4880xi32, #tpu.memory_space<hbm>>
      %dma_wait3A_252 = arith.constant 0 : i32
      %dma_wait3A_253 = arith.constant 0 : i32
      %dma_wait3A_254 = tpu.memref_slice %arg3[%dma_wait3A_240, %dma_wait3A_241, %dma_wait3A_252, %dma_wait3A_253] : memref<2x9x8x10000xi32, #tpu.memory_space<hbm>> -> memref<1x1x8x10000xi32, #tpu.memory_space<hbm>>
      %dma_wait3A_255 = tpu.memref_squeeze %dma_wait3A_254 : memref<1x1x8x10000xi32, #tpu.memory_space<hbm>> -> memref<8x10000xi32, #tpu.memory_space<hbm>>
      %dma_wait3A_256 = arith.constant 0 : i32
      %dma_wait3A_257 = arith.constant 5120 : i32
      %dma_wait3A_258 = tpu.memref_slice %dma_wait3A_255[%dma_wait3A_256, %dma_wait3A_257] : memref<8x10000xi32, #tpu.memory_space<hbm>> -> memref<8x4880xi32, #tpu.memory_space<hbm>>
      %dma_wait3A_259 = arith.constant 0 : i32
      %dma_wait3A_260 = arith.constant 5120 : i32
      %dma_wait3A_261 = tpu.memref_slice %arg4[%dma_wait3A_259, %dma_wait3A_260] : memref<8x10000xi32, #tpu.memory_space<vmem>> -> memref<8x4880xi32, #tpu.memory_space<vmem>>
      tpu.wait_dma2 semaphore(%arg8 : memref<!tpu.dma_semaphore, #tpu.memory_space<semaphore_mem>>) src(%dma_wait3A_261 : memref<8x4880xi32, #tpu.memory_space<vmem>>) dst(%dma_wait3A_258 : memref<8x4880xi32, #tpu.memory_space<hbm>>)
    } else {
    }
    %eq3A_43 = arith.constant 9 : i32
    %eq3A_44 = arith.cmpi eq, %add3A, %eq3A_43 : i32
    %convert_element_type3A_45 = arith.extui %eq3A_44 : i1 to i32
    %cond3A_46 = arith.constant 0 : i32
    %cond3A_47 = arith.cmpi ne, %convert_element_type3A_45, %cond3A_46 : i32
    scf.if %cond3A_47 {
      %dma_start3A = arith.constant 1 : i32
      %dma_start3A_88 = arith.constant 0 : i32
      %dma_start3A_89 = arith.constant 0 : i32
      %dma_start3A_90 = arith.constant 0 : i32
      %dma_start3A_91 = tpu.memref_slice %arg4[%dma_start3A_89, %dma_start3A_90] : memref<8x10000xi32, #tpu.memory_space<vmem>> -> memref<8x5120xi32, #tpu.memory_space<vmem>>
      %dma_start3A_92 = arith.constant 0 : i32
      %dma_start3A_93 = arith.constant 0 : i32
      %dma_start3A_94 = tpu.memref_slice %arg2[%dma_start3A, %dma_start3A_88, %dma_start3A_92, %dma_start3A_93] : memref<2x18x8x10000xi32, #tpu.memory_space<hbm>> -> memref<1x1x8x10000xi32, #tpu.memory_space<hbm>>
      %dma_start3A_95 = tpu.memref_squeeze %dma_start3A_94 : memref<1x1x8x10000xi32, #tpu.memory_space<hbm>> -> memref<8x10000xi32, #tpu.memory_space<hbm>>
      %dma_start3A_96 = arith.constant 0 : i32
      %dma_start3A_97 = arith.constant 0 : i32
      %dma_start3A_98 = tpu.memref_slice %dma_start3A_95[%dma_start3A_96, %dma_start3A_97] : memref<8x10000xi32, #tpu.memory_space<hbm>> -> memref<8x5120xi32, #tpu.memory_space<hbm>>
      %dma_start3A_99 = arith.constant 0 : i32
      %dma_start3A_100 = arith.constant 0 : i32
      %dma_start3A_101 = tpu.memref_slice %arg4[%dma_start3A_99, %dma_start3A_100] : memref<8x10000xi32, #tpu.memory_space<vmem>> -> memref<8x5120xi32, #tpu.memory_space<vmem>>
      %dma_start3A_102 = arith.constant 0 : i32
      %dma_start3A_103 = arith.constant 0 : i32
      %dma_start3A_104 = tpu.memref_slice %arg2[%dma_start3A, %dma_start3A_88, %dma_start3A_102, %dma_start3A_103] : memref<2x18x8x10000xi32, #tpu.memory_space<hbm>> -> memref<1x1x8x10000xi32, #tpu.memory_space<hbm>>
      %dma_start3A_105 = tpu.memref_squeeze %dma_start3A_104 : memref<1x1x8x10000xi32, #tpu.memory_space<hbm>> -> memref<8x10000xi32, #tpu.memory_space<hbm>>
      %dma_start3A_106 = arith.constant 0 : i32
      %dma_start3A_107 = arith.constant 0 : i32
      %dma_start3A_108 = tpu.memref_slice %dma_start3A_105[%dma_start3A_106, %dma_start3A_107] : memref<8x10000xi32, #tpu.memory_space<hbm>> -> memref<8x5120xi32, #tpu.memory_space<hbm>>
      tpu.enqueue_dma source(%dma_start3A_108 : memref<8x5120xi32, #tpu.memory_space<hbm>>) target(%dma_start3A_101 : memref<8x5120xi32, #tpu.memory_space<vmem>>) target_semaphore(%arg5 : memref<!tpu.dma_semaphore, #tpu.memory_space<semaphore_mem>>)
      %dma_start3A_109 = arith.constant 1 : i32
      %dma_start3A_110 = arith.constant 0 : i32
      %dma_start3A_111 = arith.constant 0 : i32
      %dma_start3A_112 = arith.constant 5120 : i32
      %dma_start3A_113 = tpu.memref_slice %arg4[%dma_start3A_111, %dma_start3A_112] : memref<8x10000xi32, #tpu.memory_space<vmem>> -> memref<8x4880xi32, #tpu.memory_space<vmem>>
      %dma_start3A_114 = arith.constant 0 : i32
      %dma_start3A_115 = arith.constant 0 : i32
      %dma_start3A_116 = tpu.memref_slice %arg2[%dma_start3A_109, %dma_start3A_110, %dma_start3A_114, %dma_start3A_115] : memref<2x18x8x10000xi32, #tpu.memory_space<hbm>> -> memref<1x1x8x10000xi32, #tpu.memory_space<hbm>>
      %dma_start3A_117 = tpu.memref_squeeze %dma_start3A_116 : memref<1x1x8x10000xi32, #tpu.memory_space<hbm>> -> memref<8x10000xi32, #tpu.memory_space<hbm>>
      %dma_start3A_118 = arith.constant 0 : i32
      %dma_start3A_119 = arith.constant 5120 : i32
      %dma_start3A_120 = tpu.memref_slice %dma_start3A_117[%dma_start3A_118, %dma_start3A_119] : memref<8x10000xi32, #tpu.memory_space<hbm>> -> memref<8x4880xi32, #tpu.memory_space<hbm>>
      %dma_start3A_121 = arith.constant 0 : i32
      %dma_start3A_122 = arith.constant 5120 : i32
      %dma_start3A_123 = tpu.memref_slice %arg4[%dma_start3A_121, %dma_start3A_122] : memref<8x10000xi32, #tpu.memory_space<vmem>> -> memref<8x4880xi32, #tpu.memory_space<vmem>>
      %dma_start3A_124 = arith.constant 0 : i32
      %dma_start3A_125 = arith.constant 0 : i32
      %dma_start3A_126 = tpu.memref_slice %arg2[%dma_start3A_109, %dma_start3A_110, %dma_start3A_124, %dma_start3A_125] : memref<2x18x8x10000xi32, #tpu.memory_space<hbm>> -> memref<1x1x8x10000xi32, #tpu.memory_space<hbm>>
      %dma_start3A_127 = tpu.memref_squeeze %dma_start3A_126 : memref<1x1x8x10000xi32, #tpu.memory_space<hbm>> -> memref<8x10000xi32, #tpu.memory_space<hbm>>
      %dma_start3A_128 = arith.constant 0 : i32
      %dma_start3A_129 = arith.constant 5120 : i32
      %dma_start3A_130 = tpu.memref_slice %dma_start3A_127[%dma_start3A_128, %dma_start3A_129] : memref<8x10000xi32, #tpu.memory_space<hbm>> -> memref<8x4880xi32, #tpu.memory_space<hbm>>
      tpu.enqueue_dma source(%dma_start3A_130 : memref<8x4880xi32, #tpu.memory_space<hbm>>) target(%dma_start3A_123 : memref<8x4880xi32, #tpu.memory_space<vmem>>) target_semaphore(%arg6 : memref<!tpu.dma_semaphore, #tpu.memory_space<semaphore_mem>>)
      %dma_wait3A = arith.constant 1 : i32
      %dma_wait3A_131 = arith.constant 0 : i32
      %dma_wait3A_132 = arith.constant 0 : i32
      %dma_wait3A_133 = arith.constant 0 : i32
      %dma_wait3A_134 = tpu.memref_slice %arg4[%dma_wait3A_132, %dma_wait3A_133] : memref<8x10000xi32, #tpu.memory_space<vmem>> -> memref<8x5120xi32, #tpu.memory_space<vmem>>
      %dma_wait3A_135 = arith.constant 0 : i32
      %dma_wait3A_136 = arith.constant 0 : i32
      %dma_wait3A_137 = tpu.memref_slice %arg2[%dma_wait3A, %dma_wait3A_131, %dma_wait3A_135, %dma_wait3A_136] : memref<2x18x8x10000xi32, #tpu.memory_space<hbm>> -> memref<1x1x8x10000xi32, #tpu.memory_space<hbm>>
      %dma_wait3A_138 = tpu.memref_squeeze %dma_wait3A_137 : memref<1x1x8x10000xi32, #tpu.memory_space<hbm>> -> memref<8x10000xi32, #tpu.memory_space<hbm>>
      %dma_wait3A_139 = arith.constant 0 : i32
      %dma_wait3A_140 = arith.constant 0 : i32
      %dma_wait3A_141 = tpu.memref_slice %dma_wait3A_138[%dma_wait3A_139, %dma_wait3A_140] : memref<8x10000xi32, #tpu.memory_space<hbm>> -> memref<8x5120xi32, #tpu.memory_space<hbm>>
      %dma_wait3A_142 = arith.constant 0 : i32
      %dma_wait3A_143 = arith.constant 0 : i32
      %dma_wait3A_144 = tpu.memref_slice %arg4[%dma_wait3A_142, %dma_wait3A_143] : memref<8x10000xi32, #tpu.memory_space<vmem>> -> memref<8x5120xi32, #tpu.memory_space<vmem>>
      %dma_wait3A_145 = arith.constant 0 : i32
      %dma_wait3A_146 = arith.constant 0 : i32
      %dma_wait3A_147 = tpu.memref_slice %arg2[%dma_wait3A, %dma_wait3A_131, %dma_wait3A_145, %dma_wait3A_146] : memref<2x18x8x10000xi32, #tpu.memory_space<hbm>> -> memref<1x1x8x10000xi32, #tpu.memory_space<hbm>>
      %dma_wait3A_148 = tpu.memref_squeeze %dma_wait3A_147 : memref<1x1x8x10000xi32, #tpu.memory_space<hbm>> -> memref<8x10000xi32, #tpu.memory_space<hbm>>
      %dma_wait3A_149 = arith.constant 0 : i32
      %dma_wait3A_150 = arith.constant 0 : i32
      %dma_wait3A_151 = tpu.memref_slice %dma_wait3A_148[%dma_wait3A_149, %dma_wait3A_150] : memref<8x10000xi32, #tpu.memory_space<hbm>> -> memref<8x5120xi32, #tpu.memory_space<hbm>>
      tpu.wait_dma2 semaphore(%arg5 : memref<!tpu.dma_semaphore, #tpu.memory_space<semaphore_mem>>) src(%dma_wait3A_151 : memref<8x5120xi32, #tpu.memory_space<hbm>>) dst(%dma_wait3A_144 : memref<8x5120xi32, #tpu.memory_space<vmem>>)
      %dma_start3A_152 = arith.constant 1 : i32
      %dma_start3A_153 = arith.constant 0 : i32
      %dma_start3A_154 = arith.constant 0 : i32
      %dma_start3A_155 = arith.constant 0 : i32
      %dma_start3A_156 = tpu.memref_slice %arg4[%dma_start3A_154, %dma_start3A_155] : memref<8x10000xi32, #tpu.memory_space<vmem>> -> memref<8x5120xi32, #tpu.memory_space<vmem>>
      %dma_start3A_157 = arith.constant 0 : i32
      %dma_start3A_158 = arith.constant 0 : i32
      %dma_start3A_159 = tpu.memref_slice %arg3[%dma_start3A_152, %dma_start3A_153, %dma_start3A_157, %dma_start3A_158] : memref<2x9x8x10000xi32, #tpu.memory_space<hbm>> -> memref<1x1x8x10000xi32, #tpu.memory_space<hbm>>
      %dma_start3A_160 = tpu.memref_squeeze %dma_start3A_159 : memref<1x1x8x10000xi32, #tpu.memory_space<hbm>> -> memref<8x10000xi32, #tpu.memory_space<hbm>>
      %dma_start3A_161 = arith.constant 0 : i32
      %dma_start3A_162 = arith.constant 0 : i32
      %dma_start3A_163 = tpu.memref_slice %dma_start3A_160[%dma_start3A_161, %dma_start3A_162] : memref<8x10000xi32, #tpu.memory_space<hbm>> -> memref<8x5120xi32, #tpu.memory_space<hbm>>
      %dma_start3A_164 = arith.constant 0 : i32
      %dma_start3A_165 = arith.constant 0 : i32
      %dma_start3A_166 = tpu.memref_slice %arg3[%dma_start3A_152, %dma_start3A_153, %dma_start3A_164, %dma_start3A_165] : memref<2x9x8x10000xi32, #tpu.memory_space<hbm>> -> memref<1x1x8x10000xi32, #tpu.memory_space<hbm>>
      %dma_start3A_167 = tpu.memref_squeeze %dma_start3A_166 : memref<1x1x8x10000xi32, #tpu.memory_space<hbm>> -> memref<8x10000xi32, #tpu.memory_space<hbm>>
      %dma_start3A_168 = arith.constant 0 : i32
      %dma_start3A_169 = arith.constant 0 : i32
      %dma_start3A_170 = tpu.memref_slice %dma_start3A_167[%dma_start3A_168, %dma_start3A_169] : memref<8x10000xi32, #tpu.memory_space<hbm>> -> memref<8x5120xi32, #tpu.memory_space<hbm>>
      %dma_start3A_171 = arith.constant 0 : i32
      %dma_start3A_172 = arith.constant 0 : i32
      %dma_start3A_173 = tpu.memref_slice %arg4[%dma_start3A_171, %dma_start3A_172] : memref<8x10000xi32, #tpu.memory_space<vmem>> -> memref<8x5120xi32, #tpu.memory_space<vmem>>
      tpu.enqueue_dma source(%dma_start3A_173 : memref<8x5120xi32, #tpu.memory_space<vmem>>) target(%dma_start3A_170 : memref<8x5120xi32, #tpu.memory_space<hbm>>) target_semaphore(%arg7 : memref<!tpu.dma_semaphore, #tpu.memory_space<semaphore_mem>>)
      %dma_wait3A_174 = arith.constant 1 : i32
      %dma_wait3A_175 = arith.constant 0 : i32
      %dma_wait3A_176 = arith.constant 0 : i32
      %dma_wait3A_177 = arith.constant 5120 : i32
      %dma_wait3A_178 = tpu.memref_slice %arg4[%dma_wait3A_176, %dma_wait3A_177] : memref<8x10000xi32, #tpu.memory_space<vmem>> -> memref<8x4880xi32, #tpu.memory_space<vmem>>
      %dma_wait3A_179 = arith.constant 0 : i32
      %dma_wait3A_180 = arith.constant 0 : i32
      %dma_wait3A_181 = tpu.memref_slice %arg2[%dma_wait3A_174, %dma_wait3A_175, %dma_wait3A_179, %dma_wait3A_180] : memref<2x18x8x10000xi32, #tpu.memory_space<hbm>> -> memref<1x1x8x10000xi32, #tpu.memory_space<hbm>>
      %dma_wait3A_182 = tpu.memref_squeeze %dma_wait3A_181 : memref<1x1x8x10000xi32, #tpu.memory_space<hbm>> -> memref<8x10000xi32, #tpu.memory_space<hbm>>
      %dma_wait3A_183 = arith.constant 0 : i32
      %dma_wait3A_184 = arith.constant 5120 : i32
      %dma_wait3A_185 = tpu.memref_slice %dma_wait3A_182[%dma_wait3A_183, %dma_wait3A_184] : memref<8x10000xi32, #tpu.memory_space<hbm>> -> memref<8x4880xi32, #tpu.memory_space<hbm>>
      %dma_wait3A_186 = arith.constant 0 : i32
      %dma_wait3A_187 = arith.constant 5120 : i32
      %dma_wait3A_188 = tpu.memref_slice %arg4[%dma_wait3A_186, %dma_wait3A_187] : memref<8x10000xi32, #tpu.memory_space<vmem>> -> memref<8x4880xi32, #tpu.memory_space<vmem>>
      %dma_wait3A_189 = arith.constant 0 : i32
      %dma_wait3A_190 = arith.constant 0 : i32
      %dma_wait3A_191 = tpu.memref_slice %arg2[%dma_wait3A_174, %dma_wait3A_175, %dma_wait3A_189, %dma_wait3A_190] : memref<2x18x8x10000xi32, #tpu.memory_space<hbm>> -> memref<1x1x8x10000xi32, #tpu.memory_space<hbm>>
      %dma_wait3A_192 = tpu.memref_squeeze %dma_wait3A_191 : memref<1x1x8x10000xi32, #tpu.memory_space<hbm>> -> memref<8x10000xi32, #tpu.memory_space<hbm>>
      %dma_wait3A_193 = arith.constant 0 : i32
      %dma_wait3A_194 = arith.constant 5120 : i32
      %dma_wait3A_195 = tpu.memref_slice %dma_wait3A_192[%dma_wait3A_193, %dma_wait3A_194] : memref<8x10000xi32, #tpu.memory_space<hbm>> -> memref<8x4880xi32, #tpu.memory_space<hbm>>
      tpu.wait_dma2 semaphore(%arg6 : memref<!tpu.dma_semaphore, #tpu.memory_space<semaphore_mem>>) src(%dma_wait3A_195 : memref<8x4880xi32, #tpu.memory_space<hbm>>) dst(%dma_wait3A_188 : memref<8x4880xi32, #tpu.memory_space<vmem>>)
      %dma_start3A_196 = arith.constant 1 : i32
      %dma_start3A_197 = arith.constant 0 : i32
      %dma_start3A_198 = arith.constant 0 : i32
      %dma_start3A_199 = arith.constant 5120 : i32
      %dma_start3A_200 = tpu.memref_slice %arg4[%dma_start3A_198, %dma_start3A_199] : memref<8x10000xi32, #tpu.memory_space<vmem>> -> memref<8x4880xi32, #tpu.memory_space<vmem>>
      %dma_start3A_201 = arith.constant 0 : i32
      %dma_start3A_202 = arith.constant 0 : i32
      %dma_start3A_203 = tpu.memref_slice %arg3[%dma_start3A_196, %dma_start3A_197, %dma_start3A_201, %dma_start3A_202] : memref<2x9x8x10000xi32, #tpu.memory_space<hbm>> -> memref<1x1x8x10000xi32, #tpu.memory_space<hbm>>
      %dma_start3A_204 = tpu.memref_squeeze %dma_start3A_203 : memref<1x1x8x10000xi32, #tpu.memory_space<hbm>> -> memref<8x10000xi32, #tpu.memory_space<hbm>>
      %dma_start3A_205 = arith.constant 0 : i32
      %dma_start3A_206 = arith.constant 5120 : i32
      %dma_start3A_207 = tpu.memref_slice %dma_start3A_204[%dma_start3A_205, %dma_start3A_206] : memref<8x10000xi32, #tpu.memory_space<hbm>> -> memref<8x4880xi32, #tpu.memory_space<hbm>>
      %dma_start3A_208 = arith.constant 0 : i32
      %dma_start3A_209 = arith.constant 0 : i32
      %dma_start3A_210 = tpu.memref_slice %arg3[%dma_start3A_196, %dma_start3A_197, %dma_start3A_208, %dma_start3A_209] : memref<2x9x8x10000xi32, #tpu.memory_space<hbm>> -> memref<1x1x8x10000xi32, #tpu.memory_space<hbm>>
      %dma_start3A_211 = tpu.memref_squeeze %dma_start3A_210 : memref<1x1x8x10000xi32, #tpu.memory_space<hbm>> -> memref<8x10000xi32, #tpu.memory_space<hbm>>
      %dma_start3A_212 = arith.constant 0 : i32
      %dma_start3A_213 = arith.constant 5120 : i32
      %dma_start3A_214 = tpu.memref_slice %dma_start3A_211[%dma_start3A_212, %dma_start3A_213] : memref<8x10000xi32, #tpu.memory_space<hbm>> -> memref<8x4880xi32, #tpu.memory_space<hbm>>
      %dma_start3A_215 = arith.constant 0 : i32
      %dma_start3A_216 = arith.constant 5120 : i32
      %dma_start3A_217 = tpu.memref_slice %arg4[%dma_start3A_215, %dma_start3A_216] : memref<8x10000xi32, #tpu.memory_space<vmem>> -> memref<8x4880xi32, #tpu.memory_space<vmem>>
      tpu.enqueue_dma source(%dma_start3A_217 : memref<8x4880xi32, #tpu.memory_space<vmem>>) target(%dma_start3A_214 : memref<8x4880xi32, #tpu.memory_space<hbm>>) target_semaphore(%arg8 : memref<!tpu.dma_semaphore, #tpu.memory_space<semaphore_mem>>)
      %dma_wait3A_218 = arith.constant 1 : i32
      %dma_wait3A_219 = arith.constant 0 : i32
      %dma_wait3A_220 = arith.constant 0 : i32
      %dma_wait3A_221 = arith.constant 0 : i32
      %dma_wait3A_222 = tpu.memref_slice %arg4[%dma_wait3A_220, %dma_wait3A_221] : memref<8x10000xi32, #tpu.memory_space<vmem>> -> memref<8x5120xi32, #tpu.memory_space<vmem>>
      %dma_wait3A_223 = arith.constant 0 : i32
      %dma_wait3A_224 = arith.constant 0 : i32
      %dma_wait3A_225 = tpu.memref_slice %arg3[%dma_wait3A_218, %dma_wait3A_219, %dma_wait3A_223, %dma_wait3A_224] : memref<2x9x8x10000xi32, #tpu.memory_space<hbm>> -> memref<1x1x8x10000xi32, #tpu.memory_space<hbm>>
      %dma_wait3A_226 = tpu.memref_squeeze %dma_wait3A_225 : memref<1x1x8x10000xi32, #tpu.memory_space<hbm>> -> memref<8x10000xi32, #tpu.memory_space<hbm>>
      %dma_wait3A_227 = arith.constant 0 : i32
      %dma_wait3A_228 = arith.constant 0 : i32
      %dma_wait3A_229 = tpu.memref_slice %dma_wait3A_226[%dma_wait3A_227, %dma_wait3A_228] : memref<8x10000xi32, #tpu.memory_space<hbm>> -> memref<8x5120xi32, #tpu.memory_space<hbm>>
      %dma_wait3A_230 = arith.constant 0 : i32
      %dma_wait3A_231 = arith.constant 0 : i32
      %dma_wait3A_232 = tpu.memref_slice %arg3[%dma_wait3A_218, %dma_wait3A_219, %dma_wait3A_230, %dma_wait3A_231] : memref<2x9x8x10000xi32, #tpu.memory_space<hbm>> -> memref<1x1x8x10000xi32, #tpu.memory_space<hbm>>
      %dma_wait3A_233 = tpu.memref_squeeze %dma_wait3A_232 : memref<1x1x8x10000xi32, #tpu.memory_space<hbm>> -> memref<8x10000xi32, #tpu.memory_space<hbm>>
      %dma_wait3A_234 = arith.constant 0 : i32
      %dma_wait3A_235 = arith.constant 0 : i32
      %dma_wait3A_236 = tpu.memref_slice %dma_wait3A_233[%dma_wait3A_234, %dma_wait3A_235] : memref<8x10000xi32, #tpu.memory_space<hbm>> -> memref<8x5120xi32, #tpu.memory_space<hbm>>
      %dma_wait3A_237 = arith.constant 0 : i32
      %dma_wait3A_238 = arith.constant 0 : i32
      %dma_wait3A_239 = tpu.memref_slice %arg4[%dma_wait3A_237, %dma_wait3A_238] : memref<8x10000xi32, #tpu.memory_space<vmem>> -> memref<8x5120xi32, #tpu.memory_space<vmem>>
      tpu.wait_dma2 semaphore(%arg7 : memref<!tpu.dma_semaphore, #tpu.memory_space<semaphore_mem>>) src(%dma_wait3A_239 : memref<8x5120xi32, #tpu.memory_space<vmem>>) dst(%dma_wait3A_236 : memref<8x5120xi32, #tpu.memory_space<hbm>>)
      %dma_wait3A_240 = arith.constant 1 : i32
      %dma_wait3A_241 = arith.constant 0 : i32
      %dma_wait3A_242 = arith.constant 0 : i32
      %dma_wait3A_243 = arith.constant 5120 : i32
      %dma_wait3A_244 = tpu.memref_slice %arg4[%dma_wait3A_242, %dma_wait3A_243] : memref<8x10000xi32, #tpu.memory_space<vmem>> -> memref<8x4880xi32, #tpu.memory_space<vmem>>
      %dma_wait3A_245 = arith.constant 0 : i32
      %dma_wait3A_246 = arith.constant 0 : i32
      %dma_wait3A_247 = tpu.memref_slice %arg3[%dma_wait3A_240, %dma_wait3A_241, %dma_wait3A_245, %dma_wait3A_246] : memref<2x9x8x10000xi32, #tpu.memory_space<hbm>> -> memref<1x1x8x10000xi32, #tpu.memory_space<hbm>>
      %dma_wait3A_248 = tpu.memref_squeeze %dma_wait3A_247 : memref<1x1x8x10000xi32, #tpu.memory_space<hbm>> -> memref<8x10000xi32, #tpu.memory_space<hbm>>
      %dma_wait3A_249 = arith.constant 0 : i32
      %dma_wait3A_250 = arith.constant 5120 : i32
      %dma_wait3A_251 = tpu.memref_slice %dma_wait3A_248[%dma_wait3A_249, %dma_wait3A_250] : memref<8x10000xi32, #tpu.memory_space<hbm>> -> memref<8x4880xi32, #tpu.memory_space<hbm>>
      %dma_wait3A_252 = arith.constant 0 : i32
      %dma_wait3A_253 = arith.constant 0 : i32
      %dma_wait3A_254 = tpu.memref_slice %arg3[%dma_wait3A_240, %dma_wait3A_241, %dma_wait3A_252, %dma_wait3A_253] : memref<2x9x8x10000xi32, #tpu.memory_space<hbm>> -> memref<1x1x8x10000xi32, #tpu.memory_space<hbm>>
      %dma_wait3A_255 = tpu.memref_squeeze %dma_wait3A_254 : memref<1x1x8x10000xi32, #tpu.memory_space<hbm>> -> memref<8x10000xi32, #tpu.memory_space<hbm>>
      %dma_wait3A_256 = arith.constant 0 : i32
      %dma_wait3A_257 = arith.constant 5120 : i32
      %dma_wait3A_258 = tpu.memref_slice %dma_wait3A_255[%dma_wait3A_256, %dma_wait3A_257] : memref<8x10000xi32, #tpu.memory_space<hbm>> -> memref<8x4880xi32, #tpu.memory_space<hbm>>
      %dma_wait3A_259 = arith.constant 0 : i32
      %dma_wait3A_260 = arith.constant 5120 : i32
      %dma_wait3A_261 = tpu.memref_slice %arg4[%dma_wait3A_259, %dma_wait3A_260] : memref<8x10000xi32, #tpu.memory_space<vmem>> -> memref<8x4880xi32, #tpu.memory_space<vmem>>
      tpu.wait_dma2 semaphore(%arg8 : memref<!tpu.dma_semaphore, #tpu.memory_space<semaphore_mem>>) src(%dma_wait3A_261 : memref<8x4880xi32, #tpu.memory_space<vmem>>) dst(%dma_wait3A_258 : memref<8x4880xi32, #tpu.memory_space<hbm>>)
    } else {
    }
    %eq3A_48 = arith.constant 10 : i32
    %eq3A_49 = arith.cmpi eq, %add3A, %eq3A_48 : i32
    %convert_element_type3A_50 = arith.extui %eq3A_49 : i1 to i32
    %cond3A_51 = arith.constant 0 : i32
    %cond3A_52 = arith.cmpi ne, %convert_element_type3A_50, %cond3A_51 : i32
    scf.if %cond3A_52 {
      %dma_start3A = arith.constant 1 : i32
      %dma_start3A_88 = arith.constant 2 : i32
      %dma_start3A_89 = arith.constant 0 : i32
      %dma_start3A_90 = arith.constant 0 : i32
      %dma_start3A_91 = tpu.memref_slice %arg4[%dma_start3A_89, %dma_start3A_90] : memref<8x10000xi32, #tpu.memory_space<vmem>> -> memref<8x5120xi32, #tpu.memory_space<vmem>>
      %dma_start3A_92 = arith.constant 0 : i32
      %dma_start3A_93 = arith.constant 0 : i32
      %dma_start3A_94 = tpu.memref_slice %arg2[%dma_start3A, %dma_start3A_88, %dma_start3A_92, %dma_start3A_93] : memref<2x18x8x10000xi32, #tpu.memory_space<hbm>> -> memref<1x1x8x10000xi32, #tpu.memory_space<hbm>>
      %dma_start3A_95 = tpu.memref_squeeze %dma_start3A_94 : memref<1x1x8x10000xi32, #tpu.memory_space<hbm>> -> memref<8x10000xi32, #tpu.memory_space<hbm>>
      %dma_start3A_96 = arith.constant 0 : i32
      %dma_start3A_97 = arith.constant 0 : i32
      %dma_start3A_98 = tpu.memref_slice %dma_start3A_95[%dma_start3A_96, %dma_start3A_97] : memref<8x10000xi32, #tpu.memory_space<hbm>> -> memref<8x5120xi32, #tpu.memory_space<hbm>>
      %dma_start3A_99 = arith.constant 0 : i32
      %dma_start3A_100 = arith.constant 0 : i32
      %dma_start3A_101 = tpu.memref_slice %arg4[%dma_start3A_99, %dma_start3A_100] : memref<8x10000xi32, #tpu.memory_space<vmem>> -> memref<8x5120xi32, #tpu.memory_space<vmem>>
      %dma_start3A_102 = arith.constant 0 : i32
      %dma_start3A_103 = arith.constant 0 : i32
      %dma_start3A_104 = tpu.memref_slice %arg2[%dma_start3A, %dma_start3A_88, %dma_start3A_102, %dma_start3A_103] : memref<2x18x8x10000xi32, #tpu.memory_space<hbm>> -> memref<1x1x8x10000xi32, #tpu.memory_space<hbm>>
      %dma_start3A_105 = tpu.memref_squeeze %dma_start3A_104 : memref<1x1x8x10000xi32, #tpu.memory_space<hbm>> -> memref<8x10000xi32, #tpu.memory_space<hbm>>
      %dma_start3A_106 = arith.constant 0 : i32
      %dma_start3A_107 = arith.constant 0 : i32
      %dma_start3A_108 = tpu.memref_slice %dma_start3A_105[%dma_start3A_106, %dma_start3A_107] : memref<8x10000xi32, #tpu.memory_space<hbm>> -> memref<8x5120xi32, #tpu.memory_space<hbm>>
      tpu.enqueue_dma source(%dma_start3A_108 : memref<8x5120xi32, #tpu.memory_space<hbm>>) target(%dma_start3A_101 : memref<8x5120xi32, #tpu.memory_space<vmem>>) target_semaphore(%arg5 : memref<!tpu.dma_semaphore, #tpu.memory_space<semaphore_mem>>)
      %dma_start3A_109 = arith.constant 1 : i32
      %dma_start3A_110 = arith.constant 2 : i32
      %dma_start3A_111 = arith.constant 0 : i32
      %dma_start3A_112 = arith.constant 5120 : i32
      %dma_start3A_113 = tpu.memref_slice %arg4[%dma_start3A_111, %dma_start3A_112] : memref<8x10000xi32, #tpu.memory_space<vmem>> -> memref<8x4880xi32, #tpu.memory_space<vmem>>
      %dma_start3A_114 = arith.constant 0 : i32
      %dma_start3A_115 = arith.constant 0 : i32
      %dma_start3A_116 = tpu.memref_slice %arg2[%dma_start3A_109, %dma_start3A_110, %dma_start3A_114, %dma_start3A_115] : memref<2x18x8x10000xi32, #tpu.memory_space<hbm>> -> memref<1x1x8x10000xi32, #tpu.memory_space<hbm>>
      %dma_start3A_117 = tpu.memref_squeeze %dma_start3A_116 : memref<1x1x8x10000xi32, #tpu.memory_space<hbm>> -> memref<8x10000xi32, #tpu.memory_space<hbm>>
      %dma_start3A_118 = arith.constant 0 : i32
      %dma_start3A_119 = arith.constant 5120 : i32
      %dma_start3A_120 = tpu.memref_slice %dma_start3A_117[%dma_start3A_118, %dma_start3A_119] : memref<8x10000xi32, #tpu.memory_space<hbm>> -> memref<8x4880xi32, #tpu.memory_space<hbm>>
      %dma_start3A_121 = arith.constant 0 : i32
      %dma_start3A_122 = arith.constant 5120 : i32
      %dma_start3A_123 = tpu.memref_slice %arg4[%dma_start3A_121, %dma_start3A_122] : memref<8x10000xi32, #tpu.memory_space<vmem>> -> memref<8x4880xi32, #tpu.memory_space<vmem>>
      %dma_start3A_124 = arith.constant 0 : i32
      %dma_start3A_125 = arith.constant 0 : i32
      %dma_start3A_126 = tpu.memref_slice %arg2[%dma_start3A_109, %dma_start3A_110, %dma_start3A_124, %dma_start3A_125] : memref<2x18x8x10000xi32, #tpu.memory_space<hbm>> -> memref<1x1x8x10000xi32, #tpu.memory_space<hbm>>
      %dma_start3A_127 = tpu.memref_squeeze %dma_start3A_126 : memref<1x1x8x10000xi32, #tpu.memory_space<hbm>> -> memref<8x10000xi32, #tpu.memory_space<hbm>>
      %dma_start3A_128 = arith.constant 0 : i32
      %dma_start3A_129 = arith.constant 5120 : i32
      %dma_start3A_130 = tpu.memref_slice %dma_start3A_127[%dma_start3A_128, %dma_start3A_129] : memref<8x10000xi32, #tpu.memory_space<hbm>> -> memref<8x4880xi32, #tpu.memory_space<hbm>>
      tpu.enqueue_dma source(%dma_start3A_130 : memref<8x4880xi32, #tpu.memory_space<hbm>>) target(%dma_start3A_123 : memref<8x4880xi32, #tpu.memory_space<vmem>>) target_semaphore(%arg6 : memref<!tpu.dma_semaphore, #tpu.memory_space<semaphore_mem>>)
      %dma_wait3A = arith.constant 1 : i32
      %dma_wait3A_131 = arith.constant 2 : i32
      %dma_wait3A_132 = arith.constant 0 : i32
      %dma_wait3A_133 = arith.constant 0 : i32
      %dma_wait3A_134 = tpu.memref_slice %arg4[%dma_wait3A_132, %dma_wait3A_133] : memref<8x10000xi32, #tpu.memory_space<vmem>> -> memref<8x5120xi32, #tpu.memory_space<vmem>>
      %dma_wait3A_135 = arith.constant 0 : i32
      %dma_wait3A_136 = arith.constant 0 : i32
      %dma_wait3A_137 = tpu.memref_slice %arg2[%dma_wait3A, %dma_wait3A_131, %dma_wait3A_135, %dma_wait3A_136] : memref<2x18x8x10000xi32, #tpu.memory_space<hbm>> -> memref<1x1x8x10000xi32, #tpu.memory_space<hbm>>
      %dma_wait3A_138 = tpu.memref_squeeze %dma_wait3A_137 : memref<1x1x8x10000xi32, #tpu.memory_space<hbm>> -> memref<8x10000xi32, #tpu.memory_space<hbm>>
      %dma_wait3A_139 = arith.constant 0 : i32
      %dma_wait3A_140 = arith.constant 0 : i32
      %dma_wait3A_141 = tpu.memref_slice %dma_wait3A_138[%dma_wait3A_139, %dma_wait3A_140] : memref<8x10000xi32, #tpu.memory_space<hbm>> -> memref<8x5120xi32, #tpu.memory_space<hbm>>
      %dma_wait3A_142 = arith.constant 0 : i32
      %dma_wait3A_143 = arith.constant 0 : i32
      %dma_wait3A_144 = tpu.memref_slice %arg4[%dma_wait3A_142, %dma_wait3A_143] : memref<8x10000xi32, #tpu.memory_space<vmem>> -> memref<8x5120xi32, #tpu.memory_space<vmem>>
      %dma_wait3A_145 = arith.constant 0 : i32
      %dma_wait3A_146 = arith.constant 0 : i32
      %dma_wait3A_147 = tpu.memref_slice %arg2[%dma_wait3A, %dma_wait3A_131, %dma_wait3A_145, %dma_wait3A_146] : memref<2x18x8x10000xi32, #tpu.memory_space<hbm>> -> memref<1x1x8x10000xi32, #tpu.memory_space<hbm>>
      %dma_wait3A_148 = tpu.memref_squeeze %dma_wait3A_147 : memref<1x1x8x10000xi32, #tpu.memory_space<hbm>> -> memref<8x10000xi32, #tpu.memory_space<hbm>>
      %dma_wait3A_149 = arith.constant 0 : i32
      %dma_wait3A_150 = arith.constant 0 : i32
      %dma_wait3A_151 = tpu.memref_slice %dma_wait3A_148[%dma_wait3A_149, %dma_wait3A_150] : memref<8x10000xi32, #tpu.memory_space<hbm>> -> memref<8x5120xi32, #tpu.memory_space<hbm>>
      tpu.wait_dma2 semaphore(%arg5 : memref<!tpu.dma_semaphore, #tpu.memory_space<semaphore_mem>>) src(%dma_wait3A_151 : memref<8x5120xi32, #tpu.memory_space<hbm>>) dst(%dma_wait3A_144 : memref<8x5120xi32, #tpu.memory_space<vmem>>)
      %dma_start3A_152 = arith.constant 1 : i32
      %dma_start3A_153 = arith.constant 1 : i32
      %dma_start3A_154 = arith.constant 0 : i32
      %dma_start3A_155 = arith.constant 0 : i32
      %dma_start3A_156 = tpu.memref_slice %arg4[%dma_start3A_154, %dma_start3A_155] : memref<8x10000xi32, #tpu.memory_space<vmem>> -> memref<8x5120xi32, #tpu.memory_space<vmem>>
      %dma_start3A_157 = arith.constant 0 : i32
      %dma_start3A_158 = arith.constant 0 : i32
      %dma_start3A_159 = tpu.memref_slice %arg3[%dma_start3A_152, %dma_start3A_153, %dma_start3A_157, %dma_start3A_158] : memref<2x9x8x10000xi32, #tpu.memory_space<hbm>> -> memref<1x1x8x10000xi32, #tpu.memory_space<hbm>>
      %dma_start3A_160 = tpu.memref_squeeze %dma_start3A_159 : memref<1x1x8x10000xi32, #tpu.memory_space<hbm>> -> memref<8x10000xi32, #tpu.memory_space<hbm>>
      %dma_start3A_161 = arith.constant 0 : i32
      %dma_start3A_162 = arith.constant 0 : i32
      %dma_start3A_163 = tpu.memref_slice %dma_start3A_160[%dma_start3A_161, %dma_start3A_162] : memref<8x10000xi32, #tpu.memory_space<hbm>> -> memref<8x5120xi32, #tpu.memory_space<hbm>>
      %dma_start3A_164 = arith.constant 0 : i32
      %dma_start3A_165 = arith.constant 0 : i32
      %dma_start3A_166 = tpu.memref_slice %arg3[%dma_start3A_152, %dma_start3A_153, %dma_start3A_164, %dma_start3A_165] : memref<2x9x8x10000xi32, #tpu.memory_space<hbm>> -> memref<1x1x8x10000xi32, #tpu.memory_space<hbm>>
      %dma_start3A_167 = tpu.memref_squeeze %dma_start3A_166 : memref<1x1x8x10000xi32, #tpu.memory_space<hbm>> -> memref<8x10000xi32, #tpu.memory_space<hbm>>
      %dma_start3A_168 = arith.constant 0 : i32
      %dma_start3A_169 = arith.constant 0 : i32
      %dma_start3A_170 = tpu.memref_slice %dma_start3A_167[%dma_start3A_168, %dma_start3A_169] : memref<8x10000xi32, #tpu.memory_space<hbm>> -> memref<8x5120xi32, #tpu.memory_space<hbm>>
      %dma_start3A_171 = arith.constant 0 : i32
      %dma_start3A_172 = arith.constant 0 : i32
      %dma_start3A_173 = tpu.memref_slice %arg4[%dma_start3A_171, %dma_start3A_172] : memref<8x10000xi32, #tpu.memory_space<vmem>> -> memref<8x5120xi32, #tpu.memory_space<vmem>>
      tpu.enqueue_dma source(%dma_start3A_173 : memref<8x5120xi32, #tpu.memory_space<vmem>>) target(%dma_start3A_170 : memref<8x5120xi32, #tpu.memory_space<hbm>>) target_semaphore(%arg7 : memref<!tpu.dma_semaphore, #tpu.memory_space<semaphore_mem>>)
      %dma_wait3A_174 = arith.constant 1 : i32
      %dma_wait3A_175 = arith.constant 2 : i32
      %dma_wait3A_176 = arith.constant 0 : i32
      %dma_wait3A_177 = arith.constant 5120 : i32
      %dma_wait3A_178 = tpu.memref_slice %arg4[%dma_wait3A_176, %dma_wait3A_177] : memref<8x10000xi32, #tpu.memory_space<vmem>> -> memref<8x4880xi32, #tpu.memory_space<vmem>>
      %dma_wait3A_179 = arith.constant 0 : i32
      %dma_wait3A_180 = arith.constant 0 : i32
      %dma_wait3A_181 = tpu.memref_slice %arg2[%dma_wait3A_174, %dma_wait3A_175, %dma_wait3A_179, %dma_wait3A_180] : memref<2x18x8x10000xi32, #tpu.memory_space<hbm>> -> memref<1x1x8x10000xi32, #tpu.memory_space<hbm>>
      %dma_wait3A_182 = tpu.memref_squeeze %dma_wait3A_181 : memref<1x1x8x10000xi32, #tpu.memory_space<hbm>> -> memref<8x10000xi32, #tpu.memory_space<hbm>>
      %dma_wait3A_183 = arith.constant 0 : i32
      %dma_wait3A_184 = arith.constant 5120 : i32
      %dma_wait3A_185 = tpu.memref_slice %dma_wait3A_182[%dma_wait3A_183, %dma_wait3A_184] : memref<8x10000xi32, #tpu.memory_space<hbm>> -> memref<8x4880xi32, #tpu.memory_space<hbm>>
      %dma_wait3A_186 = arith.constant 0 : i32
      %dma_wait3A_187 = arith.constant 5120 : i32
      %dma_wait3A_188 = tpu.memref_slice %arg4[%dma_wait3A_186, %dma_wait3A_187] : memref<8x10000xi32, #tpu.memory_space<vmem>> -> memref<8x4880xi32, #tpu.memory_space<vmem>>
      %dma_wait3A_189 = arith.constant 0 : i32
      %dma_wait3A_190 = arith.constant 0 : i32
      %dma_wait3A_191 = tpu.memref_slice %arg2[%dma_wait3A_174, %dma_wait3A_175, %dma_wait3A_189, %dma_wait3A_190] : memref<2x18x8x10000xi32, #tpu.memory_space<hbm>> -> memref<1x1x8x10000xi32, #tpu.memory_space<hbm>>
      %dma_wait3A_192 = tpu.memref_squeeze %dma_wait3A_191 : memref<1x1x8x10000xi32, #tpu.memory_space<hbm>> -> memref<8x10000xi32, #tpu.memory_space<hbm>>
      %dma_wait3A_193 = arith.constant 0 : i32
      %dma_wait3A_194 = arith.constant 5120 : i32
      %dma_wait3A_195 = tpu.memref_slice %dma_wait3A_192[%dma_wait3A_193, %dma_wait3A_194] : memref<8x10000xi32, #tpu.memory_space<hbm>> -> memref<8x4880xi32, #tpu.memory_space<hbm>>
      tpu.wait_dma2 semaphore(%arg6 : memref<!tpu.dma_semaphore, #tpu.memory_space<semaphore_mem>>) src(%dma_wait3A_195 : memref<8x4880xi32, #tpu.memory_space<hbm>>) dst(%dma_wait3A_188 : memref<8x4880xi32, #tpu.memory_space<vmem>>)
      %dma_start3A_196 = arith.constant 1 : i32
      %dma_start3A_197 = arith.constant 1 : i32
      %dma_start3A_198 = arith.constant 0 : i32
      %dma_start3A_199 = arith.constant 5120 : i32
      %dma_start3A_200 = tpu.memref_slice %arg4[%dma_start3A_198, %dma_start3A_199] : memref<8x10000xi32, #tpu.memory_space<vmem>> -> memref<8x4880xi32, #tpu.memory_space<vmem>>
      %dma_start3A_201 = arith.constant 0 : i32
      %dma_start3A_202 = arith.constant 0 : i32
      %dma_start3A_203 = tpu.memref_slice %arg3[%dma_start3A_196, %dma_start3A_197, %dma_start3A_201, %dma_start3A_202] : memref<2x9x8x10000xi32, #tpu.memory_space<hbm>> -> memref<1x1x8x10000xi32, #tpu.memory_space<hbm>>
      %dma_start3A_204 = tpu.memref_squeeze %dma_start3A_203 : memref<1x1x8x10000xi32, #tpu.memory_space<hbm>> -> memref<8x10000xi32, #tpu.memory_space<hbm>>
      %dma_start3A_205 = arith.constant 0 : i32
      %dma_start3A_206 = arith.constant 5120 : i32
      %dma_start3A_207 = tpu.memref_slice %dma_start3A_204[%dma_start3A_205, %dma_start3A_206] : memref<8x10000xi32, #tpu.memory_space<hbm>> -> memref<8x4880xi32, #tpu.memory_space<hbm>>
      %dma_start3A_208 = arith.constant 0 : i32
      %dma_start3A_209 = arith.constant 0 : i32
      %dma_start3A_210 = tpu.memref_slice %arg3[%dma_start3A_196, %dma_start3A_197, %dma_start3A_208, %dma_start3A_209] : memref<2x9x8x10000xi32, #tpu.memory_space<hbm>> -> memref<1x1x8x10000xi32, #tpu.memory_space<hbm>>
      %dma_start3A_211 = tpu.memref_squeeze %dma_start3A_210 : memref<1x1x8x10000xi32, #tpu.memory_space<hbm>> -> memref<8x10000xi32, #tpu.memory_space<hbm>>
      %dma_start3A_212 = arith.constant 0 : i32
      %dma_start3A_213 = arith.constant 5120 : i32
      %dma_start3A_214 = tpu.memref_slice %dma_start3A_211[%dma_start3A_212, %dma_start3A_213] : memref<8x10000xi32, #tpu.memory_space<hbm>> -> memref<8x4880xi32, #tpu.memory_space<hbm>>
      %dma_start3A_215 = arith.constant 0 : i32
      %dma_start3A_216 = arith.constant 5120 : i32
      %dma_start3A_217 = tpu.memref_slice %arg4[%dma_start3A_215, %dma_start3A_216] : memref<8x10000xi32, #tpu.memory_space<vmem>> -> memref<8x4880xi32, #tpu.memory_space<vmem>>
      tpu.enqueue_dma source(%dma_start3A_217 : memref<8x4880xi32, #tpu.memory_space<vmem>>) target(%dma_start3A_214 : memref<8x4880xi32, #tpu.memory_space<hbm>>) target_semaphore(%arg8 : memref<!tpu.dma_semaphore, #tpu.memory_space<semaphore_mem>>)
      %dma_wait3A_218 = arith.constant 1 : i32
      %dma_wait3A_219 = arith.constant 1 : i32
      %dma_wait3A_220 = arith.constant 0 : i32
      %dma_wait3A_221 = arith.constant 0 : i32
      %dma_wait3A_222 = tpu.memref_slice %arg4[%dma_wait3A_220, %dma_wait3A_221] : memref<8x10000xi32, #tpu.memory_space<vmem>> -> memref<8x5120xi32, #tpu.memory_space<vmem>>
      %dma_wait3A_223 = arith.constant 0 : i32
      %dma_wait3A_224 = arith.constant 0 : i32
      %dma_wait3A_225 = tpu.memref_slice %arg3[%dma_wait3A_218, %dma_wait3A_219, %dma_wait3A_223, %dma_wait3A_224] : memref<2x9x8x10000xi32, #tpu.memory_space<hbm>> -> memref<1x1x8x10000xi32, #tpu.memory_space<hbm>>
      %dma_wait3A_226 = tpu.memref_squeeze %dma_wait3A_225 : memref<1x1x8x10000xi32, #tpu.memory_space<hbm>> -> memref<8x10000xi32, #tpu.memory_space<hbm>>
      %dma_wait3A_227 = arith.constant 0 : i32
      %dma_wait3A_228 = arith.constant 0 : i32
      %dma_wait3A_229 = tpu.memref_slice %dma_wait3A_226[%dma_wait3A_227, %dma_wait3A_228] : memref<8x10000xi32, #tpu.memory_space<hbm>> -> memref<8x5120xi32, #tpu.memory_space<hbm>>
      %dma_wait3A_230 = arith.constant 0 : i32
      %dma_wait3A_231 = arith.constant 0 : i32
      %dma_wait3A_232 = tpu.memref_slice %arg3[%dma_wait3A_218, %dma_wait3A_219, %dma_wait3A_230, %dma_wait3A_231] : memref<2x9x8x10000xi32, #tpu.memory_space<hbm>> -> memref<1x1x8x10000xi32, #tpu.memory_space<hbm>>
      %dma_wait3A_233 = tpu.memref_squeeze %dma_wait3A_232 : memref<1x1x8x10000xi32, #tpu.memory_space<hbm>> -> memref<8x10000xi32, #tpu.memory_space<hbm>>
      %dma_wait3A_234 = arith.constant 0 : i32
      %dma_wait3A_235 = arith.constant 0 : i32
      %dma_wait3A_236 = tpu.memref_slice %dma_wait3A_233[%dma_wait3A_234, %dma_wait3A_235] : memref<8x10000xi32, #tpu.memory_space<hbm>> -> memref<8x5120xi32, #tpu.memory_space<hbm>>
      %dma_wait3A_237 = arith.constant 0 : i32
      %dma_wait3A_238 = arith.constant 0 : i32
      %dma_wait3A_239 = tpu.memref_slice %arg4[%dma_wait3A_237, %dma_wait3A_238] : memref<8x10000xi32, #tpu.memory_space<vmem>> -> memref<8x5120xi32, #tpu.memory_space<vmem>>
      tpu.wait_dma2 semaphore(%arg7 : memref<!tpu.dma_semaphore, #tpu.memory_space<semaphore_mem>>) src(%dma_wait3A_239 : memref<8x5120xi32, #tpu.memory_space<vmem>>) dst(%dma_wait3A_236 : memref<8x5120xi32, #tpu.memory_space<hbm>>)
      %dma_wait3A_240 = arith.constant 1 : i32
      %dma_wait3A_241 = arith.constant 1 : i32
      %dma_wait3A_242 = arith.constant 0 : i32
      %dma_wait3A_243 = arith.constant 5120 : i32
      %dma_wait3A_244 = tpu.memref_slice %arg4[%dma_wait3A_242, %dma_wait3A_243] : memref<8x10000xi32, #tpu.memory_space<vmem>> -> memref<8x4880xi32, #tpu.memory_space<vmem>>
      %dma_wait3A_245 = arith.constant 0 : i32
      %dma_wait3A_246 = arith.constant 0 : i32
      %dma_wait3A_247 = tpu.memref_slice %arg3[%dma_wait3A_240, %dma_wait3A_241, %dma_wait3A_245, %dma_wait3A_246] : memref<2x9x8x10000xi32, #tpu.memory_space<hbm>> -> memref<1x1x8x10000xi32, #tpu.memory_space<hbm>>
      %dma_wait3A_248 = tpu.memref_squeeze %dma_wait3A_247 : memref<1x1x8x10000xi32, #tpu.memory_space<hbm>> -> memref<8x10000xi32, #tpu.memory_space<hbm>>
      %dma_wait3A_249 = arith.constant 0 : i32
      %dma_wait3A_250 = arith.constant 5120 : i32
      %dma_wait3A_251 = tpu.memref_slice %dma_wait3A_248[%dma_wait3A_249, %dma_wait3A_250] : memref<8x10000xi32, #tpu.memory_space<hbm>> -> memref<8x4880xi32, #tpu.memory_space<hbm>>
      %dma_wait3A_252 = arith.constant 0 : i32
      %dma_wait3A_253 = arith.constant 0 : i32
      %dma_wait3A_254 = tpu.memref_slice %arg3[%dma_wait3A_240, %dma_wait3A_241, %dma_wait3A_252, %dma_wait3A_253] : memref<2x9x8x10000xi32, #tpu.memory_space<hbm>> -> memref<1x1x8x10000xi32, #tpu.memory_space<hbm>>
      %dma_wait3A_255 = tpu.memref_squeeze %dma_wait3A_254 : memref<1x1x8x10000xi32, #tpu.memory_space<hbm>> -> memref<8x10000xi32, #tpu.memory_space<hbm>>
      %dma_wait3A_256 = arith.constant 0 : i32
      %dma_wait3A_257 = arith.constant 5120 : i32
      %dma_wait3A_258 = tpu.memref_slice %dma_wait3A_255[%dma_wait3A_256, %dma_wait3A_257] : memref<8x10000xi32, #tpu.memory_space<hbm>> -> memref<8x4880xi32, #tpu.memory_space<hbm>>
      %dma_wait3A_259 = arith.constant 0 : i32
      %dma_wait3A_260 = arith.constant 5120 : i32
      %dma_wait3A_261 = tpu.memref_slice %arg4[%dma_wait3A_259, %dma_wait3A_260] : memref<8x10000xi32, #tpu.memory_space<vmem>> -> memref<8x4880xi32, #tpu.memory_space<vmem>>
      tpu.wait_dma2 semaphore(%arg8 : memref<!tpu.dma_semaphore, #tpu.memory_space<semaphore_mem>>) src(%dma_wait3A_261 : memref<8x4880xi32, #tpu.memory_space<vmem>>) dst(%dma_wait3A_258 : memref<8x4880xi32, #tpu.memory_space<hbm>>)
    } else {
    }
    %eq3A_53 = arith.constant 11 : i32
    %eq3A_54 = arith.cmpi eq, %add3A, %eq3A_53 : i32
    %convert_element_type3A_55 = arith.extui %eq3A_54 : i1 to i32
    %cond3A_56 = arith.constant 0 : i32
    %cond3A_57 = arith.cmpi ne, %convert_element_type3A_55, %cond3A_56 : i32
    scf.if %cond3A_57 {
      %dma_start3A = arith.constant 1 : i32
      %dma_start3A_88 = arith.constant 4 : i32
      %dma_start3A_89 = arith.constant 0 : i32
      %dma_start3A_90 = arith.constant 0 : i32
      %dma_start3A_91 = tpu.memref_slice %arg4[%dma_start3A_89, %dma_start3A_90] : memref<8x10000xi32, #tpu.memory_space<vmem>> -> memref<8x5120xi32, #tpu.memory_space<vmem>>
      %dma_start3A_92 = arith.constant 0 : i32
      %dma_start3A_93 = arith.constant 0 : i32
      %dma_start3A_94 = tpu.memref_slice %arg2[%dma_start3A, %dma_start3A_88, %dma_start3A_92, %dma_start3A_93] : memref<2x18x8x10000xi32, #tpu.memory_space<hbm>> -> memref<1x1x8x10000xi32, #tpu.memory_space<hbm>>
      %dma_start3A_95 = tpu.memref_squeeze %dma_start3A_94 : memref<1x1x8x10000xi32, #tpu.memory_space<hbm>> -> memref<8x10000xi32, #tpu.memory_space<hbm>>
      %dma_start3A_96 = arith.constant 0 : i32
      %dma_start3A_97 = arith.constant 0 : i32
      %dma_start3A_98 = tpu.memref_slice %dma_start3A_95[%dma_start3A_96, %dma_start3A_97] : memref<8x10000xi32, #tpu.memory_space<hbm>> -> memref<8x5120xi32, #tpu.memory_space<hbm>>
      %dma_start3A_99 = arith.constant 0 : i32
      %dma_start3A_100 = arith.constant 0 : i32
      %dma_start3A_101 = tpu.memref_slice %arg4[%dma_start3A_99, %dma_start3A_100] : memref<8x10000xi32, #tpu.memory_space<vmem>> -> memref<8x5120xi32, #tpu.memory_space<vmem>>
      %dma_start3A_102 = arith.constant 0 : i32
      %dma_start3A_103 = arith.constant 0 : i32
      %dma_start3A_104 = tpu.memref_slice %arg2[%dma_start3A, %dma_start3A_88, %dma_start3A_102, %dma_start3A_103] : memref<2x18x8x10000xi32, #tpu.memory_space<hbm>> -> memref<1x1x8x10000xi32, #tpu.memory_space<hbm>>
      %dma_start3A_105 = tpu.memref_squeeze %dma_start3A_104 : memref<1x1x8x10000xi32, #tpu.memory_space<hbm>> -> memref<8x10000xi32, #tpu.memory_space<hbm>>
      %dma_start3A_106 = arith.constant 0 : i32
      %dma_start3A_107 = arith.constant 0 : i32
      %dma_start3A_108 = tpu.memref_slice %dma_start3A_105[%dma_start3A_106, %dma_start3A_107] : memref<8x10000xi32, #tpu.memory_space<hbm>> -> memref<8x5120xi32, #tpu.memory_space<hbm>>
      tpu.enqueue_dma source(%dma_start3A_108 : memref<8x5120xi32, #tpu.memory_space<hbm>>) target(%dma_start3A_101 : memref<8x5120xi32, #tpu.memory_space<vmem>>) target_semaphore(%arg5 : memref<!tpu.dma_semaphore, #tpu.memory_space<semaphore_mem>>)
      %dma_start3A_109 = arith.constant 1 : i32
      %dma_start3A_110 = arith.constant 4 : i32
      %dma_start3A_111 = arith.constant 0 : i32
      %dma_start3A_112 = arith.constant 5120 : i32
      %dma_start3A_113 = tpu.memref_slice %arg4[%dma_start3A_111, %dma_start3A_112] : memref<8x10000xi32, #tpu.memory_space<vmem>> -> memref<8x4880xi32, #tpu.memory_space<vmem>>
      %dma_start3A_114 = arith.constant 0 : i32
      %dma_start3A_115 = arith.constant 0 : i32
      %dma_start3A_116 = tpu.memref_slice %arg2[%dma_start3A_109, %dma_start3A_110, %dma_start3A_114, %dma_start3A_115] : memref<2x18x8x10000xi32, #tpu.memory_space<hbm>> -> memref<1x1x8x10000xi32, #tpu.memory_space<hbm>>
      %dma_start3A_117 = tpu.memref_squeeze %dma_start3A_116 : memref<1x1x8x10000xi32, #tpu.memory_space<hbm>> -> memref<8x10000xi32, #tpu.memory_space<hbm>>
      %dma_start3A_118 = arith.constant 0 : i32
      %dma_start3A_119 = arith.constant 5120 : i32
      %dma_start3A_120 = tpu.memref_slice %dma_start3A_117[%dma_start3A_118, %dma_start3A_119] : memref<8x10000xi32, #tpu.memory_space<hbm>> -> memref<8x4880xi32, #tpu.memory_space<hbm>>
      %dma_start3A_121 = arith.constant 0 : i32
      %dma_start3A_122 = arith.constant 5120 : i32
      %dma_start3A_123 = tpu.memref_slice %arg4[%dma_start3A_121, %dma_start3A_122] : memref<8x10000xi32, #tpu.memory_space<vmem>> -> memref<8x4880xi32, #tpu.memory_space<vmem>>
      %dma_start3A_124 = arith.constant 0 : i32
      %dma_start3A_125 = arith.constant 0 : i32
      %dma_start3A_126 = tpu.memref_slice %arg2[%dma_start3A_109, %dma_start3A_110, %dma_start3A_124, %dma_start3A_125] : memref<2x18x8x10000xi32, #tpu.memory_space<hbm>> -> memref<1x1x8x10000xi32, #tpu.memory_space<hbm>>
      %dma_start3A_127 = tpu.memref_squeeze %dma_start3A_126 : memref<1x1x8x10000xi32, #tpu.memory_space<hbm>> -> memref<8x10000xi32, #tpu.memory_space<hbm>>
      %dma_start3A_128 = arith.constant 0 : i32
      %dma_start3A_129 = arith.constant 5120 : i32
      %dma_start3A_130 = tpu.memref_slice %dma_start3A_127[%dma_start3A_128, %dma_start3A_129] : memref<8x10000xi32, #tpu.memory_space<hbm>> -> memref<8x4880xi32, #tpu.memory_space<hbm>>
      tpu.enqueue_dma source(%dma_start3A_130 : memref<8x4880xi32, #tpu.memory_space<hbm>>) target(%dma_start3A_123 : memref<8x4880xi32, #tpu.memory_space<vmem>>) target_semaphore(%arg6 : memref<!tpu.dma_semaphore, #tpu.memory_space<semaphore_mem>>)
      %dma_wait3A = arith.constant 1 : i32
      %dma_wait3A_131 = arith.constant 4 : i32
      %dma_wait3A_132 = arith.constant 0 : i32
      %dma_wait3A_133 = arith.constant 0 : i32
      %dma_wait3A_134 = tpu.memref_slice %arg4[%dma_wait3A_132, %dma_wait3A_133] : memref<8x10000xi32, #tpu.memory_space<vmem>> -> memref<8x5120xi32, #tpu.memory_space<vmem>>
      %dma_wait3A_135 = arith.constant 0 : i32
      %dma_wait3A_136 = arith.constant 0 : i32
      %dma_wait3A_137 = tpu.memref_slice %arg2[%dma_wait3A, %dma_wait3A_131, %dma_wait3A_135, %dma_wait3A_136] : memref<2x18x8x10000xi32, #tpu.memory_space<hbm>> -> memref<1x1x8x10000xi32, #tpu.memory_space<hbm>>
      %dma_wait3A_138 = tpu.memref_squeeze %dma_wait3A_137 : memref<1x1x8x10000xi32, #tpu.memory_space<hbm>> -> memref<8x10000xi32, #tpu.memory_space<hbm>>
      %dma_wait3A_139 = arith.constant 0 : i32
      %dma_wait3A_140 = arith.constant 0 : i32
      %dma_wait3A_141 = tpu.memref_slice %dma_wait3A_138[%dma_wait3A_139, %dma_wait3A_140] : memref<8x10000xi32, #tpu.memory_space<hbm>> -> memref<8x5120xi32, #tpu.memory_space<hbm>>
      %dma_wait3A_142 = arith.constant 0 : i32
      %dma_wait3A_143 = arith.constant 0 : i32
      %dma_wait3A_144 = tpu.memref_slice %arg4[%dma_wait3A_142, %dma_wait3A_143] : memref<8x10000xi32, #tpu.memory_space<vmem>> -> memref<8x5120xi32, #tpu.memory_space<vmem>>
      %dma_wait3A_145 = arith.constant 0 : i32
      %dma_wait3A_146 = arith.constant 0 : i32
      %dma_wait3A_147 = tpu.memref_slice %arg2[%dma_wait3A, %dma_wait3A_131, %dma_wait3A_145, %dma_wait3A_146] : memref<2x18x8x10000xi32, #tpu.memory_space<hbm>> -> memref<1x1x8x10000xi32, #tpu.memory_space<hbm>>
      %dma_wait3A_148 = tpu.memref_squeeze %dma_wait3A_147 : memref<1x1x8x10000xi32, #tpu.memory_space<hbm>> -> memref<8x10000xi32, #tpu.memory_space<hbm>>
      %dma_wait3A_149 = arith.constant 0 : i32
      %dma_wait3A_150 = arith.constant 0 : i32
      %dma_wait3A_151 = tpu.memref_slice %dma_wait3A_148[%dma_wait3A_149, %dma_wait3A_150] : memref<8x10000xi32, #tpu.memory_space<hbm>> -> memref<8x5120xi32, #tpu.memory_space<hbm>>
      tpu.wait_dma2 semaphore(%arg5 : memref<!tpu.dma_semaphore, #tpu.memory_space<semaphore_mem>>) src(%dma_wait3A_151 : memref<8x5120xi32, #tpu.memory_space<hbm>>) dst(%dma_wait3A_144 : memref<8x5120xi32, #tpu.memory_space<vmem>>)
      %dma_start3A_152 = arith.constant 1 : i32
      %dma_start3A_153 = arith.constant 2 : i32
      %dma_start3A_154 = arith.constant 0 : i32
      %dma_start3A_155 = arith.constant 0 : i32
      %dma_start3A_156 = tpu.memref_slice %arg4[%dma_start3A_154, %dma_start3A_155] : memref<8x10000xi32, #tpu.memory_space<vmem>> -> memref<8x5120xi32, #tpu.memory_space<vmem>>
      %dma_start3A_157 = arith.constant 0 : i32
      %dma_start3A_158 = arith.constant 0 : i32
      %dma_start3A_159 = tpu.memref_slice %arg3[%dma_start3A_152, %dma_start3A_153, %dma_start3A_157, %dma_start3A_158] : memref<2x9x8x10000xi32, #tpu.memory_space<hbm>> -> memref<1x1x8x10000xi32, #tpu.memory_space<hbm>>
      %dma_start3A_160 = tpu.memref_squeeze %dma_start3A_159 : memref<1x1x8x10000xi32, #tpu.memory_space<hbm>> -> memref<8x10000xi32, #tpu.memory_space<hbm>>
      %dma_start3A_161 = arith.constant 0 : i32
      %dma_start3A_162 = arith.constant 0 : i32
      %dma_start3A_163 = tpu.memref_slice %dma_start3A_160[%dma_start3A_161, %dma_start3A_162] : memref<8x10000xi32, #tpu.memory_space<hbm>> -> memref<8x5120xi32, #tpu.memory_space<hbm>>
      %dma_start3A_164 = arith.constant 0 : i32
      %dma_start3A_165 = arith.constant 0 : i32
      %dma_start3A_166 = tpu.memref_slice %arg3[%dma_start3A_152, %dma_start3A_153, %dma_start3A_164, %dma_start3A_165] : memref<2x9x8x10000xi32, #tpu.memory_space<hbm>> -> memref<1x1x8x10000xi32, #tpu.memory_space<hbm>>
      %dma_start3A_167 = tpu.memref_squeeze %dma_start3A_166 : memref<1x1x8x10000xi32, #tpu.memory_space<hbm>> -> memref<8x10000xi32, #tpu.memory_space<hbm>>
      %dma_start3A_168 = arith.constant 0 : i32
      %dma_start3A_169 = arith.constant 0 : i32
      %dma_start3A_170 = tpu.memref_slice %dma_start3A_167[%dma_start3A_168, %dma_start3A_169] : memref<8x10000xi32, #tpu.memory_space<hbm>> -> memref<8x5120xi32, #tpu.memory_space<hbm>>
      %dma_start3A_171 = arith.constant 0 : i32
      %dma_start3A_172 = arith.constant 0 : i32
      %dma_start3A_173 = tpu.memref_slice %arg4[%dma_start3A_171, %dma_start3A_172] : memref<8x10000xi32, #tpu.memory_space<vmem>> -> memref<8x5120xi32, #tpu.memory_space<vmem>>
      tpu.enqueue_dma source(%dma_start3A_173 : memref<8x5120xi32, #tpu.memory_space<vmem>>) target(%dma_start3A_170 : memref<8x5120xi32, #tpu.memory_space<hbm>>) target_semaphore(%arg7 : memref<!tpu.dma_semaphore, #tpu.memory_space<semaphore_mem>>)
      %dma_wait3A_174 = arith.constant 1 : i32
      %dma_wait3A_175 = arith.constant 4 : i32
      %dma_wait3A_176 = arith.constant 0 : i32
      %dma_wait3A_177 = arith.constant 5120 : i32
      %dma_wait3A_178 = tpu.memref_slice %arg4[%dma_wait3A_176, %dma_wait3A_177] : memref<8x10000xi32, #tpu.memory_space<vmem>> -> memref<8x4880xi32, #tpu.memory_space<vmem>>
      %dma_wait3A_179 = arith.constant 0 : i32
      %dma_wait3A_180 = arith.constant 0 : i32
      %dma_wait3A_181 = tpu.memref_slice %arg2[%dma_wait3A_174, %dma_wait3A_175, %dma_wait3A_179, %dma_wait3A_180] : memref<2x18x8x10000xi32, #tpu.memory_space<hbm>> -> memref<1x1x8x10000xi32, #tpu.memory_space<hbm>>
      %dma_wait3A_182 = tpu.memref_squeeze %dma_wait3A_181 : memref<1x1x8x10000xi32, #tpu.memory_space<hbm>> -> memref<8x10000xi32, #tpu.memory_space<hbm>>
      %dma_wait3A_183 = arith.constant 0 : i32
      %dma_wait3A_184 = arith.constant 5120 : i32
      %dma_wait3A_185 = tpu.memref_slice %dma_wait3A_182[%dma_wait3A_183, %dma_wait3A_184] : memref<8x10000xi32, #tpu.memory_space<hbm>> -> memref<8x4880xi32, #tpu.memory_space<hbm>>
      %dma_wait3A_186 = arith.constant 0 : i32
      %dma_wait3A_187 = arith.constant 5120 : i32
      %dma_wait3A_188 = tpu.memref_slice %arg4[%dma_wait3A_186, %dma_wait3A_187] : memref<8x10000xi32, #tpu.memory_space<vmem>> -> memref<8x4880xi32, #tpu.memory_space<vmem>>
      %dma_wait3A_189 = arith.constant 0 : i32
      %dma_wait3A_190 = arith.constant 0 : i32
      %dma_wait3A_191 = tpu.memref_slice %arg2[%dma_wait3A_174, %dma_wait3A_175, %dma_wait3A_189, %dma_wait3A_190] : memref<2x18x8x10000xi32, #tpu.memory_space<hbm>> -> memref<1x1x8x10000xi32, #tpu.memory_space<hbm>>
      %dma_wait3A_192 = tpu.memref_squeeze %dma_wait3A_191 : memref<1x1x8x10000xi32, #tpu.memory_space<hbm>> -> memref<8x10000xi32, #tpu.memory_space<hbm>>
      %dma_wait3A_193 = arith.constant 0 : i32
      %dma_wait3A_194 = arith.constant 5120 : i32
      %dma_wait3A_195 = tpu.memref_slice %dma_wait3A_192[%dma_wait3A_193, %dma_wait3A_194] : memref<8x10000xi32, #tpu.memory_space<hbm>> -> memref<8x4880xi32, #tpu.memory_space<hbm>>
      tpu.wait_dma2 semaphore(%arg6 : memref<!tpu.dma_semaphore, #tpu.memory_space<semaphore_mem>>) src(%dma_wait3A_195 : memref<8x4880xi32, #tpu.memory_space<hbm>>) dst(%dma_wait3A_188 : memref<8x4880xi32, #tpu.memory_space<vmem>>)
      %dma_start3A_196 = arith.constant 1 : i32
      %dma_start3A_197 = arith.constant 2 : i32
      %dma_start3A_198 = arith.constant 0 : i32
      %dma_start3A_199 = arith.constant 5120 : i32
      %dma_start3A_200 = tpu.memref_slice %arg4[%dma_start3A_198, %dma_start3A_199] : memref<8x10000xi32, #tpu.memory_space<vmem>> -> memref<8x4880xi32, #tpu.memory_space<vmem>>
      %dma_start3A_201 = arith.constant 0 : i32
      %dma_start3A_202 = arith.constant 0 : i32
      %dma_start3A_203 = tpu.memref_slice %arg3[%dma_start3A_196, %dma_start3A_197, %dma_start3A_201, %dma_start3A_202] : memref<2x9x8x10000xi32, #tpu.memory_space<hbm>> -> memref<1x1x8x10000xi32, #tpu.memory_space<hbm>>
      %dma_start3A_204 = tpu.memref_squeeze %dma_start3A_203 : memref<1x1x8x10000xi32, #tpu.memory_space<hbm>> -> memref<8x10000xi32, #tpu.memory_space<hbm>>
      %dma_start3A_205 = arith.constant 0 : i32
      %dma_start3A_206 = arith.constant 5120 : i32
      %dma_start3A_207 = tpu.memref_slice %dma_start3A_204[%dma_start3A_205, %dma_start3A_206] : memref<8x10000xi32, #tpu.memory_space<hbm>> -> memref<8x4880xi32, #tpu.memory_space<hbm>>
      %dma_start3A_208 = arith.constant 0 : i32
      %dma_start3A_209 = arith.constant 0 : i32
      %dma_start3A_210 = tpu.memref_slice %arg3[%dma_start3A_196, %dma_start3A_197, %dma_start3A_208, %dma_start3A_209] : memref<2x9x8x10000xi32, #tpu.memory_space<hbm>> -> memref<1x1x8x10000xi32, #tpu.memory_space<hbm>>
      %dma_start3A_211 = tpu.memref_squeeze %dma_start3A_210 : memref<1x1x8x10000xi32, #tpu.memory_space<hbm>> -> memref<8x10000xi32, #tpu.memory_space<hbm>>
      %dma_start3A_212 = arith.constant 0 : i32
      %dma_start3A_213 = arith.constant 5120 : i32
      %dma_start3A_214 = tpu.memref_slice %dma_start3A_211[%dma_start3A_212, %dma_start3A_213] : memref<8x10000xi32, #tpu.memory_space<hbm>> -> memref<8x4880xi32, #tpu.memory_space<hbm>>
      %dma_start3A_215 = arith.constant 0 : i32
      %dma_start3A_216 = arith.constant 5120 : i32
      %dma_start3A_217 = tpu.memref_slice %arg4[%dma_start3A_215, %dma_start3A_216] : memref<8x10000xi32, #tpu.memory_space<vmem>> -> memref<8x4880xi32, #tpu.memory_space<vmem>>
      tpu.enqueue_dma source(%dma_start3A_217 : memref<8x4880xi32, #tpu.memory_space<vmem>>) target(%dma_start3A_214 : memref<8x4880xi32, #tpu.memory_space<hbm>>) target_semaphore(%arg8 : memref<!tpu.dma_semaphore, #tpu.memory_space<semaphore_mem>>)
      %dma_wait3A_218 = arith.constant 1 : i32
      %dma_wait3A_219 = arith.constant 2 : i32
      %dma_wait3A_220 = arith.constant 0 : i32
      %dma_wait3A_221 = arith.constant 0 : i32
      %dma_wait3A_222 = tpu.memref_slice %arg4[%dma_wait3A_220, %dma_wait3A_221] : memref<8x10000xi32, #tpu.memory_space<vmem>> -> memref<8x5120xi32, #tpu.memory_space<vmem>>
      %dma_wait3A_223 = arith.constant 0 : i32
      %dma_wait3A_224 = arith.constant 0 : i32
      %dma_wait3A_225 = tpu.memref_slice %arg3[%dma_wait3A_218, %dma_wait3A_219, %dma_wait3A_223, %dma_wait3A_224] : memref<2x9x8x10000xi32, #tpu.memory_space<hbm>> -> memref<1x1x8x10000xi32, #tpu.memory_space<hbm>>
      %dma_wait3A_226 = tpu.memref_squeeze %dma_wait3A_225 : memref<1x1x8x10000xi32, #tpu.memory_space<hbm>> -> memref<8x10000xi32, #tpu.memory_space<hbm>>
      %dma_wait3A_227 = arith.constant 0 : i32
      %dma_wait3A_228 = arith.constant 0 : i32
      %dma_wait3A_229 = tpu.memref_slice %dma_wait3A_226[%dma_wait3A_227, %dma_wait3A_228] : memref<8x10000xi32, #tpu.memory_space<hbm>> -> memref<8x5120xi32, #tpu.memory_space<hbm>>
      %dma_wait3A_230 = arith.constant 0 : i32
      %dma_wait3A_231 = arith.constant 0 : i32
      %dma_wait3A_232 = tpu.memref_slice %arg3[%dma_wait3A_218, %dma_wait3A_219, %dma_wait3A_230, %dma_wait3A_231] : memref<2x9x8x10000xi32, #tpu.memory_space<hbm>> -> memref<1x1x8x10000xi32, #tpu.memory_space<hbm>>
      %dma_wait3A_233 = tpu.memref_squeeze %dma_wait3A_232 : memref<1x1x8x10000xi32, #tpu.memory_space<hbm>> -> memref<8x10000xi32, #tpu.memory_space<hbm>>
      %dma_wait3A_234 = arith.constant 0 : i32
      %dma_wait3A_235 = arith.constant 0 : i32
      %dma_wait3A_236 = tpu.memref_slice %dma_wait3A_233[%dma_wait3A_234, %dma_wait3A_235] : memref<8x10000xi32, #tpu.memory_space<hbm>> -> memref<8x5120xi32, #tpu.memory_space<hbm>>
      %dma_wait3A_237 = arith.constant 0 : i32
      %dma_wait3A_238 = arith.constant 0 : i32
      %dma_wait3A_239 = tpu.memref_slice %arg4[%dma_wait3A_237, %dma_wait3A_238] : memref<8x10000xi32, #tpu.memory_space<vmem>> -> memref<8x5120xi32, #tpu.memory_space<vmem>>
      tpu.wait_dma2 semaphore(%arg7 : memref<!tpu.dma_semaphore, #tpu.memory_space<semaphore_mem>>) src(%dma_wait3A_239 : memref<8x5120xi32, #tpu.memory_space<vmem>>) dst(%dma_wait3A_236 : memref<8x5120xi32, #tpu.memory_space<hbm>>)
      %dma_wait3A_240 = arith.constant 1 : i32
      %dma_wait3A_241 = arith.constant 2 : i32
      %dma_wait3A_242 = arith.constant 0 : i32
      %dma_wait3A_243 = arith.constant 5120 : i32
      %dma_wait3A_244 = tpu.memref_slice %arg4[%dma_wait3A_242, %dma_wait3A_243] : memref<8x10000xi32, #tpu.memory_space<vmem>> -> memref<8x4880xi32, #tpu.memory_space<vmem>>
      %dma_wait3A_245 = arith.constant 0 : i32
      %dma_wait3A_246 = arith.constant 0 : i32
      %dma_wait3A_247 = tpu.memref_slice %arg3[%dma_wait3A_240, %dma_wait3A_241, %dma_wait3A_245, %dma_wait3A_246] : memref<2x9x8x10000xi32, #tpu.memory_space<hbm>> -> memref<1x1x8x10000xi32, #tpu.memory_space<hbm>>
      %dma_wait3A_248 = tpu.memref_squeeze %dma_wait3A_247 : memref<1x1x8x10000xi32, #tpu.memory_space<hbm>> -> memref<8x10000xi32, #tpu.memory_space<hbm>>
      %dma_wait3A_249 = arith.constant 0 : i32
      %dma_wait3A_250 = arith.constant 5120 : i32
      %dma_wait3A_251 = tpu.memref_slice %dma_wait3A_248[%dma_wait3A_249, %dma_wait3A_250] : memref<8x10000xi32, #tpu.memory_space<hbm>> -> memref<8x4880xi32, #tpu.memory_space<hbm>>
      %dma_wait3A_252 = arith.constant 0 : i32
      %dma_wait3A_253 = arith.constant 0 : i32
      %dma_wait3A_254 = tpu.memref_slice %arg3[%dma_wait3A_240, %dma_wait3A_241, %dma_wait3A_252, %dma_wait3A_253] : memref<2x9x8x10000xi32, #tpu.memory_space<hbm>> -> memref<1x1x8x10000xi32, #tpu.memory_space<hbm>>
      %dma_wait3A_255 = tpu.memref_squeeze %dma_wait3A_254 : memref<1x1x8x10000xi32, #tpu.memory_space<hbm>> -> memref<8x10000xi32, #tpu.memory_space<hbm>>
      %dma_wait3A_256 = arith.constant 0 : i32
      %dma_wait3A_257 = arith.constant 5120 : i32
      %dma_wait3A_258 = tpu.memref_slice %dma_wait3A_255[%dma_wait3A_256, %dma_wait3A_257] : memref<8x10000xi32, #tpu.memory_space<hbm>> -> memref<8x4880xi32, #tpu.memory_space<hbm>>
      %dma_wait3A_259 = arith.constant 0 : i32
      %dma_wait3A_260 = arith.constant 5120 : i32
      %dma_wait3A_261 = tpu.memref_slice %arg4[%dma_wait3A_259, %dma_wait3A_260] : memref<8x10000xi32, #tpu.memory_space<vmem>> -> memref<8x4880xi32, #tpu.memory_space<vmem>>
      tpu.wait_dma2 semaphore(%arg8 : memref<!tpu.dma_semaphore, #tpu.memory_space<semaphore_mem>>) src(%dma_wait3A_261 : memref<8x4880xi32, #tpu.memory_space<vmem>>) dst(%dma_wait3A_258 : memref<8x4880xi32, #tpu.memory_space<hbm>>)
    } else {
    }
    %eq3A_58 = arith.constant 12 : i32
    %eq3A_59 = arith.cmpi eq, %add3A, %eq3A_58 : i32
    %convert_element_type3A_60 = arith.extui %eq3A_59 : i1 to i32
    %cond3A_61 = arith.constant 0 : i32
    %cond3A_62 = arith.cmpi ne, %convert_element_type3A_60, %cond3A_61 : i32
    scf.if %cond3A_62 {
      %dma_start3A = arith.constant 1 : i32
      %dma_start3A_88 = arith.constant 6 : i32
      %dma_start3A_89 = arith.constant 0 : i32
      %dma_start3A_90 = arith.constant 0 : i32
      %dma_start3A_91 = tpu.memref_slice %arg4[%dma_start3A_89, %dma_start3A_90] : memref<8x10000xi32, #tpu.memory_space<vmem>> -> memref<8x5120xi32, #tpu.memory_space<vmem>>
      %dma_start3A_92 = arith.constant 0 : i32
      %dma_start3A_93 = arith.constant 0 : i32
      %dma_start3A_94 = tpu.memref_slice %arg2[%dma_start3A, %dma_start3A_88, %dma_start3A_92, %dma_start3A_93] : memref<2x18x8x10000xi32, #tpu.memory_space<hbm>> -> memref<1x1x8x10000xi32, #tpu.memory_space<hbm>>
      %dma_start3A_95 = tpu.memref_squeeze %dma_start3A_94 : memref<1x1x8x10000xi32, #tpu.memory_space<hbm>> -> memref<8x10000xi32, #tpu.memory_space<hbm>>
      %dma_start3A_96 = arith.constant 0 : i32
      %dma_start3A_97 = arith.constant 0 : i32
      %dma_start3A_98 = tpu.memref_slice %dma_start3A_95[%dma_start3A_96, %dma_start3A_97] : memref<8x10000xi32, #tpu.memory_space<hbm>> -> memref<8x5120xi32, #tpu.memory_space<hbm>>
      %dma_start3A_99 = arith.constant 0 : i32
      %dma_start3A_100 = arith.constant 0 : i32
      %dma_start3A_101 = tpu.memref_slice %arg4[%dma_start3A_99, %dma_start3A_100] : memref<8x10000xi32, #tpu.memory_space<vmem>> -> memref<8x5120xi32, #tpu.memory_space<vmem>>
      %dma_start3A_102 = arith.constant 0 : i32
      %dma_start3A_103 = arith.constant 0 : i32
      %dma_start3A_104 = tpu.memref_slice %arg2[%dma_start3A, %dma_start3A_88, %dma_start3A_102, %dma_start3A_103] : memref<2x18x8x10000xi32, #tpu.memory_space<hbm>> -> memref<1x1x8x10000xi32, #tpu.memory_space<hbm>>
      %dma_start3A_105 = tpu.memref_squeeze %dma_start3A_104 : memref<1x1x8x10000xi32, #tpu.memory_space<hbm>> -> memref<8x10000xi32, #tpu.memory_space<hbm>>
      %dma_start3A_106 = arith.constant 0 : i32
      %dma_start3A_107 = arith.constant 0 : i32
      %dma_start3A_108 = tpu.memref_slice %dma_start3A_105[%dma_start3A_106, %dma_start3A_107] : memref<8x10000xi32, #tpu.memory_space<hbm>> -> memref<8x5120xi32, #tpu.memory_space<hbm>>
      tpu.enqueue_dma source(%dma_start3A_108 : memref<8x5120xi32, #tpu.memory_space<hbm>>) target(%dma_start3A_101 : memref<8x5120xi32, #tpu.memory_space<vmem>>) target_semaphore(%arg5 : memref<!tpu.dma_semaphore, #tpu.memory_space<semaphore_mem>>)
      %dma_start3A_109 = arith.constant 1 : i32
      %dma_start3A_110 = arith.constant 6 : i32
      %dma_start3A_111 = arith.constant 0 : i32
      %dma_start3A_112 = arith.constant 5120 : i32
      %dma_start3A_113 = tpu.memref_slice %arg4[%dma_start3A_111, %dma_start3A_112] : memref<8x10000xi32, #tpu.memory_space<vmem>> -> memref<8x4880xi32, #tpu.memory_space<vmem>>
      %dma_start3A_114 = arith.constant 0 : i32
      %dma_start3A_115 = arith.constant 0 : i32
      %dma_start3A_116 = tpu.memref_slice %arg2[%dma_start3A_109, %dma_start3A_110, %dma_start3A_114, %dma_start3A_115] : memref<2x18x8x10000xi32, #tpu.memory_space<hbm>> -> memref<1x1x8x10000xi32, #tpu.memory_space<hbm>>
      %dma_start3A_117 = tpu.memref_squeeze %dma_start3A_116 : memref<1x1x8x10000xi32, #tpu.memory_space<hbm>> -> memref<8x10000xi32, #tpu.memory_space<hbm>>
      %dma_start3A_118 = arith.constant 0 : i32
      %dma_start3A_119 = arith.constant 5120 : i32
      %dma_start3A_120 = tpu.memref_slice %dma_start3A_117[%dma_start3A_118, %dma_start3A_119] : memref<8x10000xi32, #tpu.memory_space<hbm>> -> memref<8x4880xi32, #tpu.memory_space<hbm>>
      %dma_start3A_121 = arith.constant 0 : i32
      %dma_start3A_122 = arith.constant 5120 : i32
      %dma_start3A_123 = tpu.memref_slice %arg4[%dma_start3A_121, %dma_start3A_122] : memref<8x10000xi32, #tpu.memory_space<vmem>> -> memref<8x4880xi32, #tpu.memory_space<vmem>>
      %dma_start3A_124 = arith.constant 0 : i32
      %dma_start3A_125 = arith.constant 0 : i32
      %dma_start3A_126 = tpu.memref_slice %arg2[%dma_start3A_109, %dma_start3A_110, %dma_start3A_124, %dma_start3A_125] : memref<2x18x8x10000xi32, #tpu.memory_space<hbm>> -> memref<1x1x8x10000xi32, #tpu.memory_space<hbm>>
      %dma_start3A_127 = tpu.memref_squeeze %dma_start3A_126 : memref<1x1x8x10000xi32, #tpu.memory_space<hbm>> -> memref<8x10000xi32, #tpu.memory_space<hbm>>
      %dma_start3A_128 = arith.constant 0 : i32
      %dma_start3A_129 = arith.constant 5120 : i32
      %dma_start3A_130 = tpu.memref_slice %dma_start3A_127[%dma_start3A_128, %dma_start3A_129] : memref<8x10000xi32, #tpu.memory_space<hbm>> -> memref<8x4880xi32, #tpu.memory_space<hbm>>
      tpu.enqueue_dma source(%dma_start3A_130 : memref<8x4880xi32, #tpu.memory_space<hbm>>) target(%dma_start3A_123 : memref<8x4880xi32, #tpu.memory_space<vmem>>) target_semaphore(%arg6 : memref<!tpu.dma_semaphore, #tpu.memory_space<semaphore_mem>>)
      %dma_wait3A = arith.constant 1 : i32
      %dma_wait3A_131 = arith.constant 6 : i32
      %dma_wait3A_132 = arith.constant 0 : i32
      %dma_wait3A_133 = arith.constant 0 : i32
      %dma_wait3A_134 = tpu.memref_slice %arg4[%dma_wait3A_132, %dma_wait3A_133] : memref<8x10000xi32, #tpu.memory_space<vmem>> -> memref<8x5120xi32, #tpu.memory_space<vmem>>
      %dma_wait3A_135 = arith.constant 0 : i32
      %dma_wait3A_136 = arith.constant 0 : i32
      %dma_wait3A_137 = tpu.memref_slice %arg2[%dma_wait3A, %dma_wait3A_131, %dma_wait3A_135, %dma_wait3A_136] : memref<2x18x8x10000xi32, #tpu.memory_space<hbm>> -> memref<1x1x8x10000xi32, #tpu.memory_space<hbm>>
      %dma_wait3A_138 = tpu.memref_squeeze %dma_wait3A_137 : memref<1x1x8x10000xi32, #tpu.memory_space<hbm>> -> memref<8x10000xi32, #tpu.memory_space<hbm>>
      %dma_wait3A_139 = arith.constant 0 : i32
      %dma_wait3A_140 = arith.constant 0 : i32
      %dma_wait3A_141 = tpu.memref_slice %dma_wait3A_138[%dma_wait3A_139, %dma_wait3A_140] : memref<8x10000xi32, #tpu.memory_space<hbm>> -> memref<8x5120xi32, #tpu.memory_space<hbm>>
      %dma_wait3A_142 = arith.constant 0 : i32
      %dma_wait3A_143 = arith.constant 0 : i32
      %dma_wait3A_144 = tpu.memref_slice %arg4[%dma_wait3A_142, %dma_wait3A_143] : memref<8x10000xi32, #tpu.memory_space<vmem>> -> memref<8x5120xi32, #tpu.memory_space<vmem>>
      %dma_wait3A_145 = arith.constant 0 : i32
      %dma_wait3A_146 = arith.constant 0 : i32
      %dma_wait3A_147 = tpu.memref_slice %arg2[%dma_wait3A, %dma_wait3A_131, %dma_wait3A_145, %dma_wait3A_146] : memref<2x18x8x10000xi32, #tpu.memory_space<hbm>> -> memref<1x1x8x10000xi32, #tpu.memory_space<hbm>>
      %dma_wait3A_148 = tpu.memref_squeeze %dma_wait3A_147 : memref<1x1x8x10000xi32, #tpu.memory_space<hbm>> -> memref<8x10000xi32, #tpu.memory_space<hbm>>
      %dma_wait3A_149 = arith.constant 0 : i32
      %dma_wait3A_150 = arith.constant 0 : i32
      %dma_wait3A_151 = tpu.memref_slice %dma_wait3A_148[%dma_wait3A_149, %dma_wait3A_150] : memref<8x10000xi32, #tpu.memory_space<hbm>> -> memref<8x5120xi32, #tpu.memory_space<hbm>>
      tpu.wait_dma2 semaphore(%arg5 : memref<!tpu.dma_semaphore, #tpu.memory_space<semaphore_mem>>) src(%dma_wait3A_151 : memref<8x5120xi32, #tpu.memory_space<hbm>>) dst(%dma_wait3A_144 : memref<8x5120xi32, #tpu.memory_space<vmem>>)
      %dma_start3A_152 = arith.constant 1 : i32
      %dma_start3A_153 = arith.constant 3 : i32
      %dma_start3A_154 = arith.constant 0 : i32
      %dma_start3A_155 = arith.constant 0 : i32
      %dma_start3A_156 = tpu.memref_slice %arg4[%dma_start3A_154, %dma_start3A_155] : memref<8x10000xi32, #tpu.memory_space<vmem>> -> memref<8x5120xi32, #tpu.memory_space<vmem>>
      %dma_start3A_157 = arith.constant 0 : i32
      %dma_start3A_158 = arith.constant 0 : i32
      %dma_start3A_159 = tpu.memref_slice %arg3[%dma_start3A_152, %dma_start3A_153, %dma_start3A_157, %dma_start3A_158] : memref<2x9x8x10000xi32, #tpu.memory_space<hbm>> -> memref<1x1x8x10000xi32, #tpu.memory_space<hbm>>
      %dma_start3A_160 = tpu.memref_squeeze %dma_start3A_159 : memref<1x1x8x10000xi32, #tpu.memory_space<hbm>> -> memref<8x10000xi32, #tpu.memory_space<hbm>>
      %dma_start3A_161 = arith.constant 0 : i32
      %dma_start3A_162 = arith.constant 0 : i32
      %dma_start3A_163 = tpu.memref_slice %dma_start3A_160[%dma_start3A_161, %dma_start3A_162] : memref<8x10000xi32, #tpu.memory_space<hbm>> -> memref<8x5120xi32, #tpu.memory_space<hbm>>
      %dma_start3A_164 = arith.constant 0 : i32
      %dma_start3A_165 = arith.constant 0 : i32
      %dma_start3A_166 = tpu.memref_slice %arg3[%dma_start3A_152, %dma_start3A_153, %dma_start3A_164, %dma_start3A_165] : memref<2x9x8x10000xi32, #tpu.memory_space<hbm>> -> memref<1x1x8x10000xi32, #tpu.memory_space<hbm>>
      %dma_start3A_167 = tpu.memref_squeeze %dma_start3A_166 : memref<1x1x8x10000xi32, #tpu.memory_space<hbm>> -> memref<8x10000xi32, #tpu.memory_space<hbm>>
      %dma_start3A_168 = arith.constant 0 : i32
      %dma_start3A_169 = arith.constant 0 : i32
      %dma_start3A_170 = tpu.memref_slice %dma_start3A_167[%dma_start3A_168, %dma_start3A_169] : memref<8x10000xi32, #tpu.memory_space<hbm>> -> memref<8x5120xi32, #tpu.memory_space<hbm>>
      %dma_start3A_171 = arith.constant 0 : i32
      %dma_start3A_172 = arith.constant 0 : i32
      %dma_start3A_173 = tpu.memref_slice %arg4[%dma_start3A_171, %dma_start3A_172] : memref<8x10000xi32, #tpu.memory_space<vmem>> -> memref<8x5120xi32, #tpu.memory_space<vmem>>
      tpu.enqueue_dma source(%dma_start3A_173 : memref<8x5120xi32, #tpu.memory_space<vmem>>) target(%dma_start3A_170 : memref<8x5120xi32, #tpu.memory_space<hbm>>) target_semaphore(%arg7 : memref<!tpu.dma_semaphore, #tpu.memory_space<semaphore_mem>>)
      %dma_wait3A_174 = arith.constant 1 : i32
      %dma_wait3A_175 = arith.constant 6 : i32
      %dma_wait3A_176 = arith.constant 0 : i32
      %dma_wait3A_177 = arith.constant 5120 : i32
      %dma_wait3A_178 = tpu.memref_slice %arg4[%dma_wait3A_176, %dma_wait3A_177] : memref<8x10000xi32, #tpu.memory_space<vmem>> -> memref<8x4880xi32, #tpu.memory_space<vmem>>
      %dma_wait3A_179 = arith.constant 0 : i32
      %dma_wait3A_180 = arith.constant 0 : i32
      %dma_wait3A_181 = tpu.memref_slice %arg2[%dma_wait3A_174, %dma_wait3A_175, %dma_wait3A_179, %dma_wait3A_180] : memref<2x18x8x10000xi32, #tpu.memory_space<hbm>> -> memref<1x1x8x10000xi32, #tpu.memory_space<hbm>>
      %dma_wait3A_182 = tpu.memref_squeeze %dma_wait3A_181 : memref<1x1x8x10000xi32, #tpu.memory_space<hbm>> -> memref<8x10000xi32, #tpu.memory_space<hbm>>
      %dma_wait3A_183 = arith.constant 0 : i32
      %dma_wait3A_184 = arith.constant 5120 : i32
      %dma_wait3A_185 = tpu.memref_slice %dma_wait3A_182[%dma_wait3A_183, %dma_wait3A_184] : memref<8x10000xi32, #tpu.memory_space<hbm>> -> memref<8x4880xi32, #tpu.memory_space<hbm>>
      %dma_wait3A_186 = arith.constant 0 : i32
      %dma_wait3A_187 = arith.constant 5120 : i32
      %dma_wait3A_188 = tpu.memref_slice %arg4[%dma_wait3A_186, %dma_wait3A_187] : memref<8x10000xi32, #tpu.memory_space<vmem>> -> memref<8x4880xi32, #tpu.memory_space<vmem>>
      %dma_wait3A_189 = arith.constant 0 : i32
      %dma_wait3A_190 = arith.constant 0 : i32
      %dma_wait3A_191 = tpu.memref_slice %arg2[%dma_wait3A_174, %dma_wait3A_175, %dma_wait3A_189, %dma_wait3A_190] : memref<2x18x8x10000xi32, #tpu.memory_space<hbm>> -> memref<1x1x8x10000xi32, #tpu.memory_space<hbm>>
      %dma_wait3A_192 = tpu.memref_squeeze %dma_wait3A_191 : memref<1x1x8x10000xi32, #tpu.memory_space<hbm>> -> memref<8x10000xi32, #tpu.memory_space<hbm>>
      %dma_wait3A_193 = arith.constant 0 : i32
      %dma_wait3A_194 = arith.constant 5120 : i32
      %dma_wait3A_195 = tpu.memref_slice %dma_wait3A_192[%dma_wait3A_193, %dma_wait3A_194] : memref<8x10000xi32, #tpu.memory_space<hbm>> -> memref<8x4880xi32, #tpu.memory_space<hbm>>
      tpu.wait_dma2 semaphore(%arg6 : memref<!tpu.dma_semaphore, #tpu.memory_space<semaphore_mem>>) src(%dma_wait3A_195 : memref<8x4880xi32, #tpu.memory_space<hbm>>) dst(%dma_wait3A_188 : memref<8x4880xi32, #tpu.memory_space<vmem>>)
      %dma_start3A_196 = arith.constant 1 : i32
      %dma_start3A_197 = arith.constant 3 : i32
      %dma_start3A_198 = arith.constant 0 : i32
      %dma_start3A_199 = arith.constant 5120 : i32
      %dma_start3A_200 = tpu.memref_slice %arg4[%dma_start3A_198, %dma_start3A_199] : memref<8x10000xi32, #tpu.memory_space<vmem>> -> memref<8x4880xi32, #tpu.memory_space<vmem>>
      %dma_start3A_201 = arith.constant 0 : i32
      %dma_start3A_202 = arith.constant 0 : i32
      %dma_start3A_203 = tpu.memref_slice %arg3[%dma_start3A_196, %dma_start3A_197, %dma_start3A_201, %dma_start3A_202] : memref<2x9x8x10000xi32, #tpu.memory_space<hbm>> -> memref<1x1x8x10000xi32, #tpu.memory_space<hbm>>
      %dma_start3A_204 = tpu.memref_squeeze %dma_start3A_203 : memref<1x1x8x10000xi32, #tpu.memory_space<hbm>> -> memref<8x10000xi32, #tpu.memory_space<hbm>>
      %dma_start3A_205 = arith.constant 0 : i32
      %dma_start3A_206 = arith.constant 5120 : i32
      %dma_start3A_207 = tpu.memref_slice %dma_start3A_204[%dma_start3A_205, %dma_start3A_206] : memref<8x10000xi32, #tpu.memory_space<hbm>> -> memref<8x4880xi32, #tpu.memory_space<hbm>>
      %dma_start3A_208 = arith.constant 0 : i32
      %dma_start3A_209 = arith.constant 0 : i32
      %dma_start3A_210 = tpu.memref_slice %arg3[%dma_start3A_196, %dma_start3A_197, %dma_start3A_208, %dma_start3A_209] : memref<2x9x8x10000xi32, #tpu.memory_space<hbm>> -> memref<1x1x8x10000xi32, #tpu.memory_space<hbm>>
      %dma_start3A_211 = tpu.memref_squeeze %dma_start3A_210 : memref<1x1x8x10000xi32, #tpu.memory_space<hbm>> -> memref<8x10000xi32, #tpu.memory_space<hbm>>
      %dma_start3A_212 = arith.constant 0 : i32
      %dma_start3A_213 = arith.constant 5120 : i32
      %dma_start3A_214 = tpu.memref_slice %dma_start3A_211[%dma_start3A_212, %dma_start3A_213] : memref<8x10000xi32, #tpu.memory_space<hbm>> -> memref<8x4880xi32, #tpu.memory_space<hbm>>
      %dma_start3A_215 = arith.constant 0 : i32
      %dma_start3A_216 = arith.constant 5120 : i32
      %dma_start3A_217 = tpu.memref_slice %arg4[%dma_start3A_215, %dma_start3A_216] : memref<8x10000xi32, #tpu.memory_space<vmem>> -> memref<8x4880xi32, #tpu.memory_space<vmem>>
      tpu.enqueue_dma source(%dma_start3A_217 : memref<8x4880xi32, #tpu.memory_space<vmem>>) target(%dma_start3A_214 : memref<8x4880xi32, #tpu.memory_space<hbm>>) target_semaphore(%arg8 : memref<!tpu.dma_semaphore, #tpu.memory_space<semaphore_mem>>)
      %dma_wait3A_218 = arith.constant 1 : i32
      %dma_wait3A_219 = arith.constant 3 : i32
      %dma_wait3A_220 = arith.constant 0 : i32
      %dma_wait3A_221 = arith.constant 0 : i32
      %dma_wait3A_222 = tpu.memref_slice %arg4[%dma_wait3A_220, %dma_wait3A_221] : memref<8x10000xi32, #tpu.memory_space<vmem>> -> memref<8x5120xi32, #tpu.memory_space<vmem>>
      %dma_wait3A_223 = arith.constant 0 : i32
      %dma_wait3A_224 = arith.constant 0 : i32
      %dma_wait3A_225 = tpu.memref_slice %arg3[%dma_wait3A_218, %dma_wait3A_219, %dma_wait3A_223, %dma_wait3A_224] : memref<2x9x8x10000xi32, #tpu.memory_space<hbm>> -> memref<1x1x8x10000xi32, #tpu.memory_space<hbm>>
      %dma_wait3A_226 = tpu.memref_squeeze %dma_wait3A_225 : memref<1x1x8x10000xi32, #tpu.memory_space<hbm>> -> memref<8x10000xi32, #tpu.memory_space<hbm>>
      %dma_wait3A_227 = arith.constant 0 : i32
      %dma_wait3A_228 = arith.constant 0 : i32
      %dma_wait3A_229 = tpu.memref_slice %dma_wait3A_226[%dma_wait3A_227, %dma_wait3A_228] : memref<8x10000xi32, #tpu.memory_space<hbm>> -> memref<8x5120xi32, #tpu.memory_space<hbm>>
      %dma_wait3A_230 = arith.constant 0 : i32
      %dma_wait3A_231 = arith.constant 0 : i32
      %dma_wait3A_232 = tpu.memref_slice %arg3[%dma_wait3A_218, %dma_wait3A_219, %dma_wait3A_230, %dma_wait3A_231] : memref<2x9x8x10000xi32, #tpu.memory_space<hbm>> -> memref<1x1x8x10000xi32, #tpu.memory_space<hbm>>
      %dma_wait3A_233 = tpu.memref_squeeze %dma_wait3A_232 : memref<1x1x8x10000xi32, #tpu.memory_space<hbm>> -> memref<8x10000xi32, #tpu.memory_space<hbm>>
      %dma_wait3A_234 = arith.constant 0 : i32
      %dma_wait3A_235 = arith.constant 0 : i32
      %dma_wait3A_236 = tpu.memref_slice %dma_wait3A_233[%dma_wait3A_234, %dma_wait3A_235] : memref<8x10000xi32, #tpu.memory_space<hbm>> -> memref<8x5120xi32, #tpu.memory_space<hbm>>
      %dma_wait3A_237 = arith.constant 0 : i32
      %dma_wait3A_238 = arith.constant 0 : i32
      %dma_wait3A_239 = tpu.memref_slice %arg4[%dma_wait3A_237, %dma_wait3A_238] : memref<8x10000xi32, #tpu.memory_space<vmem>> -> memref<8x5120xi32, #tpu.memory_space<vmem>>
      tpu.wait_dma2 semaphore(%arg7 : memref<!tpu.dma_semaphore, #tpu.memory_space<semaphore_mem>>) src(%dma_wait3A_239 : memref<8x5120xi32, #tpu.memory_space<vmem>>) dst(%dma_wait3A_236 : memref<8x5120xi32, #tpu.memory_space<hbm>>)
      %dma_wait3A_240 = arith.constant 1 : i32
      %dma_wait3A_241 = arith.constant 3 : i32
      %dma_wait3A_242 = arith.constant 0 : i32
      %dma_wait3A_243 = arith.constant 5120 : i32
      %dma_wait3A_244 = tpu.memref_slice %arg4[%dma_wait3A_242, %dma_wait3A_243] : memref<8x10000xi32, #tpu.memory_space<vmem>> -> memref<8x4880xi32, #tpu.memory_space<vmem>>
      %dma_wait3A_245 = arith.constant 0 : i32
      %dma_wait3A_246 = arith.constant 0 : i32
      %dma_wait3A_247 = tpu.memref_slice %arg3[%dma_wait3A_240, %dma_wait3A_241, %dma_wait3A_245, %dma_wait3A_246] : memref<2x9x8x10000xi32, #tpu.memory_space<hbm>> -> memref<1x1x8x10000xi32, #tpu.memory_space<hbm>>
      %dma_wait3A_248 = tpu.memref_squeeze %dma_wait3A_247 : memref<1x1x8x10000xi32, #tpu.memory_space<hbm>> -> memref<8x10000xi32, #tpu.memory_space<hbm>>
      %dma_wait3A_249 = arith.constant 0 : i32
      %dma_wait3A_250 = arith.constant 5120 : i32
      %dma_wait3A_251 = tpu.memref_slice %dma_wait3A_248[%dma_wait3A_249, %dma_wait3A_250] : memref<8x10000xi32, #tpu.memory_space<hbm>> -> memref<8x4880xi32, #tpu.memory_space<hbm>>
      %dma_wait3A_252 = arith.constant 0 : i32
      %dma_wait3A_253 = arith.constant 0 : i32
      %dma_wait3A_254 = tpu.memref_slice %arg3[%dma_wait3A_240, %dma_wait3A_241, %dma_wait3A_252, %dma_wait3A_253] : memref<2x9x8x10000xi32, #tpu.memory_space<hbm>> -> memref<1x1x8x10000xi32, #tpu.memory_space<hbm>>
      %dma_wait3A_255 = tpu.memref_squeeze %dma_wait3A_254 : memref<1x1x8x10000xi32, #tpu.memory_space<hbm>> -> memref<8x10000xi32, #tpu.memory_space<hbm>>
      %dma_wait3A_256 = arith.constant 0 : i32
      %dma_wait3A_257 = arith.constant 5120 : i32
      %dma_wait3A_258 = tpu.memref_slice %dma_wait3A_255[%dma_wait3A_256, %dma_wait3A_257] : memref<8x10000xi32, #tpu.memory_space<hbm>> -> memref<8x4880xi32, #tpu.memory_space<hbm>>
      %dma_wait3A_259 = arith.constant 0 : i32
      %dma_wait3A_260 = arith.constant 5120 : i32
      %dma_wait3A_261 = tpu.memref_slice %arg4[%dma_wait3A_259, %dma_wait3A_260] : memref<8x10000xi32, #tpu.memory_space<vmem>> -> memref<8x4880xi32, #tpu.memory_space<vmem>>
      tpu.wait_dma2 semaphore(%arg8 : memref<!tpu.dma_semaphore, #tpu.memory_space<semaphore_mem>>) src(%dma_wait3A_261 : memref<8x4880xi32, #tpu.memory_space<vmem>>) dst(%dma_wait3A_258 : memref<8x4880xi32, #tpu.memory_space<hbm>>)
    } else {
    }
    %eq3A_63 = arith.constant 13 : i32
    %eq3A_64 = arith.cmpi eq, %add3A, %eq3A_63 : i32
    %convert_element_type3A_65 = arith.extui %eq3A_64 : i1 to i32
    %cond3A_66 = arith.constant 0 : i32
    %cond3A_67 = arith.cmpi ne, %convert_element_type3A_65, %cond3A_66 : i32
    scf.if %cond3A_67 {
      %dma_start3A = arith.constant 1 : i32
      %dma_start3A_88 = arith.constant 8 : i32
      %dma_start3A_89 = arith.constant 0 : i32
      %dma_start3A_90 = arith.constant 0 : i32
      %dma_start3A_91 = tpu.memref_slice %arg4[%dma_start3A_89, %dma_start3A_90] : memref<8x10000xi32, #tpu.memory_space<vmem>> -> memref<8x5120xi32, #tpu.memory_space<vmem>>
      %dma_start3A_92 = arith.constant 0 : i32
      %dma_start3A_93 = arith.constant 0 : i32
      %dma_start3A_94 = tpu.memref_slice %arg2[%dma_start3A, %dma_start3A_88, %dma_start3A_92, %dma_start3A_93] : memref<2x18x8x10000xi32, #tpu.memory_space<hbm>> -> memref<1x1x8x10000xi32, #tpu.memory_space<hbm>>
      %dma_start3A_95 = tpu.memref_squeeze %dma_start3A_94 : memref<1x1x8x10000xi32, #tpu.memory_space<hbm>> -> memref<8x10000xi32, #tpu.memory_space<hbm>>
      %dma_start3A_96 = arith.constant 0 : i32
      %dma_start3A_97 = arith.constant 0 : i32
      %dma_start3A_98 = tpu.memref_slice %dma_start3A_95[%dma_start3A_96, %dma_start3A_97] : memref<8x10000xi32, #tpu.memory_space<hbm>> -> memref<8x5120xi32, #tpu.memory_space<hbm>>
      %dma_start3A_99 = arith.constant 0 : i32
      %dma_start3A_100 = arith.constant 0 : i32
      %dma_start3A_101 = tpu.memref_slice %arg4[%dma_start3A_99, %dma_start3A_100] : memref<8x10000xi32, #tpu.memory_space<vmem>> -> memref<8x5120xi32, #tpu.memory_space<vmem>>
      %dma_start3A_102 = arith.constant 0 : i32
      %dma_start3A_103 = arith.constant 0 : i32
      %dma_start3A_104 = tpu.memref_slice %arg2[%dma_start3A, %dma_start3A_88, %dma_start3A_102, %dma_start3A_103] : memref<2x18x8x10000xi32, #tpu.memory_space<hbm>> -> memref<1x1x8x10000xi32, #tpu.memory_space<hbm>>
      %dma_start3A_105 = tpu.memref_squeeze %dma_start3A_104 : memref<1x1x8x10000xi32, #tpu.memory_space<hbm>> -> memref<8x10000xi32, #tpu.memory_space<hbm>>
      %dma_start3A_106 = arith.constant 0 : i32
      %dma_start3A_107 = arith.constant 0 : i32
      %dma_start3A_108 = tpu.memref_slice %dma_start3A_105[%dma_start3A_106, %dma_start3A_107] : memref<8x10000xi32, #tpu.memory_space<hbm>> -> memref<8x5120xi32, #tpu.memory_space<hbm>>
      tpu.enqueue_dma source(%dma_start3A_108 : memref<8x5120xi32, #tpu.memory_space<hbm>>) target(%dma_start3A_101 : memref<8x5120xi32, #tpu.memory_space<vmem>>) target_semaphore(%arg5 : memref<!tpu.dma_semaphore, #tpu.memory_space<semaphore_mem>>)
      %dma_start3A_109 = arith.constant 1 : i32
      %dma_start3A_110 = arith.constant 8 : i32
      %dma_start3A_111 = arith.constant 0 : i32
      %dma_start3A_112 = arith.constant 5120 : i32
      %dma_start3A_113 = tpu.memref_slice %arg4[%dma_start3A_111, %dma_start3A_112] : memref<8x10000xi32, #tpu.memory_space<vmem>> -> memref<8x4880xi32, #tpu.memory_space<vmem>>
      %dma_start3A_114 = arith.constant 0 : i32
      %dma_start3A_115 = arith.constant 0 : i32
      %dma_start3A_116 = tpu.memref_slice %arg2[%dma_start3A_109, %dma_start3A_110, %dma_start3A_114, %dma_start3A_115] : memref<2x18x8x10000xi32, #tpu.memory_space<hbm>> -> memref<1x1x8x10000xi32, #tpu.memory_space<hbm>>
      %dma_start3A_117 = tpu.memref_squeeze %dma_start3A_116 : memref<1x1x8x10000xi32, #tpu.memory_space<hbm>> -> memref<8x10000xi32, #tpu.memory_space<hbm>>
      %dma_start3A_118 = arith.constant 0 : i32
      %dma_start3A_119 = arith.constant 5120 : i32
      %dma_start3A_120 = tpu.memref_slice %dma_start3A_117[%dma_start3A_118, %dma_start3A_119] : memref<8x10000xi32, #tpu.memory_space<hbm>> -> memref<8x4880xi32, #tpu.memory_space<hbm>>
      %dma_start3A_121 = arith.constant 0 : i32
      %dma_start3A_122 = arith.constant 5120 : i32
      %dma_start3A_123 = tpu.memref_slice %arg4[%dma_start3A_121, %dma_start3A_122] : memref<8x10000xi32, #tpu.memory_space<vmem>> -> memref<8x4880xi32, #tpu.memory_space<vmem>>
      %dma_start3A_124 = arith.constant 0 : i32
      %dma_start3A_125 = arith.constant 0 : i32
      %dma_start3A_126 = tpu.memref_slice %arg2[%dma_start3A_109, %dma_start3A_110, %dma_start3A_124, %dma_start3A_125] : memref<2x18x8x10000xi32, #tpu.memory_space<hbm>> -> memref<1x1x8x10000xi32, #tpu.memory_space<hbm>>
      %dma_start3A_127 = tpu.memref_squeeze %dma_start3A_126 : memref<1x1x8x10000xi32, #tpu.memory_space<hbm>> -> memref<8x10000xi32, #tpu.memory_space<hbm>>
      %dma_start3A_128 = arith.constant 0 : i32
      %dma_start3A_129 = arith.constant 5120 : i32
      %dma_start3A_130 = tpu.memref_slice %dma_start3A_127[%dma_start3A_128, %dma_start3A_129] : memref<8x10000xi32, #tpu.memory_space<hbm>> -> memref<8x4880xi32, #tpu.memory_space<hbm>>
      tpu.enqueue_dma source(%dma_start3A_130 : memref<8x4880xi32, #tpu.memory_space<hbm>>) target(%dma_start3A_123 : memref<8x4880xi32, #tpu.memory_space<vmem>>) target_semaphore(%arg6 : memref<!tpu.dma_semaphore, #tpu.memory_space<semaphore_mem>>)
      %dma_wait3A = arith.constant 1 : i32
      %dma_wait3A_131 = arith.constant 8 : i32
      %dma_wait3A_132 = arith.constant 0 : i32
      %dma_wait3A_133 = arith.constant 0 : i32
      %dma_wait3A_134 = tpu.memref_slice %arg4[%dma_wait3A_132, %dma_wait3A_133] : memref<8x10000xi32, #tpu.memory_space<vmem>> -> memref<8x5120xi32, #tpu.memory_space<vmem>>
      %dma_wait3A_135 = arith.constant 0 : i32
      %dma_wait3A_136 = arith.constant 0 : i32
      %dma_wait3A_137 = tpu.memref_slice %arg2[%dma_wait3A, %dma_wait3A_131, %dma_wait3A_135, %dma_wait3A_136] : memref<2x18x8x10000xi32, #tpu.memory_space<hbm>> -> memref<1x1x8x10000xi32, #tpu.memory_space<hbm>>
      %dma_wait3A_138 = tpu.memref_squeeze %dma_wait3A_137 : memref<1x1x8x10000xi32, #tpu.memory_space<hbm>> -> memref<8x10000xi32, #tpu.memory_space<hbm>>
      %dma_wait3A_139 = arith.constant 0 : i32
      %dma_wait3A_140 = arith.constant 0 : i32
      %dma_wait3A_141 = tpu.memref_slice %dma_wait3A_138[%dma_wait3A_139, %dma_wait3A_140] : memref<8x10000xi32, #tpu.memory_space<hbm>> -> memref<8x5120xi32, #tpu.memory_space<hbm>>
      %dma_wait3A_142 = arith.constant 0 : i32
      %dma_wait3A_143 = arith.constant 0 : i32
      %dma_wait3A_144 = tpu.memref_slice %arg4[%dma_wait3A_142, %dma_wait3A_143] : memref<8x10000xi32, #tpu.memory_space<vmem>> -> memref<8x5120xi32, #tpu.memory_space<vmem>>
      %dma_wait3A_145 = arith.constant 0 : i32
      %dma_wait3A_146 = arith.constant 0 : i32
      %dma_wait3A_147 = tpu.memref_slice %arg2[%dma_wait3A, %dma_wait3A_131, %dma_wait3A_145, %dma_wait3A_146] : memref<2x18x8x10000xi32, #tpu.memory_space<hbm>> -> memref<1x1x8x10000xi32, #tpu.memory_space<hbm>>
      %dma_wait3A_148 = tpu.memref_squeeze %dma_wait3A_147 : memref<1x1x8x10000xi32, #tpu.memory_space<hbm>> -> memref<8x10000xi32, #tpu.memory_space<hbm>>
      %dma_wait3A_149 = arith.constant 0 : i32
      %dma_wait3A_150 = arith.constant 0 : i32
      %dma_wait3A_151 = tpu.memref_slice %dma_wait3A_148[%dma_wait3A_149, %dma_wait3A_150] : memref<8x10000xi32, #tpu.memory_space<hbm>> -> memref<8x5120xi32, #tpu.memory_space<hbm>>
      tpu.wait_dma2 semaphore(%arg5 : memref<!tpu.dma_semaphore, #tpu.memory_space<semaphore_mem>>) src(%dma_wait3A_151 : memref<8x5120xi32, #tpu.memory_space<hbm>>) dst(%dma_wait3A_144 : memref<8x5120xi32, #tpu.memory_space<vmem>>)
      %dma_start3A_152 = arith.constant 1 : i32
      %dma_start3A_153 = arith.constant 4 : i32
      %dma_start3A_154 = arith.constant 0 : i32
      %dma_start3A_155 = arith.constant 0 : i32
      %dma_start3A_156 = tpu.memref_slice %arg4[%dma_start3A_154, %dma_start3A_155] : memref<8x10000xi32, #tpu.memory_space<vmem>> -> memref<8x5120xi32, #tpu.memory_space<vmem>>
      %dma_start3A_157 = arith.constant 0 : i32
      %dma_start3A_158 = arith.constant 0 : i32
      %dma_start3A_159 = tpu.memref_slice %arg3[%dma_start3A_152, %dma_start3A_153, %dma_start3A_157, %dma_start3A_158] : memref<2x9x8x10000xi32, #tpu.memory_space<hbm>> -> memref<1x1x8x10000xi32, #tpu.memory_space<hbm>>
      %dma_start3A_160 = tpu.memref_squeeze %dma_start3A_159 : memref<1x1x8x10000xi32, #tpu.memory_space<hbm>> -> memref<8x10000xi32, #tpu.memory_space<hbm>>
      %dma_start3A_161 = arith.constant 0 : i32
      %dma_start3A_162 = arith.constant 0 : i32
      %dma_start3A_163 = tpu.memref_slice %dma_start3A_160[%dma_start3A_161, %dma_start3A_162] : memref<8x10000xi32, #tpu.memory_space<hbm>> -> memref<8x5120xi32, #tpu.memory_space<hbm>>
      %dma_start3A_164 = arith.constant 0 : i32
      %dma_start3A_165 = arith.constant 0 : i32
      %dma_start3A_166 = tpu.memref_slice %arg3[%dma_start3A_152, %dma_start3A_153, %dma_start3A_164, %dma_start3A_165] : memref<2x9x8x10000xi32, #tpu.memory_space<hbm>> -> memref<1x1x8x10000xi32, #tpu.memory_space<hbm>>
      %dma_start3A_167 = tpu.memref_squeeze %dma_start3A_166 : memref<1x1x8x10000xi32, #tpu.memory_space<hbm>> -> memref<8x10000xi32, #tpu.memory_space<hbm>>
      %dma_start3A_168 = arith.constant 0 : i32
      %dma_start3A_169 = arith.constant 0 : i32
      %dma_start3A_170 = tpu.memref_slice %dma_start3A_167[%dma_start3A_168, %dma_start3A_169] : memref<8x10000xi32, #tpu.memory_space<hbm>> -> memref<8x5120xi32, #tpu.memory_space<hbm>>
      %dma_start3A_171 = arith.constant 0 : i32
      %dma_start3A_172 = arith.constant 0 : i32
      %dma_start3A_173 = tpu.memref_slice %arg4[%dma_start3A_171, %dma_start3A_172] : memref<8x10000xi32, #tpu.memory_space<vmem>> -> memref<8x5120xi32, #tpu.memory_space<vmem>>
      tpu.enqueue_dma source(%dma_start3A_173 : memref<8x5120xi32, #tpu.memory_space<vmem>>) target(%dma_start3A_170 : memref<8x5120xi32, #tpu.memory_space<hbm>>) target_semaphore(%arg7 : memref<!tpu.dma_semaphore, #tpu.memory_space<semaphore_mem>>)
      %dma_wait3A_174 = arith.constant 1 : i32
      %dma_wait3A_175 = arith.constant 8 : i32
      %dma_wait3A_176 = arith.constant 0 : i32
      %dma_wait3A_177 = arith.constant 5120 : i32
      %dma_wait3A_178 = tpu.memref_slice %arg4[%dma_wait3A_176, %dma_wait3A_177] : memref<8x10000xi32, #tpu.memory_space<vmem>> -> memref<8x4880xi32, #tpu.memory_space<vmem>>
      %dma_wait3A_179 = arith.constant 0 : i32
      %dma_wait3A_180 = arith.constant 0 : i32
      %dma_wait3A_181 = tpu.memref_slice %arg2[%dma_wait3A_174, %dma_wait3A_175, %dma_wait3A_179, %dma_wait3A_180] : memref<2x18x8x10000xi32, #tpu.memory_space<hbm>> -> memref<1x1x8x10000xi32, #tpu.memory_space<hbm>>
      %dma_wait3A_182 = tpu.memref_squeeze %dma_wait3A_181 : memref<1x1x8x10000xi32, #tpu.memory_space<hbm>> -> memref<8x10000xi32, #tpu.memory_space<hbm>>
      %dma_wait3A_183 = arith.constant 0 : i32
      %dma_wait3A_184 = arith.constant 5120 : i32
      %dma_wait3A_185 = tpu.memref_slice %dma_wait3A_182[%dma_wait3A_183, %dma_wait3A_184] : memref<8x10000xi32, #tpu.memory_space<hbm>> -> memref<8x4880xi32, #tpu.memory_space<hbm>>
      %dma_wait3A_186 = arith.constant 0 : i32
      %dma_wait3A_187 = arith.constant 5120 : i32
      %dma_wait3A_188 = tpu.memref_slice %arg4[%dma_wait3A_186, %dma_wait3A_187] : memref<8x10000xi32, #tpu.memory_space<vmem>> -> memref<8x4880xi32, #tpu.memory_space<vmem>>
      %dma_wait3A_189 = arith.constant 0 : i32
      %dma_wait3A_190 = arith.constant 0 : i32
      %dma_wait3A_191 = tpu.memref_slice %arg2[%dma_wait3A_174, %dma_wait3A_175, %dma_wait3A_189, %dma_wait3A_190] : memref<2x18x8x10000xi32, #tpu.memory_space<hbm>> -> memref<1x1x8x10000xi32, #tpu.memory_space<hbm>>
      %dma_wait3A_192 = tpu.memref_squeeze %dma_wait3A_191 : memref<1x1x8x10000xi32, #tpu.memory_space<hbm>> -> memref<8x10000xi32, #tpu.memory_space<hbm>>
      %dma_wait3A_193 = arith.constant 0 : i32
      %dma_wait3A_194 = arith.constant 5120 : i32
      %dma_wait3A_195 = tpu.memref_slice %dma_wait3A_192[%dma_wait3A_193, %dma_wait3A_194] : memref<8x10000xi32, #tpu.memory_space<hbm>> -> memref<8x4880xi32, #tpu.memory_space<hbm>>
      tpu.wait_dma2 semaphore(%arg6 : memref<!tpu.dma_semaphore, #tpu.memory_space<semaphore_mem>>) src(%dma_wait3A_195 : memref<8x4880xi32, #tpu.memory_space<hbm>>) dst(%dma_wait3A_188 : memref<8x4880xi32, #tpu.memory_space<vmem>>)
      %dma_start3A_196 = arith.constant 1 : i32
      %dma_start3A_197 = arith.constant 4 : i32
      %dma_start3A_198 = arith.constant 0 : i32
      %dma_start3A_199 = arith.constant 5120 : i32
      %dma_start3A_200 = tpu.memref_slice %arg4[%dma_start3A_198, %dma_start3A_199] : memref<8x10000xi32, #tpu.memory_space<vmem>> -> memref<8x4880xi32, #tpu.memory_space<vmem>>
      %dma_start3A_201 = arith.constant 0 : i32
      %dma_start3A_202 = arith.constant 0 : i32
      %dma_start3A_203 = tpu.memref_slice %arg3[%dma_start3A_196, %dma_start3A_197, %dma_start3A_201, %dma_start3A_202] : memref<2x9x8x10000xi32, #tpu.memory_space<hbm>> -> memref<1x1x8x10000xi32, #tpu.memory_space<hbm>>
      %dma_start3A_204 = tpu.memref_squeeze %dma_start3A_203 : memref<1x1x8x10000xi32, #tpu.memory_space<hbm>> -> memref<8x10000xi32, #tpu.memory_space<hbm>>
      %dma_start3A_205 = arith.constant 0 : i32
      %dma_start3A_206 = arith.constant 5120 : i32
      %dma_start3A_207 = tpu.memref_slice %dma_start3A_204[%dma_start3A_205, %dma_start3A_206] : memref<8x10000xi32, #tpu.memory_space<hbm>> -> memref<8x4880xi32, #tpu.memory_space<hbm>>
      %dma_start3A_208 = arith.constant 0 : i32
      %dma_start3A_209 = arith.constant 0 : i32
      %dma_start3A_210 = tpu.memref_slice %arg3[%dma_start3A_196, %dma_start3A_197, %dma_start3A_208, %dma_start3A_209] : memref<2x9x8x10000xi32, #tpu.memory_space<hbm>> -> memref<1x1x8x10000xi32, #tpu.memory_space<hbm>>
      %dma_start3A_211 = tpu.memref_squeeze %dma_start3A_210 : memref<1x1x8x10000xi32, #tpu.memory_space<hbm>> -> memref<8x10000xi32, #tpu.memory_space<hbm>>
      %dma_start3A_212 = arith.constant 0 : i32
      %dma_start3A_213 = arith.constant 5120 : i32
      %dma_start3A_214 = tpu.memref_slice %dma_start3A_211[%dma_start3A_212, %dma_start3A_213] : memref<8x10000xi32, #tpu.memory_space<hbm>> -> memref<8x4880xi32, #tpu.memory_space<hbm>>
      %dma_start3A_215 = arith.constant 0 : i32
      %dma_start3A_216 = arith.constant 5120 : i32
      %dma_start3A_217 = tpu.memref_slice %arg4[%dma_start3A_215, %dma_start3A_216] : memref<8x10000xi32, #tpu.memory_space<vmem>> -> memref<8x4880xi32, #tpu.memory_space<vmem>>
      tpu.enqueue_dma source(%dma_start3A_217 : memref<8x4880xi32, #tpu.memory_space<vmem>>) target(%dma_start3A_214 : memref<8x4880xi32, #tpu.memory_space<hbm>>) target_semaphore(%arg8 : memref<!tpu.dma_semaphore, #tpu.memory_space<semaphore_mem>>)
      %dma_wait3A_218 = arith.constant 1 : i32
      %dma_wait3A_219 = arith.constant 4 : i32
      %dma_wait3A_220 = arith.constant 0 : i32
      %dma_wait3A_221 = arith.constant 0 : i32
      %dma_wait3A_222 = tpu.memref_slice %arg4[%dma_wait3A_220, %dma_wait3A_221] : memref<8x10000xi32, #tpu.memory_space<vmem>> -> memref<8x5120xi32, #tpu.memory_space<vmem>>
      %dma_wait3A_223 = arith.constant 0 : i32
      %dma_wait3A_224 = arith.constant 0 : i32
      %dma_wait3A_225 = tpu.memref_slice %arg3[%dma_wait3A_218, %dma_wait3A_219, %dma_wait3A_223, %dma_wait3A_224] : memref<2x9x8x10000xi32, #tpu.memory_space<hbm>> -> memref<1x1x8x10000xi32, #tpu.memory_space<hbm>>
      %dma_wait3A_226 = tpu.memref_squeeze %dma_wait3A_225 : memref<1x1x8x10000xi32, #tpu.memory_space<hbm>> -> memref<8x10000xi32, #tpu.memory_space<hbm>>
      %dma_wait3A_227 = arith.constant 0 : i32
      %dma_wait3A_228 = arith.constant 0 : i32
      %dma_wait3A_229 = tpu.memref_slice %dma_wait3A_226[%dma_wait3A_227, %dma_wait3A_228] : memref<8x10000xi32, #tpu.memory_space<hbm>> -> memref<8x5120xi32, #tpu.memory_space<hbm>>
      %dma_wait3A_230 = arith.constant 0 : i32
      %dma_wait3A_231 = arith.constant 0 : i32
      %dma_wait3A_232 = tpu.memref_slice %arg3[%dma_wait3A_218, %dma_wait3A_219, %dma_wait3A_230, %dma_wait3A_231] : memref<2x9x8x10000xi32, #tpu.memory_space<hbm>> -> memref<1x1x8x10000xi32, #tpu.memory_space<hbm>>
      %dma_wait3A_233 = tpu.memref_squeeze %dma_wait3A_232 : memref<1x1x8x10000xi32, #tpu.memory_space<hbm>> -> memref<8x10000xi32, #tpu.memory_space<hbm>>
      %dma_wait3A_234 = arith.constant 0 : i32
      %dma_wait3A_235 = arith.constant 0 : i32
      %dma_wait3A_236 = tpu.memref_slice %dma_wait3A_233[%dma_wait3A_234, %dma_wait3A_235] : memref<8x10000xi32, #tpu.memory_space<hbm>> -> memref<8x5120xi32, #tpu.memory_space<hbm>>
      %dma_wait3A_237 = arith.constant 0 : i32
      %dma_wait3A_238 = arith.constant 0 : i32
      %dma_wait3A_239 = tpu.memref_slice %arg4[%dma_wait3A_237, %dma_wait3A_238] : memref<8x10000xi32, #tpu.memory_space<vmem>> -> memref<8x5120xi32, #tpu.memory_space<vmem>>
      tpu.wait_dma2 semaphore(%arg7 : memref<!tpu.dma_semaphore, #tpu.memory_space<semaphore_mem>>) src(%dma_wait3A_239 : memref<8x5120xi32, #tpu.memory_space<vmem>>) dst(%dma_wait3A_236 : memref<8x5120xi32, #tpu.memory_space<hbm>>)
      %dma_wait3A_240 = arith.constant 1 : i32
      %dma_wait3A_241 = arith.constant 4 : i32
      %dma_wait3A_242 = arith.constant 0 : i32
      %dma_wait3A_243 = arith.constant 5120 : i32
      %dma_wait3A_244 = tpu.memref_slice %arg4[%dma_wait3A_242, %dma_wait3A_243] : memref<8x10000xi32, #tpu.memory_space<vmem>> -> memref<8x4880xi32, #tpu.memory_space<vmem>>
      %dma_wait3A_245 = arith.constant 0 : i32
      %dma_wait3A_246 = arith.constant 0 : i32
      %dma_wait3A_247 = tpu.memref_slice %arg3[%dma_wait3A_240, %dma_wait3A_241, %dma_wait3A_245, %dma_wait3A_246] : memref<2x9x8x10000xi32, #tpu.memory_space<hbm>> -> memref<1x1x8x10000xi32, #tpu.memory_space<hbm>>
      %dma_wait3A_248 = tpu.memref_squeeze %dma_wait3A_247 : memref<1x1x8x10000xi32, #tpu.memory_space<hbm>> -> memref<8x10000xi32, #tpu.memory_space<hbm>>
      %dma_wait3A_249 = arith.constant 0 : i32
      %dma_wait3A_250 = arith.constant 5120 : i32
      %dma_wait3A_251 = tpu.memref_slice %dma_wait3A_248[%dma_wait3A_249, %dma_wait3A_250] : memref<8x10000xi32, #tpu.memory_space<hbm>> -> memref<8x4880xi32, #tpu.memory_space<hbm>>
      %dma_wait3A_252 = arith.constant 0 : i32
      %dma_wait3A_253 = arith.constant 0 : i32
      %dma_wait3A_254 = tpu.memref_slice %arg3[%dma_wait3A_240, %dma_wait3A_241, %dma_wait3A_252, %dma_wait3A_253] : memref<2x9x8x10000xi32, #tpu.memory_space<hbm>> -> memref<1x1x8x10000xi32, #tpu.memory_space<hbm>>
      %dma_wait3A_255 = tpu.memref_squeeze %dma_wait3A_254 : memref<1x1x8x10000xi32, #tpu.memory_space<hbm>> -> memref<8x10000xi32, #tpu.memory_space<hbm>>
      %dma_wait3A_256 = arith.constant 0 : i32
      %dma_wait3A_257 = arith.constant 5120 : i32
      %dma_wait3A_258 = tpu.memref_slice %dma_wait3A_255[%dma_wait3A_256, %dma_wait3A_257] : memref<8x10000xi32, #tpu.memory_space<hbm>> -> memref<8x4880xi32, #tpu.memory_space<hbm>>
      %dma_wait3A_259 = arith.constant 0 : i32
      %dma_wait3A_260 = arith.constant 5120 : i32
      %dma_wait3A_261 = tpu.memref_slice %arg4[%dma_wait3A_259, %dma_wait3A_260] : memref<8x10000xi32, #tpu.memory_space<vmem>> -> memref<8x4880xi32, #tpu.memory_space<vmem>>
      tpu.wait_dma2 semaphore(%arg8 : memref<!tpu.dma_semaphore, #tpu.memory_space<semaphore_mem>>) src(%dma_wait3A_261 : memref<8x4880xi32, #tpu.memory_space<vmem>>) dst(%dma_wait3A_258 : memref<8x4880xi32, #tpu.memory_space<hbm>>)
    } else {
    }
    %eq3A_68 = arith.constant 14 : i32
    %eq3A_69 = arith.cmpi eq, %add3A, %eq3A_68 : i32
    %convert_element_type3A_70 = arith.extui %eq3A_69 : i1 to i32
    %cond3A_71 = arith.constant 0 : i32
    %cond3A_72 = arith.cmpi ne, %convert_element_type3A_70, %cond3A_71 : i32
    scf.if %cond3A_72 {
      %dma_start3A = arith.constant 1 : i32
      %dma_start3A_88 = arith.constant 10 : i32
      %dma_start3A_89 = arith.constant 0 : i32
      %dma_start3A_90 = arith.constant 0 : i32
      %dma_start3A_91 = tpu.memref_slice %arg4[%dma_start3A_89, %dma_start3A_90] : memref<8x10000xi32, #tpu.memory_space<vmem>> -> memref<8x5120xi32, #tpu.memory_space<vmem>>
      %dma_start3A_92 = arith.constant 0 : i32
      %dma_start3A_93 = arith.constant 0 : i32
      %dma_start3A_94 = tpu.memref_slice %arg2[%dma_start3A, %dma_start3A_88, %dma_start3A_92, %dma_start3A_93] : memref<2x18x8x10000xi32, #tpu.memory_space<hbm>> -> memref<1x1x8x10000xi32, #tpu.memory_space<hbm>>
      %dma_start3A_95 = tpu.memref_squeeze %dma_start3A_94 : memref<1x1x8x10000xi32, #tpu.memory_space<hbm>> -> memref<8x10000xi32, #tpu.memory_space<hbm>>
      %dma_start3A_96 = arith.constant 0 : i32
      %dma_start3A_97 = arith.constant 0 : i32
      %dma_start3A_98 = tpu.memref_slice %dma_start3A_95[%dma_start3A_96, %dma_start3A_97] : memref<8x10000xi32, #tpu.memory_space<hbm>> -> memref<8x5120xi32, #tpu.memory_space<hbm>>
      %dma_start3A_99 = arith.constant 0 : i32
      %dma_start3A_100 = arith.constant 0 : i32
      %dma_start3A_101 = tpu.memref_slice %arg4[%dma_start3A_99, %dma_start3A_100] : memref<8x10000xi32, #tpu.memory_space<vmem>> -> memref<8x5120xi32, #tpu.memory_space<vmem>>
      %dma_start3A_102 = arith.constant 0 : i32
      %dma_start3A_103 = arith.constant 0 : i32
      %dma_start3A_104 = tpu.memref_slice %arg2[%dma_start3A, %dma_start3A_88, %dma_start3A_102, %dma_start3A_103] : memref<2x18x8x10000xi32, #tpu.memory_space<hbm>> -> memref<1x1x8x10000xi32, #tpu.memory_space<hbm>>
      %dma_start3A_105 = tpu.memref_squeeze %dma_start3A_104 : memref<1x1x8x10000xi32, #tpu.memory_space<hbm>> -> memref<8x10000xi32, #tpu.memory_space<hbm>>
      %dma_start3A_106 = arith.constant 0 : i32
      %dma_start3A_107 = arith.constant 0 : i32
      %dma_start3A_108 = tpu.memref_slice %dma_start3A_105[%dma_start3A_106, %dma_start3A_107] : memref<8x10000xi32, #tpu.memory_space<hbm>> -> memref<8x5120xi32, #tpu.memory_space<hbm>>
      tpu.enqueue_dma source(%dma_start3A_108 : memref<8x5120xi32, #tpu.memory_space<hbm>>) target(%dma_start3A_101 : memref<8x5120xi32, #tpu.memory_space<vmem>>) target_semaphore(%arg5 : memref<!tpu.dma_semaphore, #tpu.memory_space<semaphore_mem>>)
      %dma_start3A_109 = arith.constant 1 : i32
      %dma_start3A_110 = arith.constant 10 : i32
      %dma_start3A_111 = arith.constant 0 : i32
      %dma_start3A_112 = arith.constant 5120 : i32
      %dma_start3A_113 = tpu.memref_slice %arg4[%dma_start3A_111, %dma_start3A_112] : memref<8x10000xi32, #tpu.memory_space<vmem>> -> memref<8x4880xi32, #tpu.memory_space<vmem>>
      %dma_start3A_114 = arith.constant 0 : i32
      %dma_start3A_115 = arith.constant 0 : i32
      %dma_start3A_116 = tpu.memref_slice %arg2[%dma_start3A_109, %dma_start3A_110, %dma_start3A_114, %dma_start3A_115] : memref<2x18x8x10000xi32, #tpu.memory_space<hbm>> -> memref<1x1x8x10000xi32, #tpu.memory_space<hbm>>
      %dma_start3A_117 = tpu.memref_squeeze %dma_start3A_116 : memref<1x1x8x10000xi32, #tpu.memory_space<hbm>> -> memref<8x10000xi32, #tpu.memory_space<hbm>>
      %dma_start3A_118 = arith.constant 0 : i32
      %dma_start3A_119 = arith.constant 5120 : i32
      %dma_start3A_120 = tpu.memref_slice %dma_start3A_117[%dma_start3A_118, %dma_start3A_119] : memref<8x10000xi32, #tpu.memory_space<hbm>> -> memref<8x4880xi32, #tpu.memory_space<hbm>>
      %dma_start3A_121 = arith.constant 0 : i32
      %dma_start3A_122 = arith.constant 5120 : i32
      %dma_start3A_123 = tpu.memref_slice %arg4[%dma_start3A_121, %dma_start3A_122] : memref<8x10000xi32, #tpu.memory_space<vmem>> -> memref<8x4880xi32, #tpu.memory_space<vmem>>
      %dma_start3A_124 = arith.constant 0 : i32
      %dma_start3A_125 = arith.constant 0 : i32
      %dma_start3A_126 = tpu.memref_slice %arg2[%dma_start3A_109, %dma_start3A_110, %dma_start3A_124, %dma_start3A_125] : memref<2x18x8x10000xi32, #tpu.memory_space<hbm>> -> memref<1x1x8x10000xi32, #tpu.memory_space<hbm>>
      %dma_start3A_127 = tpu.memref_squeeze %dma_start3A_126 : memref<1x1x8x10000xi32, #tpu.memory_space<hbm>> -> memref<8x10000xi32, #tpu.memory_space<hbm>>
      %dma_start3A_128 = arith.constant 0 : i32
      %dma_start3A_129 = arith.constant 5120 : i32
      %dma_start3A_130 = tpu.memref_slice %dma_start3A_127[%dma_start3A_128, %dma_start3A_129] : memref<8x10000xi32, #tpu.memory_space<hbm>> -> memref<8x4880xi32, #tpu.memory_space<hbm>>
      tpu.enqueue_dma source(%dma_start3A_130 : memref<8x4880xi32, #tpu.memory_space<hbm>>) target(%dma_start3A_123 : memref<8x4880xi32, #tpu.memory_space<vmem>>) target_semaphore(%arg6 : memref<!tpu.dma_semaphore, #tpu.memory_space<semaphore_mem>>)
      %dma_wait3A = arith.constant 1 : i32
      %dma_wait3A_131 = arith.constant 10 : i32
      %dma_wait3A_132 = arith.constant 0 : i32
      %dma_wait3A_133 = arith.constant 0 : i32
      %dma_wait3A_134 = tpu.memref_slice %arg4[%dma_wait3A_132, %dma_wait3A_133] : memref<8x10000xi32, #tpu.memory_space<vmem>> -> memref<8x5120xi32, #tpu.memory_space<vmem>>
      %dma_wait3A_135 = arith.constant 0 : i32
      %dma_wait3A_136 = arith.constant 0 : i32
      %dma_wait3A_137 = tpu.memref_slice %arg2[%dma_wait3A, %dma_wait3A_131, %dma_wait3A_135, %dma_wait3A_136] : memref<2x18x8x10000xi32, #tpu.memory_space<hbm>> -> memref<1x1x8x10000xi32, #tpu.memory_space<hbm>>
      %dma_wait3A_138 = tpu.memref_squeeze %dma_wait3A_137 : memref<1x1x8x10000xi32, #tpu.memory_space<hbm>> -> memref<8x10000xi32, #tpu.memory_space<hbm>>
      %dma_wait3A_139 = arith.constant 0 : i32
      %dma_wait3A_140 = arith.constant 0 : i32
      %dma_wait3A_141 = tpu.memref_slice %dma_wait3A_138[%dma_wait3A_139, %dma_wait3A_140] : memref<8x10000xi32, #tpu.memory_space<hbm>> -> memref<8x5120xi32, #tpu.memory_space<hbm>>
      %dma_wait3A_142 = arith.constant 0 : i32
      %dma_wait3A_143 = arith.constant 0 : i32
      %dma_wait3A_144 = tpu.memref_slice %arg4[%dma_wait3A_142, %dma_wait3A_143] : memref<8x10000xi32, #tpu.memory_space<vmem>> -> memref<8x5120xi32, #tpu.memory_space<vmem>>
      %dma_wait3A_145 = arith.constant 0 : i32
      %dma_wait3A_146 = arith.constant 0 : i32
      %dma_wait3A_147 = tpu.memref_slice %arg2[%dma_wait3A, %dma_wait3A_131, %dma_wait3A_145, %dma_wait3A_146] : memref<2x18x8x10000xi32, #tpu.memory_space<hbm>> -> memref<1x1x8x10000xi32, #tpu.memory_space<hbm>>
      %dma_wait3A_148 = tpu.memref_squeeze %dma_wait3A_147 : memref<1x1x8x10000xi32, #tpu.memory_space<hbm>> -> memref<8x10000xi32, #tpu.memory_space<hbm>>
      %dma_wait3A_149 = arith.constant 0 : i32
      %dma_wait3A_150 = arith.constant 0 : i32
      %dma_wait3A_151 = tpu.memref_slice %dma_wait3A_148[%dma_wait3A_149, %dma_wait3A_150] : memref<8x10000xi32, #tpu.memory_space<hbm>> -> memref<8x5120xi32, #tpu.memory_space<hbm>>
      tpu.wait_dma2 semaphore(%arg5 : memref<!tpu.dma_semaphore, #tpu.memory_space<semaphore_mem>>) src(%dma_wait3A_151 : memref<8x5120xi32, #tpu.memory_space<hbm>>) dst(%dma_wait3A_144 : memref<8x5120xi32, #tpu.memory_space<vmem>>)
      %dma_start3A_152 = arith.constant 1 : i32
      %dma_start3A_153 = arith.constant 5 : i32
      %dma_start3A_154 = arith.constant 0 : i32
      %dma_start3A_155 = arith.constant 0 : i32
      %dma_start3A_156 = tpu.memref_slice %arg4[%dma_start3A_154, %dma_start3A_155] : memref<8x10000xi32, #tpu.memory_space<vmem>> -> memref<8x5120xi32, #tpu.memory_space<vmem>>
      %dma_start3A_157 = arith.constant 0 : i32
      %dma_start3A_158 = arith.constant 0 : i32
      %dma_start3A_159 = tpu.memref_slice %arg3[%dma_start3A_152, %dma_start3A_153, %dma_start3A_157, %dma_start3A_158] : memref<2x9x8x10000xi32, #tpu.memory_space<hbm>> -> memref<1x1x8x10000xi32, #tpu.memory_space<hbm>>
      %dma_start3A_160 = tpu.memref_squeeze %dma_start3A_159 : memref<1x1x8x10000xi32, #tpu.memory_space<hbm>> -> memref<8x10000xi32, #tpu.memory_space<hbm>>
      %dma_start3A_161 = arith.constant 0 : i32
      %dma_start3A_162 = arith.constant 0 : i32
      %dma_start3A_163 = tpu.memref_slice %dma_start3A_160[%dma_start3A_161, %dma_start3A_162] : memref<8x10000xi32, #tpu.memory_space<hbm>> -> memref<8x5120xi32, #tpu.memory_space<hbm>>
      %dma_start3A_164 = arith.constant 0 : i32
      %dma_start3A_165 = arith.constant 0 : i32
      %dma_start3A_166 = tpu.memref_slice %arg3[%dma_start3A_152, %dma_start3A_153, %dma_start3A_164, %dma_start3A_165] : memref<2x9x8x10000xi32, #tpu.memory_space<hbm>> -> memref<1x1x8x10000xi32, #tpu.memory_space<hbm>>
      %dma_start3A_167 = tpu.memref_squeeze %dma_start3A_166 : memref<1x1x8x10000xi32, #tpu.memory_space<hbm>> -> memref<8x10000xi32, #tpu.memory_space<hbm>>
      %dma_start3A_168 = arith.constant 0 : i32
      %dma_start3A_169 = arith.constant 0 : i32
      %dma_start3A_170 = tpu.memref_slice %dma_start3A_167[%dma_start3A_168, %dma_start3A_169] : memref<8x10000xi32, #tpu.memory_space<hbm>> -> memref<8x5120xi32, #tpu.memory_space<hbm>>
      %dma_start3A_171 = arith.constant 0 : i32
      %dma_start3A_172 = arith.constant 0 : i32
      %dma_start3A_173 = tpu.memref_slice %arg4[%dma_start3A_171, %dma_start3A_172] : memref<8x10000xi32, #tpu.memory_space<vmem>> -> memref<8x5120xi32, #tpu.memory_space<vmem>>
      tpu.enqueue_dma source(%dma_start3A_173 : memref<8x5120xi32, #tpu.memory_space<vmem>>) target(%dma_start3A_170 : memref<8x5120xi32, #tpu.memory_space<hbm>>) target_semaphore(%arg7 : memref<!tpu.dma_semaphore, #tpu.memory_space<semaphore_mem>>)
      %dma_wait3A_174 = arith.constant 1 : i32
      %dma_wait3A_175 = arith.constant 10 : i32
      %dma_wait3A_176 = arith.constant 0 : i32
      %dma_wait3A_177 = arith.constant 5120 : i32
      %dma_wait3A_178 = tpu.memref_slice %arg4[%dma_wait3A_176, %dma_wait3A_177] : memref<8x10000xi32, #tpu.memory_space<vmem>> -> memref<8x4880xi32, #tpu.memory_space<vmem>>
      %dma_wait3A_179 = arith.constant 0 : i32
      %dma_wait3A_180 = arith.constant 0 : i32
      %dma_wait3A_181 = tpu.memref_slice %arg2[%dma_wait3A_174, %dma_wait3A_175, %dma_wait3A_179, %dma_wait3A_180] : memref<2x18x8x10000xi32, #tpu.memory_space<hbm>> -> memref<1x1x8x10000xi32, #tpu.memory_space<hbm>>
      %dma_wait3A_182 = tpu.memref_squeeze %dma_wait3A_181 : memref<1x1x8x10000xi32, #tpu.memory_space<hbm>> -> memref<8x10000xi32, #tpu.memory_space<hbm>>
      %dma_wait3A_183 = arith.constant 0 : i32
      %dma_wait3A_184 = arith.constant 5120 : i32
      %dma_wait3A_185 = tpu.memref_slice %dma_wait3A_182[%dma_wait3A_183, %dma_wait3A_184] : memref<8x10000xi32, #tpu.memory_space<hbm>> -> memref<8x4880xi32, #tpu.memory_space<hbm>>
      %dma_wait3A_186 = arith.constant 0 : i32
      %dma_wait3A_187 = arith.constant 5120 : i32
      %dma_wait3A_188 = tpu.memref_slice %arg4[%dma_wait3A_186, %dma_wait3A_187] : memref<8x10000xi32, #tpu.memory_space<vmem>> -> memref<8x4880xi32, #tpu.memory_space<vmem>>
      %dma_wait3A_189 = arith.constant 0 : i32
      %dma_wait3A_190 = arith.constant 0 : i32
      %dma_wait3A_191 = tpu.memref_slice %arg2[%dma_wait3A_174, %dma_wait3A_175, %dma_wait3A_189, %dma_wait3A_190] : memref<2x18x8x10000xi32, #tpu.memory_space<hbm>> -> memref<1x1x8x10000xi32, #tpu.memory_space<hbm>>
      %dma_wait3A_192 = tpu.memref_squeeze %dma_wait3A_191 : memref<1x1x8x10000xi32, #tpu.memory_space<hbm>> -> memref<8x10000xi32, #tpu.memory_space<hbm>>
      %dma_wait3A_193 = arith.constant 0 : i32
      %dma_wait3A_194 = arith.constant 5120 : i32
      %dma_wait3A_195 = tpu.memref_slice %dma_wait3A_192[%dma_wait3A_193, %dma_wait3A_194] : memref<8x10000xi32, #tpu.memory_space<hbm>> -> memref<8x4880xi32, #tpu.memory_space<hbm>>
      tpu.wait_dma2 semaphore(%arg6 : memref<!tpu.dma_semaphore, #tpu.memory_space<semaphore_mem>>) src(%dma_wait3A_195 : memref<8x4880xi32, #tpu.memory_space<hbm>>) dst(%dma_wait3A_188 : memref<8x4880xi32, #tpu.memory_space<vmem>>)
      %dma_start3A_196 = arith.constant 1 : i32
      %dma_start3A_197 = arith.constant 5 : i32
      %dma_start3A_198 = arith.constant 0 : i32
      %dma_start3A_199 = arith.constant 5120 : i32
      %dma_start3A_200 = tpu.memref_slice %arg4[%dma_start3A_198, %dma_start3A_199] : memref<8x10000xi32, #tpu.memory_space<vmem>> -> memref<8x4880xi32, #tpu.memory_space<vmem>>
      %dma_start3A_201 = arith.constant 0 : i32
      %dma_start3A_202 = arith.constant 0 : i32
      %dma_start3A_203 = tpu.memref_slice %arg3[%dma_start3A_196, %dma_start3A_197, %dma_start3A_201, %dma_start3A_202] : memref<2x9x8x10000xi32, #tpu.memory_space<hbm>> -> memref<1x1x8x10000xi32, #tpu.memory_space<hbm>>
      %dma_start3A_204 = tpu.memref_squeeze %dma_start3A_203 : memref<1x1x8x10000xi32, #tpu.memory_space<hbm>> -> memref<8x10000xi32, #tpu.memory_space<hbm>>
      %dma_start3A_205 = arith.constant 0 : i32
      %dma_start3A_206 = arith.constant 5120 : i32
      %dma_start3A_207 = tpu.memref_slice %dma_start3A_204[%dma_start3A_205, %dma_start3A_206] : memref<8x10000xi32, #tpu.memory_space<hbm>> -> memref<8x4880xi32, #tpu.memory_space<hbm>>
      %dma_start3A_208 = arith.constant 0 : i32
      %dma_start3A_209 = arith.constant 0 : i32
      %dma_start3A_210 = tpu.memref_slice %arg3[%dma_start3A_196, %dma_start3A_197, %dma_start3A_208, %dma_start3A_209] : memref<2x9x8x10000xi32, #tpu.memory_space<hbm>> -> memref<1x1x8x10000xi32, #tpu.memory_space<hbm>>
      %dma_start3A_211 = tpu.memref_squeeze %dma_start3A_210 : memref<1x1x8x10000xi32, #tpu.memory_space<hbm>> -> memref<8x10000xi32, #tpu.memory_space<hbm>>
      %dma_start3A_212 = arith.constant 0 : i32
      %dma_start3A_213 = arith.constant 5120 : i32
      %dma_start3A_214 = tpu.memref_slice %dma_start3A_211[%dma_start3A_212, %dma_start3A_213] : memref<8x10000xi32, #tpu.memory_space<hbm>> -> memref<8x4880xi32, #tpu.memory_space<hbm>>
      %dma_start3A_215 = arith.constant 0 : i32
      %dma_start3A_216 = arith.constant 5120 : i32
      %dma_start3A_217 = tpu.memref_slice %arg4[%dma_start3A_215, %dma_start3A_216] : memref<8x10000xi32, #tpu.memory_space<vmem>> -> memref<8x4880xi32, #tpu.memory_space<vmem>>
      tpu.enqueue_dma source(%dma_start3A_217 : memref<8x4880xi32, #tpu.memory_space<vmem>>) target(%dma_start3A_214 : memref<8x4880xi32, #tpu.memory_space<hbm>>) target_semaphore(%arg8 : memref<!tpu.dma_semaphore, #tpu.memory_space<semaphore_mem>>)
      %dma_wait3A_218 = arith.constant 1 : i32
      %dma_wait3A_219 = arith.constant 5 : i32
      %dma_wait3A_220 = arith.constant 0 : i32
      %dma_wait3A_221 = arith.constant 0 : i32
      %dma_wait3A_222 = tpu.memref_slice %arg4[%dma_wait3A_220, %dma_wait3A_221] : memref<8x10000xi32, #tpu.memory_space<vmem>> -> memref<8x5120xi32, #tpu.memory_space<vmem>>
      %dma_wait3A_223 = arith.constant 0 : i32
      %dma_wait3A_224 = arith.constant 0 : i32
      %dma_wait3A_225 = tpu.memref_slice %arg3[%dma_wait3A_218, %dma_wait3A_219, %dma_wait3A_223, %dma_wait3A_224] : memref<2x9x8x10000xi32, #tpu.memory_space<hbm>> -> memref<1x1x8x10000xi32, #tpu.memory_space<hbm>>
      %dma_wait3A_226 = tpu.memref_squeeze %dma_wait3A_225 : memref<1x1x8x10000xi32, #tpu.memory_space<hbm>> -> memref<8x10000xi32, #tpu.memory_space<hbm>>
      %dma_wait3A_227 = arith.constant 0 : i32
      %dma_wait3A_228 = arith.constant 0 : i32
      %dma_wait3A_229 = tpu.memref_slice %dma_wait3A_226[%dma_wait3A_227, %dma_wait3A_228] : memref<8x10000xi32, #tpu.memory_space<hbm>> -> memref<8x5120xi32, #tpu.memory_space<hbm>>
      %dma_wait3A_230 = arith.constant 0 : i32
      %dma_wait3A_231 = arith.constant 0 : i32
      %dma_wait3A_232 = tpu.memref_slice %arg3[%dma_wait3A_218, %dma_wait3A_219, %dma_wait3A_230, %dma_wait3A_231] : memref<2x9x8x10000xi32, #tpu.memory_space<hbm>> -> memref<1x1x8x10000xi32, #tpu.memory_space<hbm>>
      %dma_wait3A_233 = tpu.memref_squeeze %dma_wait3A_232 : memref<1x1x8x10000xi32, #tpu.memory_space<hbm>> -> memref<8x10000xi32, #tpu.memory_space<hbm>>
      %dma_wait3A_234 = arith.constant 0 : i32
      %dma_wait3A_235 = arith.constant 0 : i32
      %dma_wait3A_236 = tpu.memref_slice %dma_wait3A_233[%dma_wait3A_234, %dma_wait3A_235] : memref<8x10000xi32, #tpu.memory_space<hbm>> -> memref<8x5120xi32, #tpu.memory_space<hbm>>
      %dma_wait3A_237 = arith.constant 0 : i32
      %dma_wait3A_238 = arith.constant 0 : i32
      %dma_wait3A_239 = tpu.memref_slice %arg4[%dma_wait3A_237, %dma_wait3A_238] : memref<8x10000xi32, #tpu.memory_space<vmem>> -> memref<8x5120xi32, #tpu.memory_space<vmem>>
      tpu.wait_dma2 semaphore(%arg7 : memref<!tpu.dma_semaphore, #tpu.memory_space<semaphore_mem>>) src(%dma_wait3A_239 : memref<8x5120xi32, #tpu.memory_space<vmem>>) dst(%dma_wait3A_236 : memref<8x5120xi32, #tpu.memory_space<hbm>>)
      %dma_wait3A_240 = arith.constant 1 : i32
      %dma_wait3A_241 = arith.constant 5 : i32
      %dma_wait3A_242 = arith.constant 0 : i32
      %dma_wait3A_243 = arith.constant 5120 : i32
      %dma_wait3A_244 = tpu.memref_slice %arg4[%dma_wait3A_242, %dma_wait3A_243] : memref<8x10000xi32, #tpu.memory_space<vmem>> -> memref<8x4880xi32, #tpu.memory_space<vmem>>
      %dma_wait3A_245 = arith.constant 0 : i32
      %dma_wait3A_246 = arith.constant 0 : i32
      %dma_wait3A_247 = tpu.memref_slice %arg3[%dma_wait3A_240, %dma_wait3A_241, %dma_wait3A_245, %dma_wait3A_246] : memref<2x9x8x10000xi32, #tpu.memory_space<hbm>> -> memref<1x1x8x10000xi32, #tpu.memory_space<hbm>>
      %dma_wait3A_248 = tpu.memref_squeeze %dma_wait3A_247 : memref<1x1x8x10000xi32, #tpu.memory_space<hbm>> -> memref<8x10000xi32, #tpu.memory_space<hbm>>
      %dma_wait3A_249 = arith.constant 0 : i32
      %dma_wait3A_250 = arith.constant 5120 : i32
      %dma_wait3A_251 = tpu.memref_slice %dma_wait3A_248[%dma_wait3A_249, %dma_wait3A_250] : memref<8x10000xi32, #tpu.memory_space<hbm>> -> memref<8x4880xi32, #tpu.memory_space<hbm>>
      %dma_wait3A_252 = arith.constant 0 : i32
      %dma_wait3A_253 = arith.constant 0 : i32
      %dma_wait3A_254 = tpu.memref_slice %arg3[%dma_wait3A_240, %dma_wait3A_241, %dma_wait3A_252, %dma_wait3A_253] : memref<2x9x8x10000xi32, #tpu.memory_space<hbm>> -> memref<1x1x8x10000xi32, #tpu.memory_space<hbm>>
      %dma_wait3A_255 = tpu.memref_squeeze %dma_wait3A_254 : memref<1x1x8x10000xi32, #tpu.memory_space<hbm>> -> memref<8x10000xi32, #tpu.memory_space<hbm>>
      %dma_wait3A_256 = arith.constant 0 : i32
      %dma_wait3A_257 = arith.constant 5120 : i32
      %dma_wait3A_258 = tpu.memref_slice %dma_wait3A_255[%dma_wait3A_256, %dma_wait3A_257] : memref<8x10000xi32, #tpu.memory_space<hbm>> -> memref<8x4880xi32, #tpu.memory_space<hbm>>
      %dma_wait3A_259 = arith.constant 0 : i32
      %dma_wait3A_260 = arith.constant 5120 : i32
      %dma_wait3A_261 = tpu.memref_slice %arg4[%dma_wait3A_259, %dma_wait3A_260] : memref<8x10000xi32, #tpu.memory_space<vmem>> -> memref<8x4880xi32, #tpu.memory_space<vmem>>
      tpu.wait_dma2 semaphore(%arg8 : memref<!tpu.dma_semaphore, #tpu.memory_space<semaphore_mem>>) src(%dma_wait3A_261 : memref<8x4880xi32, #tpu.memory_space<vmem>>) dst(%dma_wait3A_258 : memref<8x4880xi32, #tpu.memory_space<hbm>>)
    } else {
    }
    %eq3A_73 = arith.constant 15 : i32
    %eq3A_74 = arith.cmpi eq, %add3A, %eq3A_73 : i32
    %convert_element_type3A_75 = arith.extui %eq3A_74 : i1 to i32
    %cond3A_76 = arith.constant 0 : i32
    %cond3A_77 = arith.cmpi ne, %convert_element_type3A_75, %cond3A_76 : i32
    scf.if %cond3A_77 {
      %dma_start3A = arith.constant 1 : i32
      %dma_start3A_88 = arith.constant 12 : i32
      %dma_start3A_89 = arith.constant 0 : i32
      %dma_start3A_90 = arith.constant 0 : i32
      %dma_start3A_91 = tpu.memref_slice %arg4[%dma_start3A_89, %dma_start3A_90] : memref<8x10000xi32, #tpu.memory_space<vmem>> -> memref<8x5120xi32, #tpu.memory_space<vmem>>
      %dma_start3A_92 = arith.constant 0 : i32
      %dma_start3A_93 = arith.constant 0 : i32
      %dma_start3A_94 = tpu.memref_slice %arg2[%dma_start3A, %dma_start3A_88, %dma_start3A_92, %dma_start3A_93] : memref<2x18x8x10000xi32, #tpu.memory_space<hbm>> -> memref<1x1x8x10000xi32, #tpu.memory_space<hbm>>
      %dma_start3A_95 = tpu.memref_squeeze %dma_start3A_94 : memref<1x1x8x10000xi32, #tpu.memory_space<hbm>> -> memref<8x10000xi32, #tpu.memory_space<hbm>>
      %dma_start3A_96 = arith.constant 0 : i32
      %dma_start3A_97 = arith.constant 0 : i32
      %dma_start3A_98 = tpu.memref_slice %dma_start3A_95[%dma_start3A_96, %dma_start3A_97] : memref<8x10000xi32, #tpu.memory_space<hbm>> -> memref<8x5120xi32, #tpu.memory_space<hbm>>
      %dma_start3A_99 = arith.constant 0 : i32
      %dma_start3A_100 = arith.constant 0 : i32
      %dma_start3A_101 = tpu.memref_slice %arg4[%dma_start3A_99, %dma_start3A_100] : memref<8x10000xi32, #tpu.memory_space<vmem>> -> memref<8x5120xi32, #tpu.memory_space<vmem>>
      %dma_start3A_102 = arith.constant 0 : i32
      %dma_start3A_103 = arith.constant 0 : i32
      %dma_start3A_104 = tpu.memref_slice %arg2[%dma_start3A, %dma_start3A_88, %dma_start3A_102, %dma_start3A_103] : memref<2x18x8x10000xi32, #tpu.memory_space<hbm>> -> memref<1x1x8x10000xi32, #tpu.memory_space<hbm>>
      %dma_start3A_105 = tpu.memref_squeeze %dma_start3A_104 : memref<1x1x8x10000xi32, #tpu.memory_space<hbm>> -> memref<8x10000xi32, #tpu.memory_space<hbm>>
      %dma_start3A_106 = arith.constant 0 : i32
      %dma_start3A_107 = arith.constant 0 : i32
      %dma_start3A_108 = tpu.memref_slice %dma_start3A_105[%dma_start3A_106, %dma_start3A_107] : memref<8x10000xi32, #tpu.memory_space<hbm>> -> memref<8x5120xi32, #tpu.memory_space<hbm>>
      tpu.enqueue_dma source(%dma_start3A_108 : memref<8x5120xi32, #tpu.memory_space<hbm>>) target(%dma_start3A_101 : memref<8x5120xi32, #tpu.memory_space<vmem>>) target_semaphore(%arg5 : memref<!tpu.dma_semaphore, #tpu.memory_space<semaphore_mem>>)
      %dma_start3A_109 = arith.constant 1 : i32
      %dma_start3A_110 = arith.constant 12 : i32
      %dma_start3A_111 = arith.constant 0 : i32
      %dma_start3A_112 = arith.constant 5120 : i32
      %dma_start3A_113 = tpu.memref_slice %arg4[%dma_start3A_111, %dma_start3A_112] : memref<8x10000xi32, #tpu.memory_space<vmem>> -> memref<8x4880xi32, #tpu.memory_space<vmem>>
      %dma_start3A_114 = arith.constant 0 : i32
      %dma_start3A_115 = arith.constant 0 : i32
      %dma_start3A_116 = tpu.memref_slice %arg2[%dma_start3A_109, %dma_start3A_110, %dma_start3A_114, %dma_start3A_115] : memref<2x18x8x10000xi32, #tpu.memory_space<hbm>> -> memref<1x1x8x10000xi32, #tpu.memory_space<hbm>>
      %dma_start3A_117 = tpu.memref_squeeze %dma_start3A_116 : memref<1x1x8x10000xi32, #tpu.memory_space<hbm>> -> memref<8x10000xi32, #tpu.memory_space<hbm>>
      %dma_start3A_118 = arith.constant 0 : i32
      %dma_start3A_119 = arith.constant 5120 : i32
      %dma_start3A_120 = tpu.memref_slice %dma_start3A_117[%dma_start3A_118, %dma_start3A_119] : memref<8x10000xi32, #tpu.memory_space<hbm>> -> memref<8x4880xi32, #tpu.memory_space<hbm>>
      %dma_start3A_121 = arith.constant 0 : i32
      %dma_start3A_122 = arith.constant 5120 : i32
      %dma_start3A_123 = tpu.memref_slice %arg4[%dma_start3A_121, %dma_start3A_122] : memref<8x10000xi32, #tpu.memory_space<vmem>> -> memref<8x4880xi32, #tpu.memory_space<vmem>>
      %dma_start3A_124 = arith.constant 0 : i32
      %dma_start3A_125 = arith.constant 0 : i32
      %dma_start3A_126 = tpu.memref_slice %arg2[%dma_start3A_109, %dma_start3A_110, %dma_start3A_124, %dma_start3A_125] : memref<2x18x8x10000xi32, #tpu.memory_space<hbm>> -> memref<1x1x8x10000xi32, #tpu.memory_space<hbm>>
      %dma_start3A_127 = tpu.memref_squeeze %dma_start3A_126 : memref<1x1x8x10000xi32, #tpu.memory_space<hbm>> -> memref<8x10000xi32, #tpu.memory_space<hbm>>
      %dma_start3A_128 = arith.constant 0 : i32
      %dma_start3A_129 = arith.constant 5120 : i32
      %dma_start3A_130 = tpu.memref_slice %dma_start3A_127[%dma_start3A_128, %dma_start3A_129] : memref<8x10000xi32, #tpu.memory_space<hbm>> -> memref<8x4880xi32, #tpu.memory_space<hbm>>
      tpu.enqueue_dma source(%dma_start3A_130 : memref<8x4880xi32, #tpu.memory_space<hbm>>) target(%dma_start3A_123 : memref<8x4880xi32, #tpu.memory_space<vmem>>) target_semaphore(%arg6 : memref<!tpu.dma_semaphore, #tpu.memory_space<semaphore_mem>>)
      %dma_wait3A = arith.constant 1 : i32
      %dma_wait3A_131 = arith.constant 12 : i32
      %dma_wait3A_132 = arith.constant 0 : i32
      %dma_wait3A_133 = arith.constant 0 : i32
      %dma_wait3A_134 = tpu.memref_slice %arg4[%dma_wait3A_132, %dma_wait3A_133] : memref<8x10000xi32, #tpu.memory_space<vmem>> -> memref<8x5120xi32, #tpu.memory_space<vmem>>
      %dma_wait3A_135 = arith.constant 0 : i32
      %dma_wait3A_136 = arith.constant 0 : i32
      %dma_wait3A_137 = tpu.memref_slice %arg2[%dma_wait3A, %dma_wait3A_131, %dma_wait3A_135, %dma_wait3A_136] : memref<2x18x8x10000xi32, #tpu.memory_space<hbm>> -> memref<1x1x8x10000xi32, #tpu.memory_space<hbm>>
      %dma_wait3A_138 = tpu.memref_squeeze %dma_wait3A_137 : memref<1x1x8x10000xi32, #tpu.memory_space<hbm>> -> memref<8x10000xi32, #tpu.memory_space<hbm>>
      %dma_wait3A_139 = arith.constant 0 : i32
      %dma_wait3A_140 = arith.constant 0 : i32
      %dma_wait3A_141 = tpu.memref_slice %dma_wait3A_138[%dma_wait3A_139, %dma_wait3A_140] : memref<8x10000xi32, #tpu.memory_space<hbm>> -> memref<8x5120xi32, #tpu.memory_space<hbm>>
      %dma_wait3A_142 = arith.constant 0 : i32
      %dma_wait3A_143 = arith.constant 0 : i32
      %dma_wait3A_144 = tpu.memref_slice %arg4[%dma_wait3A_142, %dma_wait3A_143] : memref<8x10000xi32, #tpu.memory_space<vmem>> -> memref<8x5120xi32, #tpu.memory_space<vmem>>
      %dma_wait3A_145 = arith.constant 0 : i32
      %dma_wait3A_146 = arith.constant 0 : i32
      %dma_wait3A_147 = tpu.memref_slice %arg2[%dma_wait3A, %dma_wait3A_131, %dma_wait3A_145, %dma_wait3A_146] : memref<2x18x8x10000xi32, #tpu.memory_space<hbm>> -> memref<1x1x8x10000xi32, #tpu.memory_space<hbm>>
      %dma_wait3A_148 = tpu.memref_squeeze %dma_wait3A_147 : memref<1x1x8x10000xi32, #tpu.memory_space<hbm>> -> memref<8x10000xi32, #tpu.memory_space<hbm>>
      %dma_wait3A_149 = arith.constant 0 : i32
      %dma_wait3A_150 = arith.constant 0 : i32
      %dma_wait3A_151 = tpu.memref_slice %dma_wait3A_148[%dma_wait3A_149, %dma_wait3A_150] : memref<8x10000xi32, #tpu.memory_space<hbm>> -> memref<8x5120xi32, #tpu.memory_space<hbm>>
      tpu.wait_dma2 semaphore(%arg5 : memref<!tpu.dma_semaphore, #tpu.memory_space<semaphore_mem>>) src(%dma_wait3A_151 : memref<8x5120xi32, #tpu.memory_space<hbm>>) dst(%dma_wait3A_144 : memref<8x5120xi32, #tpu.memory_space<vmem>>)
      %dma_start3A_152 = arith.constant 1 : i32
      %dma_start3A_153 = arith.constant 6 : i32
      %dma_start3A_154 = arith.constant 0 : i32
      %dma_start3A_155 = arith.constant 0 : i32
      %dma_start3A_156 = tpu.memref_slice %arg4[%dma_start3A_154, %dma_start3A_155] : memref<8x10000xi32, #tpu.memory_space<vmem>> -> memref<8x5120xi32, #tpu.memory_space<vmem>>
      %dma_start3A_157 = arith.constant 0 : i32
      %dma_start3A_158 = arith.constant 0 : i32
      %dma_start3A_159 = tpu.memref_slice %arg3[%dma_start3A_152, %dma_start3A_153, %dma_start3A_157, %dma_start3A_158] : memref<2x9x8x10000xi32, #tpu.memory_space<hbm>> -> memref<1x1x8x10000xi32, #tpu.memory_space<hbm>>
      %dma_start3A_160 = tpu.memref_squeeze %dma_start3A_159 : memref<1x1x8x10000xi32, #tpu.memory_space<hbm>> -> memref<8x10000xi32, #tpu.memory_space<hbm>>
      %dma_start3A_161 = arith.constant 0 : i32
      %dma_start3A_162 = arith.constant 0 : i32
      %dma_start3A_163 = tpu.memref_slice %dma_start3A_160[%dma_start3A_161, %dma_start3A_162] : memref<8x10000xi32, #tpu.memory_space<hbm>> -> memref<8x5120xi32, #tpu.memory_space<hbm>>
      %dma_start3A_164 = arith.constant 0 : i32
      %dma_start3A_165 = arith.constant 0 : i32
      %dma_start3A_166 = tpu.memref_slice %arg3[%dma_start3A_152, %dma_start3A_153, %dma_start3A_164, %dma_start3A_165] : memref<2x9x8x10000xi32, #tpu.memory_space<hbm>> -> memref<1x1x8x10000xi32, #tpu.memory_space<hbm>>
      %dma_start3A_167 = tpu.memref_squeeze %dma_start3A_166 : memref<1x1x8x10000xi32, #tpu.memory_space<hbm>> -> memref<8x10000xi32, #tpu.memory_space<hbm>>
      %dma_start3A_168 = arith.constant 0 : i32
      %dma_start3A_169 = arith.constant 0 : i32
      %dma_start3A_170 = tpu.memref_slice %dma_start3A_167[%dma_start3A_168, %dma_start3A_169] : memref<8x10000xi32, #tpu.memory_space<hbm>> -> memref<8x5120xi32, #tpu.memory_space<hbm>>
      %dma_start3A_171 = arith.constant 0 : i32
      %dma_start3A_172 = arith.constant 0 : i32
      %dma_start3A_173 = tpu.memref_slice %arg4[%dma_start3A_171, %dma_start3A_172] : memref<8x10000xi32, #tpu.memory_space<vmem>> -> memref<8x5120xi32, #tpu.memory_space<vmem>>
      tpu.enqueue_dma source(%dma_start3A_173 : memref<8x5120xi32, #tpu.memory_space<vmem>>) target(%dma_start3A_170 : memref<8x5120xi32, #tpu.memory_space<hbm>>) target_semaphore(%arg7 : memref<!tpu.dma_semaphore, #tpu.memory_space<semaphore_mem>>)
      %dma_wait3A_174 = arith.constant 1 : i32
      %dma_wait3A_175 = arith.constant 12 : i32
      %dma_wait3A_176 = arith.constant 0 : i32
      %dma_wait3A_177 = arith.constant 5120 : i32
      %dma_wait3A_178 = tpu.memref_slice %arg4[%dma_wait3A_176, %dma_wait3A_177] : memref<8x10000xi32, #tpu.memory_space<vmem>> -> memref<8x4880xi32, #tpu.memory_space<vmem>>
      %dma_wait3A_179 = arith.constant 0 : i32
      %dma_wait3A_180 = arith.constant 0 : i32
      %dma_wait3A_181 = tpu.memref_slice %arg2[%dma_wait3A_174, %dma_wait3A_175, %dma_wait3A_179, %dma_wait3A_180] : memref<2x18x8x10000xi32, #tpu.memory_space<hbm>> -> memref<1x1x8x10000xi32, #tpu.memory_space<hbm>>
      %dma_wait3A_182 = tpu.memref_squeeze %dma_wait3A_181 : memref<1x1x8x10000xi32, #tpu.memory_space<hbm>> -> memref<8x10000xi32, #tpu.memory_space<hbm>>
      %dma_wait3A_183 = arith.constant 0 : i32
      %dma_wait3A_184 = arith.constant 5120 : i32
      %dma_wait3A_185 = tpu.memref_slice %dma_wait3A_182[%dma_wait3A_183, %dma_wait3A_184] : memref<8x10000xi32, #tpu.memory_space<hbm>> -> memref<8x4880xi32, #tpu.memory_space<hbm>>
      %dma_wait3A_186 = arith.constant 0 : i32
      %dma_wait3A_187 = arith.constant 5120 : i32
      %dma_wait3A_188 = tpu.memref_slice %arg4[%dma_wait3A_186, %dma_wait3A_187] : memref<8x10000xi32, #tpu.memory_space<vmem>> -> memref<8x4880xi32, #tpu.memory_space<vmem>>
      %dma_wait3A_189 = arith.constant 0 : i32
      %dma_wait3A_190 = arith.constant 0 : i32
      %dma_wait3A_191 = tpu.memref_slice %arg2[%dma_wait3A_174, %dma_wait3A_175, %dma_wait3A_189, %dma_wait3A_190] : memref<2x18x8x10000xi32, #tpu.memory_space<hbm>> -> memref<1x1x8x10000xi32, #tpu.memory_space<hbm>>
      %dma_wait3A_192 = tpu.memref_squeeze %dma_wait3A_191 : memref<1x1x8x10000xi32, #tpu.memory_space<hbm>> -> memref<8x10000xi32, #tpu.memory_space<hbm>>
      %dma_wait3A_193 = arith.constant 0 : i32
      %dma_wait3A_194 = arith.constant 5120 : i32
      %dma_wait3A_195 = tpu.memref_slice %dma_wait3A_192[%dma_wait3A_193, %dma_wait3A_194] : memref<8x10000xi32, #tpu.memory_space<hbm>> -> memref<8x4880xi32, #tpu.memory_space<hbm>>
      tpu.wait_dma2 semaphore(%arg6 : memref<!tpu.dma_semaphore, #tpu.memory_space<semaphore_mem>>) src(%dma_wait3A_195 : memref<8x4880xi32, #tpu.memory_space<hbm>>) dst(%dma_wait3A_188 : memref<8x4880xi32, #tpu.memory_space<vmem>>)
      %dma_start3A_196 = arith.constant 1 : i32
      %dma_start3A_197 = arith.constant 6 : i32
      %dma_start3A_198 = arith.constant 0 : i32
      %dma_start3A_199 = arith.constant 5120 : i32
      %dma_start3A_200 = tpu.memref_slice %arg4[%dma_start3A_198, %dma_start3A_199] : memref<8x10000xi32, #tpu.memory_space<vmem>> -> memref<8x4880xi32, #tpu.memory_space<vmem>>
      %dma_start3A_201 = arith.constant 0 : i32
      %dma_start3A_202 = arith.constant 0 : i32
      %dma_start3A_203 = tpu.memref_slice %arg3[%dma_start3A_196, %dma_start3A_197, %dma_start3A_201, %dma_start3A_202] : memref<2x9x8x10000xi32, #tpu.memory_space<hbm>> -> memref<1x1x8x10000xi32, #tpu.memory_space<hbm>>
      %dma_start3A_204 = tpu.memref_squeeze %dma_start3A_203 : memref<1x1x8x10000xi32, #tpu.memory_space<hbm>> -> memref<8x10000xi32, #tpu.memory_space<hbm>>
      %dma_start3A_205 = arith.constant 0 : i32
      %dma_start3A_206 = arith.constant 5120 : i32
      %dma_start3A_207 = tpu.memref_slice %dma_start3A_204[%dma_start3A_205, %dma_start3A_206] : memref<8x10000xi32, #tpu.memory_space<hbm>> -> memref<8x4880xi32, #tpu.memory_space<hbm>>
      %dma_start3A_208 = arith.constant 0 : i32
      %dma_start3A_209 = arith.constant 0 : i32
      %dma_start3A_210 = tpu.memref_slice %arg3[%dma_start3A_196, %dma_start3A_197, %dma_start3A_208, %dma_start3A_209] : memref<2x9x8x10000xi32, #tpu.memory_space<hbm>> -> memref<1x1x8x10000xi32, #tpu.memory_space<hbm>>
      %dma_start3A_211 = tpu.memref_squeeze %dma_start3A_210 : memref<1x1x8x10000xi32, #tpu.memory_space<hbm>> -> memref<8x10000xi32, #tpu.memory_space<hbm>>
      %dma_start3A_212 = arith.constant 0 : i32
      %dma_start3A_213 = arith.constant 5120 : i32
      %dma_start3A_214 = tpu.memref_slice %dma_start3A_211[%dma_start3A_212, %dma_start3A_213] : memref<8x10000xi32, #tpu.memory_space<hbm>> -> memref<8x4880xi32, #tpu.memory_space<hbm>>
      %dma_start3A_215 = arith.constant 0 : i32
      %dma_start3A_216 = arith.constant 5120 : i32
      %dma_start3A_217 = tpu.memref_slice %arg4[%dma_start3A_215, %dma_start3A_216] : memref<8x10000xi32, #tpu.memory_space<vmem>> -> memref<8x4880xi32, #tpu.memory_space<vmem>>
      tpu.enqueue_dma source(%dma_start3A_217 : memref<8x4880xi32, #tpu.memory_space<vmem>>) target(%dma_start3A_214 : memref<8x4880xi32, #tpu.memory_space<hbm>>) target_semaphore(%arg8 : memref<!tpu.dma_semaphore, #tpu.memory_space<semaphore_mem>>)
      %dma_wait3A_218 = arith.constant 1 : i32
      %dma_wait3A_219 = arith.constant 6 : i32
      %dma_wait3A_220 = arith.constant 0 : i32
      %dma_wait3A_221 = arith.constant 0 : i32
      %dma_wait3A_222 = tpu.memref_slice %arg4[%dma_wait3A_220, %dma_wait3A_221] : memref<8x10000xi32, #tpu.memory_space<vmem>> -> memref<8x5120xi32, #tpu.memory_space<vmem>>
      %dma_wait3A_223 = arith.constant 0 : i32
      %dma_wait3A_224 = arith.constant 0 : i32
      %dma_wait3A_225 = tpu.memref_slice %arg3[%dma_wait3A_218, %dma_wait3A_219, %dma_wait3A_223, %dma_wait3A_224] : memref<2x9x8x10000xi32, #tpu.memory_space<hbm>> -> memref<1x1x8x10000xi32, #tpu.memory_space<hbm>>
      %dma_wait3A_226 = tpu.memref_squeeze %dma_wait3A_225 : memref<1x1x8x10000xi32, #tpu.memory_space<hbm>> -> memref<8x10000xi32, #tpu.memory_space<hbm>>
      %dma_wait3A_227 = arith.constant 0 : i32
      %dma_wait3A_228 = arith.constant 0 : i32
      %dma_wait3A_229 = tpu.memref_slice %dma_wait3A_226[%dma_wait3A_227, %dma_wait3A_228] : memref<8x10000xi32, #tpu.memory_space<hbm>> -> memref<8x5120xi32, #tpu.memory_space<hbm>>
      %dma_wait3A_230 = arith.constant 0 : i32
      %dma_wait3A_231 = arith.constant 0 : i32
      %dma_wait3A_232 = tpu.memref_slice %arg3[%dma_wait3A_218, %dma_wait3A_219, %dma_wait3A_230, %dma_wait3A_231] : memref<2x9x8x10000xi32, #tpu.memory_space<hbm>> -> memref<1x1x8x10000xi32, #tpu.memory_space<hbm>>
      %dma_wait3A_233 = tpu.memref_squeeze %dma_wait3A_232 : memref<1x1x8x10000xi32, #tpu.memory_space<hbm>> -> memref<8x10000xi32, #tpu.memory_space<hbm>>
      %dma_wait3A_234 = arith.constant 0 : i32
      %dma_wait3A_235 = arith.constant 0 : i32
      %dma_wait3A_236 = tpu.memref_slice %dma_wait3A_233[%dma_wait3A_234, %dma_wait3A_235] : memref<8x10000xi32, #tpu.memory_space<hbm>> -> memref<8x5120xi32, #tpu.memory_space<hbm>>
      %dma_wait3A_237 = arith.constant 0 : i32
      %dma_wait3A_238 = arith.constant 0 : i32
      %dma_wait3A_239 = tpu.memref_slice %arg4[%dma_wait3A_237, %dma_wait3A_238] : memref<8x10000xi32, #tpu.memory_space<vmem>> -> memref<8x5120xi32, #tpu.memory_space<vmem>>
      tpu.wait_dma2 semaphore(%arg7 : memref<!tpu.dma_semaphore, #tpu.memory_space<semaphore_mem>>) src(%dma_wait3A_239 : memref<8x5120xi32, #tpu.memory_space<vmem>>) dst(%dma_wait3A_236 : memref<8x5120xi32, #tpu.memory_space<hbm>>)
      %dma_wait3A_240 = arith.constant 1 : i32
      %dma_wait3A_241 = arith.constant 6 : i32
      %dma_wait3A_242 = arith.constant 0 : i32
      %dma_wait3A_243 = arith.constant 5120 : i32
      %dma_wait3A_244 = tpu.memref_slice %arg4[%dma_wait3A_242, %dma_wait3A_243] : memref<8x10000xi32, #tpu.memory_space<vmem>> -> memref<8x4880xi32, #tpu.memory_space<vmem>>
      %dma_wait3A_245 = arith.constant 0 : i32
      %dma_wait3A_246 = arith.constant 0 : i32
      %dma_wait3A_247 = tpu.memref_slice %arg3[%dma_wait3A_240, %dma_wait3A_241, %dma_wait3A_245, %dma_wait3A_246] : memref<2x9x8x10000xi32, #tpu.memory_space<hbm>> -> memref<1x1x8x10000xi32, #tpu.memory_space<hbm>>
      %dma_wait3A_248 = tpu.memref_squeeze %dma_wait3A_247 : memref<1x1x8x10000xi32, #tpu.memory_space<hbm>> -> memref<8x10000xi32, #tpu.memory_space<hbm>>
      %dma_wait3A_249 = arith.constant 0 : i32
      %dma_wait3A_250 = arith.constant 5120 : i32
      %dma_wait3A_251 = tpu.memref_slice %dma_wait3A_248[%dma_wait3A_249, %dma_wait3A_250] : memref<8x10000xi32, #tpu.memory_space<hbm>> -> memref<8x4880xi32, #tpu.memory_space<hbm>>
      %dma_wait3A_252 = arith.constant 0 : i32
      %dma_wait3A_253 = arith.constant 0 : i32
      %dma_wait3A_254 = tpu.memref_slice %arg3[%dma_wait3A_240, %dma_wait3A_241, %dma_wait3A_252, %dma_wait3A_253] : memref<2x9x8x10000xi32, #tpu.memory_space<hbm>> -> memref<1x1x8x10000xi32, #tpu.memory_space<hbm>>
      %dma_wait3A_255 = tpu.memref_squeeze %dma_wait3A_254 : memref<1x1x8x10000xi32, #tpu.memory_space<hbm>> -> memref<8x10000xi32, #tpu.memory_space<hbm>>
      %dma_wait3A_256 = arith.constant 0 : i32
      %dma_wait3A_257 = arith.constant 5120 : i32
      %dma_wait3A_258 = tpu.memref_slice %dma_wait3A_255[%dma_wait3A_256, %dma_wait3A_257] : memref<8x10000xi32, #tpu.memory_space<hbm>> -> memref<8x4880xi32, #tpu.memory_space<hbm>>
      %dma_wait3A_259 = arith.constant 0 : i32
      %dma_wait3A_260 = arith.constant 5120 : i32
      %dma_wait3A_261 = tpu.memref_slice %arg4[%dma_wait3A_259, %dma_wait3A_260] : memref<8x10000xi32, #tpu.memory_space<vmem>> -> memref<8x4880xi32, #tpu.memory_space<vmem>>
      tpu.wait_dma2 semaphore(%arg8 : memref<!tpu.dma_semaphore, #tpu.memory_space<semaphore_mem>>) src(%dma_wait3A_261 : memref<8x4880xi32, #tpu.memory_space<vmem>>) dst(%dma_wait3A_258 : memref<8x4880xi32, #tpu.memory_space<hbm>>)
    } else {
    }
    %eq3A_78 = arith.constant 16 : i32
    %eq3A_79 = arith.cmpi eq, %add3A, %eq3A_78 : i32
    %convert_element_type3A_80 = arith.extui %eq3A_79 : i1 to i32
    %cond3A_81 = arith.constant 0 : i32
    %cond3A_82 = arith.cmpi ne, %convert_element_type3A_80, %cond3A_81 : i32
    scf.if %cond3A_82 {
      %dma_start3A = arith.constant 1 : i32
      %dma_start3A_88 = arith.constant 14 : i32
      %dma_start3A_89 = arith.constant 0 : i32
      %dma_start3A_90 = arith.constant 0 : i32
      %dma_start3A_91 = tpu.memref_slice %arg4[%dma_start3A_89, %dma_start3A_90] : memref<8x10000xi32, #tpu.memory_space<vmem>> -> memref<8x5120xi32, #tpu.memory_space<vmem>>
      %dma_start3A_92 = arith.constant 0 : i32
      %dma_start3A_93 = arith.constant 0 : i32
      %dma_start3A_94 = tpu.memref_slice %arg2[%dma_start3A, %dma_start3A_88, %dma_start3A_92, %dma_start3A_93] : memref<2x18x8x10000xi32, #tpu.memory_space<hbm>> -> memref<1x1x8x10000xi32, #tpu.memory_space<hbm>>
      %dma_start3A_95 = tpu.memref_squeeze %dma_start3A_94 : memref<1x1x8x10000xi32, #tpu.memory_space<hbm>> -> memref<8x10000xi32, #tpu.memory_space<hbm>>
      %dma_start3A_96 = arith.constant 0 : i32
      %dma_start3A_97 = arith.constant 0 : i32
      %dma_start3A_98 = tpu.memref_slice %dma_start3A_95[%dma_start3A_96, %dma_start3A_97] : memref<8x10000xi32, #tpu.memory_space<hbm>> -> memref<8x5120xi32, #tpu.memory_space<hbm>>
      %dma_start3A_99 = arith.constant 0 : i32
      %dma_start3A_100 = arith.constant 0 : i32
      %dma_start3A_101 = tpu.memref_slice %arg4[%dma_start3A_99, %dma_start3A_100] : memref<8x10000xi32, #tpu.memory_space<vmem>> -> memref<8x5120xi32, #tpu.memory_space<vmem>>
      %dma_start3A_102 = arith.constant 0 : i32
      %dma_start3A_103 = arith.constant 0 : i32
      %dma_start3A_104 = tpu.memref_slice %arg2[%dma_start3A, %dma_start3A_88, %dma_start3A_102, %dma_start3A_103] : memref<2x18x8x10000xi32, #tpu.memory_space<hbm>> -> memref<1x1x8x10000xi32, #tpu.memory_space<hbm>>
      %dma_start3A_105 = tpu.memref_squeeze %dma_start3A_104 : memref<1x1x8x10000xi32, #tpu.memory_space<hbm>> -> memref<8x10000xi32, #tpu.memory_space<hbm>>
      %dma_start3A_106 = arith.constant 0 : i32
      %dma_start3A_107 = arith.constant 0 : i32
      %dma_start3A_108 = tpu.memref_slice %dma_start3A_105[%dma_start3A_106, %dma_start3A_107] : memref<8x10000xi32, #tpu.memory_space<hbm>> -> memref<8x5120xi32, #tpu.memory_space<hbm>>
      tpu.enqueue_dma source(%dma_start3A_108 : memref<8x5120xi32, #tpu.memory_space<hbm>>) target(%dma_start3A_101 : memref<8x5120xi32, #tpu.memory_space<vmem>>) target_semaphore(%arg5 : memref<!tpu.dma_semaphore, #tpu.memory_space<semaphore_mem>>)
      %dma_start3A_109 = arith.constant 1 : i32
      %dma_start3A_110 = arith.constant 14 : i32
      %dma_start3A_111 = arith.constant 0 : i32
      %dma_start3A_112 = arith.constant 5120 : i32
      %dma_start3A_113 = tpu.memref_slice %arg4[%dma_start3A_111, %dma_start3A_112] : memref<8x10000xi32, #tpu.memory_space<vmem>> -> memref<8x4880xi32, #tpu.memory_space<vmem>>
      %dma_start3A_114 = arith.constant 0 : i32
      %dma_start3A_115 = arith.constant 0 : i32
      %dma_start3A_116 = tpu.memref_slice %arg2[%dma_start3A_109, %dma_start3A_110, %dma_start3A_114, %dma_start3A_115] : memref<2x18x8x10000xi32, #tpu.memory_space<hbm>> -> memref<1x1x8x10000xi32, #tpu.memory_space<hbm>>
      %dma_start3A_117 = tpu.memref_squeeze %dma_start3A_116 : memref<1x1x8x10000xi32, #tpu.memory_space<hbm>> -> memref<8x10000xi32, #tpu.memory_space<hbm>>
      %dma_start3A_118 = arith.constant 0 : i32
      %dma_start3A_119 = arith.constant 5120 : i32
      %dma_start3A_120 = tpu.memref_slice %dma_start3A_117[%dma_start3A_118, %dma_start3A_119] : memref<8x10000xi32, #tpu.memory_space<hbm>> -> memref<8x4880xi32, #tpu.memory_space<hbm>>
      %dma_start3A_121 = arith.constant 0 : i32
      %dma_start3A_122 = arith.constant 5120 : i32
      %dma_start3A_123 = tpu.memref_slice %arg4[%dma_start3A_121, %dma_start3A_122] : memref<8x10000xi32, #tpu.memory_space<vmem>> -> memref<8x4880xi32, #tpu.memory_space<vmem>>
      %dma_start3A_124 = arith.constant 0 : i32
      %dma_start3A_125 = arith.constant 0 : i32
      %dma_start3A_126 = tpu.memref_slice %arg2[%dma_start3A_109, %dma_start3A_110, %dma_start3A_124, %dma_start3A_125] : memref<2x18x8x10000xi32, #tpu.memory_space<hbm>> -> memref<1x1x8x10000xi32, #tpu.memory_space<hbm>>
      %dma_start3A_127 = tpu.memref_squeeze %dma_start3A_126 : memref<1x1x8x10000xi32, #tpu.memory_space<hbm>> -> memref<8x10000xi32, #tpu.memory_space<hbm>>
      %dma_start3A_128 = arith.constant 0 : i32
      %dma_start3A_129 = arith.constant 5120 : i32
      %dma_start3A_130 = tpu.memref_slice %dma_start3A_127[%dma_start3A_128, %dma_start3A_129] : memref<8x10000xi32, #tpu.memory_space<hbm>> -> memref<8x4880xi32, #tpu.memory_space<hbm>>
      tpu.enqueue_dma source(%dma_start3A_130 : memref<8x4880xi32, #tpu.memory_space<hbm>>) target(%dma_start3A_123 : memref<8x4880xi32, #tpu.memory_space<vmem>>) target_semaphore(%arg6 : memref<!tpu.dma_semaphore, #tpu.memory_space<semaphore_mem>>)
      %dma_wait3A = arith.constant 1 : i32
      %dma_wait3A_131 = arith.constant 14 : i32
      %dma_wait3A_132 = arith.constant 0 : i32
      %dma_wait3A_133 = arith.constant 0 : i32
      %dma_wait3A_134 = tpu.memref_slice %arg4[%dma_wait3A_132, %dma_wait3A_133] : memref<8x10000xi32, #tpu.memory_space<vmem>> -> memref<8x5120xi32, #tpu.memory_space<vmem>>
      %dma_wait3A_135 = arith.constant 0 : i32
      %dma_wait3A_136 = arith.constant 0 : i32
      %dma_wait3A_137 = tpu.memref_slice %arg2[%dma_wait3A, %dma_wait3A_131, %dma_wait3A_135, %dma_wait3A_136] : memref<2x18x8x10000xi32, #tpu.memory_space<hbm>> -> memref<1x1x8x10000xi32, #tpu.memory_space<hbm>>
      %dma_wait3A_138 = tpu.memref_squeeze %dma_wait3A_137 : memref<1x1x8x10000xi32, #tpu.memory_space<hbm>> -> memref<8x10000xi32, #tpu.memory_space<hbm>>
      %dma_wait3A_139 = arith.constant 0 : i32
      %dma_wait3A_140 = arith.constant 0 : i32
      %dma_wait3A_141 = tpu.memref_slice %dma_wait3A_138[%dma_wait3A_139, %dma_wait3A_140] : memref<8x10000xi32, #tpu.memory_space<hbm>> -> memref<8x5120xi32, #tpu.memory_space<hbm>>
      %dma_wait3A_142 = arith.constant 0 : i32
      %dma_wait3A_143 = arith.constant 0 : i32
      %dma_wait3A_144 = tpu.memref_slice %arg4[%dma_wait3A_142, %dma_wait3A_143] : memref<8x10000xi32, #tpu.memory_space<vmem>> -> memref<8x5120xi32, #tpu.memory_space<vmem>>
      %dma_wait3A_145 = arith.constant 0 : i32
      %dma_wait3A_146 = arith.constant 0 : i32
      %dma_wait3A_147 = tpu.memref_slice %arg2[%dma_wait3A, %dma_wait3A_131, %dma_wait3A_145, %dma_wait3A_146] : memref<2x18x8x10000xi32, #tpu.memory_space<hbm>> -> memref<1x1x8x10000xi32, #tpu.memory_space<hbm>>
      %dma_wait3A_148 = tpu.memref_squeeze %dma_wait3A_147 : memref<1x1x8x10000xi32, #tpu.memory_space<hbm>> -> memref<8x10000xi32, #tpu.memory_space<hbm>>
      %dma_wait3A_149 = arith.constant 0 : i32
      %dma_wait3A_150 = arith.constant 0 : i32
      %dma_wait3A_151 = tpu.memref_slice %dma_wait3A_148[%dma_wait3A_149, %dma_wait3A_150] : memref<8x10000xi32, #tpu.memory_space<hbm>> -> memref<8x5120xi32, #tpu.memory_space<hbm>>
      tpu.wait_dma2 semaphore(%arg5 : memref<!tpu.dma_semaphore, #tpu.memory_space<semaphore_mem>>) src(%dma_wait3A_151 : memref<8x5120xi32, #tpu.memory_space<hbm>>) dst(%dma_wait3A_144 : memref<8x5120xi32, #tpu.memory_space<vmem>>)
      %dma_start3A_152 = arith.constant 1 : i32
      %dma_start3A_153 = arith.constant 7 : i32
      %dma_start3A_154 = arith.constant 0 : i32
      %dma_start3A_155 = arith.constant 0 : i32
      %dma_start3A_156 = tpu.memref_slice %arg4[%dma_start3A_154, %dma_start3A_155] : memref<8x10000xi32, #tpu.memory_space<vmem>> -> memref<8x5120xi32, #tpu.memory_space<vmem>>
      %dma_start3A_157 = arith.constant 0 : i32
      %dma_start3A_158 = arith.constant 0 : i32
      %dma_start3A_159 = tpu.memref_slice %arg3[%dma_start3A_152, %dma_start3A_153, %dma_start3A_157, %dma_start3A_158] : memref<2x9x8x10000xi32, #tpu.memory_space<hbm>> -> memref<1x1x8x10000xi32, #tpu.memory_space<hbm>>
      %dma_start3A_160 = tpu.memref_squeeze %dma_start3A_159 : memref<1x1x8x10000xi32, #tpu.memory_space<hbm>> -> memref<8x10000xi32, #tpu.memory_space<hbm>>
      %dma_start3A_161 = arith.constant 0 : i32
      %dma_start3A_162 = arith.constant 0 : i32
      %dma_start3A_163 = tpu.memref_slice %dma_start3A_160[%dma_start3A_161, %dma_start3A_162] : memref<8x10000xi32, #tpu.memory_space<hbm>> -> memref<8x5120xi32, #tpu.memory_space<hbm>>
      %dma_start3A_164 = arith.constant 0 : i32
      %dma_start3A_165 = arith.constant 0 : i32
      %dma_start3A_166 = tpu.memref_slice %arg3[%dma_start3A_152, %dma_start3A_153, %dma_start3A_164, %dma_start3A_165] : memref<2x9x8x10000xi32, #tpu.memory_space<hbm>> -> memref<1x1x8x10000xi32, #tpu.memory_space<hbm>>
      %dma_start3A_167 = tpu.memref_squeeze %dma_start3A_166 : memref<1x1x8x10000xi32, #tpu.memory_space<hbm>> -> memref<8x10000xi32, #tpu.memory_space<hbm>>
      %dma_start3A_168 = arith.constant 0 : i32
      %dma_start3A_169 = arith.constant 0 : i32
      %dma_start3A_170 = tpu.memref_slice %dma_start3A_167[%dma_start3A_168, %dma_start3A_169] : memref<8x10000xi32, #tpu.memory_space<hbm>> -> memref<8x5120xi32, #tpu.memory_space<hbm>>
      %dma_start3A_171 = arith.constant 0 : i32
      %dma_start3A_172 = arith.constant 0 : i32
      %dma_start3A_173 = tpu.memref_slice %arg4[%dma_start3A_171, %dma_start3A_172] : memref<8x10000xi32, #tpu.memory_space<vmem>> -> memref<8x5120xi32, #tpu.memory_space<vmem>>
      tpu.enqueue_dma source(%dma_start3A_173 : memref<8x5120xi32, #tpu.memory_space<vmem>>) target(%dma_start3A_170 : memref<8x5120xi32, #tpu.memory_space<hbm>>) target_semaphore(%arg7 : memref<!tpu.dma_semaphore, #tpu.memory_space<semaphore_mem>>)
      %dma_wait3A_174 = arith.constant 1 : i32
      %dma_wait3A_175 = arith.constant 14 : i32
      %dma_wait3A_176 = arith.constant 0 : i32
      %dma_wait3A_177 = arith.constant 5120 : i32
      %dma_wait3A_178 = tpu.memref_slice %arg4[%dma_wait3A_176, %dma_wait3A_177] : memref<8x10000xi32, #tpu.memory_space<vmem>> -> memref<8x4880xi32, #tpu.memory_space<vmem>>
      %dma_wait3A_179 = arith.constant 0 : i32
      %dma_wait3A_180 = arith.constant 0 : i32
      %dma_wait3A_181 = tpu.memref_slice %arg2[%dma_wait3A_174, %dma_wait3A_175, %dma_wait3A_179, %dma_wait3A_180] : memref<2x18x8x10000xi32, #tpu.memory_space<hbm>> -> memref<1x1x8x10000xi32, #tpu.memory_space<hbm>>
      %dma_wait3A_182 = tpu.memref_squeeze %dma_wait3A_181 : memref<1x1x8x10000xi32, #tpu.memory_space<hbm>> -> memref<8x10000xi32, #tpu.memory_space<hbm>>
      %dma_wait3A_183 = arith.constant 0 : i32
      %dma_wait3A_184 = arith.constant 5120 : i32
      %dma_wait3A_185 = tpu.memref_slice %dma_wait3A_182[%dma_wait3A_183, %dma_wait3A_184] : memref<8x10000xi32, #tpu.memory_space<hbm>> -> memref<8x4880xi32, #tpu.memory_space<hbm>>
      %dma_wait3A_186 = arith.constant 0 : i32
      %dma_wait3A_187 = arith.constant 5120 : i32
      %dma_wait3A_188 = tpu.memref_slice %arg4[%dma_wait3A_186, %dma_wait3A_187] : memref<8x10000xi32, #tpu.memory_space<vmem>> -> memref<8x4880xi32, #tpu.memory_space<vmem>>
      %dma_wait3A_189 = arith.constant 0 : i32
      %dma_wait3A_190 = arith.constant 0 : i32
      %dma_wait3A_191 = tpu.memref_slice %arg2[%dma_wait3A_174, %dma_wait3A_175, %dma_wait3A_189, %dma_wait3A_190] : memref<2x18x8x10000xi32, #tpu.memory_space<hbm>> -> memref<1x1x8x10000xi32, #tpu.memory_space<hbm>>
      %dma_wait3A_192 = tpu.memref_squeeze %dma_wait3A_191 : memref<1x1x8x10000xi32, #tpu.memory_space<hbm>> -> memref<8x10000xi32, #tpu.memory_space<hbm>>
      %dma_wait3A_193 = arith.constant 0 : i32
      %dma_wait3A_194 = arith.constant 5120 : i32
      %dma_wait3A_195 = tpu.memref_slice %dma_wait3A_192[%dma_wait3A_193, %dma_wait3A_194] : memref<8x10000xi32, #tpu.memory_space<hbm>> -> memref<8x4880xi32, #tpu.memory_space<hbm>>
      tpu.wait_dma2 semaphore(%arg6 : memref<!tpu.dma_semaphore, #tpu.memory_space<semaphore_mem>>) src(%dma_wait3A_195 : memref<8x4880xi32, #tpu.memory_space<hbm>>) dst(%dma_wait3A_188 : memref<8x4880xi32, #tpu.memory_space<vmem>>)
      %dma_start3A_196 = arith.constant 1 : i32
      %dma_start3A_197 = arith.constant 7 : i32
      %dma_start3A_198 = arith.constant 0 : i32
      %dma_start3A_199 = arith.constant 5120 : i32
      %dma_start3A_200 = tpu.memref_slice %arg4[%dma_start3A_198, %dma_start3A_199] : memref<8x10000xi32, #tpu.memory_space<vmem>> -> memref<8x4880xi32, #tpu.memory_space<vmem>>
      %dma_start3A_201 = arith.constant 0 : i32
      %dma_start3A_202 = arith.constant 0 : i32
      %dma_start3A_203 = tpu.memref_slice %arg3[%dma_start3A_196, %dma_start3A_197, %dma_start3A_201, %dma_start3A_202] : memref<2x9x8x10000xi32, #tpu.memory_space<hbm>> -> memref<1x1x8x10000xi32, #tpu.memory_space<hbm>>
      %dma_start3A_204 = tpu.memref_squeeze %dma_start3A_203 : memref<1x1x8x10000xi32, #tpu.memory_space<hbm>> -> memref<8x10000xi32, #tpu.memory_space<hbm>>
      %dma_start3A_205 = arith.constant 0 : i32
      %dma_start3A_206 = arith.constant 5120 : i32
      %dma_start3A_207 = tpu.memref_slice %dma_start3A_204[%dma_start3A_205, %dma_start3A_206] : memref<8x10000xi32, #tpu.memory_space<hbm>> -> memref<8x4880xi32, #tpu.memory_space<hbm>>
      %dma_start3A_208 = arith.constant 0 : i32
      %dma_start3A_209 = arith.constant 0 : i32
      %dma_start3A_210 = tpu.memref_slice %arg3[%dma_start3A_196, %dma_start3A_197, %dma_start3A_208, %dma_start3A_209] : memref<2x9x8x10000xi32, #tpu.memory_space<hbm>> -> memref<1x1x8x10000xi32, #tpu.memory_space<hbm>>
      %dma_start3A_211 = tpu.memref_squeeze %dma_start3A_210 : memref<1x1x8x10000xi32, #tpu.memory_space<hbm>> -> memref<8x10000xi32, #tpu.memory_space<hbm>>
      %dma_start3A_212 = arith.constant 0 : i32
      %dma_start3A_213 = arith.constant 5120 : i32
      %dma_start3A_214 = tpu.memref_slice %dma_start3A_211[%dma_start3A_212, %dma_start3A_213] : memref<8x10000xi32, #tpu.memory_space<hbm>> -> memref<8x4880xi32, #tpu.memory_space<hbm>>
      %dma_start3A_215 = arith.constant 0 : i32
      %dma_start3A_216 = arith.constant 5120 : i32
      %dma_start3A_217 = tpu.memref_slice %arg4[%dma_start3A_215, %dma_start3A_216] : memref<8x10000xi32, #tpu.memory_space<vmem>> -> memref<8x4880xi32, #tpu.memory_space<vmem>>
      tpu.enqueue_dma source(%dma_start3A_217 : memref<8x4880xi32, #tpu.memory_space<vmem>>) target(%dma_start3A_214 : memref<8x4880xi32, #tpu.memory_space<hbm>>) target_semaphore(%arg8 : memref<!tpu.dma_semaphore, #tpu.memory_space<semaphore_mem>>)
      %dma_wait3A_218 = arith.constant 1 : i32
      %dma_wait3A_219 = arith.constant 7 : i32
      %dma_wait3A_220 = arith.constant 0 : i32
      %dma_wait3A_221 = arith.constant 0 : i32
      %dma_wait3A_222 = tpu.memref_slice %arg4[%dma_wait3A_220, %dma_wait3A_221] : memref<8x10000xi32, #tpu.memory_space<vmem>> -> memref<8x5120xi32, #tpu.memory_space<vmem>>
      %dma_wait3A_223 = arith.constant 0 : i32
      %dma_wait3A_224 = arith.constant 0 : i32
      %dma_wait3A_225 = tpu.memref_slice %arg3[%dma_wait3A_218, %dma_wait3A_219, %dma_wait3A_223, %dma_wait3A_224] : memref<2x9x8x10000xi32, #tpu.memory_space<hbm>> -> memref<1x1x8x10000xi32, #tpu.memory_space<hbm>>
      %dma_wait3A_226 = tpu.memref_squeeze %dma_wait3A_225 : memref<1x1x8x10000xi32, #tpu.memory_space<hbm>> -> memref<8x10000xi32, #tpu.memory_space<hbm>>
      %dma_wait3A_227 = arith.constant 0 : i32
      %dma_wait3A_228 = arith.constant 0 : i32
      %dma_wait3A_229 = tpu.memref_slice %dma_wait3A_226[%dma_wait3A_227, %dma_wait3A_228] : memref<8x10000xi32, #tpu.memory_space<hbm>> -> memref<8x5120xi32, #tpu.memory_space<hbm>>
      %dma_wait3A_230 = arith.constant 0 : i32
      %dma_wait3A_231 = arith.constant 0 : i32
      %dma_wait3A_232 = tpu.memref_slice %arg3[%dma_wait3A_218, %dma_wait3A_219, %dma_wait3A_230, %dma_wait3A_231] : memref<2x9x8x10000xi32, #tpu.memory_space<hbm>> -> memref<1x1x8x10000xi32, #tpu.memory_space<hbm>>
      %dma_wait3A_233 = tpu.memref_squeeze %dma_wait3A_232 : memref<1x1x8x10000xi32, #tpu.memory_space<hbm>> -> memref<8x10000xi32, #tpu.memory_space<hbm>>
      %dma_wait3A_234 = arith.constant 0 : i32
      %dma_wait3A_235 = arith.constant 0 : i32
      %dma_wait3A_236 = tpu.memref_slice %dma_wait3A_233[%dma_wait3A_234, %dma_wait3A_235] : memref<8x10000xi32, #tpu.memory_space<hbm>> -> memref<8x5120xi32, #tpu.memory_space<hbm>>
      %dma_wait3A_237 = arith.constant 0 : i32
      %dma_wait3A_238 = arith.constant 0 : i32
      %dma_wait3A_239 = tpu.memref_slice %arg4[%dma_wait3A_237, %dma_wait3A_238] : memref<8x10000xi32, #tpu.memory_space<vmem>> -> memref<8x5120xi32, #tpu.memory_space<vmem>>
      tpu.wait_dma2 semaphore(%arg7 : memref<!tpu.dma_semaphore, #tpu.memory_space<semaphore_mem>>) src(%dma_wait3A_239 : memref<8x5120xi32, #tpu.memory_space<vmem>>) dst(%dma_wait3A_236 : memref<8x5120xi32, #tpu.memory_space<hbm>>)
      %dma_wait3A_240 = arith.constant 1 : i32
      %dma_wait3A_241 = arith.constant 7 : i32
      %dma_wait3A_242 = arith.constant 0 : i32
      %dma_wait3A_243 = arith.constant 5120 : i32
      %dma_wait3A_244 = tpu.memref_slice %arg4[%dma_wait3A_242, %dma_wait3A_243] : memref<8x10000xi32, #tpu.memory_space<vmem>> -> memref<8x4880xi32, #tpu.memory_space<vmem>>
      %dma_wait3A_245 = arith.constant 0 : i32
      %dma_wait3A_246 = arith.constant 0 : i32
      %dma_wait3A_247 = tpu.memref_slice %arg3[%dma_wait3A_240, %dma_wait3A_241, %dma_wait3A_245, %dma_wait3A_246] : memref<2x9x8x10000xi32, #tpu.memory_space<hbm>> -> memref<1x1x8x10000xi32, #tpu.memory_space<hbm>>
      %dma_wait3A_248 = tpu.memref_squeeze %dma_wait3A_247 : memref<1x1x8x10000xi32, #tpu.memory_space<hbm>> -> memref<8x10000xi32, #tpu.memory_space<hbm>>
      %dma_wait3A_249 = arith.constant 0 : i32
      %dma_wait3A_250 = arith.constant 5120 : i32
      %dma_wait3A_251 = tpu.memref_slice %dma_wait3A_248[%dma_wait3A_249, %dma_wait3A_250] : memref<8x10000xi32, #tpu.memory_space<hbm>> -> memref<8x4880xi32, #tpu.memory_space<hbm>>
      %dma_wait3A_252 = arith.constant 0 : i32
      %dma_wait3A_253 = arith.constant 0 : i32
      %dma_wait3A_254 = tpu.memref_slice %arg3[%dma_wait3A_240, %dma_wait3A_241, %dma_wait3A_252, %dma_wait3A_253] : memref<2x9x8x10000xi32, #tpu.memory_space<hbm>> -> memref<1x1x8x10000xi32, #tpu.memory_space<hbm>>
      %dma_wait3A_255 = tpu.memref_squeeze %dma_wait3A_254 : memref<1x1x8x10000xi32, #tpu.memory_space<hbm>> -> memref<8x10000xi32, #tpu.memory_space<hbm>>
      %dma_wait3A_256 = arith.constant 0 : i32
      %dma_wait3A_257 = arith.constant 5120 : i32
      %dma_wait3A_258 = tpu.memref_slice %dma_wait3A_255[%dma_wait3A_256, %dma_wait3A_257] : memref<8x10000xi32, #tpu.memory_space<hbm>> -> memref<8x4880xi32, #tpu.memory_space<hbm>>
      %dma_wait3A_259 = arith.constant 0 : i32
      %dma_wait3A_260 = arith.constant 5120 : i32
      %dma_wait3A_261 = tpu.memref_slice %arg4[%dma_wait3A_259, %dma_wait3A_260] : memref<8x10000xi32, #tpu.memory_space<vmem>> -> memref<8x4880xi32, #tpu.memory_space<vmem>>
      tpu.wait_dma2 semaphore(%arg8 : memref<!tpu.dma_semaphore, #tpu.memory_space<semaphore_mem>>) src(%dma_wait3A_261 : memref<8x4880xi32, #tpu.memory_space<vmem>>) dst(%dma_wait3A_258 : memref<8x4880xi32, #tpu.memory_space<hbm>>)
    } else {
    }
    %eq3A_83 = arith.constant 17 : i32
    %eq3A_84 = arith.cmpi eq, %add3A, %eq3A_83 : i32
    %convert_element_type3A_85 = arith.extui %eq3A_84 : i1 to i32
    %cond3A_86 = arith.constant 0 : i32
    %cond3A_87 = arith.cmpi ne, %convert_element_type3A_85, %cond3A_86 : i32
    scf.if %cond3A_87 {
      %dma_start3A = arith.constant 1 : i32
      %dma_start3A_88 = arith.constant 16 : i32
      %dma_start3A_89 = arith.constant 0 : i32
      %dma_start3A_90 = arith.constant 0 : i32
      %dma_start3A_91 = tpu.memref_slice %arg4[%dma_start3A_89, %dma_start3A_90] : memref<8x10000xi32, #tpu.memory_space<vmem>> -> memref<8x5120xi32, #tpu.memory_space<vmem>>
      %dma_start3A_92 = arith.constant 0 : i32
      %dma_start3A_93 = arith.constant 0 : i32
      %dma_start3A_94 = tpu.memref_slice %arg2[%dma_start3A, %dma_start3A_88, %dma_start3A_92, %dma_start3A_93] : memref<2x18x8x10000xi32, #tpu.memory_space<hbm>> -> memref<1x1x8x10000xi32, #tpu.memory_space<hbm>>
      %dma_start3A_95 = tpu.memref_squeeze %dma_start3A_94 : memref<1x1x8x10000xi32, #tpu.memory_space<hbm>> -> memref<8x10000xi32, #tpu.memory_space<hbm>>
      %dma_start3A_96 = arith.constant 0 : i32
      %dma_start3A_97 = arith.constant 0 : i32
      %dma_start3A_98 = tpu.memref_slice %dma_start3A_95[%dma_start3A_96, %dma_start3A_97] : memref<8x10000xi32, #tpu.memory_space<hbm>> -> memref<8x5120xi32, #tpu.memory_space<hbm>>
      %dma_start3A_99 = arith.constant 0 : i32
      %dma_start3A_100 = arith.constant 0 : i32
      %dma_start3A_101 = tpu.memref_slice %arg4[%dma_start3A_99, %dma_start3A_100] : memref<8x10000xi32, #tpu.memory_space<vmem>> -> memref<8x5120xi32, #tpu.memory_space<vmem>>
      %dma_start3A_102 = arith.constant 0 : i32
      %dma_start3A_103 = arith.constant 0 : i32
      %dma_start3A_104 = tpu.memref_slice %arg2[%dma_start3A, %dma_start3A_88, %dma_start3A_102, %dma_start3A_103] : memref<2x18x8x10000xi32, #tpu.memory_space<hbm>> -> memref<1x1x8x10000xi32, #tpu.memory_space<hbm>>
      %dma_start3A_105 = tpu.memref_squeeze %dma_start3A_104 : memref<1x1x8x10000xi32, #tpu.memory_space<hbm>> -> memref<8x10000xi32, #tpu.memory_space<hbm>>
      %dma_start3A_106 = arith.constant 0 : i32
      %dma_start3A_107 = arith.constant 0 : i32
      %dma_start3A_108 = tpu.memref_slice %dma_start3A_105[%dma_start3A_106, %dma_start3A_107] : memref<8x10000xi32, #tpu.memory_space<hbm>> -> memref<8x5120xi32, #tpu.memory_space<hbm>>
      tpu.enqueue_dma source(%dma_start3A_108 : memref<8x5120xi32, #tpu.memory_space<hbm>>) target(%dma_start3A_101 : memref<8x5120xi32, #tpu.memory_space<vmem>>) target_semaphore(%arg5 : memref<!tpu.dma_semaphore, #tpu.memory_space<semaphore_mem>>)
      %dma_start3A_109 = arith.constant 1 : i32
      %dma_start3A_110 = arith.constant 16 : i32
      %dma_start3A_111 = arith.constant 0 : i32
      %dma_start3A_112 = arith.constant 5120 : i32
      %dma_start3A_113 = tpu.memref_slice %arg4[%dma_start3A_111, %dma_start3A_112] : memref<8x10000xi32, #tpu.memory_space<vmem>> -> memref<8x4880xi32, #tpu.memory_space<vmem>>
      %dma_start3A_114 = arith.constant 0 : i32
      %dma_start3A_115 = arith.constant 0 : i32
      %dma_start3A_116 = tpu.memref_slice %arg2[%dma_start3A_109, %dma_start3A_110, %dma_start3A_114, %dma_start3A_115] : memref<2x18x8x10000xi32, #tpu.memory_space<hbm>> -> memref<1x1x8x10000xi32, #tpu.memory_space<hbm>>
      %dma_start3A_117 = tpu.memref_squeeze %dma_start3A_116 : memref<1x1x8x10000xi32, #tpu.memory_space<hbm>> -> memref<8x10000xi32, #tpu.memory_space<hbm>>
      %dma_start3A_118 = arith.constant 0 : i32
      %dma_start3A_119 = arith.constant 5120 : i32
      %dma_start3A_120 = tpu.memref_slice %dma_start3A_117[%dma_start3A_118, %dma_start3A_119] : memref<8x10000xi32, #tpu.memory_space<hbm>> -> memref<8x4880xi32, #tpu.memory_space<hbm>>
      %dma_start3A_121 = arith.constant 0 : i32
      %dma_start3A_122 = arith.constant 5120 : i32
      %dma_start3A_123 = tpu.memref_slice %arg4[%dma_start3A_121, %dma_start3A_122] : memref<8x10000xi32, #tpu.memory_space<vmem>> -> memref<8x4880xi32, #tpu.memory_space<vmem>>
      %dma_start3A_124 = arith.constant 0 : i32
      %dma_start3A_125 = arith.constant 0 : i32
      %dma_start3A_126 = tpu.memref_slice %arg2[%dma_start3A_109, %dma_start3A_110, %dma_start3A_124, %dma_start3A_125] : memref<2x18x8x10000xi32, #tpu.memory_space<hbm>> -> memref<1x1x8x10000xi32, #tpu.memory_space<hbm>>
      %dma_start3A_127 = tpu.memref_squeeze %dma_start3A_126 : memref<1x1x8x10000xi32, #tpu.memory_space<hbm>> -> memref<8x10000xi32, #tpu.memory_space<hbm>>
      %dma_start3A_128 = arith.constant 0 : i32
      %dma_start3A_129 = arith.constant 5120 : i32
      %dma_start3A_130 = tpu.memref_slice %dma_start3A_127[%dma_start3A_128, %dma_start3A_129] : memref<8x10000xi32, #tpu.memory_space<hbm>> -> memref<8x4880xi32, #tpu.memory_space<hbm>>
      tpu.enqueue_dma source(%dma_start3A_130 : memref<8x4880xi32, #tpu.memory_space<hbm>>) target(%dma_start3A_123 : memref<8x4880xi32, #tpu.memory_space<vmem>>) target_semaphore(%arg6 : memref<!tpu.dma_semaphore, #tpu.memory_space<semaphore_mem>>)
      %dma_wait3A = arith.constant 1 : i32
      %dma_wait3A_131 = arith.constant 16 : i32
      %dma_wait3A_132 = arith.constant 0 : i32
      %dma_wait3A_133 = arith.constant 0 : i32
      %dma_wait3A_134 = tpu.memref_slice %arg4[%dma_wait3A_132, %dma_wait3A_133] : memref<8x10000xi32, #tpu.memory_space<vmem>> -> memref<8x5120xi32, #tpu.memory_space<vmem>>
      %dma_wait3A_135 = arith.constant 0 : i32
      %dma_wait3A_136 = arith.constant 0 : i32
      %dma_wait3A_137 = tpu.memref_slice %arg2[%dma_wait3A, %dma_wait3A_131, %dma_wait3A_135, %dma_wait3A_136] : memref<2x18x8x10000xi32, #tpu.memory_space<hbm>> -> memref<1x1x8x10000xi32, #tpu.memory_space<hbm>>
      %dma_wait3A_138 = tpu.memref_squeeze %dma_wait3A_137 : memref<1x1x8x10000xi32, #tpu.memory_space<hbm>> -> memref<8x10000xi32, #tpu.memory_space<hbm>>
      %dma_wait3A_139 = arith.constant 0 : i32
      %dma_wait3A_140 = arith.constant 0 : i32
      %dma_wait3A_141 = tpu.memref_slice %dma_wait3A_138[%dma_wait3A_139, %dma_wait3A_140] : memref<8x10000xi32, #tpu.memory_space<hbm>> -> memref<8x5120xi32, #tpu.memory_space<hbm>>
      %dma_wait3A_142 = arith.constant 0 : i32
      %dma_wait3A_143 = arith.constant 0 : i32
      %dma_wait3A_144 = tpu.memref_slice %arg4[%dma_wait3A_142, %dma_wait3A_143] : memref<8x10000xi32, #tpu.memory_space<vmem>> -> memref<8x5120xi32, #tpu.memory_space<vmem>>
      %dma_wait3A_145 = arith.constant 0 : i32
      %dma_wait3A_146 = arith.constant 0 : i32
      %dma_wait3A_147 = tpu.memref_slice %arg2[%dma_wait3A, %dma_wait3A_131, %dma_wait3A_145, %dma_wait3A_146] : memref<2x18x8x10000xi32, #tpu.memory_space<hbm>> -> memref<1x1x8x10000xi32, #tpu.memory_space<hbm>>
      %dma_wait3A_148 = tpu.memref_squeeze %dma_wait3A_147 : memref<1x1x8x10000xi32, #tpu.memory_space<hbm>> -> memref<8x10000xi32, #tpu.memory_space<hbm>>
      %dma_wait3A_149 = arith.constant 0 : i32
      %dma_wait3A_150 = arith.constant 0 : i32
      %dma_wait3A_151 = tpu.memref_slice %dma_wait3A_148[%dma_wait3A_149, %dma_wait3A_150] : memref<8x10000xi32, #tpu.memory_space<hbm>> -> memref<8x5120xi32, #tpu.memory_space<hbm>>
      tpu.wait_dma2 semaphore(%arg5 : memref<!tpu.dma_semaphore, #tpu.memory_space<semaphore_mem>>) src(%dma_wait3A_151 : memref<8x5120xi32, #tpu.memory_space<hbm>>) dst(%dma_wait3A_144 : memref<8x5120xi32, #tpu.memory_space<vmem>>)
      %dma_start3A_152 = arith.constant 1 : i32
      %dma_start3A_153 = arith.constant 8 : i32
      %dma_start3A_154 = arith.constant 0 : i32
      %dma_start3A_155 = arith.constant 0 : i32
      %dma_start3A_156 = tpu.memref_slice %arg4[%dma_start3A_154, %dma_start3A_155] : memref<8x10000xi32, #tpu.memory_space<vmem>> -> memref<8x5120xi32, #tpu.memory_space<vmem>>
      %dma_start3A_157 = arith.constant 0 : i32
      %dma_start3A_158 = arith.constant 0 : i32
      %dma_start3A_159 = tpu.memref_slice %arg3[%dma_start3A_152, %dma_start3A_153, %dma_start3A_157, %dma_start3A_158] : memref<2x9x8x10000xi32, #tpu.memory_space<hbm>> -> memref<1x1x8x10000xi32, #tpu.memory_space<hbm>>
      %dma_start3A_160 = tpu.memref_squeeze %dma_start3A_159 : memref<1x1x8x10000xi32, #tpu.memory_space<hbm>> -> memref<8x10000xi32, #tpu.memory_space<hbm>>
      %dma_start3A_161 = arith.constant 0 : i32
      %dma_start3A_162 = arith.constant 0 : i32
      %dma_start3A_163 = tpu.memref_slice %dma_start3A_160[%dma_start3A_161, %dma_start3A_162] : memref<8x10000xi32, #tpu.memory_space<hbm>> -> memref<8x5120xi32, #tpu.memory_space<hbm>>
      %dma_start3A_164 = arith.constant 0 : i32
      %dma_start3A_165 = arith.constant 0 : i32
      %dma_start3A_166 = tpu.memref_slice %arg3[%dma_start3A_152, %dma_start3A_153, %dma_start3A_164, %dma_start3A_165] : memref<2x9x8x10000xi32, #tpu.memory_space<hbm>> -> memref<1x1x8x10000xi32, #tpu.memory_space<hbm>>
      %dma_start3A_167 = tpu.memref_squeeze %dma_start3A_166 : memref<1x1x8x10000xi32, #tpu.memory_space<hbm>> -> memref<8x10000xi32, #tpu.memory_space<hbm>>
      %dma_start3A_168 = arith.constant 0 : i32
      %dma_start3A_169 = arith.constant 0 : i32
      %dma_start3A_170 = tpu.memref_slice %dma_start3A_167[%dma_start3A_168, %dma_start3A_169] : memref<8x10000xi32, #tpu.memory_space<hbm>> -> memref<8x5120xi32, #tpu.memory_space<hbm>>
      %dma_start3A_171 = arith.constant 0 : i32
      %dma_start3A_172 = arith.constant 0 : i32
      %dma_start3A_173 = tpu.memref_slice %arg4[%dma_start3A_171, %dma_start3A_172] : memref<8x10000xi32, #tpu.memory_space<vmem>> -> memref<8x5120xi32, #tpu.memory_space<vmem>>
      tpu.enqueue_dma source(%dma_start3A_173 : memref<8x5120xi32, #tpu.memory_space<vmem>>) target(%dma_start3A_170 : memref<8x5120xi32, #tpu.memory_space<hbm>>) target_semaphore(%arg7 : memref<!tpu.dma_semaphore, #tpu.memory_space<semaphore_mem>>)
      %dma_wait3A_174 = arith.constant 1 : i32
      %dma_wait3A_175 = arith.constant 16 : i32
      %dma_wait3A_176 = arith.constant 0 : i32
      %dma_wait3A_177 = arith.constant 5120 : i32
      %dma_wait3A_178 = tpu.memref_slice %arg4[%dma_wait3A_176, %dma_wait3A_177] : memref<8x10000xi32, #tpu.memory_space<vmem>> -> memref<8x4880xi32, #tpu.memory_space<vmem>>
      %dma_wait3A_179 = arith.constant 0 : i32
      %dma_wait3A_180 = arith.constant 0 : i32
      %dma_wait3A_181 = tpu.memref_slice %arg2[%dma_wait3A_174, %dma_wait3A_175, %dma_wait3A_179, %dma_wait3A_180] : memref<2x18x8x10000xi32, #tpu.memory_space<hbm>> -> memref<1x1x8x10000xi32, #tpu.memory_space<hbm>>
      %dma_wait3A_182 = tpu.memref_squeeze %dma_wait3A_181 : memref<1x1x8x10000xi32, #tpu.memory_space<hbm>> -> memref<8x10000xi32, #tpu.memory_space<hbm>>
      %dma_wait3A_183 = arith.constant 0 : i32
      %dma_wait3A_184 = arith.constant 5120 : i32
      %dma_wait3A_185 = tpu.memref_slice %dma_wait3A_182[%dma_wait3A_183, %dma_wait3A_184] : memref<8x10000xi32, #tpu.memory_space<hbm>> -> memref<8x4880xi32, #tpu.memory_space<hbm>>
      %dma_wait3A_186 = arith.constant 0 : i32
      %dma_wait3A_187 = arith.constant 5120 : i32
      %dma_wait3A_188 = tpu.memref_slice %arg4[%dma_wait3A_186, %dma_wait3A_187] : memref<8x10000xi32, #tpu.memory_space<vmem>> -> memref<8x4880xi32, #tpu.memory_space<vmem>>
      %dma_wait3A_189 = arith.constant 0 : i32
      %dma_wait3A_190 = arith.constant 0 : i32
      %dma_wait3A_191 = tpu.memref_slice %arg2[%dma_wait3A_174, %dma_wait3A_175, %dma_wait3A_189, %dma_wait3A_190] : memref<2x18x8x10000xi32, #tpu.memory_space<hbm>> -> memref<1x1x8x10000xi32, #tpu.memory_space<hbm>>
      %dma_wait3A_192 = tpu.memref_squeeze %dma_wait3A_191 : memref<1x1x8x10000xi32, #tpu.memory_space<hbm>> -> memref<8x10000xi32, #tpu.memory_space<hbm>>
      %dma_wait3A_193 = arith.constant 0 : i32
      %dma_wait3A_194 = arith.constant 5120 : i32
      %dma_wait3A_195 = tpu.memref_slice %dma_wait3A_192[%dma_wait3A_193, %dma_wait3A_194] : memref<8x10000xi32, #tpu.memory_space<hbm>> -> memref<8x4880xi32, #tpu.memory_space<hbm>>
      tpu.wait_dma2 semaphore(%arg6 : memref<!tpu.dma_semaphore, #tpu.memory_space<semaphore_mem>>) src(%dma_wait3A_195 : memref<8x4880xi32, #tpu.memory_space<hbm>>) dst(%dma_wait3A_188 : memref<8x4880xi32, #tpu.memory_space<vmem>>)
      %dma_start3A_196 = arith.constant 1 : i32
      %dma_start3A_197 = arith.constant 8 : i32
      %dma_start3A_198 = arith.constant 0 : i32
      %dma_start3A_199 = arith.constant 5120 : i32
      %dma_start3A_200 = tpu.memref_slice %arg4[%dma_start3A_198, %dma_start3A_199] : memref<8x10000xi32, #tpu.memory_space<vmem>> -> memref<8x4880xi32, #tpu.memory_space<vmem>>
      %dma_start3A_201 = arith.constant 0 : i32
      %dma_start3A_202 = arith.constant 0 : i32
      %dma_start3A_203 = tpu.memref_slice %arg3[%dma_start3A_196, %dma_start3A_197, %dma_start3A_201, %dma_start3A_202] : memref<2x9x8x10000xi32, #tpu.memory_space<hbm>> -> memref<1x1x8x10000xi32, #tpu.memory_space<hbm>>
      %dma_start3A_204 = tpu.memref_squeeze %dma_start3A_203 : memref<1x1x8x10000xi32, #tpu.memory_space<hbm>> -> memref<8x10000xi32, #tpu.memory_space<hbm>>
      %dma_start3A_205 = arith.constant 0 : i32
      %dma_start3A_206 = arith.constant 5120 : i32
      %dma_start3A_207 = tpu.memref_slice %dma_start3A_204[%dma_start3A_205, %dma_start3A_206] : memref<8x10000xi32, #tpu.memory_space<hbm>> -> memref<8x4880xi32, #tpu.memory_space<hbm>>
      %dma_start3A_208 = arith.constant 0 : i32
      %dma_start3A_209 = arith.constant 0 : i32
      %dma_start3A_210 = tpu.memref_slice %arg3[%dma_start3A_196, %dma_start3A_197, %dma_start3A_208, %dma_start3A_209] : memref<2x9x8x10000xi32, #tpu.memory_space<hbm>> -> memref<1x1x8x10000xi32, #tpu.memory_space<hbm>>
      %dma_start3A_211 = tpu.memref_squeeze %dma_start3A_210 : memref<1x1x8x10000xi32, #tpu.memory_space<hbm>> -> memref<8x10000xi32, #tpu.memory_space<hbm>>
      %dma_start3A_212 = arith.constant 0 : i32
      %dma_start3A_213 = arith.constant 5120 : i32
      %dma_start3A_214 = tpu.memref_slice %dma_start3A_211[%dma_start3A_212, %dma_start3A_213] : memref<8x10000xi32, #tpu.memory_space<hbm>> -> memref<8x4880xi32, #tpu.memory_space<hbm>>
      %dma_start3A_215 = arith.constant 0 : i32
      %dma_start3A_216 = arith.constant 5120 : i32
      %dma_start3A_217 = tpu.memref_slice %arg4[%dma_start3A_215, %dma_start3A_216] : memref<8x10000xi32, #tpu.memory_space<vmem>> -> memref<8x4880xi32, #tpu.memory_space<vmem>>
      tpu.enqueue_dma source(%dma_start3A_217 : memref<8x4880xi32, #tpu.memory_space<vmem>>) target(%dma_start3A_214 : memref<8x4880xi32, #tpu.memory_space<hbm>>) target_semaphore(%arg8 : memref<!tpu.dma_semaphore, #tpu.memory_space<semaphore_mem>>)
      %dma_wait3A_218 = arith.constant 1 : i32
      %dma_wait3A_219 = arith.constant 8 : i32
      %dma_wait3A_220 = arith.constant 0 : i32
      %dma_wait3A_221 = arith.constant 0 : i32
      %dma_wait3A_222 = tpu.memref_slice %arg4[%dma_wait3A_220, %dma_wait3A_221] : memref<8x10000xi32, #tpu.memory_space<vmem>> -> memref<8x5120xi32, #tpu.memory_space<vmem>>
      %dma_wait3A_223 = arith.constant 0 : i32
      %dma_wait3A_224 = arith.constant 0 : i32
      %dma_wait3A_225 = tpu.memref_slice %arg3[%dma_wait3A_218, %dma_wait3A_219, %dma_wait3A_223, %dma_wait3A_224] : memref<2x9x8x10000xi32, #tpu.memory_space<hbm>> -> memref<1x1x8x10000xi32, #tpu.memory_space<hbm>>
      %dma_wait3A_226 = tpu.memref_squeeze %dma_wait3A_225 : memref<1x1x8x10000xi32, #tpu.memory_space<hbm>> -> memref<8x10000xi32, #tpu.memory_space<hbm>>
      %dma_wait3A_227 = arith.constant 0 : i32
      %dma_wait3A_228 = arith.constant 0 : i32
      %dma_wait3A_229 = tpu.memref_slice %dma_wait3A_226[%dma_wait3A_227, %dma_wait3A_228] : memref<8x10000xi32, #tpu.memory_space<hbm>> -> memref<8x5120xi32, #tpu.memory_space<hbm>>
      %dma_wait3A_230 = arith.constant 0 : i32
      %dma_wait3A_231 = arith.constant 0 : i32
      %dma_wait3A_232 = tpu.memref_slice %arg3[%dma_wait3A_218, %dma_wait3A_219, %dma_wait3A_230, %dma_wait3A_231] : memref<2x9x8x10000xi32, #tpu.memory_space<hbm>> -> memref<1x1x8x10000xi32, #tpu.memory_space<hbm>>
      %dma_wait3A_233 = tpu.memref_squeeze %dma_wait3A_232 : memref<1x1x8x10000xi32, #tpu.memory_space<hbm>> -> memref<8x10000xi32, #tpu.memory_space<hbm>>
      %dma_wait3A_234 = arith.constant 0 : i32
      %dma_wait3A_235 = arith.constant 0 : i32
      %dma_wait3A_236 = tpu.memref_slice %dma_wait3A_233[%dma_wait3A_234, %dma_wait3A_235] : memref<8x10000xi32, #tpu.memory_space<hbm>> -> memref<8x5120xi32, #tpu.memory_space<hbm>>
      %dma_wait3A_237 = arith.constant 0 : i32
      %dma_wait3A_238 = arith.constant 0 : i32
      %dma_wait3A_239 = tpu.memref_slice %arg4[%dma_wait3A_237, %dma_wait3A_238] : memref<8x10000xi32, #tpu.memory_space<vmem>> -> memref<8x5120xi32, #tpu.memory_space<vmem>>
      tpu.wait_dma2 semaphore(%arg7 : memref<!tpu.dma_semaphore, #tpu.memory_space<semaphore_mem>>) src(%dma_wait3A_239 : memref<8x5120xi32, #tpu.memory_space<vmem>>) dst(%dma_wait3A_236 : memref<8x5120xi32, #tpu.memory_space<hbm>>)
      %dma_wait3A_240 = arith.constant 1 : i32
      %dma_wait3A_241 = arith.constant 8 : i32
      %dma_wait3A_242 = arith.constant 0 : i32
      %dma_wait3A_243 = arith.constant 5120 : i32
      %dma_wait3A_244 = tpu.memref_slice %arg4[%dma_wait3A_242, %dma_wait3A_243] : memref<8x10000xi32, #tpu.memory_space<vmem>> -> memref<8x4880xi32, #tpu.memory_space<vmem>>
      %dma_wait3A_245 = arith.constant 0 : i32
      %dma_wait3A_246 = arith.constant 0 : i32
      %dma_wait3A_247 = tpu.memref_slice %arg3[%dma_wait3A_240, %dma_wait3A_241, %dma_wait3A_245, %dma_wait3A_246] : memref<2x9x8x10000xi32, #tpu.memory_space<hbm>> -> memref<1x1x8x10000xi32, #tpu.memory_space<hbm>>
      %dma_wait3A_248 = tpu.memref_squeeze %dma_wait3A_247 : memref<1x1x8x10000xi32, #tpu.memory_space<hbm>> -> memref<8x10000xi32, #tpu.memory_space<hbm>>
      %dma_wait3A_249 = arith.constant 0 : i32
      %dma_wait3A_250 = arith.constant 5120 : i32
      %dma_wait3A_251 = tpu.memref_slice %dma_wait3A_248[%dma_wait3A_249, %dma_wait3A_250] : memref<8x10000xi32, #tpu.memory_space<hbm>> -> memref<8x4880xi32, #tpu.memory_space<hbm>>
      %dma_wait3A_252 = arith.constant 0 : i32
      %dma_wait3A_253 = arith.constant 0 : i32
      %dma_wait3A_254 = tpu.memref_slice %arg3[%dma_wait3A_240, %dma_wait3A_241, %dma_wait3A_252, %dma_wait3A_253] : memref<2x9x8x10000xi32, #tpu.memory_space<hbm>> -> memref<1x1x8x10000xi32, #tpu.memory_space<hbm>>
      %dma_wait3A_255 = tpu.memref_squeeze %dma_wait3A_254 : memref<1x1x8x10000xi32, #tpu.memory_space<hbm>> -> memref<8x10000xi32, #tpu.memory_space<hbm>>
      %dma_wait3A_256 = arith.constant 0 : i32
      %dma_wait3A_257 = arith.constant 5120 : i32
      %dma_wait3A_258 = tpu.memref_slice %dma_wait3A_255[%dma_wait3A_256, %dma_wait3A_257] : memref<8x10000xi32, #tpu.memory_space<hbm>> -> memref<8x4880xi32, #tpu.memory_space<hbm>>
      %dma_wait3A_259 = arith.constant 0 : i32
      %dma_wait3A_260 = arith.constant 5120 : i32
      %dma_wait3A_261 = tpu.memref_slice %arg4[%dma_wait3A_259, %dma_wait3A_260] : memref<8x10000xi32, #tpu.memory_space<vmem>> -> memref<8x4880xi32, #tpu.memory_space<vmem>>
      tpu.wait_dma2 semaphore(%arg8 : memref<!tpu.dma_semaphore, #tpu.memory_space<semaphore_mem>>) src(%dma_wait3A_261 : memref<8x4880xi32, #tpu.memory_space<vmem>>) dst(%dma_wait3A_258 : memref<8x4880xi32, #tpu.memory_space<hbm>>)
    } else {
    }
    return
  }
}

</mosaic_0001>

<sc_bundles>
// kernel: _dilated_panels_sc.3.cloned.1.call-start
scs
__scs_entry_jumppad:
0x0: {  	(pc) =	sbr.rel $0x88, $3  }
0x1: {  	(tag) =	ssettag $0x0;
	lr =	simm.s32 $0x1  }
0x2: {  	[smem:$0x3FA0] =	sst lr;
	_ =	strace $0xD0000000  }
0x3: {  	_ = 	snop  }
0x4: {  	_ = 	snop  }
0x5: {  	_ = 	snop  }
0x6: {  	_ = 	snop  }
0x7: {  	_ = 	snop  }
__scs_overlays_trampoline_lowered:
0x8: {  	[smem:$0x3FAF] =	sst s0  }
0x9: {  	[smem:$0x3FB0] =	sst s1  }
0xa: {  	[smem:$0x3FB1] =	sst s2  }
0xb: {  	[smem:$0x3FB2] =	sst s3  }
0xc: {  	[smem:$0x3FB3] =	sst s4  }
0xd: {  	[smem:$0x3FB4] =	sst s5  }
0xe: {  	[smem:$0x3FB5] =	sst s6  }
0xf: {  	[smem:$0x3FB6] =	sst s7  }
0x10: {  	[smem:$0x3FB7] =	sst s8  }
0x11: {  	[smem:$0x3FB8] =	sst s9;
	s0 =	simm.s32 @!p0 $0x0  }
0x12: {  	s1 =	sld [smem:$0x3F9E];
	s0 =	simm.s32 @p0 $0x1  }
0x13: {  	[smem:$0x3FB9] =	sst s0;
	s0 =	simm.s32 @!p1 $0x0  }
0x14: {  	s2 =	sld [smem:$0x3F9D];
	s0 =	simm.s32 @p1 $0x1  }
0x15: {  	[smem:$0x3FBA] =	sst s0;
	s0 =	simm.s32 @!p2 $0x0  }
0x16: {  	s3 =	sld [smem:$0x3FDB];
	s0 =	simm.s32 @p2 $0x1  }
0x17: {  	s4 =	simm.s32 $0x1BF5;
	[smem:$0x3FBC] =	sst s0  }
0x18: {  	s0 =	sld [smem:$0x3F9F];
	_ =	swait.ge [sflag:s4], $0x0  }
0x19: {  	s7 =	sld [smem:$0x3FA0]  }
0x1a: {  	s8 =	sadd.s32 $0xFFFFE003, lr  }
0x1b: {  	s9 =	sadd.s32 $0xFFFFFEF7, lr;
	s5 =	simm.s32 $0xFFFFFFFF;
	p2 =	slt.u32 s8, $0xFFFFF086  }
0x1c: {  	p1 =	slt.u32 s9, $0xF7A;
	s5 =	simm.s32 @!p2 $0x0  }
0x1d: {  	s5 =	simm.s32 @p1 $0x1;
	p0 =	seq.s32 s7, s2  }
0x1e: {  	s7 =	smul.u32 @!p0 $0xF7A, s2;
	p2 =	seq.s32 @!p0 s5, $0x0  }
0x1f: {  	s9 =	smul.u32 $0xF7A, s1;
	s8 =	simm.s32 @!p0 $0x1BF5;
	p2 =	por !p2, p0  }
0x20: {  	[sflag:s8] =	ssyncset.s32 @!p0 $0xFFFFF086;
	s6 =	sadd.s32 @!p0 s3, s7;
	s7 =	simm.s32 @!p0 $0x108  }
0x21: {  	s3 =	sadd.s32 s3, s9;
	s6 =	sadd.s32 @!p0 $0x88, s6;
	s7 =	simm.s32 @p2 $0x1082  }
0x22: {  	[simem:s7], [sflag:s8] =	dma.local @!p0 [hbm:s6], $0xF7A  }
0x23: {  	s9 =	sor.u32 $0xD0000000, s2;
	s6 =	simm.s32 $0x108;
	_ =	swait.ge @!p0 [sflag:s8], $0x0  }
0x24: {  	s3 =	sadd.s32 $0x88, s3;
	s6 =	simm.s32 @!p1 $0x1082;
	[sflag:s4] =	ssyncset.s32 $0xFFFFF086  }
0x25: {  	[simem:s6], [sflag:s4] =	dma.local [hbm:s3], $0xF7A  }
0x26: {  	[smem:$0x3FA0] =	sst s1;
	(tag) =	ssettag s2;
	_ =	strace s9  }
0x27: {  	s1 =	sld [smem:$0x3FB0]  }
0x28: {  	s2 =	sld [smem:$0x3FB1]  }
0x29: {  	s4 =	sld [smem:$0x3FB3]  }
0x2a: {  	p0 =	seq.s32 s5, $0x0;
	s5 =	sld [smem:$0x3FB4]  }
0x2b: {  	s6 =	sld [smem:$0x3FB5]  }
0x2c: {  	s7 =	sld [smem:$0x3FB6]  }
0x2d: {  	s3 =	simm.s32 $0x108;
	s8 =	sld [smem:$0x3FB7]  }
0x2e: {  	s3 =	simm.s32 @!p0 $0x1082;
	s9 =	sld [smem:$0x3FB8]  }
0x2f: {  	lr =	sadd.s32 s0, s3;
	s0 =	sld [smem:$0x3FAF]  }
0x30: {  	s3 =	sld [smem:$0x3FB2]  }
0x31: {  	[smem:$0x3FBB] =	sst s10  }
0x32: {  	s10 =	sld [smem:$0x3FB9];
	_ =	sdelay $0x3  }
0x33: {  	p0 =	seq.s32 s10, $0x1;
	s10 =	sld [smem:$0x3FBB];
	_ =	sdelay $0x3  }
0x34: {  	[smem:$0x3FBB] =	sst s10  }
0x35: {  	s10 =	sld [smem:$0x3FBA];
	_ =	sdelay $0x3  }
0x36: {  	p1 =	seq.s32 s10, $0x1;
	s10 =	sld [smem:$0x3FBB];
	_ =	sdelay $0x3  }
0x37: {  	[smem:$0x3FBB] =	sst s10  }
0x38: {  	s10 =	sld [smem:$0x3FBC]  }
0x39: {  	_ = 	snop;
	(pc) =	sbr.ind lr, $3  }
0x3a: {  	_ = 	snop  }
0x3b: {  	_ = 	snop  }
0x3c: {  	p2 =	seq.s32 s10, $0x1;
	s10 =	sld [smem:$0x3FBB]  }
0x3d: {  	_ =	shalt  }
0x3e: {  	_ =	shalt  }
0x3f: {  	_ =	shalt  }
0x40: {  	_ =	shalt  }
0x41: {  	_ =	shalt  }
0x42: {  	_ =	shalt  }
0x43: {  	_ =	shalt  }
0x44: {  	_ =	shalt  }
0x45: {  	_ =	shalt  }
0x46: {  	_ =	shalt  }
0x47: {  	_ =	shalt  }
0x48: {  	_ =	shalt  }
0x49: {  	_ =	shalt  }
0x4a: {  	_ =	shalt  }
0x4b: {  	_ =	shalt  }
0x4c: {  	_ =	shalt  }
0x4d: {  	_ =	shalt  }
0x4e: {  	_ =	shalt  }
0x4f: {  	_ =	shalt  }
0x50: {  	_ =	shalt  }
0x51: {  	_ =	shalt  }
0x52: {  	_ =	shalt  }
0x53: {  	_ =	shalt  }
0x54: {  	_ =	shalt  }
0x55: {  	_ =	shalt  }
0x56: {  	_ =	shalt  }
0x57: {  	_ =	shalt  }
0x58: {  	_ =	shalt  }
0x59: {  	_ =	shalt  }
0x5a: {  	_ =	shalt  }
0x5b: {  	_ =	shalt  }
0x5c: {  	_ =	shalt  }
0x5d: {  	_ =	shalt  }
0x5e: {  	_ =	shalt  }
0x5f: {  	_ =	shalt  }
0x60: {  	_ =	shalt  }
0x61: {  	_ =	shalt  }
0x62: {  	_ =	shalt  }
0x63: {  	_ =	shalt  }
0x64: {  	_ =	shalt  }
0x65: {  	_ =	shalt  }
0x66: {  	_ =	shalt  }
0x67: {  	_ =	shalt  }
0x68: {  	_ =	shalt  }
0x69: {  	_ =	shalt  }
0x6a: {  	_ =	shalt  }
0x6b: {  	_ =	shalt  }
0x6c: {  	_ =	shalt  }
0x6d: {  	_ =	shalt  }
0x6e: {  	_ =	shalt  }
0x6f: {  	_ =	shalt  }
0x70: {  	_ =	shalt  }
0x71: {  	_ =	shalt  }
0x72: {  	_ =	shalt  }
0x73: {  	_ =	shalt  }
0x74: {  	_ =	shalt  }
0x75: {  	_ =	shalt  }
0x76: {  	_ =	shalt  }
0x77: {  	_ =	shalt  }
0x78: {  	_ =	shalt  }
0x79: {  	_ =	shalt  }
0x7a: {  	_ =	shalt  }
0x7b: {  	_ =	shalt  }
0x7c: {  	_ =	shalt  }
0x7d: {  	_ =	shalt  }
0x7e: {  	_ =	shalt  }
0x7f: {  	_ =	shalt  }
0x80: {  	_ =	shalt  }
0x81: {  	_ =	shalt  }
0x82: {  	_ =	shalt  }
0x83: {  	_ =	shalt  }
0x84: {  	_ =	shalt  }
0x85: {  	_ =	shalt  }
0x86: {  	_ =	shalt  }
0x87: {  	_ =	shalt  }
.Lfunc_end0:
.L_simem_size_0:
called_computation_lowered:
.L_overlay_start_0:
0x88: {  	s2 =	sld [smem:$0x3FD9]  }
0x89: {  	s3 =	sld [smem:$0x3FFE];
	_ =	sdelay $0x1  }
0x8a: {  	s1 =	srdreg.scid  }
0x8b: {  	s0 =	sand.u32 $0x1, s1  }
0x8c: {  	s18 =	sshll.u32 s0, $0xA;
	s2 =	sadd.s32 s3, s2  }
0x8d: {  	s2 =	sadd.s32 s2, s18  }
0x8e: {  	[smem:$0x3FC7] =	sst s2  }
0x8f: {  	_ = 	snop  }
0x90: {  	s2 =	sld [smem:$0x3FC9]  }
0x91: {  	s19 =	sld [smem:$0x3FD0];
	(tm) =	ssettm $0x1  }
0x92: {  	s4 =	sld [smem:$0x3FFB];
	_ =	sdelay $0x3  }
0x93: {  	_ =	strace s4  }
0x94: {  	s4 =	sld [smem:$0x3FFC];
	_ =	sdelay $0x3  }
0x95: {  	_ =	strace s4  }
0x96: {  	s4 =	sld [smem:$0x3FFD];
	_ =	sdelay $0x3  }
0x97: {  	_ =	strace s4  }
0x98: {  	_ =	strace $0x8FFFFFFF  }
0x99: {  	s20 =	sld [smem:$0x3FDB];
	_ =	sdelay $0x1  }
0x9a: {  	s5 =	simm.s32 $_scs_section_size  }
0x9b: {  	s6 =	simm.s32 $_size__tile_overlayer_lowered;
	s7 =	simm.s32 $_tile_overlayer_lowered  }
0x9c: {  	s23 =	simm.s32 $0x1BFF;
	s22 =	sshll.u32 s7, $0x1;
	s4 =	sadd.s32 s5, s20  }
0x9d: {  	s8 =	simm.s32 $0x0;
	s21 =	sshll.u32 s6, $0x1;
	s6 =	sadd.s32 s22, s4  }
0x9e: {  	[timem:s8], [sflag:s23] =	dma.local [hbm:s6], s21  }
0x9f: {  	_ =	swait.ge [sflag:s23], s21  }
0xa0: {  	s5 =	ssub.s32 $0x0, s21;
	[sflag:s23] =	ssyncset.done $0x0  }
0xa1: {  	[sflag:s23] =	ssyncadd.s32 s5;
	_ =	sdelay $0x1  }
0xa2: {  	s24 =	simm.s32 $0x1B8B  }
0xa3: {  	_ =	swait.ge [sflag:s24], $0x1  }
0xa4: {  	[sflag:s24] =	ssyncset.done $0x0  }
0xa5: {  	s25 =	simm.s32 $0x1B8E;
	[sflag:s24] =	ssyncadd.s32 $0xFFFFFFFF  }
0xa6: {  	s26 =	simm.s32 $execute0_lowered;
	[smem:$0x3FD2] =	sst s25  }
0xa7: {  	s5 =	sshll.u32 s26, $0x1;
	_ =	strace $0x80000046;
	[dreg:$0x1] =	wrdreg $0xFFFFFFFF  }
0xa8: {  	s28 =	simm.s32 $_size_execute0_lowered;
	s4 =	sadd.s32 s4, s5;
	[dreg:$0x0] =	wrdreg $0x0  }
0xa9: {  	s5 =	sshll.u32 s28, $0x1;
	[dreg:$0x2] =	wrdreg s4  }
0xaa: {  	[dreg:$0x3] =	wrdreg s5  }
0xab: {  	[dreg:$0x4] =	wrdreg $0xC0  }
0xac: {  	_ =	task [dreg:s8], $0x5FFFF  }
0xad: {  	[dreg:$0x1] =	wrdreg $0xFFFFFFFF  }
0xae: {  	[dreg:$0x0] =	wrdreg $0x60  }
0xaf: {  	[dreg:$0x2] =	wrdreg s2  }
0xb0: {  	[dreg:$0x3] =	wrdreg s19  }
0xb1: {  	[dreg:$0x4] =	wrdreg $0x9  }
0xb2: {  	_ =	task.clear_ibuf [dreg:s8], $0x5FFFF;
	_ =	strace $0x90000046  }
0xb3: {  	s29 =	simm.s32 $0x9;
	_ =	strace $0x80000048  }
0xb4: {  	_ =	swait.ge [sflag:s29], $0x1  }
0xb5: {  	[sflag:s29] =	ssyncadd.s32 $0xFFFFFFFF  }
0xb6: {  	_ =	strace $0x90000048  }
0xb7: {  	_ =	sfence  }
0xb8: {  	s30 =	sld [smem:$0x0];
	_ =	sdelay $0x2  }
0xb9: {  	s31 =	sshll.u32 s1, $0xD;
	s1 =	sshrl.u32 s1, $0x2  }
0xba: {  	s3 =	sand.u32 $0x4000, s31;
	s1 =	sadd.s32 s1, s30  }
0xbb: {  	s0 =	sor.u32 s3, s0;
	s1 =	sshll.u32 s1, $0x11  }
0xbc: {  	s0 =	sor.u32 s1, s0  }
0xbd: {  	s0 =	sadd.s32 $0x8F2B, s0  }
0xbe: {  	[sflag:s0] =	ssyncadd.remote.s32 $0x1  }
0xbf: {  	_ =	sfence.sel $0xFFFF  }
0xc0: {  	[dreg:$0x0] =	wrdreg $0xFFFFFFFF;
	(pc) =	sbr.abs _section_cstart, $3  }
0xc1: {  	[dreg:$0x1] =	wrdreg $0xFFFFFFFF  }
0xc2: {  	_ =	task.clear_ibuf [dreg:s8], $0x2FFFF;
	_ =	strace $0x9FFFFFFF  }
0xc3: {  	(tm) =	ssettm $0x7FFFFFFF  }
tec
execute0_lowered:
.L_overlay_start_1:
0x0: {  	(tag) =	ssettag $0x1  }
0x1: {  	s1 =	rddreg [dreg:$0x0]  }
0x2: {  	s16 =	rddreg [dreg:$0x1];
	s0 =	srdreg.scid;
	s4 =	simm.s32 $0x0  }
0x3: {  	s5 =	stileid.u32;
	s0 =	sand.u32 $0x1, s0;
	[smem:$0x7FF] =	sst s4  }
0x4: {  	s5 =	sshll.u32 s5, $0x1;
	s25 =	sadd.s32 $0x53F00, s1;
	s26 =	sadd.s32 $0x29F80, s16  }
0x5: {  	s6 =	sadd.s32 $0x27800, s16;
	s7 =	sadd.s32 $0x4A100, s1;
	s8 =	sadd.s32 $0x25080, s16  }
0x6: {  	s9 =	sadd.s32 $0x45200, s1;
	s10 =	sadd.s32 $0x22900, s16;
	s11 =	sadd.s32 $0x40300, s1  }
0x7: {  	s12 =	sadd.s32 $0x20180, s16;
	s13 =	sadd.s32 $0x3B400, s1;
	s14 =	sadd.s32 $0x1DA00, s16  }
0x8: {  	s15 =	sadd.s32 $0x36500, s1;
	s18 =	sadd.s32 $0x1B280, s16;
	s17 =	sadd.s32 $0x31600, s1  }
0x9: {  	s20 =	sadd.s32 $0x18B00, s16;
	_ =	strace $0x80000047;
	[dreg:$0x3] =	wrdreg s25  }
0xa: {  	s21 =	sadd.s32 $0x2C700, s1;
	s22 =	sadd.s32 $0x16380, s16;
	[dreg:$0x4] =	wrdreg s26  }
0xb: {  	s2 =	ssub.s32 $0x2, s0;
	s0 =	sor.u32 s0, s5;
	[dreg:$0x6] =	wrdreg s6  }
0xc: {  	[dreg:$0x7] =	wrdreg s7;
	s3 =	sshrl.u32 s2, $0x1;
	p2 =	sgt.s32 s0, $0x1  }
0xd: {  	[dreg:$0x8] =	wrdreg s8;
	s2 =	ssub.s32 s2, s3;
	s3 =	simm.s32 @!p2 $0x0  }
0xe: {  	[dreg:$0x9] =	wrdreg s9;
	s3 =	simm.s32 @p2 $0x1;
	p2 =	seq.s32 s0, $0x0  }
0xf: {  	s23 =	sadd.s32 $0x27800, s1;
	[smem:$0x7EB] =	sst s3;
	s3 =	simm.s32 @!p2 $0x0  }
0x10: {  	[dreg:$0xa] =	wrdreg s10;
	s3 =	simm.s32 @p2 $0x1;
	p2 =	seq.s32 s0, $0x1  }
0x11: {  	s24 =	sadd.s32 $0x13C00, s16;
	[smem:$0x7EC] =	sst s3;
	s3 =	simm.s32 @!p2 $0x0  }
0x12: {  	[dreg:$0xb] =	wrdreg s11;
	s3 =	simm.s32 @p2 $0x1;
	p2 =	seq.s32 s0, $0x2  }
0x13: {  	s28 =	sadd.s32 $0x11480, s16;
	[smem:$0x7ED] =	sst s3;
	s3 =	simm.s32 @!p2 $0x0  }
0x14: {  	[dreg:$0xc] =	wrdreg s12;
	s3 =	simm.s32 @p2 $0x1;
	p2 =	seq.s32 s0, $0x3  }
0x15: {  	s29 =	sadd.s32 $0x1DA00, s1;
	[smem:$0x7EE] =	sst s3;
	s3 =	simm.s32 @!p2 $0x0  }
0x16: {  	[dreg:$0xd] =	wrdreg s13;
	s3 =	simm.s32 @p2 $0x1;
	p2 =	seq.s32 s0, $0x4  }
0x17: {  	s30 =	sadd.s32 $0xED00, s16;
	[smem:$0x7EF] =	sst s3;
	s3 =	simm.s32 @!p2 $0x0  }
0x18: {  	[dreg:$0xe] =	wrdreg s14;
	s3 =	simm.s32 @p2 $0x1;
	p2 =	seq.s32 s0, $0x5  }
0x19: {  	s31 =	sadd.s32 $0x18B00, s1;
	[smem:$0x7F0] =	sst s3;
	s3 =	simm.s32 @!p2 $0x0  }
0x1a: {  	[dreg:$0xf] =	wrdreg s15;
	s3 =	simm.s32 @p2 $0x1;
	p2 =	seq.s32 s0, $0x6  }
0x1b: {  	s19 =	sadd.s32 $0x1400, s1;
	[smem:$0x7F1] =	sst s3;
	s3 =	simm.s32 @!p2 $0x0  }
0x1c: {  	[dreg:$0x10] =	wrdreg s17;
	s3 =	simm.s32 @p2 $0x1;
	p2 =	seq.s32 s0, $0x7  }
0x1d: {  	s5 =	sadd.s32 $0x4F000, s1;
	[smem:$0x7F2] =	sst s3;
	s3 =	simm.s32 @!p2 $0x0  }
0x1e: {  	s26 =	sadd.s32 $0x22900, s1;
	s3 =	simm.s32 @p2 $0x1;
	p2 =	seq.s32 s0, $0x8  }
0x1f: {  	s7 =	sadd.s32 $0xED00, s1;
	[smem:$0x7F3] =	sst s3;
	s3 =	simm.s32 @!p2 $0x0  }
0x20: {  	s9 =	sadd.s32 $0x7680, s16;
	s3 =	simm.s32 @p2 $0x1;
	p2 =	seq.s32 s0, $0x9  }
0x21: {  	s6 =	sadd.s32 $0x9E00, s1;
	[smem:$0x7F4] =	sst s3;
	s3 =	simm.s32 @!p2 $0x0  }
0x22: {  	s11 =	sadd.s32 $0x4F00, s16;
	s3 =	simm.s32 @p2 $0x1;
	p2 =	seq.s32 s0, $0xA  }
0x23: {  	s8 =	sadd.s32 $0x4F00, s1;
	[smem:$0x7F5] =	sst s3;
	s3 =	simm.s32 @!p2 $0x0  }
0x24: {  	[dreg:$0x11] =	wrdreg s19;
	s3 =	simm.s32 @p2 $0x1;
	p2 =	seq.s32 s0, $0xB  }
0x25: {  	s13 =	sadd.s32 $0x2780, s16;
	[smem:$0x7F6] =	sst s3;
	s3 =	simm.s32 @!p2 $0x0  }
0x26: {  	s10 =	simm.s32 $0xA000;
	s3 =	simm.s32 @p2 $0x1;
	p2 =	seq.s32 s0, $0xC  }
0x27: {  	s15 =	simm.s32 $0x1;
	[smem:$0x7F7] =	sst s3;
	s3 =	simm.s32 @!p2 $0x0  }
0x28: {  	s12 =	simm.s32 $0x2;
	s3 =	simm.s32 @p2 $0x1;
	p2 =	seq.s32 s0, $0xD  }
0x29: {  	s17 =	simm.s32 $0x3;
	[smem:$0x7F8] =	sst s3;
	s3 =	simm.s32 @!p2 $0x0  }
0x2a: {  	[dreg:$0x5] =	wrdreg s5;
	s3 =	simm.s32 @p2 $0x1;
	p2 =	seq.s32 s0, $0xE  }
0x2b: {  	s14 =	simm.s32 $0x4;
	[smem:$0x7F9] =	sst s3;
	s3 =	simm.s32 @!p2 $0x0  }
0x2c: {  	p0 =	sgt.s32 s0, $0x8;
	s3 =	simm.s32 @p2 $0x1;
	p2 =	seq.s32 s0, $0xF  }
0x2d: {  	p1 =	sgt.s32 s0, $0x3;
	[smem:$0x7FA] =	sst s3;
	s3 =	simm.s32 @!p2 $0x0  }
0x2e: {  	p4 =	sgt.s32 s0, $0x5;
	s3 =	simm.s32 @p2 $0x1;
	p2 =	seq.s32 s0, $0x10  }
0x2f: {  	p6 =	sgt.s32 s0, $0xC;
	[smem:$0x7FB] =	sst s3;
	s3 =	simm.s32 @!p2 $0x0  }
0x30: {  	p5 =	sgt.s32 s0, $0xA;
	s3 =	simm.s32 @p2 $0x1;
	p2 =	seq.s32 s0, $0x11  }
0x31: {  	p3 =	sgt.s32 s0, $0xE;
	s5 =	sadd.s32 $0x9E00, s16;
	s0 =	simm.s32 @!p2 $0x0  }
0x32: {  	s25 =	smax.u32 s2, $0x1;
	[smem:$0x7FC] =	sst s3;
	s0 =	simm.s32 @p2 $0x1  }
0x33: {  	s3 =	sadd.s32 $0x13C00, s1;
	[smem:$0x7FD] =	sst s0;
	s0 =	sadd.s32 $0xC580, s16  }
.LBB2_1:
.Ltmp0:
0x34: {  	(pc) =	sbr.rel @p0 .LBB2_18-.Ltmp0, $1  }
0x35: {  	_ =	sdelay $0x3  }
.Ltmp1:
0x36: {  	(pc) =	sbr.rel @!p1 .LBB2_3-.Ltmp1, $1  }
0x37: {  	_ =	sdelay $0x3  }
.Ltmp2:
0x38: {  	(pc) =	sbr.rel @!p4 .LBB2_11-.Ltmp2, $1  }
0x39: {  	_ =	sdelay $0x3  }
0x3a: {  	s2 =	sld [smem:$0x7F2];
	_ =	sdelay $0x2  }
0x3b: {  	p2 =	seq.s32 s2, $0x1  }
.Ltmp3:
0x3c: {  	_ = 	snop;
	(pc) =	sbr.rel @p2 .LBB2_37-.Ltmp3, $1  }
0x3d: {  	_ =	sdelay $0x3  }
0x3e: {  	s2 =	sld [smem:$0x7F3];
	_ =	sdelay $0x2  }
0x3f: {  	p2 =	seq.s32 s2, $0x1  }
.Ltmp4:
0x40: {  	_ = 	snop;
	(pc) =	sbr.rel @p2 .LBB2_38-.Ltmp4, $1  }
0x41: {  	_ =	sdelay $0x3  }
0x42: {  	s2 =	sld [smem:$0x7F4];
	_ =	sdelay $0x2  }
0x43: {  	p2 =	seq.s32 s2, $0x1  }
.Ltmp5:
0x44: {  	_ = 	snop;
	(pc) =	sbr.rel @!p2 .LBB2_45-.Ltmp5, $1  }
0x45: {  	_ =	sdelay $0x3  }
0x46: {  	[tilespmem:s4], [sflag:$0x1] =	stream.linear.gather [hbm4b:s23+s4], $0xA000, $0x38;
	[tilespmem:$0x13C00] =	vst v63  }
.Ltmp6:
0x47: {  	s2 =	sadd.s32 $0x1400, s23;
	(pc) =	sbr.rel .LBB2_44-.Ltmp6, $4  }
0x48: {  	[tilespmem:s10], [sflag:$0x2] =	stream.linear.gather [hbm4b:s2+s4], $0x9C00, $0x38;
	[tilespmem:$0x13C00] =	vst v63  }
0x49: {  	_ =	swait.ge [sflag:s15], $0xA000  }
0x4a: {  	[sflag:s15] =	ssyncset.done $0x0  }
0x4b: {  	s19 =	smov.u32 s24;
	s2 =	smov.u32 s24;
	[sflag:s15] =	ssyncadd.s32 $0xFFFF6000  }
.LBB2_18:
.Ltmp7:
0x4c: {  	(pc) =	sbr.rel @!p6 .LBB2_19-.Ltmp7, $1  }
0x4d: {  	_ =	sdelay $0x3  }
.Ltmp8:
0x4e: {  	(pc) =	sbr.rel @!p3 .LBB2_27-.Ltmp8, $1  }
0x4f: {  	_ =	sdelay $0x3  }
0x50: {  	s2 =	sld [smem:$0x7FB];
	_ =	sdelay $0x2  }
0x51: {  	p2 =	seq.s32 s2, $0x1  }
.Ltmp9:
0x52: {  	_ = 	snop;
	(pc) =	sbr.rel @p2 .LBB2_42-.Ltmp9, $1  }
0x53: {  	_ =	sdelay $0x3  }
0x54: {  	s2 =	sld [smem:$0x7FC];
	_ =	sdelay $0x2  }
0x55: {  	p2 =	seq.s32 s2, $0x1  }
.Ltmp10:
0x56: {  	_ = 	snop;
	(pc) =	sbr.rel @p2 .LBB2_43-.Ltmp10, $1  }
0x57: {  	_ =	sdelay $0x3  }
0x58: {  	s2 =	sld [smem:$0x7FD];
	_ =	sdelay $0x2  }
0x59: {  	p2 =	seq.s32 s2, $0x1  }
.Ltmp11:
0x5a: {  	_ = 	snop;
	(pc) =	sbr.rel @!p2 .LBB2_45-.Ltmp11, $1  }
0x5b: {  	_ =	sdelay $0x3  }
0x5c: {  	s2 =	rddreg [dreg:$0x3]  }
0x5d: {  	[tilespmem:s4], [sflag:$0x1] =	stream.linear.gather [hbm4b:s2+s4], $0xA000, $0x38;
	[tilespmem:$0x13C00] =	vst v63  }
.Ltmp12:
0x5e: {  	s2 =	sadd.s32 $0x1400, s2;
	(pc) =	sbr.rel .LBB2_44-.Ltmp12, $4  }
0x5f: {  	[tilespmem:s10], [sflag:$0x2] =	stream.linear.gather [hbm4b:s2+s4], $0x9C00, $0x38;
	[tilespmem:$0x13C00] =	vst v63  }
0x60: {  	_ =	swait.ge [sflag:s15], $0xA000  }
0x61: {  	[sflag:s15] =	ssyncset.done $0x0;
	s19 =	rddreg [dreg:$0x4]  }
0x62: {  	[sflag:s15] =	ssyncadd.s32 $0xFFFF6000;
	s2 =	smov.u32 s19  }
.LBB2_3:
0x63: {  	s2 =	sld [smem:$0x7EB];
	_ =	sdelay $0x2  }
0x64: {  	p2 =	seq.s32 s2, $0x1  }
.Ltmp13:
0x65: {  	_ = 	snop;
	(pc) =	sbr.rel @p2 .LBB2_7-.Ltmp13, $1  }
0x66: {  	_ =	sdelay $0x3  }
0x67: {  	s2 =	sld [smem:$0x7EC];
	_ =	sdelay $0x2  }
0x68: {  	p2 =	seq.s32 s2, $0x1  }
.Ltmp14:
0x69: {  	_ = 	snop;
	(pc) =	sbr.rel @p2 .LBB2_34-.Ltmp14, $1  }
0x6a: {  	_ =	sdelay $0x3  }
0x6b: {  	s2 =	sld [smem:$0x7ED];
	_ =	sdelay $0x2  }
0x6c: {  	p2 =	seq.s32 s2, $0x1  }
.Ltmp15:
0x6d: {  	_ = 	snop;
	(pc) =	sbr.rel @!p2 .LBB2_45-.Ltmp15, $1  }
0x6e: {  	_ =	sdelay $0x3  }
0x6f: {  	[tilespmem:s4], [sflag:$0x1] =	stream.linear.gather [hbm4b:s8+s4], $0xA000, $0x38;
	[tilespmem:$0x13C00] =	vst v63  }
.Ltmp16:
0x70: {  	s2 =	sadd.s32 $0x1400, s8;
	(pc) =	sbr.rel .LBB2_44-.Ltmp16, $4  }
0x71: {  	[tilespmem:s10], [sflag:$0x2] =	stream.linear.gather [hbm4b:s2+s4], $0x9C00, $0x38;
	[tilespmem:$0x13C00] =	vst v63  }
0x72: {  	_ =	swait.ge [sflag:s15], $0xA000  }
0x73: {  	[sflag:s15] =	ssyncset.done $0x0  }
0x74: {  	s19 =	smov.u32 s13;
	s2 =	smov.u32 s13;
	[sflag:s15] =	ssyncadd.s32 $0xFFFF6000  }
.LBB2_19:
.Ltmp17:
0x75: {  	(pc) =	sbr.rel @p5 .LBB2_23-.Ltmp17, $1  }
0x76: {  	_ =	sdelay $0x3  }
0x77: {  	s2 =	sld [smem:$0x7F5];
	_ =	sdelay $0x2  }
0x78: {  	p2 =	seq.s32 s2, $0x1  }
.Ltmp18:
0x79: {  	_ = 	snop;
	(pc) =	sbr.rel @p2 .LBB2_39-.Ltmp18, $1  }
0x7a: {  	_ =	sdelay $0x3  }
0x7b: {  	s2 =	sld [smem:$0x7F6];
	_ =	sdelay $0x2  }
0x7c: {  	p2 =	seq.s32 s2, $0x1  }
.Ltmp19:
0x7d: {  	_ = 	snop;
	(pc) =	sbr.rel @!p2 .LBB2_45-.Ltmp19, $1  }
0x7e: {  	_ =	sdelay $0x3  }
0x7f: {  	s2 =	rddreg [dreg:$0x10]  }
0x80: {  	[tilespmem:s4], [sflag:$0x1] =	stream.linear.gather [hbm4b:s2+s4], $0xA000, $0x38;
	[tilespmem:$0x13C00] =	vst v63  }
.Ltmp20:
0x81: {  	s2 =	sadd.s32 $0x1400, s2;
	(pc) =	sbr.rel .LBB2_44-.Ltmp20, $4  }
0x82: {  	[tilespmem:s10], [sflag:$0x2] =	stream.linear.gather [hbm4b:s2+s4], $0x9C00, $0x38;
	[tilespmem:$0x13C00] =	vst v63  }
0x83: {  	_ =	swait.ge [sflag:s15], $0xA000  }
0x84: {  	[sflag:s15] =	ssyncset.done $0x0  }
0x85: {  	s19 =	smov.u32 s20;
	s2 =	smov.u32 s20;
	[sflag:s15] =	ssyncadd.s32 $0xFFFF6000  }
.LBB2_7:
0x86: {  	s2 =	sld [smem:$0x7EE];
	_ =	sdelay $0x2  }
0x87: {  	p2 =	seq.s32 s2, $0x1  }
.Ltmp21:
0x88: {  	_ = 	snop;
	(pc) =	sbr.rel @p2 .LBB2_35-.Ltmp21, $1  }
0x89: {  	_ =	sdelay $0x3  }
0x8a: {  	s2 =	sld [smem:$0x7EF];
	_ =	sdelay $0x2  }
0x8b: {  	p2 =	seq.s32 s2, $0x1  }
.Ltmp22:
0x8c: {  	_ = 	snop;
	(pc) =	sbr.rel @!p2 .LBB2_45-.Ltmp22, $1  }
0x8d: {  	_ =	sdelay $0x3  }
0x8e: {  	[tilespmem:s4], [sflag:$0x1] =	stream.linear.gather [hbm4b:s7+s4], $0xA000, $0x38;
	[tilespmem:$0x13C00] =	vst v63  }
.Ltmp23:
0x8f: {  	s2 =	sadd.s32 $0x1400, s7;
	(pc) =	sbr.rel .LBB2_44-.Ltmp23, $4  }
0x90: {  	[tilespmem:s10], [sflag:$0x2] =	stream.linear.gather [hbm4b:s2+s4], $0x9C00, $0x38;
	[tilespmem:$0x13C00] =	vst v63  }
0x91: {  	_ =	swait.ge [sflag:s15], $0xA000  }
0x92: {  	[sflag:s15] =	ssyncset.done $0x0  }
0x93: {  	s19 =	smov.u32 s9;
	s2 =	smov.u32 s9;
	[sflag:s15] =	ssyncadd.s32 $0xFFFF6000  }
.LBB2_23:
0x94: {  	s2 =	sld [smem:$0x7F7];
	_ =	sdelay $0x2  }
0x95: {  	p2 =	seq.s32 s2, $0x1  }
.Ltmp24:
0x96: {  	_ = 	snop;
	(pc) =	sbr.rel @p2 .LBB2_40-.Ltmp24, $1  }
0x97: {  	_ =	sdelay $0x3  }
0x98: {  	s2 =	sld [smem:$0x7F8];
	_ =	sdelay $0x2  }
0x99: {  	p2 =	seq.s32 s2, $0x1  }
.Ltmp25:
0x9a: {  	_ = 	snop;
	(pc) =	sbr.rel @!p2 .LBB2_45-.Ltmp25, $1  }
0x9b: {  	_ =	sdelay $0x3  }
0x9c: {  	s2 =	rddreg [dreg:$0xd]  }
0x9d: {  	[tilespmem:s4], [sflag:$0x1] =	stream.linear.gather [hbm4b:s2+s4], $0xA000, $0x38;
	[tilespmem:$0x13C00] =	vst v63  }
.Ltmp26:
0x9e: {  	s2 =	sadd.s32 $0x1400, s2;
	(pc) =	sbr.rel .LBB2_44-.Ltmp26, $4  }
0x9f: {  	[tilespmem:s10], [sflag:$0x2] =	stream.linear.gather [hbm4b:s2+s4], $0x9C00, $0x38;
	[tilespmem:$0x13C00] =	vst v63  }
0xa0: {  	_ =	swait.ge [sflag:s15], $0xA000  }
0xa1: {  	[sflag:s15] =	ssyncset.done $0x0;
	s19 =	rddreg [dreg:$0xe]  }
0xa2: {  	[sflag:s15] =	ssyncadd.s32 $0xFFFF6000;
	s2 =	smov.u32 s19  }
.LBB2_11:
0xa3: {  	s2 =	sld [smem:$0x7F0];
	_ =	sdelay $0x2  }
0xa4: {  	p2 =	seq.s32 s2, $0x1  }
.Ltmp27:
0xa5: {  	_ = 	snop;
	(pc) =	sbr.rel @p2 .LBB2_36-.Ltmp27, $1  }
0xa6: {  	_ =	sdelay $0x3  }
0xa7: {  	s2 =	sld [smem:$0x7F1];
	_ =	sdelay $0x2  }
0xa8: {  	p2 =	seq.s32 s2, $0x1  }
.Ltmp28:
0xa9: {  	_ = 	snop;
	(pc) =	sbr.rel @!p2 .LBB2_45-.Ltmp28, $1  }
0xaa: {  	_ =	sdelay $0x3  }
0xab: {  	[tilespmem:s4], [sflag:$0x1] =	stream.linear.gather [hbm4b:s31+s4], $0xA000, $0x38;
	[tilespmem:$0x13C00] =	vst v63  }
.Ltmp29:
0xac: {  	s2 =	sadd.s32 $0x1400, s31;
	(pc) =	sbr.rel .LBB2_44-.Ltmp29, $4  }
0xad: {  	[tilespmem:s10], [sflag:$0x2] =	stream.linear.gather [hbm4b:s2+s4], $0x9C00, $0x38;
	[tilespmem:$0x13C00] =	vst v63  }
0xae: {  	_ =	swait.ge [sflag:s15], $0xA000  }
0xaf: {  	[sflag:s15] =	ssyncset.done $0x0  }
0xb0: {  	s19 =	smov.u32 s0;
	s2 =	smov.u32 s0;
	[sflag:s15] =	ssyncadd.s32 $0xFFFF6000  }
.LBB2_27:
0xb1: {  	s2 =	sld [smem:$0x7F9];
	_ =	sdelay $0x2  }
0xb2: {  	p2 =	seq.s32 s2, $0x1  }
.Ltmp30:
0xb3: {  	_ = 	snop;
	(pc) =	sbr.rel @p2 .LBB2_41-.Ltmp30, $1  }
0xb4: {  	_ =	sdelay $0x3  }
0xb5: {  	s2 =	sld [smem:$0x7FA];
	_ =	sdelay $0x2  }
0xb6: {  	p2 =	seq.s32 s2, $0x1  }
.Ltmp31:
0xb7: {  	_ = 	snop;
	(pc) =	sbr.rel @!p2 .LBB2_45-.Ltmp31, $1  }
0xb8: {  	_ =	sdelay $0x3  }
0xb9: {  	s2 =	rddreg [dreg:$0x9]  }
0xba: {  	[tilespmem:s4], [sflag:$0x1] =	stream.linear.gather [hbm4b:s2+s4], $0xA000, $0x38;
	[tilespmem:$0x13C00] =	vst v63  }
.Ltmp32:
0xbb: {  	s2 =	sadd.s32 $0x1400, s2;
	(pc) =	sbr.rel .LBB2_44-.Ltmp32, $4  }
0xbc: {  	[tilespmem:s10], [sflag:$0x2] =	stream.linear.gather [hbm4b:s2+s4], $0x9C00, $0x38;
	[tilespmem:$0x13C00] =	vst v63  }
0xbd: {  	_ =	swait.ge [sflag:s15], $0xA000  }
0xbe: {  	[sflag:s15] =	ssyncset.done $0x0;
	s19 =	rddreg [dreg:$0xa]  }
0xbf: {  	[sflag:s15] =	ssyncadd.s32 $0xFFFF6000;
	s2 =	smov.u32 s19  }
.LBB2_34:
0xc0: {  	[tilespmem:s4], [sflag:$0x1] =	stream.linear.gather [hbm4b:s1+s4], $0xA000, $0x38;
	[tilespmem:$0x13C00] =	vst v63  }
.Ltmp33:
0xc1: {  	s2 =	rddreg [dreg:$0x11];
	(pc) =	sbr.rel .LBB2_44-.Ltmp33, $4  }
0xc2: {  	[tilespmem:s10], [sflag:$0x2] =	stream.linear.gather [hbm4b:s2+s4], $0x9C00, $0x38;
	[tilespmem:$0x13C00] =	vst v63  }
0xc3: {  	_ =	swait.ge [sflag:s15], $0xA000  }
0xc4: {  	[sflag:s15] =	ssyncset.done $0x0  }
0xc5: {  	s19 =	smov.u32 s16;
	s2 =	smov.u32 s16;
	[sflag:s15] =	ssyncadd.s32 $0xFFFF6000  }
.LBB2_39:
0xc6: {  	[tilespmem:s4], [sflag:$0x1] =	stream.linear.gather [hbm4b:s21+s4], $0xA000, $0x38;
	[tilespmem:$0x13C00] =	vst v63  }
.Ltmp34:
0xc7: {  	s2 =	sadd.s32 $0x1400, s21;
	(pc) =	sbr.rel .LBB2_44-.Ltmp34, $4  }
0xc8: {  	[tilespmem:s10], [sflag:$0x2] =	stream.linear.gather [hbm4b:s2+s4], $0x9C00, $0x38;
	[tilespmem:$0x13C00] =	vst v63  }
0xc9: {  	_ =	swait.ge [sflag:s15], $0xA000  }
0xca: {  	[sflag:s15] =	ssyncset.done $0x0  }
0xcb: {  	s19 =	smov.u32 s22;
	s2 =	smov.u32 s22;
	[sflag:s15] =	ssyncadd.s32 $0xFFFF6000  }
.LBB2_35:
0xcc: {  	[tilespmem:s4], [sflag:$0x1] =	stream.linear.gather [hbm4b:s6+s4], $0xA000, $0x38;
	[tilespmem:$0x13C00] =	vst v63  }
.Ltmp35:
0xcd: {  	s2 =	sadd.s32 $0x1400, s6;
	(pc) =	sbr.rel .LBB2_44-.Ltmp35, $4  }
0xce: {  	[tilespmem:s10], [sflag:$0x2] =	stream.linear.gather [hbm4b:s2+s4], $0x9C00, $0x38;
	[tilespmem:$0x13C00] =	vst v63  }
0xcf: {  	_ =	swait.ge [sflag:s15], $0xA000  }
0xd0: {  	[sflag:s15] =	ssyncset.done $0x0  }
0xd1: {  	s19 =	smov.u32 s11;
	s2 =	smov.u32 s11;
	[sflag:s15] =	ssyncadd.s32 $0xFFFF6000  }
.LBB2_40:
0xd2: {  	s2 =	rddreg [dreg:$0xf]  }
0xd3: {  	[tilespmem:s4], [sflag:$0x1] =	stream.linear.gather [hbm4b:s2+s4], $0xA000, $0x38;
	[tilespmem:$0x13C00] =	vst v63  }
.Ltmp36:
0xd4: {  	s2 =	sadd.s32 $0x1400, s2;
	(pc) =	sbr.rel .LBB2_44-.Ltmp36, $4  }
0xd5: {  	[tilespmem:s10], [sflag:$0x2] =	stream.linear.gather [hbm4b:s2+s4], $0x9C00, $0x38;
	[tilespmem:$0x13C00] =	vst v63  }
0xd6: {  	_ =	swait.ge [sflag:s15], $0xA000  }
0xd7: {  	[sflag:s15] =	ssyncset.done $0x0  }
0xd8: {  	s19 =	smov.u32 s18;
	s2 =	smov.u32 s18;
	[sflag:s15] =	ssyncadd.s32 $0xFFFF6000  }
.LBB2_38:
0xd9: {  	[tilespmem:s4], [sflag:$0x1] =	stream.linear.gather [hbm4b:s26+s4], $0xA000, $0x38;
	[tilespmem:$0x13C00] =	vst v63  }
.Ltmp37:
0xda: {  	s2 =	sadd.s32 $0x1400, s26;
	(pc) =	sbr.rel .LBB2_44-.Ltmp37, $4  }
0xdb: {  	[tilespmem:s10], [sflag:$0x2] =	stream.linear.gather [hbm4b:s2+s4], $0x9C00, $0x38;
	[tilespmem:$0x13C00] =	vst v63  }
0xdc: {  	_ =	swait.ge [sflag:s15], $0xA000  }
0xdd: {  	[sflag:s15] =	ssyncset.done $0x0  }
0xde: {  	s19 =	smov.u32 s28;
	s2 =	smov.u32 s28;
	[sflag:s15] =	ssyncadd.s32 $0xFFFF6000  }
.LBB2_43:
0xdf: {  	s2 =	rddreg [dreg:$0x5]  }
0xe0: {  	[tilespmem:s4], [sflag:$0x1] =	stream.linear.gather [hbm4b:s2+s4], $0xA000, $0x38;
	[tilespmem:$0x13C00] =	vst v63  }
.Ltmp38:
0xe1: {  	s2 =	sadd.s32 $0x1400, s2;
	(pc) =	sbr.rel .LBB2_44-.Ltmp38, $4  }
0xe2: {  	[tilespmem:s10], [sflag:$0x2] =	stream.linear.gather [hbm4b:s2+s4], $0x9C00, $0x38;
	[tilespmem:$0x13C00] =	vst v63  }
0xe3: {  	_ =	swait.ge [sflag:s15], $0xA000  }
0xe4: {  	[sflag:s15] =	ssyncset.done $0x0;
	s19 =	rddreg [dreg:$0x6]  }
0xe5: {  	[sflag:s15] =	ssyncadd.s32 $0xFFFF6000;
	s2 =	smov.u32 s19  }
.LBB2_37:
0xe6: {  	[tilespmem:s4], [sflag:$0x1] =	stream.linear.gather [hbm4b:s29+s4], $0xA000, $0x38;
	[tilespmem:$0x13C00] =	vst v63  }
.Ltmp39:
0xe7: {  	s2 =	sadd.s32 $0x1400, s29;
	(pc) =	sbr.rel .LBB2_44-.Ltmp39, $4  }
0xe8: {  	[tilespmem:s10], [sflag:$0x2] =	stream.linear.gather [hbm4b:s2+s4], $0x9C00, $0x38;
	[tilespmem:$0x13C00] =	vst v63  }
0xe9: {  	_ =	swait.ge [sflag:s15], $0xA000  }
0xea: {  	[sflag:s15] =	ssyncset.done $0x0  }
0xeb: {  	s19 =	smov.u32 s30;
	s2 =	smov.u32 s30;
	[sflag:s15] =	ssyncadd.s32 $0xFFFF6000  }
.LBB2_42:
0xec: {  	s2 =	rddreg [dreg:$0x7]  }
0xed: {  	[tilespmem:s4], [sflag:$0x1] =	stream.linear.gather [hbm4b:s2+s4], $0xA000, $0x38;
	[tilespmem:$0x13C00] =	vst v63  }
.Ltmp40:
0xee: {  	s2 =	sadd.s32 $0x1400, s2;
	(pc) =	sbr.rel .LBB2_44-.Ltmp40, $4  }
0xef: {  	[tilespmem:s10], [sflag:$0x2] =	stream.linear.gather [hbm4b:s2+s4], $0x9C00, $0x38;
	[tilespmem:$0x13C00] =	vst v63  }
0xf0: {  	_ =	swait.ge [sflag:s15], $0xA000  }
0xf1: {  	[sflag:s15] =	ssyncset.done $0x0;
	s19 =	rddreg [dreg:$0x8]  }
0xf2: {  	[sflag:s15] =	ssyncadd.s32 $0xFFFF6000;
	s2 =	smov.u32 s19  }
.LBB2_36:
0xf3: {  	[tilespmem:s4], [sflag:$0x1] =	stream.linear.gather [hbm4b:s3+s4], $0xA000, $0x38;
	[tilespmem:$0x13C00] =	vst v63  }
.Ltmp41:
0xf4: {  	s2 =	sadd.s32 $0x1400, s3;
	(pc) =	sbr.rel .LBB2_44-.Ltmp41, $4  }
0xf5: {  	[tilespmem:s10], [sflag:$0x2] =	stream.linear.gather [hbm4b:s2+s4], $0x9C00, $0x38;
	[tilespmem:$0x13C00] =	vst v63  }
0xf6: {  	_ =	swait.ge [sflag:s15], $0xA000  }
0xf7: {  	[sflag:s15] =	ssyncset.done $0x0  }
0xf8: {  	s19 =	smov.u32 s5;
	s2 =	smov.u32 s5;
	[sflag:s15] =	ssyncadd.s32 $0xFFFF6000  }
.LBB2_41:
0xf9: {  	s2 =	rddreg [dreg:$0xb]  }
0xfa: {  	[tilespmem:s4], [sflag:$0x1] =	stream.linear.gather [hbm4b:s2+s4], $0xA000, $0x38;
	[tilespmem:$0x13C00] =	vst v63  }
0xfb: {  	s2 =	sadd.s32 $0x1400, s2  }
0xfc: {  	[tilespmem:s10], [sflag:$0x2] =	stream.linear.gather [hbm4b:s2+s4], $0x9C00, $0x38;
	[tilespmem:$0x13C00] =	vst v63  }
0xfd: {  	_ =	swait.ge [sflag:s15], $0xA000  }
0xfe: {  	[sflag:s15] =	ssyncset.done $0x0;
	s19 =	rddreg [dreg:$0xc]  }
0xff: {  	[sflag:s15] =	ssyncadd.s32 $0xFFFF6000;
	s2 =	smov.u32 s19  }
.LBB2_44:
0x100: {  	[hbm4b:s2+s4] =	stream.linear.scatter [tilespmem:s4], [sflag:$0x3], $0xA000, $0x38;
	[tilespmem:$0x13C00] =	vst v63  }
0x101: {  	_ =	swait.ge [sflag:s12], $0x9C00  }
0x102: {  	[sflag:s12] =	ssyncset.done $0x0  }
0x103: {  	s19 =	sadd.s32 $0x1400, s19;
	[sflag:s12] =	ssyncadd.s32 $0xFFFF6400  }
0x104: {  	[hbm4b:s19+s4] =	stream.linear.scatter [tilespmem:s10], [sflag:$0x4], $0x9C00, $0x38;
	[tilespmem:$0x13C00] =	vst v63  }
0x105: {  	_ =	swait.ge [sflag:s17], $0xA000  }
0x106: {  	[sflag:s17] =	ssyncset.done $0x0  }
0x107: {  	[sflag:s17] =	ssyncadd.s32 $0xFFFF6000  }
0x108: {  	_ =	swait.ge [sflag:s14], $0x9C00  }
0x109: {  	[sflag:s14] =	ssyncset.done $0x0  }
0x10a: {  	[sflag:s14] =	ssyncadd.s32 $0xFFFF6400  }
.LBB2_45:
0x10b: {  	s25 =	sadd.s32 $0xFFFFFFFF, s25  }
0x10c: {  	p2 =	sne.s32 s25, $0x0  }
.Ltmp42:
0x10d: {  	_ = 	snop;
	(pc) =	sbr.rel @p2 .LBB2_1-.Ltmp42, $1  }
0x10e: {  	_ =	sdelay $0x3  }
0x10f: {  	_ =	sfence.sel $0x180000  }
0x110: {  	[bflag:$0x0] =	sbarrier.arrive $0xFFFF  }
0x111: {  	_ =	strace $0x90000047  }
0x112: {  	s0 =	stileid.u32;
	[bflag:$0x2] =	sbarrier.arrive $0xFFFF  }
0x113: {  	p0 =	sne.s32 s0, $0x0;
	s0 =	rddreg [dreg:$0x2]  }
0x114: {  	s0 =	sadd.s32 @!p0 $0x100000, s0  }
0x115: {  	[sflag:s0] =	ssyncadd.tile.s32 @!p0 $0x1;
	_ =	shalt  }
.Lfunc_end2:
_tile_overlayer_lowered:
.L_overlay_start_2:
0x116: {  	(tag) =	ssettag $0x2  }
0x117: {  	s0 =	rddreg [dreg:$0x0];
	s2 =	stileid.u32  }
0x118: {  	s1 =	rddreg [dreg:$0x1];
	p0 =	sne.s32 s2, $0x0  }
0x119: {  	s3 =	rddreg [dreg:$0x2];
	[bflag:$0x3] =	sbarrier.arrive $0xFFFF;
	s2 =	simm.s32 @!p0 $0x1C05  }
0x11a: {  	[timem:s3], [sflag:s2] =	dma.local @!p0 [hbm:s0], s1  }
0x11b: {  	s0 =	simm.s32 @!p0 $0x5  }
0x11c: {  	_ =	swait.ge @!p0 [sflag:s0], s1  }
0x11d: {  	s1 =	ssub.s32 @!p0 $0x0, s1;
	[sflag:s0] =	ssyncset.done @!p0 $0x0  }
0x11e: {  	[sflag:s0] =	ssyncadd.s32 @!p0 s1  }
0x11f: {  	[bflag:$0x3] =	sbarrier.arrive $0xFFFF  }
0x120: {  	_ =	shalt  }

</sc_bundles>
